<compile_context>
chip_gen: v7x
topology: tpu7x:2x2x1
jax: 0.10.2.dev20260603
libtpu: 0.0.44.dev20260713+nightly
codegen_flags: <defaults>
</compile_context>

<pallas_src>
import jax
import jax.numpy as jnp
from jax import lax
from jax.experimental import pallas as pl
from jax.experimental.pallas import tpu as pltpu
from jax.experimental.pallas import tpu_sc as plsc

N = 10000
NPAD = 10240
E = 640000
D = 128
P = 4096

NC, NS = 2, 16
NW = NC * NS
CH = 128
NROW = E // CH
GRP = 8
NGROUP = NROW // GRP
GREM = NGROUP % NW
MAXG = NGROUP // NW + 1
RPT = NPAD // NS

_MESH = plsc.VectorSubcoreMesh(
    core_axis_name="c", subcore_axis_name="s", num_cores=NC, num_subcores=NS)



def _worker_groups(wid):
    return jnp.where(wid < GREM, NGROUP // NW + 1, NGROUP // NW)


def _agg_body(hd, src2, dst2, zeros128, out,
              idx_s, idx_d, r0, r1, sem_i, g0, g1, s0, s1, acc):
    cid = lax.axis_index("c")
    sid = lax.axis_index("s")
    wid = sid * NC + cid
    sl = pl.ds(sid * RPT, RPT)
    ng = _worker_groups(wid)

    pltpu.sync_copy(zeros128.at[sl], acc.at[sl])
    gr0 = wid * GRP
    pltpu.sync_copy(src2.at[pl.ds(gr0, GRP)], idx_s.at[pl.ds(0, GRP)])
    pltpu.sync_copy(dst2.at[pl.ds(gr0, GRP)], idx_d.at[pl.ds(0, GRP)])
    plsc.subcore_barrier()
    pltpu.async_copy(hd.at[idx_s.at[0]], r0, g0)

    def group_body(g, c):
        half = (g % 2) * GRP
        nxt_half = ((g + 1) % 2) * GRP
        have_next = g + 1 < ng

        @pl.when(have_next)
        def _prefetch_idx():
            gr = (wid + (g + 1) * NW) * GRP
            pltpu.async_copy(src2.at[pl.ds(gr, GRP)],
                             idx_s.at[pl.ds(nxt_half, GRP)], sem_i)
            pltpu.async_copy(dst2.at[pl.ds(gr, GRP)],
                             idx_d.at[pl.ds(nxt_half, GRP)], sem_i)

        prev_scatter = None
        for j in range(GRP):
            rr, gg = (r0, g0) if j % 2 == 0 else (r1, g1)
            orr, ogg = (r1, g1) if j % 2 == 0 else (r0, g0)
            sc = s0 if j % 2 == 0 else s1
            row = half + j
            if prev_scatter is not None:
                prev_scatter.wait()
            if j < GRP - 1:
                pltpu.async_copy(hd.at[idx_s.at[row + 1]], orr, ogg)
            else:
                @pl.when(have_next)
                def _next_group_gather():
                    pltpu.make_async_copy(
                        src2.at[pl.ds(0, GRP)], idx_s.at[pl.ds(0, GRP)], sem_i).wait()
                    pltpu.make_async_copy(
                        dst2.at[pl.ds(0, GRP)], idx_d.at[pl.ds(0, GRP)], sem_i).wait()
                    pltpu.async_copy(hd.at[idx_s.at[nxt_half]], orr, ogg)
            pltpu.make_async_copy(zeros128.at[pl.ds(0, CH)], rr, gg).wait()
            if j < GRP - 1:
                prev_scatter = pltpu.async_copy(
                    rr, acc.at[idx_d.at[row]], sc, add=True)
            else:
                pltpu.sync_copy(rr, acc.at[idx_d.at[row]], add=True)
        return c

    lax.fori_loop(0, ng, group_body, 0)
    plsc.subcore_barrier()
    pltpu.sync_copy(acc.at[sl], out.at[cid, sl])


_agg_call = pl.kernel(
    _agg_body,
    out_type=jax.ShapeDtypeStruct((NC, NPAD, D), jnp.float32),
    mesh=_MESH,
    scratch_types=[
        pltpu.VMEM((2 * GRP, CH), jnp.int32),
        pltpu.VMEM((2 * GRP, CH), jnp.int32),
        pltpu.VMEM((CH, D), jnp.float32),
        pltpu.VMEM((CH, D), jnp.float32),
        pltpu.SemaphoreType.DMA,
        pltpu.SemaphoreType.DMA,
        pltpu.SemaphoreType.DMA,
        pltpu.SemaphoreType.DMA,
        pltpu.SemaphoreType.DMA,
        pltpu.VMEM_SHARED((NPAD, D), jnp.float32),
    ],
)

def _deg_body(ones128, dst2, zeros128, out, idx_d, r0, sem_i, s0, s1, acc):
    cid = lax.axis_index("c")
    sid = lax.axis_index("s")
    wid = sid * NC + cid
    sl = pl.ds(sid * RPT, RPT)
    ng = _worker_groups(wid)

    pltpu.sync_copy(zeros128.at[sl], acc.at[sl])
    gr0 = wid * GRP
    pltpu.sync_copy(dst2.at[pl.ds(gr0, GRP)], idx_d.at[pl.ds(0, GRP)])
    pltpu.sync_copy(ones128.at[pl.ds(0, CH)], r0)
    plsc.subcore_barrier()

    def group_body(g, c):
        half = (g % 2) * GRP
        nxt_half = ((g + 1) % 2) * GRP
        have_next = g + 1 < ng

        @pl.when(have_next)
        def _prefetch_idx():
            gr = (wid + (g + 1) * NW) * GRP
            pltpu.async_copy(dst2.at[pl.ds(gr, GRP)],
                             idx_d.at[pl.ds(nxt_half, GRP)], sem_i)

        prev_scatter = None
        for j in range(GRP):
            sc = s0 if j % 2 == 0 else s1
            row = half + j
            if prev_scatter is not None:
                prev_scatter.wait()
            if j < GRP - 1:
                prev_scatter = pltpu.async_copy(
                    r0, acc.at[idx_d.at[row]], sc, add=True)
            else:
                @pl.when(have_next)
                def _wait_idx():
                    pltpu.make_async_copy(
                        dst2.at[pl.ds(0, GRP)], idx_d.at[pl.ds(0, GRP)], sem_i).wait()
                pltpu.sync_copy(r0, acc.at[idx_d.at[row]], add=True)
        return c

    lax.fori_loop(0, ng, group_body, 0)
    plsc.subcore_barrier()
    pltpu.sync_copy(acc.at[sl], out.at[cid, sl])


_deg_call = pl.kernel(
    _deg_body,
    out_type=jax.ShapeDtypeStruct((NC, NPAD, D), jnp.float32),
    mesh=_MESH,
    scratch_types=[
        pltpu.VMEM((2 * GRP, CH), jnp.int32),
        pltpu.VMEM((CH, D), jnp.float32),
        pltpu.SemaphoreType.DMA,
        pltpu.SemaphoreType.DMA,
        pltpu.SemaphoreType.DMA,
        pltpu.VMEM_SHARED((NPAD, D), jnp.float32),
    ],
)


GCHUNK = 128
GPW = 2 * P // NW


def _pair_gather_body(h2, idxflat, out, gidx, grows, sem):
    cid = lax.axis_index("c")
    sid = lax.axis_index("s")
    wid = sid * NC + cid
    base0 = wid * GPW

    def body(i, carry):
        base = base0 + i * GCHUNK
        pltpu.sync_copy(idxflat.at[pl.ds(base, GCHUNK)], gidx)
        pltpu.async_copy(h2.at[gidx], grows, sem).wait()
        pltpu.sync_copy(grows, out.at[pl.ds(base, GCHUNK)])
        return carry

    lax.fori_loop(0, GPW // GCHUNK, body, 0)


_pair_gather_call = pl.kernel(
    _pair_gather_body,
    out_type=jax.ShapeDtypeStruct((2 * P, D), jnp.float32),
    mesh=_MESH,
    scratch_types=[
        pltpu.VMEM((GCHUNK,), jnp.int32),
        pltpu.VMEM((GCHUNK, D), jnp.float32),
        pltpu.SemaphoreType.DMA,
    ],
)



def _dinv(dpa, dpb):
    deg = dpa + dpb + 1.0
    return lax.rsqrt(deg)


def _mm_scale_body(dpa_ref, dpb_ref, x_ref, w_ref, o_ref):
    dinv = _dinv(dpa_ref[...], dpb_ref[...])
    h = jnp.dot(x_ref[...], w_ref[...], preferred_element_type=jnp.float32)
    o_ref[...] = h * dinv


def _mid_body(dpa_ref, dpb_ref, pa_ref, pb_ref, hd_ref, b_ref, w_ref, o_ref):
    dinv = _dinv(dpa_ref[...], dpb_ref[...])
    agg = pa_ref[...] + pb_ref[...] + hd_ref[...]
    h1 = jnp.maximum(agg * dinv + b_ref[...], 0.0)
    o_ref[...] = jnp.dot(h1, w_ref[...], preferred_element_type=jnp.float32) * dinv


def _final_body(dpa_ref, dpb_ref, qa_ref, qb_ref, hd_ref, b_ref, o_ref):
    dinv = _dinv(dpa_ref[...], dpb_ref[...])
    agg = qa_ref[...] + qb_ref[...] + hd_ref[...]
    o_ref[...] = agg * dinv + b_ref[...]


BR = 1024


def _full(shape):
    return pl.BlockSpec(shape, lambda i: (0,) * len(shape))


def _row_call(body, n_rows_in, w_shapes, nrows=NPAD):
    in_specs = (
        [pl.BlockSpec((BR, D), lambda i: (i, 0))] * n_rows_in
        + [_full(sh) for sh in w_shapes]
    )
    return pl.pallas_call(
        body,
        grid=(nrows // BR,),
        in_specs=in_specs,
        out_specs=pl.BlockSpec((BR, D), lambda i: (i, 0)),
        out_shape=jax.ShapeDtypeStruct((nrows, D), jnp.float32),
    )


def _rest_body(scg_ref, esm_ref, gpt_ref, wscg_ref, wesm_ref, wgpt_ref, cb1_ref, o_ref):
    z = jnp.dot(scg_ref[...], wscg_ref[...], preferred_element_type=jnp.float32)
    z += jnp.dot(esm_ref[...], wesm_ref[...], preferred_element_type=jnp.float32)
    z += jnp.dot(gpt_ref[...], wgpt_ref[...], preferred_element_type=jnp.float32)
    o_ref[...] = z + cb1_ref[...]


def _mlp_body(ne1_ref, ne2_ref, rest_ref, wg1_ref, wg2_ref,
              w2_ref, cb2_ref, w3_ref, cb3_ref, o_ref):
    z1 = jnp.dot(ne1_ref[...], wg1_ref[...], preferred_element_type=jnp.float32)
    z1 += jnp.dot(ne2_ref[...], wg2_ref[...], preferred_element_type=jnp.float32)
    z1 = jnp.maximum(z1 + rest_ref[...], 0.0)
    z2 = jnp.maximum(
        jnp.dot(z1, w2_ref[...], preferred_element_type=jnp.float32) + cb2_ref[...], 0.0)
    o_ref[...] = jnp.dot(z2, w3_ref[...], preferred_element_type=jnp.float32) + cb3_ref[...]


MBR = 512


def _rest_call(scgw, esmw, gptw):
    in_specs = (
        [pl.BlockSpec((MBR, scgw), lambda i: (i, 0)),
         pl.BlockSpec((MBR, esmw), lambda i: (i, 0)),
         pl.BlockSpec((MBR, gptw), lambda i: (i, 0))]
        + [_full(sh) for sh in [(scgw, D), (esmw, D), (gptw, D), (1, D)]]
    )
    return pl.pallas_call(
        _rest_body,
        grid=(P // MBR,),
        in_specs=in_specs,
        out_specs=pl.BlockSpec((MBR, D), lambda i: (i, 0)),
        out_shape=jax.ShapeDtypeStruct((P, D), jnp.float32),
    )


def _mlp_call():
    in_specs = (
        [pl.BlockSpec((MBR, D), lambda i: (i, 0))] * 3
        + [_full(sh) for sh in [(D, D), (D, D), (D, D), (1, D), (D, D), (1, D)]]
    )
    return pl.pallas_call(
        _mlp_body,
        grid=(P // MBR,),
        in_specs=in_specs,
        out_specs=pl.BlockSpec((MBR, D), lambda i: (i, 0)),
        out_shape=jax.ShapeDtypeStruct((P, D), jnp.float32),
    )



def kernel(x, edge_index, scg_pair, gpt_pair, esm_pair, pair_idx,
           W1, b1, W2, b2, cW1, cb1, cW2, cb2, cW3, cb3):
    f32 = jnp.float32
    x_pad = jnp.pad(x, ((0, NPAD - N), (0, 0)))
    z128 = jnp.zeros((NPAD, D), f32)
    ones128 = jnp.ones((NPAD, D), f32)
    src2 = edge_index[0].reshape(NROW, CH)
    dst2 = edge_index[1].reshape(NROW, CH)

    scgw = scg_pair.shape[1]
    esmw = esm_pair.shape[1]
    gptw = gpt_pair.shape[1]
    wg1 = cW1[:D]
    wg2 = cW1[D:2 * D]
    wscg = cW1[2 * D:2 * D + scgw]
    wesm = cW1[2 * D + scgw:2 * D + scgw + esmw]
    wgpt = cW1[2 * D + scgw + esmw:]
    cW2p = jnp.pad(cW2, ((0, 0), (0, D - cW2.shape[1])))
    cb2p = jnp.pad(cb2, (0, D - cb2.shape[0])).reshape(1, D)
    cW3p = jnp.pad(cW3, ((0, D - cW3.shape[0]), (0, D - cW3.shape[1])))
    cb3p = jnp.pad(cb3, (0, D - cb3.shape[0])).reshape(1, D)

    deg_parts = _deg_call(ones128, dst2, z128)
    rest = _rest_call(scgw, esmw, gptw)(
        scg_pair, esm_pair, gpt_pair, wscg, wesm, wgpt, cb1.reshape(1, D))

    dpa, dpb = deg_parts[0], deg_parts[1]
    hd1 = _row_call(_mm_scale_body, 3, [(D, D)])(dpa, dpb, x_pad, W1)
    p = _agg_call(hd1, src2, dst2, z128)
    hd2 = _row_call(_mid_body, 5, [(1, D), (D, D)])(
        dpa, dpb, p[0], p[1], hd1, b1.reshape(1, D), W2)
    q = _agg_call(hd2, src2, dst2, z128)
    h2 = _row_call(_final_body, 5, [(1, D)])(
        dpa, dpb, q[0], q[1], hd2, b2.reshape(1, D))

    idx_flat = jnp.transpose(pair_idx).reshape(2 * P)
    pg = _pair_gather_call(h2, idx_flat)
    ne1, ne2 = pg[:P], pg[P:]

    out = _mlp_call()(ne1, ne2, rest, wg1, wg2, cW2p, cb2p, cW3p, cb3p)
    return out[:, :cW3.shape[1]]

# --- scband reference (transcript-rebuilt; emitter-appended) ---
"""Pipeline reference for scband-two-gcn-slclassifier-49555332661785 (READ-ONLY COPY).

The authoritative reference and input builder live on the scoring server;
editing this copy changes nothing except your own understanding.
"""

import jax, jax.numpy as jnp
import numpy as np

N, E, D, H, O, P = 10000, 640000, 128, 128, 128, 4096
SCG, GPT, ESM = 512, 1536, 1280
IN_DIM = 2 * O + 2 * SCG + 2 * GPT + 2 * ESM  # 6912


def gcn_conv(x, edge_index, W, b):
    n = x.shape[0]
    loop = jnp.arange(n, dtype=edge_index.dtype)
    src = jnp.concatenate([edge_index[0], loop])
    dst = jnp.concatenate([edge_index[1], loop])
    deg = jnp.zeros((n,), dtype=x.dtype).at[dst].add(1.0)
    dinv = jnp.where(deg > 0, 1.0 / jnp.sqrt(deg), 0.0)
    norm = dinv[src] * dinv[dst]
    h = x @ W
    msg = jnp.take(h, src, axis=0) * norm[:, None]
    out = jnp.zeros((n, W.shape[1]), dtype=x.dtype).at[dst].add(msg)
    return out + b


def setup_inputs(seed: int = 0):
    key = jax.random.key(seed)
    ks = jax.random.split(key, 20)
    inp = {}
    inp['x'] = jax.random.normal(ks[0], (N, D), dtype=jnp.float32)
    inp['edge_index'] = jax.random.randint(ks[1], (2, E), 0, N, dtype=jnp.int32)
    inp['scg_pair'] = jax.random.normal(ks[2], (P, 2 * SCG), dtype=jnp.float32)
    inp['gpt_pair'] = jax.random.normal(ks[3], (P, 2 * GPT), dtype=jnp.float32)
    inp['esm_pair'] = jax.random.normal(ks[4], (P, 2 * ESM), dtype=jnp.float32)
    inp['pair_idx'] = jax.random.randint(ks[5], (P, 2), 0, N, dtype=jnp.int32)
    inp['W1'] = jax.random.normal(ks[6], (D, H), dtype=jnp.float32) * 0.05
    inp['b1'] = jnp.zeros((H,), dtype=jnp.float32)
    inp['W2'] = jax.random.normal(ks[7], (H, O), dtype=jnp.float32) * 0.05
    inp['b2'] = jnp.zeros((O,), dtype=jnp.float32)
    inp['cW1'] = jax.random.normal(ks[8], (IN_DIM, 128), dtype=jnp.float32) * 0.02
    inp['cb1'] = jnp.zeros((128,), dtype=jnp.float32)
    inp['cW2'] = jax.random.normal(ks[9], (128, 64), dtype=jnp.float32) * 0.05
    inp['cb2'] = jnp.zeros((64,), dtype=jnp.float32)
    inp['cW3'] = jax.random.normal(ks[10], (64, 2), dtype=jnp.float32) * 0.05
    inp['cb3'] = jnp.zeros((2,), dtype=jnp.float32)
    return inp


def reference(x, edge_index, scg_pair, gpt_pair, esm_pair, pair_idx, W1, b1, W2, b2, cW1, cb1, cW2, cb2, cW3, cb3):
    h1 = jax.nn.relu(gcn_conv(x, edge_index, W1, b1))
    h2 = gcn_conv(h1, edge_index, W2, b2)
    node_emb_1 = jnp.take(h2, pair_idx[:, 0], axis=0)
    node_emb_2 = jnp.take(h2, pair_idx[:, 1], axis=0)
    gcn_pair = jnp.concatenate([node_emb_1, node_emb_2], axis=-1)
    full_input = jnp.concatenate([gcn_pair, scg_pair, esm_pair, gpt_pair], axis=-1)
    z = jax.nn.relu(full_input @ cW1 + cb1)
    z = jax.nn.relu(z @ cW2 + cb2)
    logits = z @ cW3 + cb3
    return logits

if __name__ == "__main__":
    import jax
    _d = setup_inputs()
    print(jax.jit(kernel)(*tuple(_d.values())))

</pallas_src>

<mosaic_0001>
#map = affine_map<(d0, d1) -> (0, 0)>
#map1 = affine_map<(d0, d1) -> (0)>
module attributes {stable_mosaic.version = 14 : i64} {
  func.func @_pair_gather_body(%arg0: i32, %arg1: i32, %arg2: memref<10240x128xf32, #tpu.memory_space<hbm>>, %arg3: memref<8192xi32, #tpu.memory_space<hbm>>, %arg4: memref<8192x128xf32, #tpu.memory_space<hbm>>, %arg5: memref<128xi32, #tpu.memory_space<vmem>>, %arg6: memref<128x128xf32, #tpu.memory_space<vmem>>, %arg7: memref<!tpu.dma_semaphore, #tpu.memory_space<semaphore_mem>>) attributes {dimension_semantics = [#tpu.dimension_semantics<core_parallel>, #tpu.dimension_semantics<subcore_parallel>], iteration_bounds = array<i64: 2, 16>, scalar_prefetch = 0 : i64, scratch_operands = 3 : i64, tpu.core_type = #tpu.core_type<sc_vector_subcore>, window_params = [{transform_indices = #map}, {transform_indices = #map1}, {transform_indices = #map}]} {
    %mul3A = arith.constant 2 : i32
    %mul3A_0 = arith.muli %arg1, %mul3A : i32
    %add3A = arith.addi %mul3A_0, %arg0 : i32
    %mul3A_1 = arith.constant 256 : i32
    %mul3A_2 = arith.muli %add3A, %mul3A_1 : i32
    %scan3A = arith.constant 0 : i32
    %scan3A_3 = arith.constant 0 : i32
    %scan3A_4 = arith.constant 2 : i32
    %scan3A_5 = arith.addi %scan3A_3, %scan3A_4 : i32
    %scan3A_6 = arith.constant 1 : i32
    scf.for %scan3A_8 = %scan3A_3 to %scan3A_5 step %scan3A_6  : i32 {
      %mul3A_9 = arith.constant 128 : i32
      %mul3A_10 = arith.muli %scan3A_8, %mul3A_9 : i32
      %add3A_11 = arith.addi %mul3A_2, %mul3A_10 : i32
      "tpu.region"() ({
        %run_scoped3A = tpu.sem_alloc : memref<!tpu.dma_semaphore, #tpu.memory_space<semaphore_mem>>
        %dma_start3A_16 = tpu.memref_slice %arg3[%add3A_11] : memref<8192xi32, #tpu.memory_space<hbm>> -> memref<128xi32, #tpu.memory_space<hbm>>
        %dma_start3A_17 = tpu.memref_slice %arg3[%add3A_11] : memref<8192xi32, #tpu.memory_space<hbm>> -> memref<128xi32, #tpu.memory_space<hbm>>
        tpu.enqueue_dma source(%dma_start3A_17 : memref<128xi32, #tpu.memory_space<hbm>>) target(%arg5 : memref<128xi32, #tpu.memory_space<vmem>>) target_semaphore(%run_scoped3A : memref<!tpu.dma_semaphore, #tpu.memory_space<semaphore_mem>>)
        %dma_wait3A_18 = tpu.memref_slice %arg3[%add3A_11] : memref<8192xi32, #tpu.memory_space<hbm>> -> memref<128xi32, #tpu.memory_space<hbm>>
        %dma_wait3A_19 = tpu.memref_slice %arg3[%add3A_11] : memref<8192xi32, #tpu.memory_space<hbm>> -> memref<128xi32, #tpu.memory_space<hbm>>
        tpu.wait_dma2 semaphore(%run_scoped3A : memref<!tpu.dma_semaphore, #tpu.memory_space<semaphore_mem>>) src(%dma_wait3A_19 : memref<128xi32, #tpu.memory_space<hbm>>) dst(%arg5 : memref<128xi32, #tpu.memory_space<vmem>>)
        tpu.yield
      }) : () -> ()
      %dma_start3A = arith.constant 0 : i32
      %dma_start3A_12 = arith.constant 0 : i32
      %dma_start3A_13 = tpu.memref_slice %arg2[%dma_start3A, %dma_start3A_12] : memref<10240x128xf32, #tpu.memory_space<hbm>> -> memref<10240x128xf32, #tpu.memory_space<hbm>>
      tpu.enqueue_indirect_dma source(%dma_start3A_13 : memref<10240x128xf32, #tpu.memory_space<hbm>>) target(%arg6 : memref<128x128xf32, #tpu.memory_space<vmem>>) offsets(%arg5 : memref<128xi32, #tpu.memory_space<vmem>>) semaphore(%arg7 : memref<!tpu.dma_semaphore, #tpu.memory_space<semaphore_mem>>)
      %dma_wait3A = arith.constant 0 : i32
      %dma_wait3A_14 = arith.constant 0 : i32
      %dma_wait3A_15 = tpu.memref_slice %arg2[%dma_wait3A, %dma_wait3A_14] : memref<10240x128xf32, #tpu.memory_space<hbm>> -> memref<10240x128xf32, #tpu.memory_space<hbm>>
      tpu.wait_indirect_dma semaphore(%arg7 : memref<!tpu.dma_semaphore, #tpu.memory_space<semaphore_mem>>) src(%dma_wait3A_15 : memref<10240x128xf32, #tpu.memory_space<hbm>>) dst(%arg6 : memref<128x128xf32, #tpu.memory_space<vmem>>)
      "tpu.region"() ({
        %run_scoped3A = tpu.sem_alloc : memref<!tpu.dma_semaphore, #tpu.memory_space<semaphore_mem>>
        %dma_start3A_16 = arith.constant 0 : i32
        %dma_start3A_17 = tpu.memref_slice %arg4[%add3A_11, %dma_start3A_16] : memref<8192x128xf32, #tpu.memory_space<hbm>> -> memref<128x128xf32, #tpu.memory_space<hbm>>
        %dma_start3A_18 = arith.constant 0 : i32
        %dma_start3A_19 = tpu.memref_slice %arg4[%add3A_11, %dma_start3A_18] : memref<8192x128xf32, #tpu.memory_space<hbm>> -> memref<128x128xf32, #tpu.memory_space<hbm>>
        tpu.enqueue_dma source(%arg6 : memref<128x128xf32, #tpu.memory_space<vmem>>) target(%dma_start3A_19 : memref<128x128xf32, #tpu.memory_space<hbm>>) target_semaphore(%run_scoped3A : memref<!tpu.dma_semaphore, #tpu.memory_space<semaphore_mem>>)
        %dma_wait3A_20 = arith.constant 0 : i32
        %dma_wait3A_21 = tpu.memref_slice %arg4[%add3A_11, %dma_wait3A_20] : memref<8192x128xf32, #tpu.memory_space<hbm>> -> memref<128x128xf32, #tpu.memory_space<hbm>>
        %dma_wait3A_22 = arith.constant 0 : i32
        %dma_wait3A_23 = tpu.memref_slice %arg4[%add3A_11, %dma_wait3A_22] : memref<8192x128xf32, #tpu.memory_space<hbm>> -> memref<128x128xf32, #tpu.memory_space<hbm>>
        tpu.wait_dma2 semaphore(%run_scoped3A : memref<!tpu.dma_semaphore, #tpu.memory_space<semaphore_mem>>) src(%arg6 : memref<128x128xf32, #tpu.memory_space<vmem>>) dst(%dma_wait3A_23 : memref<128x128xf32, #tpu.memory_space<hbm>>)
        tpu.yield
      }) : () -> ()
    }
    %scan3A_7 = arith.constant 2 : i32
    return
  }
}

#map = affine_map<(d0, d1) -> (0, 0)>
#map1 = affine_map<(d0, d1) -> (0, 0, 0)>
module attributes {stable_mosaic.version = 14 : i64} {
  func.func @_agg_body(%arg0: i32, %arg1: i32, %arg2: memref<10240x128xf32, #tpu.memory_space<hbm>>, %arg3: memref<5000x128xi32, #tpu.memory_space<hbm>>, %arg4: memref<5000x128xi32, #tpu.memory_space<hbm>>, %arg5: memref<10240x128xf32, #tpu.memory_space<hbm>>, %arg6: memref<2x10240x128xf32, #tpu.memory_space<hbm>>, %arg7: memref<16x128xi32, #tpu.memory_space<vmem>>, %arg8: memref<16x128xi32, #tpu.memory_space<vmem>>, %arg9: memref<128x128xf32, #tpu.memory_space<vmem>>, %arg10: memref<128x128xf32, #tpu.memory_space<vmem>>, %arg11: memref<!tpu.dma_semaphore, #tpu.memory_space<semaphore_mem>>, %arg12: memref<!tpu.dma_semaphore, #tpu.memory_space<semaphore_mem>>, %arg13: memref<!tpu.dma_semaphore, #tpu.memory_space<semaphore_mem>>, %arg14: memref<!tpu.dma_semaphore, #tpu.memory_space<semaphore_mem>>, %arg15: memref<!tpu.dma_semaphore, #tpu.memory_space<semaphore_mem>>, %arg16: memref<10240x128xf32, #tpu.memory_space<vmem_shared>>) attributes {dimension_semantics = [#tpu.dimension_semantics<core_parallel>, #tpu.dimension_semantics<subcore_parallel>], iteration_bounds = array<i64: 2, 16>, scalar_prefetch = 0 : i64, scratch_operands = 10 : i64, tpu.core_type = #tpu.core_type<sc_vector_subcore>, window_params = [{transform_indices = #map}, {transform_indices = #map}, {transform_indices = #map}, {transform_indices = #map}, {transform_indices = #map1}]} {
    %mul3A = arith.constant 2 : i32
    %mul3A_0 = arith.muli %arg1, %mul3A : i32
    %add3A = arith.addi %mul3A_0, %arg0 : i32
    %mul3A_1 = arith.constant 640 : i32
    %mul3A_2 = arith.muli %arg1, %mul3A_1 : i32
    %lt3A = arith.constant 17 : i32
    %lt3A_3 = arith.cmpi slt, %add3A, %lt3A : i32
    %jit3A = arith.constant 20 : i32
    %jit3A_4 = arith.constant 19 : i32
    %select_n3A = arith.select %lt3A_3, %jit3A, %jit3A_4 : i32
    "tpu.region"() ({
      %run_scoped3A = tpu.sem_alloc : memref<!tpu.dma_semaphore, #tpu.memory_space<semaphore_mem>>
      %dma_start3A_23 = arith.constant 0 : i32
      %dma_start3A_24 = tpu.memref_slice %arg16[%mul3A_2, %dma_start3A_23] : memref<10240x128xf32, #tpu.memory_space<vmem_shared>> -> memref<640x128xf32, #tpu.memory_space<vmem_shared>>
      %dma_start3A_25 = arith.constant 0 : i32
      %dma_start3A_26 = tpu.memref_slice %arg5[%mul3A_2, %dma_start3A_25] : memref<10240x128xf32, #tpu.memory_space<hbm>> -> memref<640x128xf32, #tpu.memory_space<hbm>>
      tpu.enqueue_dma source(%dma_start3A_26 : memref<640x128xf32, #tpu.memory_space<hbm>>) target(%dma_start3A_24 : memref<640x128xf32, #tpu.memory_space<vmem_shared>>) target_semaphore(%run_scoped3A : memref<!tpu.dma_semaphore, #tpu.memory_space<semaphore_mem>>)
      %dma_wait3A = arith.constant 0 : i32
      %dma_wait3A_27 = tpu.memref_slice %arg16[%mul3A_2, %dma_wait3A] : memref<10240x128xf32, #tpu.memory_space<vmem_shared>> -> memref<640x128xf32, #tpu.memory_space<vmem_shared>>
      %dma_wait3A_28 = arith.constant 0 : i32
      %dma_wait3A_29 = tpu.memref_slice %arg5[%mul3A_2, %dma_wait3A_28] : memref<10240x128xf32, #tpu.memory_space<hbm>> -> memref<640x128xf32, #tpu.memory_space<hbm>>
      tpu.wait_dma2 semaphore(%run_scoped3A : memref<!tpu.dma_semaphore, #tpu.memory_space<semaphore_mem>>) src(%dma_wait3A_29 : memref<640x128xf32, #tpu.memory_space<hbm>>) dst(%dma_wait3A_27 : memref<640x128xf32, #tpu.memory_space<vmem_shared>>)
      tpu.yield
    }) : () -> ()
    %mul3A_5 = arith.constant 8 : i32
    %mul3A_6 = arith.muli %add3A, %mul3A_5 : i32
    "tpu.region"() ({
      %run_scoped3A = tpu.sem_alloc : memref<!tpu.dma_semaphore, #tpu.memory_space<semaphore_mem>>
      %dma_start3A_23 = arith.constant 0 : i32
      %dma_start3A_24 = arith.constant 0 : i32
      %dma_start3A_25 = tpu.memref_slice %arg7[%dma_start3A_23, %dma_start3A_24] : memref<16x128xi32, #tpu.memory_space<vmem>> -> memref<8x128xi32, #tpu.memory_space<vmem>>
      %dma_start3A_26 = arith.constant 0 : i32
      %dma_start3A_27 = tpu.memref_slice %arg3[%mul3A_6, %dma_start3A_26] : memref<5000x128xi32, #tpu.memory_space<hbm>> -> memref<8x128xi32, #tpu.memory_space<hbm>>
      %dma_start3A_28 = arith.constant 0 : i32
      %dma_start3A_29 = arith.constant 0 : i32
      %dma_start3A_30 = tpu.memref_slice %arg7[%dma_start3A_28, %dma_start3A_29] : memref<16x128xi32, #tpu.memory_space<vmem>> -> memref<8x128xi32, #tpu.memory_space<vmem>>
      %dma_start3A_31 = arith.constant 0 : i32
      %dma_start3A_32 = tpu.memref_slice %arg3[%mul3A_6, %dma_start3A_31] : memref<5000x128xi32, #tpu.memory_space<hbm>> -> memref<8x128xi32, #tpu.memory_space<hbm>>
      tpu.enqueue_dma source(%dma_start3A_32 : memref<8x128xi32, #tpu.memory_space<hbm>>) target(%dma_start3A_30 : memref<8x128xi32, #tpu.memory_space<vmem>>) target_semaphore(%run_scoped3A : memref<!tpu.dma_semaphore, #tpu.memory_space<semaphore_mem>>)
      %dma_wait3A = arith.constant 0 : i32
      %dma_wait3A_33 = arith.constant 0 : i32
      %dma_wait3A_34 = tpu.memref_slice %arg7[%dma_wait3A, %dma_wait3A_33] : memref<16x128xi32, #tpu.memory_space<vmem>> -> memref<8x128xi32, #tpu.memory_space<vmem>>
      %dma_wait3A_35 = arith.constant 0 : i32
      %dma_wait3A_36 = tpu.memref_slice %arg3[%mul3A_6, %dma_wait3A_35] : memref<5000x128xi32, #tpu.memory_space<hbm>> -> memref<8x128xi32, #tpu.memory_space<hbm>>
      %dma_wait3A_37 = arith.constant 0 : i32
      %dma_wait3A_38 = arith.constant 0 : i32
      %dma_wait3A_39 = tpu.memref_slice %arg7[%dma_wait3A_37, %dma_wait3A_38] : memref<16x128xi32, #tpu.memory_space<vmem>> -> memref<8x128xi32, #tpu.memory_space<vmem>>
      %dma_wait3A_40 = arith.constant 0 : i32
      %dma_wait3A_41 = tpu.memref_slice %arg3[%mul3A_6, %dma_wait3A_40] : memref<5000x128xi32, #tpu.memory_space<hbm>> -> memref<8x128xi32, #tpu.memory_space<hbm>>
      tpu.wait_dma2 semaphore(%run_scoped3A : memref<!tpu.dma_semaphore, #tpu.memory_space<semaphore_mem>>) src(%dma_wait3A_41 : memref<8x128xi32, #tpu.memory_space<hbm>>) dst(%dma_wait3A_39 : memref<8x128xi32, #tpu.memory_space<vmem>>)
      tpu.yield
    }) : () -> ()
    "tpu.region"() ({
      %run_scoped3A = tpu.sem_alloc : memref<!tpu.dma_semaphore, #tpu.memory_space<semaphore_mem>>
      %dma_start3A_23 = arith.constant 0 : i32
      %dma_start3A_24 = arith.constant 0 : i32
      %dma_start3A_25 = tpu.memref_slice %arg8[%dma_start3A_23, %dma_start3A_24] : memref<16x128xi32, #tpu.memory_space<vmem>> -> memref<8x128xi32, #tpu.memory_space<vmem>>
      %dma_start3A_26 = arith.constant 0 : i32
      %dma_start3A_27 = tpu.memref_slice %arg4[%mul3A_6, %dma_start3A_26] : memref<5000x128xi32, #tpu.memory_space<hbm>> -> memref<8x128xi32, #tpu.memory_space<hbm>>
      %dma_start3A_28 = arith.constant 0 : i32
      %dma_start3A_29 = arith.constant 0 : i32
      %dma_start3A_30 = tpu.memref_slice %arg8[%dma_start3A_28, %dma_start3A_29] : memref<16x128xi32, #tpu.memory_space<vmem>> -> memref<8x128xi32, #tpu.memory_space<vmem>>
      %dma_start3A_31 = arith.constant 0 : i32
      %dma_start3A_32 = tpu.memref_slice %arg4[%mul3A_6, %dma_start3A_31] : memref<5000x128xi32, #tpu.memory_space<hbm>> -> memref<8x128xi32, #tpu.memory_space<hbm>>
      tpu.enqueue_dma source(%dma_start3A_32 : memref<8x128xi32, #tpu.memory_space<hbm>>) target(%dma_start3A_30 : memref<8x128xi32, #tpu.memory_space<vmem>>) target_semaphore(%run_scoped3A : memref<!tpu.dma_semaphore, #tpu.memory_space<semaphore_mem>>)
      %dma_wait3A = arith.constant 0 : i32
      %dma_wait3A_33 = arith.constant 0 : i32
      %dma_wait3A_34 = tpu.memref_slice %arg8[%dma_wait3A, %dma_wait3A_33] : memref<16x128xi32, #tpu.memory_space<vmem>> -> memref<8x128xi32, #tpu.memory_space<vmem>>
      %dma_wait3A_35 = arith.constant 0 : i32
      %dma_wait3A_36 = tpu.memref_slice %arg4[%mul3A_6, %dma_wait3A_35] : memref<5000x128xi32, #tpu.memory_space<hbm>> -> memref<8x128xi32, #tpu.memory_space<hbm>>
      %dma_wait3A_37 = arith.constant 0 : i32
      %dma_wait3A_38 = arith.constant 0 : i32
      %dma_wait3A_39 = tpu.memref_slice %arg8[%dma_wait3A_37, %dma_wait3A_38] : memref<16x128xi32, #tpu.memory_space<vmem>> -> memref<8x128xi32, #tpu.memory_space<vmem>>
      %dma_wait3A_40 = arith.constant 0 : i32
      %dma_wait3A_41 = tpu.memref_slice %arg4[%mul3A_6, %dma_wait3A_40] : memref<5000x128xi32, #tpu.memory_space<hbm>> -> memref<8x128xi32, #tpu.memory_space<hbm>>
      tpu.wait_dma2 semaphore(%run_scoped3A : memref<!tpu.dma_semaphore, #tpu.memory_space<semaphore_mem>>) src(%dma_wait3A_41 : memref<8x128xi32, #tpu.memory_space<hbm>>) dst(%dma_wait3A_39 : memref<8x128xi32, #tpu.memory_space<vmem>>)
      tpu.yield
    }) : () -> ()
    %barrier3A = arith.constant 0 : index
    tpu.barrier barrier_id(%barrier3A)
    %dma_start3A = arith.constant 0 : i32
    %dma_start3A_7 = arith.constant 0 : i32
    %dma_start3A_8 = tpu.memref_slice %arg7[%dma_start3A, %dma_start3A_7] : memref<16x128xi32, #tpu.memory_space<vmem>> -> memref<1x128xi32, #tpu.memory_space<vmem>>
    %dma_start3A_9 = tpu.memref_squeeze %dma_start3A_8 : memref<1x128xi32, #tpu.memory_space<vmem>> -> memref<128xi32, #tpu.memory_space<vmem>>
    %dma_start3A_10 = arith.constant 0 : i32
    %dma_start3A_11 = arith.constant 0 : i32
    %dma_start3A_12 = tpu.memref_slice %arg2[%dma_start3A_10, %dma_start3A_11] : memref<10240x128xf32, #tpu.memory_space<hbm>> -> memref<10240x128xf32, #tpu.memory_space<hbm>>
    tpu.enqueue_indirect_dma source(%dma_start3A_12 : memref<10240x128xf32, #tpu.memory_space<hbm>>) target(%arg9 : memref<128x128xf32, #tpu.memory_space<vmem>>) offsets(%dma_start3A_9 : memref<128xi32, #tpu.memory_space<vmem>>) semaphore(%arg12 : memref<!tpu.dma_semaphore, #tpu.memory_space<semaphore_mem>>)
    %while3A = arith.constant 0 : i32
    %while3A_13 = arith.constant 0 : i32
    %while3A_14 = arith.subi %select_n3A, %while3A_13 : i32
    %while3A_15 = arith.addi %while3A_13, %while3A_14 : i32
    %while3A_16 = arith.constant 1 : i32
    %while3A_17 = arith.divsi %while3A_14, %while3A_16 : i32
    %while3A_18 = arith.muli %while3A_17, %while3A_16 : i32
    %while3A_19 = arith.addi %while3A_13, %while3A_18 : i32
    %while3A_20 = arith.constant 1 : i32
    scf.for %while3A_23 = %while3A_13 to %while3A_19 step %while3A_20  : i32 {
      %jit3A_24 = arith.constant 2 : i32
      %eq3A = arith.constant 0 : i32
      %eq3A_25 = arith.cmpi eq, %jit3A_24, %eq3A : i32
      %jit3A_26 = arith.constant 1 : i32
      %select_n3A_27 = arith.select %eq3A_25, %jit3A_26, %jit3A_24 : i32
      %rem3A = arith.remsi %while3A_23, %select_n3A_27 : i32
      %ne3A = arith.constant 0 : i32
      %ne3A_28 = arith.cmpi ne, %rem3A, %ne3A : i32
      %lt3A_29 = arith.constant 0 : i32
      %lt3A_30 = arith.cmpi slt, %rem3A, %lt3A_29 : i32
      %lt3A_31 = arith.constant 0 : i32
      %lt3A_32 = arith.cmpi slt, %select_n3A_27, %lt3A_31 : i32
      %ne3A_33 = arith.xori %lt3A_30, %lt3A_32 : i1
      %and3A = arith.andi %ne3A_33, %ne3A_28 : i1
      %add3A_34 = arith.addi %rem3A, %select_n3A_27 : i32
      %select_n3A_35 = arith.select %and3A, %add3A_34, %rem3A : i32
      %mul3A_36 = arith.constant 8 : i32
      %mul3A_37 = arith.muli %select_n3A_35, %mul3A_36 : i32
      %add3A_38 = arith.constant 1 : i32
      %add3A_39 = arith.addi %while3A_23, %add3A_38 : i32
      %jit3A_40 = arith.constant 2 : i32
      %eq3A_41 = arith.constant 0 : i32
      %eq3A_42 = arith.cmpi eq, %jit3A_40, %eq3A_41 : i32
      %jit3A_43 = arith.constant 1 : i32
      %select_n3A_44 = arith.select %eq3A_42, %jit3A_43, %jit3A_40 : i32
      %rem3A_45 = arith.remsi %add3A_39, %select_n3A_44 : i32
      %ne3A_46 = arith.constant 0 : i32
      %ne3A_47 = arith.cmpi ne, %rem3A_45, %ne3A_46 : i32
      %lt3A_48 = arith.constant 0 : i32
      %lt3A_49 = arith.cmpi slt, %rem3A_45, %lt3A_48 : i32
      %lt3A_50 = arith.constant 0 : i32
      %lt3A_51 = arith.cmpi slt, %select_n3A_44, %lt3A_50 : i32
      %ne3A_52 = arith.xori %lt3A_49, %lt3A_51 : i1
      %and3A_53 = arith.andi %ne3A_52, %ne3A_47 : i1
      %add3A_54 = arith.addi %rem3A_45, %select_n3A_44 : i32
      %select_n3A_55 = arith.select %and3A_53, %add3A_54, %rem3A_45 : i32
      %mul3A_56 = arith.constant 8 : i32
      %mul3A_57 = arith.muli %select_n3A_55, %mul3A_56 : i32
      %add3A_58 = arith.constant 1 : i32
      %add3A_59 = arith.addi %while3A_23, %add3A_58 : i32
      %lt3A_60 = arith.cmpi slt, %add3A_59, %select_n3A : i32
      %convert_element_type3A = arith.extui %lt3A_60 : i1 to i32
      %cond3A = arith.constant 0 : i32
      %cond3A_61 = arith.cmpi ne, %convert_element_type3A, %cond3A : i32
      scf.if %cond3A_61 {
        %add3A_268 = arith.constant 1 : i32
        %add3A_269 = arith.addi %while3A_23, %add3A_268 : i32
        %mul3A_270 = arith.constant 32 : i32
        %mul3A_271 = arith.muli %add3A_269, %mul3A_270 : i32
        %add3A_272 = arith.addi %add3A, %mul3A_271 : i32
        %mul3A_273 = arith.constant 8 : i32
        %mul3A_274 = arith.muli %add3A_272, %mul3A_273 : i32
        %dma_start3A_275 = arith.constant 0 : i32
        %dma_start3A_276 = tpu.memref_slice %arg7[%mul3A_57, %dma_start3A_275] : memref<16x128xi32, #tpu.memory_space<vmem>> -> memref<8x128xi32, #tpu.memory_space<vmem>>
        %dma_start3A_277 = arith.constant 0 : i32
        %dma_start3A_278 = tpu.memref_slice %arg3[%mul3A_274, %dma_start3A_277] : memref<5000x128xi32, #tpu.memory_space<hbm>> -> memref<8x128xi32, #tpu.memory_space<hbm>>
        %dma_start3A_279 = arith.constant 0 : i32
        %dma_start3A_280 = tpu.memref_slice %arg7[%mul3A_57, %dma_start3A_279] : memref<16x128xi32, #tpu.memory_space<vmem>> -> memref<8x128xi32, #tpu.memory_space<vmem>>
        %dma_start3A_281 = arith.constant 0 : i32
        %dma_start3A_282 = tpu.memref_slice %arg3[%mul3A_274, %dma_start3A_281] : memref<5000x128xi32, #tpu.memory_space<hbm>> -> memref<8x128xi32, #tpu.memory_space<hbm>>
        tpu.enqueue_dma source(%dma_start3A_282 : memref<8x128xi32, #tpu.memory_space<hbm>>) target(%dma_start3A_280 : memref<8x128xi32, #tpu.memory_space<vmem>>) target_semaphore(%arg11 : memref<!tpu.dma_semaphore, #tpu.memory_space<semaphore_mem>>)
        %dma_start3A_283 = arith.constant 0 : i32
        %dma_start3A_284 = tpu.memref_slice %arg8[%mul3A_57, %dma_start3A_283] : memref<16x128xi32, #tpu.memory_space<vmem>> -> memref<8x128xi32, #tpu.memory_space<vmem>>
        %dma_start3A_285 = arith.constant 0 : i32
        %dma_start3A_286 = tpu.memref_slice %arg4[%mul3A_274, %dma_start3A_285] : memref<5000x128xi32, #tpu.memory_space<hbm>> -> memref<8x128xi32, #tpu.memory_space<hbm>>
        %dma_start3A_287 = arith.constant 0 : i32
        %dma_start3A_288 = tpu.memref_slice %arg8[%mul3A_57, %dma_start3A_287] : memref<16x128xi32, #tpu.memory_space<vmem>> -> memref<8x128xi32, #tpu.memory_space<vmem>>
        %dma_start3A_289 = arith.constant 0 : i32
        %dma_start3A_290 = tpu.memref_slice %arg4[%mul3A_274, %dma_start3A_289] : memref<5000x128xi32, #tpu.memory_space<hbm>> -> memref<8x128xi32, #tpu.memory_space<hbm>>
        tpu.enqueue_dma source(%dma_start3A_290 : memref<8x128xi32, #tpu.memory_space<hbm>>) target(%dma_start3A_288 : memref<8x128xi32, #tpu.memory_space<vmem>>) target_semaphore(%arg11 : memref<!tpu.dma_semaphore, #tpu.memory_space<semaphore_mem>>)
      } else {
      }
      %add3A_62 = arith.constant 0 : i32
      %add3A_63 = arith.addi %mul3A_37, %add3A_62 : i32
      %add3A_64 = arith.constant 1 : i32
      %add3A_65 = arith.addi %add3A_63, %add3A_64 : i32
      %dma_start3A_66 = arith.constant 0 : i32
      %dma_start3A_67 = tpu.memref_slice %arg7[%add3A_65, %dma_start3A_66] : memref<16x128xi32, #tpu.memory_space<vmem>> -> memref<1x128xi32, #tpu.memory_space<vmem>>
      %dma_start3A_68 = tpu.memref_squeeze %dma_start3A_67 : memref<1x128xi32, #tpu.memory_space<vmem>> -> memref<128xi32, #tpu.memory_space<vmem>>
      %dma_start3A_69 = arith.constant 0 : i32
      %dma_start3A_70 = arith.constant 0 : i32
      %dma_start3A_71 = tpu.memref_slice %arg2[%dma_start3A_69, %dma_start3A_70] : memref<10240x128xf32, #tpu.memory_space<hbm>> -> memref<10240x128xf32, #tpu.memory_space<hbm>>
      tpu.enqueue_indirect_dma source(%dma_start3A_71 : memref<10240x128xf32, #tpu.memory_space<hbm>>) target(%arg10 : memref<128x128xf32, #tpu.memory_space<vmem>>) offsets(%dma_start3A_68 : memref<128xi32, #tpu.memory_space<vmem>>) semaphore(%arg13 : memref<!tpu.dma_semaphore, #tpu.memory_space<semaphore_mem>>)
      %dma_wait3A = arith.constant 0 : i32
      %dma_wait3A_72 = arith.constant 0 : i32
      %dma_wait3A_73 = tpu.memref_slice %arg5[%dma_wait3A, %dma_wait3A_72] : memref<10240x128xf32, #tpu.memory_space<hbm>> -> memref<128x128xf32, #tpu.memory_space<hbm>>
      %dma_wait3A_74 = arith.constant 0 : i32
      %dma_wait3A_75 = arith.constant 0 : i32
      %dma_wait3A_76 = tpu.memref_slice %arg5[%dma_wait3A_74, %dma_wait3A_75] : memref<10240x128xf32, #tpu.memory_space<hbm>> -> memref<128x128xf32, #tpu.memory_space<hbm>>
      tpu.wait_dma2 semaphore(%arg12 : memref<!tpu.dma_semaphore, #tpu.memory_space<semaphore_mem>>) src(%dma_wait3A_76 : memref<128x128xf32, #tpu.memory_space<hbm>>) dst(%arg9 : memref<128x128xf32, #tpu.memory_space<vmem>>)
      %dma_start3A_77 = arith.constant 0 : i32
      %dma_start3A_78 = tpu.memref_slice %arg8[%add3A_63, %dma_start3A_77] : memref<16x128xi32, #tpu.memory_space<vmem>> -> memref<1x128xi32, #tpu.memory_space<vmem>>
      %dma_start3A_79 = tpu.memref_squeeze %dma_start3A_78 : memref<1x128xi32, #tpu.memory_space<vmem>> -> memref<128xi32, #tpu.memory_space<vmem>>
      %dma_start3A_80 = arith.constant 0 : i32
      %dma_start3A_81 = arith.constant 0 : i32
      %dma_start3A_82 = tpu.memref_slice %arg16[%dma_start3A_80, %dma_start3A_81] : memref<10240x128xf32, #tpu.memory_space<vmem_shared>> -> memref<10240x128xf32, #tpu.memory_space<vmem_shared>>
      tpu.enqueue_indirect_dma source(%arg9 : memref<128x128xf32, #tpu.memory_space<vmem>>) target(%dma_start3A_82 : memref<10240x128xf32, #tpu.memory_space<vmem_shared>>) offsets(%dma_start3A_79 : memref<128xi32, #tpu.memory_space<vmem>>) semaphore(%arg14 : memref<!tpu.dma_semaphore, #tpu.memory_space<semaphore_mem>>) {add = true}
      %add3A_83 = arith.constant 1 : i32
      %add3A_84 = arith.addi %mul3A_37, %add3A_83 : i32
      %dma_wait3A_85 = arith.constant 0 : i32
      %dma_wait3A_86 = tpu.memref_slice %arg8[%add3A_63, %dma_wait3A_85] : memref<16x128xi32, #tpu.memory_space<vmem>> -> memref<1x128xi32, #tpu.memory_space<vmem>>
      %dma_wait3A_87 = tpu.memref_squeeze %dma_wait3A_86 : memref<1x128xi32, #tpu.memory_space<vmem>> -> memref<128xi32, #tpu.memory_space<vmem>>
      %dma_wait3A_88 = arith.constant 0 : i32
      %dma_wait3A_89 = arith.constant 0 : i32
      %dma_wait3A_90 = tpu.memref_slice %arg16[%dma_wait3A_88, %dma_wait3A_89] : memref<10240x128xf32, #tpu.memory_space<vmem_shared>> -> memref<10240x128xf32, #tpu.memory_space<vmem_shared>>
      tpu.wait_indirect_dma semaphore(%arg14 : memref<!tpu.dma_semaphore, #tpu.memory_space<semaphore_mem>>) src(%arg9 : memref<128x128xf32, #tpu.memory_space<vmem>>) dst(%dma_wait3A_90 : memref<10240x128xf32, #tpu.memory_space<vmem_shared>>)
      %add3A_91 = arith.constant 1 : i32
      %add3A_92 = arith.addi %add3A_84, %add3A_91 : i32
      %dma_start3A_93 = arith.constant 0 : i32
      %dma_start3A_94 = tpu.memref_slice %arg7[%add3A_92, %dma_start3A_93] : memref<16x128xi32, #tpu.memory_space<vmem>> -> memref<1x128xi32, #tpu.memory_space<vmem>>
      %dma_start3A_95 = tpu.memref_squeeze %dma_start3A_94 : memref<1x128xi32, #tpu.memory_space<vmem>> -> memref<128xi32, #tpu.memory_space<vmem>>
      %dma_start3A_96 = arith.constant 0 : i32
      %dma_start3A_97 = arith.constant 0 : i32
      %dma_start3A_98 = tpu.memref_slice %arg2[%dma_start3A_96, %dma_start3A_97] : memref<10240x128xf32, #tpu.memory_space<hbm>> -> memref<10240x128xf32, #tpu.memory_space<hbm>>
      tpu.enqueue_indirect_dma source(%dma_start3A_98 : memref<10240x128xf32, #tpu.memory_space<hbm>>) target(%arg9 : memref<128x128xf32, #tpu.memory_space<vmem>>) offsets(%dma_start3A_95 : memref<128xi32, #tpu.memory_space<vmem>>) semaphore(%arg12 : memref<!tpu.dma_semaphore, #tpu.memory_space<semaphore_mem>>)
      %dma_wait3A_99 = arith.constant 0 : i32
      %dma_wait3A_100 = arith.constant 0 : i32
      %dma_wait3A_101 = tpu.memref_slice %arg5[%dma_wait3A_99, %dma_wait3A_100] : memref<10240x128xf32, #tpu.memory_space<hbm>> -> memref<128x128xf32, #tpu.memory_space<hbm>>
      %dma_wait3A_102 = arith.constant 0 : i32
      %dma_wait3A_103 = arith.constant 0 : i32
      %dma_wait3A_104 = tpu.memref_slice %arg5[%dma_wait3A_102, %dma_wait3A_103] : memref<10240x128xf32, #tpu.memory_space<hbm>> -> memref<128x128xf32, #tpu.memory_space<hbm>>
      tpu.wait_dma2 semaphore(%arg13 : memref<!tpu.dma_semaphore, #tpu.memory_space<semaphore_mem>>) src(%dma_wait3A_104 : memref<128x128xf32, #tpu.memory_space<hbm>>) dst(%arg10 : memref<128x128xf32, #tpu.memory_space<vmem>>)
      %dma_start3A_105 = arith.constant 0 : i32
      %dma_start3A_106 = tpu.memref_slice %arg8[%add3A_84, %dma_start3A_105] : memref<16x128xi32, #tpu.memory_space<vmem>> -> memref<1x128xi32, #tpu.memory_space<vmem>>
      %dma_start3A_107 = tpu.memref_squeeze %dma_start3A_106 : memref<1x128xi32, #tpu.memory_space<vmem>> -> memref<128xi32, #tpu.memory_space<vmem>>
      %dma_start3A_108 = arith.constant 0 : i32
      %dma_start3A_109 = arith.constant 0 : i32
      %dma_start3A_110 = tpu.memref_slice %arg16[%dma_start3A_108, %dma_start3A_109] : memref<10240x128xf32, #tpu.memory_space<vmem_shared>> -> memref<10240x128xf32, #tpu.memory_space<vmem_shared>>
      tpu.enqueue_indirect_dma source(%arg10 : memref<128x128xf32, #tpu.memory_space<vmem>>) target(%dma_start3A_110 : memref<10240x128xf32, #tpu.memory_space<vmem_shared>>) offsets(%dma_start3A_107 : memref<128xi32, #tpu.memory_space<vmem>>) semaphore(%arg15 : memref<!tpu.dma_semaphore, #tpu.memory_space<semaphore_mem>>) {add = true}
      %add3A_111 = arith.constant 2 : i32
      %add3A_112 = arith.addi %mul3A_37, %add3A_111 : i32
      %dma_wait3A_113 = arith.constant 0 : i32
      %dma_wait3A_114 = tpu.memref_slice %arg8[%add3A_84, %dma_wait3A_113] : memref<16x128xi32, #tpu.memory_space<vmem>> -> memref<1x128xi32, #tpu.memory_space<vmem>>
      %dma_wait3A_115 = tpu.memref_squeeze %dma_wait3A_114 : memref<1x128xi32, #tpu.memory_space<vmem>> -> memref<128xi32, #tpu.memory_space<vmem>>
      %dma_wait3A_116 = arith.constant 0 : i32
      %dma_wait3A_117 = arith.constant 0 : i32
      %dma_wait3A_118 = tpu.memref_slice %arg16[%dma_wait3A_116, %dma_wait3A_117] : memref<10240x128xf32, #tpu.memory_space<vmem_shared>> -> memref<10240x128xf32, #tpu.memory_space<vmem_shared>>
      tpu.wait_indirect_dma semaphore(%arg15 : memref<!tpu.dma_semaphore, #tpu.memory_space<semaphore_mem>>) src(%arg10 : memref<128x128xf32, #tpu.memory_space<vmem>>) dst(%dma_wait3A_118 : memref<10240x128xf32, #tpu.memory_space<vmem_shared>>)
      %add3A_119 = arith.constant 1 : i32
      %add3A_120 = arith.addi %add3A_112, %add3A_119 : i32
      %dma_start3A_121 = arith.constant 0 : i32
      %dma_start3A_122 = tpu.memref_slice %arg7[%add3A_120, %dma_start3A_121] : memref<16x128xi32, #tpu.memory_space<vmem>> -> memref<1x128xi32, #tpu.memory_space<vmem>>
      %dma_start3A_123 = tpu.memref_squeeze %dma_start3A_122 : memref<1x128xi32, #tpu.memory_space<vmem>> -> memref<128xi32, #tpu.memory_space<vmem>>
      %dma_start3A_124 = arith.constant 0 : i32
      %dma_start3A_125 = arith.constant 0 : i32
      %dma_start3A_126 = tpu.memref_slice %arg2[%dma_start3A_124, %dma_start3A_125] : memref<10240x128xf32, #tpu.memory_space<hbm>> -> memref<10240x128xf32, #tpu.memory_space<hbm>>
      tpu.enqueue_indirect_dma source(%dma_start3A_126 : memref<10240x128xf32, #tpu.memory_space<hbm>>) target(%arg10 : memref<128x128xf32, #tpu.memory_space<vmem>>) offsets(%dma_start3A_123 : memref<128xi32, #tpu.memory_space<vmem>>) semaphore(%arg13 : memref<!tpu.dma_semaphore, #tpu.memory_space<semaphore_mem>>)
      %dma_wait3A_127 = arith.constant 0 : i32
      %dma_wait3A_128 = arith.constant 0 : i32
      %dma_wait3A_129 = tpu.memref_slice %arg5[%dma_wait3A_127, %dma_wait3A_128] : memref<10240x128xf32, #tpu.memory_space<hbm>> -> memref<128x128xf32, #tpu.memory_space<hbm>>
      %dma_wait3A_130 = arith.constant 0 : i32
      %dma_wait3A_131 = arith.constant 0 : i32
      %dma_wait3A_132 = tpu.memref_slice %arg5[%dma_wait3A_130, %dma_wait3A_131] : memref<10240x128xf32, #tpu.memory_space<hbm>> -> memref<128x128xf32, #tpu.memory_space<hbm>>
      tpu.wait_dma2 semaphore(%arg12 : memref<!tpu.dma_semaphore, #tpu.memory_space<semaphore_mem>>) src(%dma_wait3A_132 : memref<128x128xf32, #tpu.memory_space<hbm>>) dst(%arg9 : memref<128x128xf32, #tpu.memory_space<vmem>>)
      %dma_start3A_133 = arith.constant 0 : i32
      %dma_start3A_134 = tpu.memref_slice %arg8[%add3A_112, %dma_start3A_133] : memref<16x128xi32, #tpu.memory_space<vmem>> -> memref<1x128xi32, #tpu.memory_space<vmem>>
      %dma_start3A_135 = tpu.memref_squeeze %dma_start3A_134 : memref<1x128xi32, #tpu.memory_space<vmem>> -> memref<128xi32, #tpu.memory_space<vmem>>
      %dma_start3A_136 = arith.constant 0 : i32
      %dma_start3A_137 = arith.constant 0 : i32
      %dma_start3A_138 = tpu.memref_slice %arg16[%dma_start3A_136, %dma_start3A_137] : memref<10240x128xf32, #tpu.memory_space<vmem_shared>> -> memref<10240x128xf32, #tpu.memory_space<vmem_shared>>
      tpu.enqueue_indirect_dma source(%arg9 : memref<128x128xf32, #tpu.memory_space<vmem>>) target(%dma_start3A_138 : memref<10240x128xf32, #tpu.memory_space<vmem_shared>>) offsets(%dma_start3A_135 : memref<128xi32, #tpu.memory_space<vmem>>) semaphore(%arg14 : memref<!tpu.dma_semaphore, #tpu.memory_space<semaphore_mem>>) {add = true}
      %add3A_139 = arith.constant 3 : i32
      %add3A_140 = arith.addi %mul3A_37, %add3A_139 : i32
      %dma_wait3A_141 = arith.constant 0 : i32
      %dma_wait3A_142 = tpu.memref_slice %arg8[%add3A_112, %dma_wait3A_141] : memref<16x128xi32, #tpu.memory_space<vmem>> -> memref<1x128xi32, #tpu.memory_space<vmem>>
      %dma_wait3A_143 = tpu.memref_squeeze %dma_wait3A_142 : memref<1x128xi32, #tpu.memory_space<vmem>> -> memref<128xi32, #tpu.memory_space<vmem>>
      %dma_wait3A_144 = arith.constant 0 : i32
      %dma_wait3A_145 = arith.constant 0 : i32
      %dma_wait3A_146 = tpu.memref_slice %arg16[%dma_wait3A_144, %dma_wait3A_145] : memref<10240x128xf32, #tpu.memory_space<vmem_shared>> -> memref<10240x128xf32, #tpu.memory_space<vmem_shared>>
      tpu.wait_indirect_dma semaphore(%arg14 : memref<!tpu.dma_semaphore, #tpu.memory_space<semaphore_mem>>) src(%arg9 : memref<128x128xf32, #tpu.memory_space<vmem>>) dst(%dma_wait3A_146 : memref<10240x128xf32, #tpu.memory_space<vmem_shared>>)
      %add3A_147 = arith.constant 1 : i32
      %add3A_148 = arith.addi %add3A_140, %add3A_147 : i32
      %dma_start3A_149 = arith.constant 0 : i32
      %dma_start3A_150 = tpu.memref_slice %arg7[%add3A_148, %dma_start3A_149] : memref<16x128xi32, #tpu.memory_space<vmem>> -> memref<1x128xi32, #tpu.memory_space<vmem>>
      %dma_start3A_151 = tpu.memref_squeeze %dma_start3A_150 : memref<1x128xi32, #tpu.memory_space<vmem>> -> memref<128xi32, #tpu.memory_space<vmem>>
      %dma_start3A_152 = arith.constant 0 : i32
      %dma_start3A_153 = arith.constant 0 : i32
      %dma_start3A_154 = tpu.memref_slice %arg2[%dma_start3A_152, %dma_start3A_153] : memref<10240x128xf32, #tpu.memory_space<hbm>> -> memref<10240x128xf32, #tpu.memory_space<hbm>>
      tpu.enqueue_indirect_dma source(%dma_start3A_154 : memref<10240x128xf32, #tpu.memory_space<hbm>>) target(%arg9 : memref<128x128xf32, #tpu.memory_space<vmem>>) offsets(%dma_start3A_151 : memref<128xi32, #tpu.memory_space<vmem>>) semaphore(%arg12 : memref<!tpu.dma_semaphore, #tpu.memory_space<semaphore_mem>>)
      %dma_wait3A_155 = arith.constant 0 : i32
      %dma_wait3A_156 = arith.constant 0 : i32
      %dma_wait3A_157 = tpu.memref_slice %arg5[%dma_wait3A_155, %dma_wait3A_156] : memref<10240x128xf32, #tpu.memory_space<hbm>> -> memref<128x128xf32, #tpu.memory_space<hbm>>
      %dma_wait3A_158 = arith.constant 0 : i32
      %dma_wait3A_159 = arith.constant 0 : i32
      %dma_wait3A_160 = tpu.memref_slice %arg5[%dma_wait3A_158, %dma_wait3A_159] : memref<10240x128xf32, #tpu.memory_space<hbm>> -> memref<128x128xf32, #tpu.memory_space<hbm>>
      tpu.wait_dma2 semaphore(%arg13 : memref<!tpu.dma_semaphore, #tpu.memory_space<semaphore_mem>>) src(%dma_wait3A_160 : memref<128x128xf32, #tpu.memory_space<hbm>>) dst(%arg10 : memref<128x128xf32, #tpu.memory_space<vmem>>)
      %dma_start3A_161 = arith.constant 0 : i32
      %dma_start3A_162 = tpu.memref_slice %arg8[%add3A_140, %dma_start3A_161] : memref<16x128xi32, #tpu.memory_space<vmem>> -> memref<1x128xi32, #tpu.memory_space<vmem>>
      %dma_start3A_163 = tpu.memref_squeeze %dma_start3A_162 : memref<1x128xi32, #tpu.memory_space<vmem>> -> memref<128xi32, #tpu.memory_space<vmem>>
      %dma_start3A_164 = arith.constant 0 : i32
      %dma_start3A_165 = arith.constant 0 : i32
      %dma_start3A_166 = tpu.memref_slice %arg16[%dma_start3A_164, %dma_start3A_165] : memref<10240x128xf32, #tpu.memory_space<vmem_shared>> -> memref<10240x128xf32, #tpu.memory_space<vmem_shared>>
      tpu.enqueue_indirect_dma source(%arg10 : memref<128x128xf32, #tpu.memory_space<vmem>>) target(%dma_start3A_166 : memref<10240x128xf32, #tpu.memory_space<vmem_shared>>) offsets(%dma_start3A_163 : memref<128xi32, #tpu.memory_space<vmem>>) semaphore(%arg15 : memref<!tpu.dma_semaphore, #tpu.memory_space<semaphore_mem>>) {add = true}
      %add3A_167 = arith.constant 4 : i32
      %add3A_168 = arith.addi %mul3A_37, %add3A_167 : i32
      %dma_wait3A_169 = arith.constant 0 : i32
      %dma_wait3A_170 = tpu.memref_slice %arg8[%add3A_140, %dma_wait3A_169] : memref<16x128xi32, #tpu.memory_space<vmem>> -> memref<1x128xi32, #tpu.memory_space<vmem>>
      %dma_wait3A_171 = tpu.memref_squeeze %dma_wait3A_170 : memref<1x128xi32, #tpu.memory_space<vmem>> -> memref<128xi32, #tpu.memory_space<vmem>>
      %dma_wait3A_172 = arith.constant 0 : i32
      %dma_wait3A_173 = arith.constant 0 : i32
      %dma_wait3A_174 = tpu.memref_slice %arg16[%dma_wait3A_172, %dma_wait3A_173] : memref<10240x128xf32, #tpu.memory_space<vmem_shared>> -> memref<10240x128xf32, #tpu.memory_space<vmem_shared>>
      tpu.wait_indirect_dma semaphore(%arg15 : memref<!tpu.dma_semaphore, #tpu.memory_space<semaphore_mem>>) src(%arg10 : memref<128x128xf32, #tpu.memory_space<vmem>>) dst(%dma_wait3A_174 : memref<10240x128xf32, #tpu.memory_space<vmem_shared>>)
      %add3A_175 = arith.constant 1 : i32
      %add3A_176 = arith.addi %add3A_168, %add3A_175 : i32
      %dma_start3A_177 = arith.constant 0 : i32
      %dma_start3A_178 = tpu.memref_slice %arg7[%add3A_176, %dma_start3A_177] : memref<16x128xi32, #tpu.memory_space<vmem>> -> memref<1x128xi32, #tpu.memory_space<vmem>>
      %dma_start3A_179 = tpu.memref_squeeze %dma_start3A_178 : memref<1x128xi32, #tpu.memory_space<vmem>> -> memref<128xi32, #tpu.memory_space<vmem>>
      %dma_start3A_180 = arith.constant 0 : i32
      %dma_start3A_181 = arith.constant 0 : i32
      %dma_start3A_182 = tpu.memref_slice %arg2[%dma_start3A_180, %dma_start3A_181] : memref<10240x128xf32, #tpu.memory_space<hbm>> -> memref<10240x128xf32, #tpu.memory_space<hbm>>
      tpu.enqueue_indirect_dma source(%dma_start3A_182 : memref<10240x128xf32, #tpu.memory_space<hbm>>) target(%arg10 : memref<128x128xf32, #tpu.memory_space<vmem>>) offsets(%dma_start3A_179 : memref<128xi32, #tpu.memory_space<vmem>>) semaphore(%arg13 : memref<!tpu.dma_semaphore, #tpu.memory_space<semaphore_mem>>)
      %dma_wait3A_183 = arith.constant 0 : i32
      %dma_wait3A_184 = arith.constant 0 : i32
      %dma_wait3A_185 = tpu.memref_slice %arg5[%dma_wait3A_183, %dma_wait3A_184] : memref<10240x128xf32, #tpu.memory_space<hbm>> -> memref<128x128xf32, #tpu.memory_space<hbm>>
      %dma_wait3A_186 = arith.constant 0 : i32
      %dma_wait3A_187 = arith.constant 0 : i32
      %dma_wait3A_188 = tpu.memref_slice %arg5[%dma_wait3A_186, %dma_wait3A_187] : memref<10240x128xf32, #tpu.memory_space<hbm>> -> memref<128x128xf32, #tpu.memory_space<hbm>>
      tpu.wait_dma2 semaphore(%arg12 : memref<!tpu.dma_semaphore, #tpu.memory_space<semaphore_mem>>) src(%dma_wait3A_188 : memref<128x128xf32, #tpu.memory_space<hbm>>) dst(%arg9 : memref<128x128xf32, #tpu.memory_space<vmem>>)
      %dma_start3A_189 = arith.constant 0 : i32
      %dma_start3A_190 = tpu.memref_slice %arg8[%add3A_168, %dma_start3A_189] : memref<16x128xi32, #tpu.memory_space<vmem>> -> memref<1x128xi32, #tpu.memory_space<vmem>>
      %dma_start3A_191 = tpu.memref_squeeze %dma_start3A_190 : memref<1x128xi32, #tpu.memory_space<vmem>> -> memref<128xi32, #tpu.memory_space<vmem>>
      %dma_start3A_192 = arith.constant 0 : i32
      %dma_start3A_193 = arith.constant 0 : i32
      %dma_start3A_194 = tpu.memref_slice %arg16[%dma_start3A_192, %dma_start3A_193] : memref<10240x128xf32, #tpu.memory_space<vmem_shared>> -> memref<10240x128xf32, #tpu.memory_space<vmem_shared>>
      tpu.enqueue_indirect_dma source(%arg9 : memref<128x128xf32, #tpu.memory_space<vmem>>) target(%dma_start3A_194 : memref<10240x128xf32, #tpu.memory_space<vmem_shared>>) offsets(%dma_start3A_191 : memref<128xi32, #tpu.memory_space<vmem>>) semaphore(%arg14 : memref<!tpu.dma_semaphore, #tpu.memory_space<semaphore_mem>>) {add = true}
      %add3A_195 = arith.constant 5 : i32
      %add3A_196 = arith.addi %mul3A_37, %add3A_195 : i32
      %dma_wait3A_197 = arith.constant 0 : i32
      %dma_wait3A_198 = tpu.memref_slice %arg8[%add3A_168, %dma_wait3A_197] : memref<16x128xi32, #tpu.memory_space<vmem>> -> memref<1x128xi32, #tpu.memory_space<vmem>>
      %dma_wait3A_199 = tpu.memref_squeeze %dma_wait3A_198 : memref<1x128xi32, #tpu.memory_space<vmem>> -> memref<128xi32, #tpu.memory_space<vmem>>
      %dma_wait3A_200 = arith.constant 0 : i32
      %dma_wait3A_201 = arith.constant 0 : i32
      %dma_wait3A_202 = tpu.memref_slice %arg16[%dma_wait3A_200, %dma_wait3A_201] : memref<10240x128xf32, #tpu.memory_space<vmem_shared>> -> memref<10240x128xf32, #tpu.memory_space<vmem_shared>>
      tpu.wait_indirect_dma semaphore(%arg14 : memref<!tpu.dma_semaphore, #tpu.memory_space<semaphore_mem>>) src(%arg9 : memref<128x128xf32, #tpu.memory_space<vmem>>) dst(%dma_wait3A_202 : memref<10240x128xf32, #tpu.memory_space<vmem_shared>>)
      %add3A_203 = arith.constant 1 : i32
      %add3A_204 = arith.addi %add3A_196, %add3A_203 : i32
      %dma_start3A_205 = arith.constant 0 : i32
      %dma_start3A_206 = tpu.memref_slice %arg7[%add3A_204, %dma_start3A_205] : memref<16x128xi32, #tpu.memory_space<vmem>> -> memref<1x128xi32, #tpu.memory_space<vmem>>
      %dma_start3A_207 = tpu.memref_squeeze %dma_start3A_206 : memref<1x128xi32, #tpu.memory_space<vmem>> -> memref<128xi32, #tpu.memory_space<vmem>>
      %dma_start3A_208 = arith.constant 0 : i32
      %dma_start3A_209 = arith.constant 0 : i32
      %dma_start3A_210 = tpu.memref_slice %arg2[%dma_start3A_208, %dma_start3A_209] : memref<10240x128xf32, #tpu.memory_space<hbm>> -> memref<10240x128xf32, #tpu.memory_space<hbm>>
      tpu.enqueue_indirect_dma source(%dma_start3A_210 : memref<10240x128xf32, #tpu.memory_space<hbm>>) target(%arg9 : memref<128x128xf32, #tpu.memory_space<vmem>>) offsets(%dma_start3A_207 : memref<128xi32, #tpu.memory_space<vmem>>) semaphore(%arg12 : memref<!tpu.dma_semaphore, #tpu.memory_space<semaphore_mem>>)
      %dma_wait3A_211 = arith.constant 0 : i32
      %dma_wait3A_212 = arith.constant 0 : i32
      %dma_wait3A_213 = tpu.memref_slice %arg5[%dma_wait3A_211, %dma_wait3A_212] : memref<10240x128xf32, #tpu.memory_space<hbm>> -> memref<128x128xf32, #tpu.memory_space<hbm>>
      %dma_wait3A_214 = arith.constant 0 : i32
      %dma_wait3A_215 = arith.constant 0 : i32
      %dma_wait3A_216 = tpu.memref_slice %arg5[%dma_wait3A_214, %dma_wait3A_215] : memref<10240x128xf32, #tpu.memory_space<hbm>> -> memref<128x128xf32, #tpu.memory_space<hbm>>
      tpu.wait_dma2 semaphore(%arg13 : memref<!tpu.dma_semaphore, #tpu.memory_space<semaphore_mem>>) src(%dma_wait3A_216 : memref<128x128xf32, #tpu.memory_space<hbm>>) dst(%arg10 : memref<128x128xf32, #tpu.memory_space<vmem>>)
      %dma_start3A_217 = arith.constant 0 : i32
      %dma_start3A_218 = tpu.memref_slice %arg8[%add3A_196, %dma_start3A_217] : memref<16x128xi32, #tpu.memory_space<vmem>> -> memref<1x128xi32, #tpu.memory_space<vmem>>
      %dma_start3A_219 = tpu.memref_squeeze %dma_start3A_218 : memref<1x128xi32, #tpu.memory_space<vmem>> -> memref<128xi32, #tpu.memory_space<vmem>>
      %dma_start3A_220 = arith.constant 0 : i32
      %dma_start3A_221 = arith.constant 0 : i32
      %dma_start3A_222 = tpu.memref_slice %arg16[%dma_start3A_220, %dma_start3A_221] : memref<10240x128xf32, #tpu.memory_space<vmem_shared>> -> memref<10240x128xf32, #tpu.memory_space<vmem_shared>>
      tpu.enqueue_indirect_dma source(%arg10 : memref<128x128xf32, #tpu.memory_space<vmem>>) target(%dma_start3A_222 : memref<10240x128xf32, #tpu.memory_space<vmem_shared>>) offsets(%dma_start3A_219 : memref<128xi32, #tpu.memory_space<vmem>>) semaphore(%arg15 : memref<!tpu.dma_semaphore, #tpu.memory_space<semaphore_mem>>) {add = true}
      %add3A_223 = arith.constant 6 : i32
      %add3A_224 = arith.addi %mul3A_37, %add3A_223 : i32
      %dma_wait3A_225 = arith.constant 0 : i32
      %dma_wait3A_226 = tpu.memref_slice %arg8[%add3A_196, %dma_wait3A_225] : memref<16x128xi32, #tpu.memory_space<vmem>> -> memref<1x128xi32, #tpu.memory_space<vmem>>
      %dma_wait3A_227 = tpu.memref_squeeze %dma_wait3A_226 : memref<1x128xi32, #tpu.memory_space<vmem>> -> memref<128xi32, #tpu.memory_space<vmem>>
      %dma_wait3A_228 = arith.constant 0 : i32
      %dma_wait3A_229 = arith.constant 0 : i32
      %dma_wait3A_230 = tpu.memref_slice %arg16[%dma_wait3A_228, %dma_wait3A_229] : memref<10240x128xf32, #tpu.memory_space<vmem_shared>> -> memref<10240x128xf32, #tpu.memory_space<vmem_shared>>
      tpu.wait_indirect_dma semaphore(%arg15 : memref<!tpu.dma_semaphore, #tpu.memory_space<semaphore_mem>>) src(%arg10 : memref<128x128xf32, #tpu.memory_space<vmem>>) dst(%dma_wait3A_230 : memref<10240x128xf32, #tpu.memory_space<vmem_shared>>)
      %add3A_231 = arith.constant 1 : i32
      %add3A_232 = arith.addi %add3A_224, %add3A_231 : i32
      %dma_start3A_233 = arith.constant 0 : i32
      %dma_start3A_234 = tpu.memref_slice %arg7[%add3A_232, %dma_start3A_233] : memref<16x128xi32, #tpu.memory_space<vmem>> -> memref<1x128xi32, #tpu.memory_space<vmem>>
      %dma_start3A_235 = tpu.memref_squeeze %dma_start3A_234 : memref<1x128xi32, #tpu.memory_space<vmem>> -> memref<128xi32, #tpu.memory_space<vmem>>
      %dma_start3A_236 = arith.constant 0 : i32
      %dma_start3A_237 = arith.constant 0 : i32
      %dma_start3A_238 = tpu.memref_slice %arg2[%dma_start3A_236, %dma_start3A_237] : memref<10240x128xf32, #tpu.memory_space<hbm>> -> memref<10240x128xf32, #tpu.memory_space<hbm>>
      tpu.enqueue_indirect_dma source(%dma_start3A_238 : memref<10240x128xf32, #tpu.memory_space<hbm>>) target(%arg10 : memref<128x128xf32, #tpu.memory_space<vmem>>) offsets(%dma_start3A_235 : memref<128xi32, #tpu.memory_space<vmem>>) semaphore(%arg13 : memref<!tpu.dma_semaphore, #tpu.memory_space<semaphore_mem>>)
      %dma_wait3A_239 = arith.constant 0 : i32
      %dma_wait3A_240 = arith.constant 0 : i32
      %dma_wait3A_241 = tpu.memref_slice %arg5[%dma_wait3A_239, %dma_wait3A_240] : memref<10240x128xf32, #tpu.memory_space<hbm>> -> memref<128x128xf32, #tpu.memory_space<hbm>>
      %dma_wait3A_242 = arith.constant 0 : i32
      %dma_wait3A_243 = arith.constant 0 : i32
      %dma_wait3A_244 = tpu.memref_slice %arg5[%dma_wait3A_242, %dma_wait3A_243] : memref<10240x128xf32, #tpu.memory_space<hbm>> -> memref<128x128xf32, #tpu.memory_space<hbm>>
      tpu.wait_dma2 semaphore(%arg12 : memref<!tpu.dma_semaphore, #tpu.memory_space<semaphore_mem>>) src(%dma_wait3A_244 : memref<128x128xf32, #tpu.memory_space<hbm>>) dst(%arg9 : memref<128x128xf32, #tpu.memory_space<vmem>>)
      %dma_start3A_245 = arith.constant 0 : i32
      %dma_start3A_246 = tpu.memref_slice %arg8[%add3A_224, %dma_start3A_245] : memref<16x128xi32, #tpu.memory_space<vmem>> -> memref<1x128xi32, #tpu.memory_space<vmem>>
      %dma_start3A_247 = tpu.memref_squeeze %dma_start3A_246 : memref<1x128xi32, #tpu.memory_space<vmem>> -> memref<128xi32, #tpu.memory_space<vmem>>
      %dma_start3A_248 = arith.constant 0 : i32
      %dma_start3A_249 = arith.constant 0 : i32
      %dma_start3A_250 = tpu.memref_slice %arg16[%dma_start3A_248, %dma_start3A_249] : memref<10240x128xf32, #tpu.memory_space<vmem_shared>> -> memref<10240x128xf32, #tpu.memory_space<vmem_shared>>
      tpu.enqueue_indirect_dma source(%arg9 : memref<128x128xf32, #tpu.memory_space<vmem>>) target(%dma_start3A_250 : memref<10240x128xf32, #tpu.memory_space<vmem_shared>>) offsets(%dma_start3A_247 : memref<128xi32, #tpu.memory_space<vmem>>) semaphore(%arg14 : memref<!tpu.dma_semaphore, #tpu.memory_space<semaphore_mem>>) {add = true}
      %add3A_251 = arith.constant 7 : i32
      %add3A_252 = arith.addi %mul3A_37, %add3A_251 : i32
      %dma_wait3A_253 = arith.constant 0 : i32
      %dma_wait3A_254 = tpu.memref_slice %arg8[%add3A_224, %dma_wait3A_253] : memref<16x128xi32, #tpu.memory_space<vmem>> -> memref<1x128xi32, #tpu.memory_space<vmem>>
      %dma_wait3A_255 = tpu.memref_squeeze %dma_wait3A_254 : memref<1x128xi32, #tpu.memory_space<vmem>> -> memref<128xi32, #tpu.memory_space<vmem>>
      %dma_wait3A_256 = arith.constant 0 : i32
      %dma_wait3A_257 = arith.constant 0 : i32
      %dma_wait3A_258 = tpu.memref_slice %arg16[%dma_wait3A_256, %dma_wait3A_257] : memref<10240x128xf32, #tpu.memory_space<vmem_shared>> -> memref<10240x128xf32, #tpu.memory_space<vmem_shared>>
      tpu.wait_indirect_dma semaphore(%arg14 : memref<!tpu.dma_semaphore, #tpu.memory_space<semaphore_mem>>) src(%arg9 : memref<128x128xf32, #tpu.memory_space<vmem>>) dst(%dma_wait3A_258 : memref<10240x128xf32, #tpu.memory_space<vmem_shared>>)
      %convert_element_type3A_259 = arith.extui %lt3A_60 : i1 to i32
      %cond3A_260 = arith.constant 0 : i32
      %cond3A_261 = arith.cmpi ne, %convert_element_type3A_259, %cond3A_260 : i32
      scf.if %cond3A_261 {
        %dma_wait3A_268 = arith.constant 0 : i32
        %dma_wait3A_269 = arith.constant 0 : i32
        %dma_wait3A_270 = tpu.memref_slice %arg7[%dma_wait3A_268, %dma_wait3A_269] : memref<16x128xi32, #tpu.memory_space<vmem>> -> memref<8x128xi32, #tpu.memory_space<vmem>>
        %dma_wait3A_271 = arith.constant 0 : i32
        %dma_wait3A_272 = arith.constant 0 : i32
        %dma_wait3A_273 = tpu.memref_slice %arg3[%dma_wait3A_271, %dma_wait3A_272] : memref<5000x128xi32, #tpu.memory_space<hbm>> -> memref<8x128xi32, #tpu.memory_space<hbm>>
        %dma_wait3A_274 = arith.constant 0 : i32
        %dma_wait3A_275 = arith.constant 0 : i32
        %dma_wait3A_276 = tpu.memref_slice %arg7[%dma_wait3A_274, %dma_wait3A_275] : memref<16x128xi32, #tpu.memory_space<vmem>> -> memref<8x128xi32, #tpu.memory_space<vmem>>
        %dma_wait3A_277 = arith.constant 0 : i32
        %dma_wait3A_278 = arith.constant 0 : i32
        %dma_wait3A_279 = tpu.memref_slice %arg3[%dma_wait3A_277, %dma_wait3A_278] : memref<5000x128xi32, #tpu.memory_space<hbm>> -> memref<8x128xi32, #tpu.memory_space<hbm>>
        tpu.wait_dma2 semaphore(%arg11 : memref<!tpu.dma_semaphore, #tpu.memory_space<semaphore_mem>>) src(%dma_wait3A_279 : memref<8x128xi32, #tpu.memory_space<hbm>>) dst(%dma_wait3A_276 : memref<8x128xi32, #tpu.memory_space<vmem>>)
        %dma_wait3A_280 = arith.constant 0 : i32
        %dma_wait3A_281 = arith.constant 0 : i32
        %dma_wait3A_282 = tpu.memref_slice %arg8[%dma_wait3A_280, %dma_wait3A_281] : memref<16x128xi32, #tpu.memory_space<vmem>> -> memref<8x128xi32, #tpu.memory_space<vmem>>
        %dma_wait3A_283 = arith.constant 0 : i32
        %dma_wait3A_284 = arith.constant 0 : i32
        %dma_wait3A_285 = tpu.memref_slice %arg4[%dma_wait3A_283, %dma_wait3A_284] : memref<5000x128xi32, #tpu.memory_space<hbm>> -> memref<8x128xi32, #tpu.memory_space<hbm>>
        %dma_wait3A_286 = arith.constant 0 : i32
        %dma_wait3A_287 = arith.constant 0 : i32
        %dma_wait3A_288 = tpu.memref_slice %arg8[%dma_wait3A_286, %dma_wait3A_287] : memref<16x128xi32, #tpu.memory_space<vmem>> -> memref<8x128xi32, #tpu.memory_space<vmem>>
        %dma_wait3A_289 = arith.constant 0 : i32
        %dma_wait3A_290 = arith.constant 0 : i32
        %dma_wait3A_291 = tpu.memref_slice %arg4[%dma_wait3A_289, %dma_wait3A_290] : memref<5000x128xi32, #tpu.memory_space<hbm>> -> memref<8x128xi32, #tpu.memory_space<hbm>>
        tpu.wait_dma2 semaphore(%arg11 : memref<!tpu.dma_semaphore, #tpu.memory_space<semaphore_mem>>) src(%dma_wait3A_291 : memref<8x128xi32, #tpu.memory_space<hbm>>) dst(%dma_wait3A_288 : memref<8x128xi32, #tpu.memory_space<vmem>>)
        %dma_start3A_292 = arith.constant 0 : i32
        %dma_start3A_293 = tpu.memref_slice %arg7[%mul3A_57, %dma_start3A_292] : memref<16x128xi32, #tpu.memory_space<vmem>> -> memref<1x128xi32, #tpu.memory_space<vmem>>
        %dma_start3A_294 = tpu.memref_squeeze %dma_start3A_293 : memref<1x128xi32, #tpu.memory_space<vmem>> -> memref<128xi32, #tpu.memory_space<vmem>>
        %dma_start3A_295 = arith.constant 0 : i32
        %dma_start3A_296 = arith.constant 0 : i32
        %dma_start3A_297 = tpu.memref_slice %arg2[%dma_start3A_295, %dma_start3A_296] : memref<10240x128xf32, #tpu.memory_space<hbm>> -> memref<10240x128xf32, #tpu.memory_space<hbm>>
        tpu.enqueue_indirect_dma source(%dma_start3A_297 : memref<10240x128xf32, #tpu.memory_space<hbm>>) target(%arg9 : memref<128x128xf32, #tpu.memory_space<vmem>>) offsets(%dma_start3A_294 : memref<128xi32, #tpu.memory_space<vmem>>) semaphore(%arg12 : memref<!tpu.dma_semaphore, #tpu.memory_space<semaphore_mem>>)
      } else {
      }
      %dma_wait3A_262 = arith.constant 0 : i32
      %dma_wait3A_263 = arith.constant 0 : i32
      %dma_wait3A_264 = tpu.memref_slice %arg5[%dma_wait3A_262, %dma_wait3A_263] : memref<10240x128xf32, #tpu.memory_space<hbm>> -> memref<128x128xf32, #tpu.memory_space<hbm>>
      %dma_wait3A_265 = arith.constant 0 : i32
      %dma_wait3A_266 = arith.constant 0 : i32
      %dma_wait3A_267 = tpu.memref_slice %arg5[%dma_wait3A_265, %dma_wait3A_266] : memref<10240x128xf32, #tpu.memory_space<hbm>> -> memref<128x128xf32, #tpu.memory_space<hbm>>
      tpu.wait_dma2 semaphore(%arg13 : memref<!tpu.dma_semaphore, #tpu.memory_space<semaphore_mem>>) src(%dma_wait3A_267 : memref<128x128xf32, #tpu.memory_space<hbm>>) dst(%arg10 : memref<128x128xf32, #tpu.memory_space<vmem>>)
      "tpu.region"() ({
        %run_scoped3A = tpu.sem_alloc : memref<!tpu.dma_semaphore, #tpu.memory_space<semaphore_mem>>
        %dma_start3A_268 = arith.constant 0 : i32
        %dma_start3A_269 = tpu.memref_slice %arg8[%add3A_252, %dma_start3A_268] : memref<16x128xi32, #tpu.memory_space<vmem>> -> memref<1x128xi32, #tpu.memory_space<vmem>>
        %dma_start3A_270 = tpu.memref_squeeze %dma_start3A_269 : memref<1x128xi32, #tpu.memory_space<vmem>> -> memref<128xi32, #tpu.memory_space<vmem>>
        %dma_start3A_271 = arith.constant 0 : i32
        %dma_start3A_272 = arith.constant 0 : i32
        %dma_start3A_273 = tpu.memref_slice %arg16[%dma_start3A_271, %dma_start3A_272] : memref<10240x128xf32, #tpu.memory_space<vmem_shared>> -> memref<10240x128xf32, #tpu.memory_space<vmem_shared>>
        tpu.enqueue_indirect_dma source(%arg10 : memref<128x128xf32, #tpu.memory_space<vmem>>) target(%dma_start3A_273 : memref<10240x128xf32, #tpu.memory_space<vmem_shared>>) offsets(%dma_start3A_270 : memref<128xi32, #tpu.memory_space<vmem>>) semaphore(%run_scoped3A : memref<!tpu.dma_semaphore, #tpu.memory_space<semaphore_mem>>) {add = true}
        %dma_wait3A_274 = arith.constant 0 : i32
        %dma_wait3A_275 = tpu.memref_slice %arg8[%add3A_252, %dma_wait3A_274] : memref<16x128xi32, #tpu.memory_space<vmem>> -> memref<1x128xi32, #tpu.memory_space<vmem>>
        %dma_wait3A_276 = tpu.memref_squeeze %dma_wait3A_275 : memref<1x128xi32, #tpu.memory_space<vmem>> -> memref<128xi32, #tpu.memory_space<vmem>>
        %dma_wait3A_277 = arith.constant 0 : i32
        %dma_wait3A_278 = arith.constant 0 : i32
        %dma_wait3A_279 = tpu.memref_slice %arg16[%dma_wait3A_277, %dma_wait3A_278] : memref<10240x128xf32, #tpu.memory_space<vmem_shared>> -> memref<10240x128xf32, #tpu.memory_space<vmem_shared>>
        tpu.wait_indirect_dma semaphore(%run_scoped3A : memref<!tpu.dma_semaphore, #tpu.memory_space<semaphore_mem>>) src(%arg10 : memref<128x128xf32, #tpu.memory_space<vmem>>) dst(%dma_wait3A_279 : memref<10240x128xf32, #tpu.memory_space<vmem_shared>>)
        tpu.yield
      }) : () -> ()
    }
    %while3A_21 = arith.constant 1 : i32
    scf.for %while3A_23 = %while3A_19 to %while3A_15 step %while3A_21  : i32 {
      %jit3A_24 = arith.constant 2 : i32
      %eq3A = arith.constant 0 : i32
      %eq3A_25 = arith.cmpi eq, %jit3A_24, %eq3A : i32
      %jit3A_26 = arith.constant 1 : i32
      %select_n3A_27 = arith.select %eq3A_25, %jit3A_26, %jit3A_24 : i32
      %rem3A = arith.remsi %while3A_23, %select_n3A_27 : i32
      %ne3A = arith.constant 0 : i32
      %ne3A_28 = arith.cmpi ne, %rem3A, %ne3A : i32
      %lt3A_29 = arith.constant 0 : i32
      %lt3A_30 = arith.cmpi slt, %rem3A, %lt3A_29 : i32
      %lt3A_31 = arith.constant 0 : i32
      %lt3A_32 = arith.cmpi slt, %select_n3A_27, %lt3A_31 : i32
      %ne3A_33 = arith.xori %lt3A_30, %lt3A_32 : i1
      %and3A = arith.andi %ne3A_33, %ne3A_28 : i1
      %add3A_34 = arith.addi %rem3A, %select_n3A_27 : i32
      %select_n3A_35 = arith.select %and3A, %add3A_34, %rem3A : i32
      %mul3A_36 = arith.constant 8 : i32
      %mul3A_37 = arith.muli %select_n3A_35, %mul3A_36 : i32
      %add3A_38 = arith.constant 1 : i32
      %add3A_39 = arith.addi %while3A_23, %add3A_38 : i32
      %jit3A_40 = arith.constant 2 : i32
      %eq3A_41 = arith.constant 0 : i32
      %eq3A_42 = arith.cmpi eq, %jit3A_40, %eq3A_41 : i32
      %jit3A_43 = arith.constant 1 : i32
      %select_n3A_44 = arith.select %eq3A_42, %jit3A_43, %jit3A_40 : i32
      %rem3A_45 = arith.remsi %add3A_39, %select_n3A_44 : i32
      %ne3A_46 = arith.constant 0 : i32
      %ne3A_47 = arith.cmpi ne, %rem3A_45, %ne3A_46 : i32
      %lt3A_48 = arith.constant 0 : i32
      %lt3A_49 = arith.cmpi slt, %rem3A_45, %lt3A_48 : i32
      %lt3A_50 = arith.constant 0 : i32
      %lt3A_51 = arith.cmpi slt, %select_n3A_44, %lt3A_50 : i32
      %ne3A_52 = arith.xori %lt3A_49, %lt3A_51 : i1
      %and3A_53 = arith.andi %ne3A_52, %ne3A_47 : i1
      %add3A_54 = arith.addi %rem3A_45, %select_n3A_44 : i32
      %select_n3A_55 = arith.select %and3A_53, %add3A_54, %rem3A_45 : i32
      %mul3A_56 = arith.constant 8 : i32
      %mul3A_57 = arith.muli %select_n3A_55, %mul3A_56 : i32
      %add3A_58 = arith.constant 1 : i32
      %add3A_59 = arith.addi %while3A_23, %add3A_58 : i32
      %lt3A_60 = arith.cmpi slt, %add3A_59, %select_n3A : i32
      %convert_element_type3A = arith.extui %lt3A_60 : i1 to i32
      %cond3A = arith.constant 0 : i32
      %cond3A_61 = arith.cmpi ne, %convert_element_type3A, %cond3A : i32
      scf.if %cond3A_61 {
        %add3A_268 = arith.constant 1 : i32
        %add3A_269 = arith.addi %while3A_23, %add3A_268 : i32
        %mul3A_270 = arith.constant 32 : i32
        %mul3A_271 = arith.muli %add3A_269, %mul3A_270 : i32
        %add3A_272 = arith.addi %add3A, %mul3A_271 : i32
        %mul3A_273 = arith.constant 8 : i32
        %mul3A_274 = arith.muli %add3A_272, %mul3A_273 : i32
        %dma_start3A_275 = arith.constant 0 : i32
        %dma_start3A_276 = tpu.memref_slice %arg7[%mul3A_57, %dma_start3A_275] : memref<16x128xi32, #tpu.memory_space<vmem>> -> memref<8x128xi32, #tpu.memory_space<vmem>>
        %dma_start3A_277 = arith.constant 0 : i32
        %dma_start3A_278 = tpu.memref_slice %arg3[%mul3A_274, %dma_start3A_277] : memref<5000x128xi32, #tpu.memory_space<hbm>> -> memref<8x128xi32, #tpu.memory_space<hbm>>
        %dma_start3A_279 = arith.constant 0 : i32
        %dma_start3A_280 = tpu.memref_slice %arg7[%mul3A_57, %dma_start3A_279] : memref<16x128xi32, #tpu.memory_space<vmem>> -> memref<8x128xi32, #tpu.memory_space<vmem>>
        %dma_start3A_281 = arith.constant 0 : i32
        %dma_start3A_282 = tpu.memref_slice %arg3[%mul3A_274, %dma_start3A_281] : memref<5000x128xi32, #tpu.memory_space<hbm>> -> memref<8x128xi32, #tpu.memory_space<hbm>>
        tpu.enqueue_dma source(%dma_start3A_282 : memref<8x128xi32, #tpu.memory_space<hbm>>) target(%dma_start3A_280 : memref<8x128xi32, #tpu.memory_space<vmem>>) target_semaphore(%arg11 : memref<!tpu.dma_semaphore, #tpu.memory_space<semaphore_mem>>)
        %dma_start3A_283 = arith.constant 0 : i32
        %dma_start3A_284 = tpu.memref_slice %arg8[%mul3A_57, %dma_start3A_283] : memref<16x128xi32, #tpu.memory_space<vmem>> -> memref<8x128xi32, #tpu.memory_space<vmem>>
        %dma_start3A_285 = arith.constant 0 : i32
        %dma_start3A_286 = tpu.memref_slice %arg4[%mul3A_274, %dma_start3A_285] : memref<5000x128xi32, #tpu.memory_space<hbm>> -> memref<8x128xi32, #tpu.memory_space<hbm>>
        %dma_start3A_287 = arith.constant 0 : i32
        %dma_start3A_288 = tpu.memref_slice %arg8[%mul3A_57, %dma_start3A_287] : memref<16x128xi32, #tpu.memory_space<vmem>> -> memref<8x128xi32, #tpu.memory_space<vmem>>
        %dma_start3A_289 = arith.constant 0 : i32
        %dma_start3A_290 = tpu.memref_slice %arg4[%mul3A_274, %dma_start3A_289] : memref<5000x128xi32, #tpu.memory_space<hbm>> -> memref<8x128xi32, #tpu.memory_space<hbm>>
        tpu.enqueue_dma source(%dma_start3A_290 : memref<8x128xi32, #tpu.memory_space<hbm>>) target(%dma_start3A_288 : memref<8x128xi32, #tpu.memory_space<vmem>>) target_semaphore(%arg11 : memref<!tpu.dma_semaphore, #tpu.memory_space<semaphore_mem>>)
      } else {
      }
      %add3A_62 = arith.constant 0 : i32
      %add3A_63 = arith.addi %mul3A_37, %add3A_62 : i32
      %add3A_64 = arith.constant 1 : i32
      %add3A_65 = arith.addi %add3A_63, %add3A_64 : i32
      %dma_start3A_66 = arith.constant 0 : i32
      %dma_start3A_67 = tpu.memref_slice %arg7[%add3A_65, %dma_start3A_66] : memref<16x128xi32, #tpu.memory_space<vmem>> -> memref<1x128xi32, #tpu.memory_space<vmem>>
      %dma_start3A_68 = tpu.memref_squeeze %dma_start3A_67 : memref<1x128xi32, #tpu.memory_space<vmem>> -> memref<128xi32, #tpu.memory_space<vmem>>
      %dma_start3A_69 = arith.constant 0 : i32
      %dma_start3A_70 = arith.constant 0 : i32
      %dma_start3A_71 = tpu.memref_slice %arg2[%dma_start3A_69, %dma_start3A_70] : memref<10240x128xf32, #tpu.memory_space<hbm>> -> memref<10240x128xf32, #tpu.memory_space<hbm>>
      tpu.enqueue_indirect_dma source(%dma_start3A_71 : memref<10240x128xf32, #tpu.memory_space<hbm>>) target(%arg10 : memref<128x128xf32, #tpu.memory_space<vmem>>) offsets(%dma_start3A_68 : memref<128xi32, #tpu.memory_space<vmem>>) semaphore(%arg13 : memref<!tpu.dma_semaphore, #tpu.memory_space<semaphore_mem>>)
      %dma_wait3A = arith.constant 0 : i32
      %dma_wait3A_72 = arith.constant 0 : i32
      %dma_wait3A_73 = tpu.memref_slice %arg5[%dma_wait3A, %dma_wait3A_72] : memref<10240x128xf32, #tpu.memory_space<hbm>> -> memref<128x128xf32, #tpu.memory_space<hbm>>
      %dma_wait3A_74 = arith.constant 0 : i32
      %dma_wait3A_75 = arith.constant 0 : i32
      %dma_wait3A_76 = tpu.memref_slice %arg5[%dma_wait3A_74, %dma_wait3A_75] : memref<10240x128xf32, #tpu.memory_space<hbm>> -> memref<128x128xf32, #tpu.memory_space<hbm>>
      tpu.wait_dma2 semaphore(%arg12 : memref<!tpu.dma_semaphore, #tpu.memory_space<semaphore_mem>>) src(%dma_wait3A_76 : memref<128x128xf32, #tpu.memory_space<hbm>>) dst(%arg9 : memref<128x128xf32, #tpu.memory_space<vmem>>)
      %dma_start3A_77 = arith.constant 0 : i32
      %dma_start3A_78 = tpu.memref_slice %arg8[%add3A_63, %dma_start3A_77] : memref<16x128xi32, #tpu.memory_space<vmem>> -> memref<1x128xi32, #tpu.memory_space<vmem>>
      %dma_start3A_79 = tpu.memref_squeeze %dma_start3A_78 : memref<1x128xi32, #tpu.memory_space<vmem>> -> memref<128xi32, #tpu.memory_space<vmem>>
      %dma_start3A_80 = arith.constant 0 : i32
      %dma_start3A_81 = arith.constant 0 : i32
      %dma_start3A_82 = tpu.memref_slice %arg16[%dma_start3A_80, %dma_start3A_81] : memref<10240x128xf32, #tpu.memory_space<vmem_shared>> -> memref<10240x128xf32, #tpu.memory_space<vmem_shared>>
      tpu.enqueue_indirect_dma source(%arg9 : memref<128x128xf32, #tpu.memory_space<vmem>>) target(%dma_start3A_82 : memref<10240x128xf32, #tpu.memory_space<vmem_shared>>) offsets(%dma_start3A_79 : memref<128xi32, #tpu.memory_space<vmem>>) semaphore(%arg14 : memref<!tpu.dma_semaphore, #tpu.memory_space<semaphore_mem>>) {add = true}
      %add3A_83 = arith.constant 1 : i32
      %add3A_84 = arith.addi %mul3A_37, %add3A_83 : i32
      %dma_wait3A_85 = arith.constant 0 : i32
      %dma_wait3A_86 = tpu.memref_slice %arg8[%add3A_63, %dma_wait3A_85] : memref<16x128xi32, #tpu.memory_space<vmem>> -> memref<1x128xi32, #tpu.memory_space<vmem>>
      %dma_wait3A_87 = tpu.memref_squeeze %dma_wait3A_86 : memref<1x128xi32, #tpu.memory_space<vmem>> -> memref<128xi32, #tpu.memory_space<vmem>>
      %dma_wait3A_88 = arith.constant 0 : i32
      %dma_wait3A_89 = arith.constant 0 : i32
      %dma_wait3A_90 = tpu.memref_slice %arg16[%dma_wait3A_88, %dma_wait3A_89] : memref<10240x128xf32, #tpu.memory_space<vmem_shared>> -> memref<10240x128xf32, #tpu.memory_space<vmem_shared>>
      tpu.wait_indirect_dma semaphore(%arg14 : memref<!tpu.dma_semaphore, #tpu.memory_space<semaphore_mem>>) src(%arg9 : memref<128x128xf32, #tpu.memory_space<vmem>>) dst(%dma_wait3A_90 : memref<10240x128xf32, #tpu.memory_space<vmem_shared>>)
      %add3A_91 = arith.constant 1 : i32
      %add3A_92 = arith.addi %add3A_84, %add3A_91 : i32
      %dma_start3A_93 = arith.constant 0 : i32
      %dma_start3A_94 = tpu.memref_slice %arg7[%add3A_92, %dma_start3A_93] : memref<16x128xi32, #tpu.memory_space<vmem>> -> memref<1x128xi32, #tpu.memory_space<vmem>>
      %dma_start3A_95 = tpu.memref_squeeze %dma_start3A_94 : memref<1x128xi32, #tpu.memory_space<vmem>> -> memref<128xi32, #tpu.memory_space<vmem>>
      %dma_start3A_96 = arith.constant 0 : i32
      %dma_start3A_97 = arith.constant 0 : i32
      %dma_start3A_98 = tpu.memref_slice %arg2[%dma_start3A_96, %dma_start3A_97] : memref<10240x128xf32, #tpu.memory_space<hbm>> -> memref<10240x128xf32, #tpu.memory_space<hbm>>
      tpu.enqueue_indirect_dma source(%dma_start3A_98 : memref<10240x128xf32, #tpu.memory_space<hbm>>) target(%arg9 : memref<128x128xf32, #tpu.memory_space<vmem>>) offsets(%dma_start3A_95 : memref<128xi32, #tpu.memory_space<vmem>>) semaphore(%arg12 : memref<!tpu.dma_semaphore, #tpu.memory_space<semaphore_mem>>)
      %dma_wait3A_99 = arith.constant 0 : i32
      %dma_wait3A_100 = arith.constant 0 : i32
      %dma_wait3A_101 = tpu.memref_slice %arg5[%dma_wait3A_99, %dma_wait3A_100] : memref<10240x128xf32, #tpu.memory_space<hbm>> -> memref<128x128xf32, #tpu.memory_space<hbm>>
      %dma_wait3A_102 = arith.constant 0 : i32
      %dma_wait3A_103 = arith.constant 0 : i32
      %dma_wait3A_104 = tpu.memref_slice %arg5[%dma_wait3A_102, %dma_wait3A_103] : memref<10240x128xf32, #tpu.memory_space<hbm>> -> memref<128x128xf32, #tpu.memory_space<hbm>>
      tpu.wait_dma2 semaphore(%arg13 : memref<!tpu.dma_semaphore, #tpu.memory_space<semaphore_mem>>) src(%dma_wait3A_104 : memref<128x128xf32, #tpu.memory_space<hbm>>) dst(%arg10 : memref<128x128xf32, #tpu.memory_space<vmem>>)
      %dma_start3A_105 = arith.constant 0 : i32
      %dma_start3A_106 = tpu.memref_slice %arg8[%add3A_84, %dma_start3A_105] : memref<16x128xi32, #tpu.memory_space<vmem>> -> memref<1x128xi32, #tpu.memory_space<vmem>>
      %dma_start3A_107 = tpu.memref_squeeze %dma_start3A_106 : memref<1x128xi32, #tpu.memory_space<vmem>> -> memref<128xi32, #tpu.memory_space<vmem>>
      %dma_start3A_108 = arith.constant 0 : i32
      %dma_start3A_109 = arith.constant 0 : i32
      %dma_start3A_110 = tpu.memref_slice %arg16[%dma_start3A_108, %dma_start3A_109] : memref<10240x128xf32, #tpu.memory_space<vmem_shared>> -> memref<10240x128xf32, #tpu.memory_space<vmem_shared>>
      tpu.enqueue_indirect_dma source(%arg10 : memref<128x128xf32, #tpu.memory_space<vmem>>) target(%dma_start3A_110 : memref<10240x128xf32, #tpu.memory_space<vmem_shared>>) offsets(%dma_start3A_107 : memref<128xi32, #tpu.memory_space<vmem>>) semaphore(%arg15 : memref<!tpu.dma_semaphore, #tpu.memory_space<semaphore_mem>>) {add = true}
      %add3A_111 = arith.constant 2 : i32
      %add3A_112 = arith.addi %mul3A_37, %add3A_111 : i32
      %dma_wait3A_113 = arith.constant 0 : i32
      %dma_wait3A_114 = tpu.memref_slice %arg8[%add3A_84, %dma_wait3A_113] : memref<16x128xi32, #tpu.memory_space<vmem>> -> memref<1x128xi32, #tpu.memory_space<vmem>>
      %dma_wait3A_115 = tpu.memref_squeeze %dma_wait3A_114 : memref<1x128xi32, #tpu.memory_space<vmem>> -> memref<128xi32, #tpu.memory_space<vmem>>
      %dma_wait3A_116 = arith.constant 0 : i32
      %dma_wait3A_117 = arith.constant 0 : i32
      %dma_wait3A_118 = tpu.memref_slice %arg16[%dma_wait3A_116, %dma_wait3A_117] : memref<10240x128xf32, #tpu.memory_space<vmem_shared>> -> memref<10240x128xf32, #tpu.memory_space<vmem_shared>>
      tpu.wait_indirect_dma semaphore(%arg15 : memref<!tpu.dma_semaphore, #tpu.memory_space<semaphore_mem>>) src(%arg10 : memref<128x128xf32, #tpu.memory_space<vmem>>) dst(%dma_wait3A_118 : memref<10240x128xf32, #tpu.memory_space<vmem_shared>>)
      %add3A_119 = arith.constant 1 : i32
      %add3A_120 = arith.addi %add3A_112, %add3A_119 : i32
      %dma_start3A_121 = arith.constant 0 : i32
      %dma_start3A_122 = tpu.memref_slice %arg7[%add3A_120, %dma_start3A_121] : memref<16x128xi32, #tpu.memory_space<vmem>> -> memref<1x128xi32, #tpu.memory_space<vmem>>
      %dma_start3A_123 = tpu.memref_squeeze %dma_start3A_122 : memref<1x128xi32, #tpu.memory_space<vmem>> -> memref<128xi32, #tpu.memory_space<vmem>>
      %dma_start3A_124 = arith.constant 0 : i32
      %dma_start3A_125 = arith.constant 0 : i32
      %dma_start3A_126 = tpu.memref_slice %arg2[%dma_start3A_124, %dma_start3A_125] : memref<10240x128xf32, #tpu.memory_space<hbm>> -> memref<10240x128xf32, #tpu.memory_space<hbm>>
      tpu.enqueue_indirect_dma source(%dma_start3A_126 : memref<10240x128xf32, #tpu.memory_space<hbm>>) target(%arg10 : memref<128x128xf32, #tpu.memory_space<vmem>>) offsets(%dma_start3A_123 : memref<128xi32, #tpu.memory_space<vmem>>) semaphore(%arg13 : memref<!tpu.dma_semaphore, #tpu.memory_space<semaphore_mem>>)
      %dma_wait3A_127 = arith.constant 0 : i32
      %dma_wait3A_128 = arith.constant 0 : i32
      %dma_wait3A_129 = tpu.memref_slice %arg5[%dma_wait3A_127, %dma_wait3A_128] : memref<10240x128xf32, #tpu.memory_space<hbm>> -> memref<128x128xf32, #tpu.memory_space<hbm>>
      %dma_wait3A_130 = arith.constant 0 : i32
      %dma_wait3A_131 = arith.constant 0 : i32
      %dma_wait3A_132 = tpu.memref_slice %arg5[%dma_wait3A_130, %dma_wait3A_131] : memref<10240x128xf32, #tpu.memory_space<hbm>> -> memref<128x128xf32, #tpu.memory_space<hbm>>
      tpu.wait_dma2 semaphore(%arg12 : memref<!tpu.dma_semaphore, #tpu.memory_space<semaphore_mem>>) src(%dma_wait3A_132 : memref<128x128xf32, #tpu.memory_space<hbm>>) dst(%arg9 : memref<128x128xf32, #tpu.memory_space<vmem>>)
      %dma_start3A_133 = arith.constant 0 : i32
      %dma_start3A_134 = tpu.memref_slice %arg8[%add3A_112, %dma_start3A_133] : memref<16x128xi32, #tpu.memory_space<vmem>> -> memref<1x128xi32, #tpu.memory_space<vmem>>
      %dma_start3A_135 = tpu.memref_squeeze %dma_start3A_134 : memref<1x128xi32, #tpu.memory_space<vmem>> -> memref<128xi32, #tpu.memory_space<vmem>>
      %dma_start3A_136 = arith.constant 0 : i32
      %dma_start3A_137 = arith.constant 0 : i32
      %dma_start3A_138 = tpu.memref_slice %arg16[%dma_start3A_136, %dma_start3A_137] : memref<10240x128xf32, #tpu.memory_space<vmem_shared>> -> memref<10240x128xf32, #tpu.memory_space<vmem_shared>>
      tpu.enqueue_indirect_dma source(%arg9 : memref<128x128xf32, #tpu.memory_space<vmem>>) target(%dma_start3A_138 : memref<10240x128xf32, #tpu.memory_space<vmem_shared>>) offsets(%dma_start3A_135 : memref<128xi32, #tpu.memory_space<vmem>>) semaphore(%arg14 : memref<!tpu.dma_semaphore, #tpu.memory_space<semaphore_mem>>) {add = true}
      %add3A_139 = arith.constant 3 : i32
      %add3A_140 = arith.addi %mul3A_37, %add3A_139 : i32
      %dma_wait3A_141 = arith.constant 0 : i32
      %dma_wait3A_142 = tpu.memref_slice %arg8[%add3A_112, %dma_wait3A_141] : memref<16x128xi32, #tpu.memory_space<vmem>> -> memref<1x128xi32, #tpu.memory_space<vmem>>
      %dma_wait3A_143 = tpu.memref_squeeze %dma_wait3A_142 : memref<1x128xi32, #tpu.memory_space<vmem>> -> memref<128xi32, #tpu.memory_space<vmem>>
      %dma_wait3A_144 = arith.constant 0 : i32
      %dma_wait3A_145 = arith.constant 0 : i32
      %dma_wait3A_146 = tpu.memref_slice %arg16[%dma_wait3A_144, %dma_wait3A_145] : memref<10240x128xf32, #tpu.memory_space<vmem_shared>> -> memref<10240x128xf32, #tpu.memory_space<vmem_shared>>
      tpu.wait_indirect_dma semaphore(%arg14 : memref<!tpu.dma_semaphore, #tpu.memory_space<semaphore_mem>>) src(%arg9 : memref<128x128xf32, #tpu.memory_space<vmem>>) dst(%dma_wait3A_146 : memref<10240x128xf32, #tpu.memory_space<vmem_shared>>)
      %add3A_147 = arith.constant 1 : i32
      %add3A_148 = arith.addi %add3A_140, %add3A_147 : i32
      %dma_start3A_149 = arith.constant 0 : i32
      %dma_start3A_150 = tpu.memref_slice %arg7[%add3A_148, %dma_start3A_149] : memref<16x128xi32, #tpu.memory_space<vmem>> -> memref<1x128xi32, #tpu.memory_space<vmem>>
      %dma_start3A_151 = tpu.memref_squeeze %dma_start3A_150 : memref<1x128xi32, #tpu.memory_space<vmem>> -> memref<128xi32, #tpu.memory_space<vmem>>
      %dma_start3A_152 = arith.constant 0 : i32
      %dma_start3A_153 = arith.constant 0 : i32
      %dma_start3A_154 = tpu.memref_slice %arg2[%dma_start3A_152, %dma_start3A_153] : memref<10240x128xf32, #tpu.memory_space<hbm>> -> memref<10240x128xf32, #tpu.memory_space<hbm>>
      tpu.enqueue_indirect_dma source(%dma_start3A_154 : memref<10240x128xf32, #tpu.memory_space<hbm>>) target(%arg9 : memref<128x128xf32, #tpu.memory_space<vmem>>) offsets(%dma_start3A_151 : memref<128xi32, #tpu.memory_space<vmem>>) semaphore(%arg12 : memref<!tpu.dma_semaphore, #tpu.memory_space<semaphore_mem>>)
      %dma_wait3A_155 = arith.constant 0 : i32
      %dma_wait3A_156 = arith.constant 0 : i32
      %dma_wait3A_157 = tpu.memref_slice %arg5[%dma_wait3A_155, %dma_wait3A_156] : memref<10240x128xf32, #tpu.memory_space<hbm>> -> memref<128x128xf32, #tpu.memory_space<hbm>>
      %dma_wait3A_158 = arith.constant 0 : i32
      %dma_wait3A_159 = arith.constant 0 : i32
      %dma_wait3A_160 = tpu.memref_slice %arg5[%dma_wait3A_158, %dma_wait3A_159] : memref<10240x128xf32, #tpu.memory_space<hbm>> -> memref<128x128xf32, #tpu.memory_space<hbm>>
      tpu.wait_dma2 semaphore(%arg13 : memref<!tpu.dma_semaphore, #tpu.memory_space<semaphore_mem>>) src(%dma_wait3A_160 : memref<128x128xf32, #tpu.memory_space<hbm>>) dst(%arg10 : memref<128x128xf32, #tpu.memory_space<vmem>>)
      %dma_start3A_161 = arith.constant 0 : i32
      %dma_start3A_162 = tpu.memref_slice %arg8[%add3A_140, %dma_start3A_161] : memref<16x128xi32, #tpu.memory_space<vmem>> -> memref<1x128xi32, #tpu.memory_space<vmem>>
      %dma_start3A_163 = tpu.memref_squeeze %dma_start3A_162 : memref<1x128xi32, #tpu.memory_space<vmem>> -> memref<128xi32, #tpu.memory_space<vmem>>
      %dma_start3A_164 = arith.constant 0 : i32
      %dma_start3A_165 = arith.constant 0 : i32
      %dma_start3A_166 = tpu.memref_slice %arg16[%dma_start3A_164, %dma_start3A_165] : memref<10240x128xf32, #tpu.memory_space<vmem_shared>> -> memref<10240x128xf32, #tpu.memory_space<vmem_shared>>
      tpu.enqueue_indirect_dma source(%arg10 : memref<128x128xf32, #tpu.memory_space<vmem>>) target(%dma_start3A_166 : memref<10240x128xf32, #tpu.memory_space<vmem_shared>>) offsets(%dma_start3A_163 : memref<128xi32, #tpu.memory_space<vmem>>) semaphore(%arg15 : memref<!tpu.dma_semaphore, #tpu.memory_space<semaphore_mem>>) {add = true}
      %add3A_167 = arith.constant 4 : i32
      %add3A_168 = arith.addi %mul3A_37, %add3A_167 : i32
      %dma_wait3A_169 = arith.constant 0 : i32
      %dma_wait3A_170 = tpu.memref_slice %arg8[%add3A_140, %dma_wait3A_169] : memref<16x128xi32, #tpu.memory_space<vmem>> -> memref<1x128xi32, #tpu.memory_space<vmem>>
      %dma_wait3A_171 = tpu.memref_squeeze %dma_wait3A_170 : memref<1x128xi32, #tpu.memory_space<vmem>> -> memref<128xi32, #tpu.memory_space<vmem>>
      %dma_wait3A_172 = arith.constant 0 : i32
      %dma_wait3A_173 = arith.constant 0 : i32
      %dma_wait3A_174 = tpu.memref_slice %arg16[%dma_wait3A_172, %dma_wait3A_173] : memref<10240x128xf32, #tpu.memory_space<vmem_shared>> -> memref<10240x128xf32, #tpu.memory_space<vmem_shared>>
      tpu.wait_indirect_dma semaphore(%arg15 : memref<!tpu.dma_semaphore, #tpu.memory_space<semaphore_mem>>) src(%arg10 : memref<128x128xf32, #tpu.memory_space<vmem>>) dst(%dma_wait3A_174 : memref<10240x128xf32, #tpu.memory_space<vmem_shared>>)
      %add3A_175 = arith.constant 1 : i32
      %add3A_176 = arith.addi %add3A_168, %add3A_175 : i32
      %dma_start3A_177 = arith.constant 0 : i32
      %dma_start3A_178 = tpu.memref_slice %arg7[%add3A_176, %dma_start3A_177] : memref<16x128xi32, #tpu.memory_space<vmem>> -> memref<1x128xi32, #tpu.memory_space<vmem>>
      %dma_start3A_179 = tpu.memref_squeeze %dma_start3A_178 : memref<1x128xi32, #tpu.memory_space<vmem>> -> memref<128xi32, #tpu.memory_space<vmem>>
      %dma_start3A_180 = arith.constant 0 : i32
      %dma_start3A_181 = arith.constant 0 : i32
      %dma_start3A_182 = tpu.memref_slice %arg2[%dma_start3A_180, %dma_start3A_181] : memref<10240x128xf32, #tpu.memory_space<hbm>> -> memref<10240x128xf32, #tpu.memory_space<hbm>>
      tpu.enqueue_indirect_dma source(%dma_start3A_182 : memref<10240x128xf32, #tpu.memory_space<hbm>>) target(%arg10 : memref<128x128xf32, #tpu.memory_space<vmem>>) offsets(%dma_start3A_179 : memref<128xi32, #tpu.memory_space<vmem>>) semaphore(%arg13 : memref<!tpu.dma_semaphore, #tpu.memory_space<semaphore_mem>>)
      %dma_wait3A_183 = arith.constant 0 : i32
      %dma_wait3A_184 = arith.constant 0 : i32
      %dma_wait3A_185 = tpu.memref_slice %arg5[%dma_wait3A_183, %dma_wait3A_184] : memref<10240x128xf32, #tpu.memory_space<hbm>> -> memref<128x128xf32, #tpu.memory_space<hbm>>
      %dma_wait3A_186 = arith.constant 0 : i32
      %dma_wait3A_187 = arith.constant 0 : i32
      %dma_wait3A_188 = tpu.memref_slice %arg5[%dma_wait3A_186, %dma_wait3A_187] : memref<10240x128xf32, #tpu.memory_space<hbm>> -> memref<128x128xf32, #tpu.memory_space<hbm>>
      tpu.wait_dma2 semaphore(%arg12 : memref<!tpu.dma_semaphore, #tpu.memory_space<semaphore_mem>>) src(%dma_wait3A_188 : memref<128x128xf32, #tpu.memory_space<hbm>>) dst(%arg9 : memref<128x128xf32, #tpu.memory_space<vmem>>)
      %dma_start3A_189 = arith.constant 0 : i32
      %dma_start3A_190 = tpu.memref_slice %arg8[%add3A_168, %dma_start3A_189] : memref<16x128xi32, #tpu.memory_space<vmem>> -> memref<1x128xi32, #tpu.memory_space<vmem>>
      %dma_start3A_191 = tpu.memref_squeeze %dma_start3A_190 : memref<1x128xi32, #tpu.memory_space<vmem>> -> memref<128xi32, #tpu.memory_space<vmem>>
      %dma_start3A_192 = arith.constant 0 : i32
      %dma_start3A_193 = arith.constant 0 : i32
      %dma_start3A_194 = tpu.memref_slice %arg16[%dma_start3A_192, %dma_start3A_193] : memref<10240x128xf32, #tpu.memory_space<vmem_shared>> -> memref<10240x128xf32, #tpu.memory_space<vmem_shared>>
      tpu.enqueue_indirect_dma source(%arg9 : memref<128x128xf32, #tpu.memory_space<vmem>>) target(%dma_start3A_194 : memref<10240x128xf32, #tpu.memory_space<vmem_shared>>) offsets(%dma_start3A_191 : memref<128xi32, #tpu.memory_space<vmem>>) semaphore(%arg14 : memref<!tpu.dma_semaphore, #tpu.memory_space<semaphore_mem>>) {add = true}
      %add3A_195 = arith.constant 5 : i32
      %add3A_196 = arith.addi %mul3A_37, %add3A_195 : i32
      %dma_wait3A_197 = arith.constant 0 : i32
      %dma_wait3A_198 = tpu.memref_slice %arg8[%add3A_168, %dma_wait3A_197] : memref<16x128xi32, #tpu.memory_space<vmem>> -> memref<1x128xi32, #tpu.memory_space<vmem>>
      %dma_wait3A_199 = tpu.memref_squeeze %dma_wait3A_198 : memref<1x128xi32, #tpu.memory_space<vmem>> -> memref<128xi32, #tpu.memory_space<vmem>>
      %dma_wait3A_200 = arith.constant 0 : i32
      %dma_wait3A_201 = arith.constant 0 : i32
      %dma_wait3A_202 = tpu.memref_slice %arg16[%dma_wait3A_200, %dma_wait3A_201] : memref<10240x128xf32, #tpu.memory_space<vmem_shared>> -> memref<10240x128xf32, #tpu.memory_space<vmem_shared>>
      tpu.wait_indirect_dma semaphore(%arg14 : memref<!tpu.dma_semaphore, #tpu.memory_space<semaphore_mem>>) src(%arg9 : memref<128x128xf32, #tpu.memory_space<vmem>>) dst(%dma_wait3A_202 : memref<10240x128xf32, #tpu.memory_space<vmem_shared>>)
      %add3A_203 = arith.constant 1 : i32
      %add3A_204 = arith.addi %add3A_196, %add3A_203 : i32
      %dma_start3A_205 = arith.constant 0 : i32
      %dma_start3A_206 = tpu.memref_slice %arg7[%add3A_204, %dma_start3A_205] : memref<16x128xi32, #tpu.memory_space<vmem>> -> memref<1x128xi32, #tpu.memory_space<vmem>>
      %dma_start3A_207 = tpu.memref_squeeze %dma_start3A_206 : memref<1x128xi32, #tpu.memory_space<vmem>> -> memref<128xi32, #tpu.memory_space<vmem>>
      %dma_start3A_208 = arith.constant 0 : i32
      %dma_start3A_209 = arith.constant 0 : i32
      %dma_start3A_210 = tpu.memref_slice %arg2[%dma_start3A_208, %dma_start3A_209] : memref<10240x128xf32, #tpu.memory_space<hbm>> -> memref<10240x128xf32, #tpu.memory_space<hbm>>
      tpu.enqueue_indirect_dma source(%dma_start3A_210 : memref<10240x128xf32, #tpu.memory_space<hbm>>) target(%arg9 : memref<128x128xf32, #tpu.memory_space<vmem>>) offsets(%dma_start3A_207 : memref<128xi32, #tpu.memory_space<vmem>>) semaphore(%arg12 : memref<!tpu.dma_semaphore, #tpu.memory_space<semaphore_mem>>)
      %dma_wait3A_211 = arith.constant 0 : i32
      %dma_wait3A_212 = arith.constant 0 : i32
      %dma_wait3A_213 = tpu.memref_slice %arg5[%dma_wait3A_211, %dma_wait3A_212] : memref<10240x128xf32, #tpu.memory_space<hbm>> -> memref<128x128xf32, #tpu.memory_space<hbm>>
      %dma_wait3A_214 = arith.constant 0 : i32
      %dma_wait3A_215 = arith.constant 0 : i32
      %dma_wait3A_216 = tpu.memref_slice %arg5[%dma_wait3A_214, %dma_wait3A_215] : memref<10240x128xf32, #tpu.memory_space<hbm>> -> memref<128x128xf32, #tpu.memory_space<hbm>>
      tpu.wait_dma2 semaphore(%arg13 : memref<!tpu.dma_semaphore, #tpu.memory_space<semaphore_mem>>) src(%dma_wait3A_216 : memref<128x128xf32, #tpu.memory_space<hbm>>) dst(%arg10 : memref<128x128xf32, #tpu.memory_space<vmem>>)
      %dma_start3A_217 = arith.constant 0 : i32
      %dma_start3A_218 = tpu.memref_slice %arg8[%add3A_196, %dma_start3A_217] : memref<16x128xi32, #tpu.memory_space<vmem>> -> memref<1x128xi32, #tpu.memory_space<vmem>>
      %dma_start3A_219 = tpu.memref_squeeze %dma_start3A_218 : memref<1x128xi32, #tpu.memory_space<vmem>> -> memref<128xi32, #tpu.memory_space<vmem>>
      %dma_start3A_220 = arith.constant 0 : i32
      %dma_start3A_221 = arith.constant 0 : i32
      %dma_start3A_222 = tpu.memref_slice %arg16[%dma_start3A_220, %dma_start3A_221] : memref<10240x128xf32, #tpu.memory_space<vmem_shared>> -> memref<10240x128xf32, #tpu.memory_space<vmem_shared>>
      tpu.enqueue_indirect_dma source(%arg10 : memref<128x128xf32, #tpu.memory_space<vmem>>) target(%dma_start3A_222 : memref<10240x128xf32, #tpu.memory_space<vmem_shared>>) offsets(%dma_start3A_219 : memref<128xi32, #tpu.memory_space<vmem>>) semaphore(%arg15 : memref<!tpu.dma_semaphore, #tpu.memory_space<semaphore_mem>>) {add = true}
      %add3A_223 = arith.constant 6 : i32
      %add3A_224 = arith.addi %mul3A_37, %add3A_223 : i32
      %dma_wait3A_225 = arith.constant 0 : i32
      %dma_wait3A_226 = tpu.memref_slice %arg8[%add3A_196, %dma_wait3A_225] : memref<16x128xi32, #tpu.memory_space<vmem>> -> memref<1x128xi32, #tpu.memory_space<vmem>>
      %dma_wait3A_227 = tpu.memref_squeeze %dma_wait3A_226 : memref<1x128xi32, #tpu.memory_space<vmem>> -> memref<128xi32, #tpu.memory_space<vmem>>
      %dma_wait3A_228 = arith.constant 0 : i32
      %dma_wait3A_229 = arith.constant 0 : i32
      %dma_wait3A_230 = tpu.memref_slice %arg16[%dma_wait3A_228, %dma_wait3A_229] : memref<10240x128xf32, #tpu.memory_space<vmem_shared>> -> memref<10240x128xf32, #tpu.memory_space<vmem_shared>>
      tpu.wait_indirect_dma semaphore(%arg15 : memref<!tpu.dma_semaphore, #tpu.memory_space<semaphore_mem>>) src(%arg10 : memref<128x128xf32, #tpu.memory_space<vmem>>) dst(%dma_wait3A_230 : memref<10240x128xf32, #tpu.memory_space<vmem_shared>>)
      %add3A_231 = arith.constant 1 : i32
      %add3A_232 = arith.addi %add3A_224, %add3A_231 : i32
      %dma_start3A_233 = arith.constant 0 : i32
      %dma_start3A_234 = tpu.memref_slice %arg7[%add3A_232, %dma_start3A_233] : memref<16x128xi32, #tpu.memory_space<vmem>> -> memref<1x128xi32, #tpu.memory_space<vmem>>
      %dma_start3A_235 = tpu.memref_squeeze %dma_start3A_234 : memref<1x128xi32, #tpu.memory_space<vmem>> -> memref<128xi32, #tpu.memory_space<vmem>>
      %dma_start3A_236 = arith.constant 0 : i32
      %dma_start3A_237 = arith.constant 0 : i32
      %dma_start3A_238 = tpu.memref_slice %arg2[%dma_start3A_236, %dma_start3A_237] : memref<10240x128xf32, #tpu.memory_space<hbm>> -> memref<10240x128xf32, #tpu.memory_space<hbm>>
      tpu.enqueue_indirect_dma source(%dma_start3A_238 : memref<10240x128xf32, #tpu.memory_space<hbm>>) target(%arg10 : memref<128x128xf32, #tpu.memory_space<vmem>>) offsets(%dma_start3A_235 : memref<128xi32, #tpu.memory_space<vmem>>) semaphore(%arg13 : memref<!tpu.dma_semaphore, #tpu.memory_space<semaphore_mem>>)
      %dma_wait3A_239 = arith.constant 0 : i32
      %dma_wait3A_240 = arith.constant 0 : i32
      %dma_wait3A_241 = tpu.memref_slice %arg5[%dma_wait3A_239, %dma_wait3A_240] : memref<10240x128xf32, #tpu.memory_space<hbm>> -> memref<128x128xf32, #tpu.memory_space<hbm>>
      %dma_wait3A_242 = arith.constant 0 : i32
      %dma_wait3A_243 = arith.constant 0 : i32
      %dma_wait3A_244 = tpu.memref_slice %arg5[%dma_wait3A_242, %dma_wait3A_243] : memref<10240x128xf32, #tpu.memory_space<hbm>> -> memref<128x128xf32, #tpu.memory_space<hbm>>
      tpu.wait_dma2 semaphore(%arg12 : memref<!tpu.dma_semaphore, #tpu.memory_space<semaphore_mem>>) src(%dma_wait3A_244 : memref<128x128xf32, #tpu.memory_space<hbm>>) dst(%arg9 : memref<128x128xf32, #tpu.memory_space<vmem>>)
      %dma_start3A_245 = arith.constant 0 : i32
      %dma_start3A_246 = tpu.memref_slice %arg8[%add3A_224, %dma_start3A_245] : memref<16x128xi32, #tpu.memory_space<vmem>> -> memref<1x128xi32, #tpu.memory_space<vmem>>
      %dma_start3A_247 = tpu.memref_squeeze %dma_start3A_246 : memref<1x128xi32, #tpu.memory_space<vmem>> -> memref<128xi32, #tpu.memory_space<vmem>>
      %dma_start3A_248 = arith.constant 0 : i32
      %dma_start3A_249 = arith.constant 0 : i32
      %dma_start3A_250 = tpu.memref_slice %arg16[%dma_start3A_248, %dma_start3A_249] : memref<10240x128xf32, #tpu.memory_space<vmem_shared>> -> memref<10240x128xf32, #tpu.memory_space<vmem_shared>>
      tpu.enqueue_indirect_dma source(%arg9 : memref<128x128xf32, #tpu.memory_space<vmem>>) target(%dma_start3A_250 : memref<10240x128xf32, #tpu.memory_space<vmem_shared>>) offsets(%dma_start3A_247 : memref<128xi32, #tpu.memory_space<vmem>>) semaphore(%arg14 : memref<!tpu.dma_semaphore, #tpu.memory_space<semaphore_mem>>) {add = true}
      %add3A_251 = arith.constant 7 : i32
      %add3A_252 = arith.addi %mul3A_37, %add3A_251 : i32
      %dma_wait3A_253 = arith.constant 0 : i32
      %dma_wait3A_254 = tpu.memref_slice %arg8[%add3A_224, %dma_wait3A_253] : memref<16x128xi32, #tpu.memory_space<vmem>> -> memref<1x128xi32, #tpu.memory_space<vmem>>
      %dma_wait3A_255 = tpu.memref_squeeze %dma_wait3A_254 : memref<1x128xi32, #tpu.memory_space<vmem>> -> memref<128xi32, #tpu.memory_space<vmem>>
      %dma_wait3A_256 = arith.constant 0 : i32
      %dma_wait3A_257 = arith.constant 0 : i32
      %dma_wait3A_258 = tpu.memref_slice %arg16[%dma_wait3A_256, %dma_wait3A_257] : memref<10240x128xf32, #tpu.memory_space<vmem_shared>> -> memref<10240x128xf32, #tpu.memory_space<vmem_shared>>
      tpu.wait_indirect_dma semaphore(%arg14 : memref<!tpu.dma_semaphore, #tpu.memory_space<semaphore_mem>>) src(%arg9 : memref<128x128xf32, #tpu.memory_space<vmem>>) dst(%dma_wait3A_258 : memref<10240x128xf32, #tpu.memory_space<vmem_shared>>)
      %convert_element_type3A_259 = arith.extui %lt3A_60 : i1 to i32
      %cond3A_260 = arith.constant 0 : i32
      %cond3A_261 = arith.cmpi ne, %convert_element_type3A_259, %cond3A_260 : i32
      scf.if %cond3A_261 {
        %dma_wait3A_268 = arith.constant 0 : i32
        %dma_wait3A_269 = arith.constant 0 : i32
        %dma_wait3A_270 = tpu.memref_slice %arg7[%dma_wait3A_268, %dma_wait3A_269] : memref<16x128xi32, #tpu.memory_space<vmem>> -> memref<8x128xi32, #tpu.memory_space<vmem>>
        %dma_wait3A_271 = arith.constant 0 : i32
        %dma_wait3A_272 = arith.constant 0 : i32
        %dma_wait3A_273 = tpu.memref_slice %arg3[%dma_wait3A_271, %dma_wait3A_272] : memref<5000x128xi32, #tpu.memory_space<hbm>> -> memref<8x128xi32, #tpu.memory_space<hbm>>
        %dma_wait3A_274 = arith.constant 0 : i32
        %dma_wait3A_275 = arith.constant 0 : i32
        %dma_wait3A_276 = tpu.memref_slice %arg7[%dma_wait3A_274, %dma_wait3A_275] : memref<16x128xi32, #tpu.memory_space<vmem>> -> memref<8x128xi32, #tpu.memory_space<vmem>>
        %dma_wait3A_277 = arith.constant 0 : i32
        %dma_wait3A_278 = arith.constant 0 : i32
        %dma_wait3A_279 = tpu.memref_slice %arg3[%dma_wait3A_277, %dma_wait3A_278] : memref<5000x128xi32, #tpu.memory_space<hbm>> -> memref<8x128xi32, #tpu.memory_space<hbm>>
        tpu.wait_dma2 semaphore(%arg11 : memref<!tpu.dma_semaphore, #tpu.memory_space<semaphore_mem>>) src(%dma_wait3A_279 : memref<8x128xi32, #tpu.memory_space<hbm>>) dst(%dma_wait3A_276 : memref<8x128xi32, #tpu.memory_space<vmem>>)
        %dma_wait3A_280 = arith.constant 0 : i32
        %dma_wait3A_281 = arith.constant 0 : i32
        %dma_wait3A_282 = tpu.memref_slice %arg8[%dma_wait3A_280, %dma_wait3A_281] : memref<16x128xi32, #tpu.memory_space<vmem>> -> memref<8x128xi32, #tpu.memory_space<vmem>>
        %dma_wait3A_283 = arith.constant 0 : i32
        %dma_wait3A_284 = arith.constant 0 : i32
        %dma_wait3A_285 = tpu.memref_slice %arg4[%dma_wait3A_283, %dma_wait3A_284] : memref<5000x128xi32, #tpu.memory_space<hbm>> -> memref<8x128xi32, #tpu.memory_space<hbm>>
        %dma_wait3A_286 = arith.constant 0 : i32
        %dma_wait3A_287 = arith.constant 0 : i32
        %dma_wait3A_288 = tpu.memref_slice %arg8[%dma_wait3A_286, %dma_wait3A_287] : memref<16x128xi32, #tpu.memory_space<vmem>> -> memref<8x128xi32, #tpu.memory_space<vmem>>
        %dma_wait3A_289 = arith.constant 0 : i32
        %dma_wait3A_290 = arith.constant 0 : i32
        %dma_wait3A_291 = tpu.memref_slice %arg4[%dma_wait3A_289, %dma_wait3A_290] : memref<5000x128xi32, #tpu.memory_space<hbm>> -> memref<8x128xi32, #tpu.memory_space<hbm>>
        tpu.wait_dma2 semaphore(%arg11 : memref<!tpu.dma_semaphore, #tpu.memory_space<semaphore_mem>>) src(%dma_wait3A_291 : memref<8x128xi32, #tpu.memory_space<hbm>>) dst(%dma_wait3A_288 : memref<8x128xi32, #tpu.memory_space<vmem>>)
        %dma_start3A_292 = arith.constant 0 : i32
        %dma_start3A_293 = tpu.memref_slice %arg7[%mul3A_57, %dma_start3A_292] : memref<16x128xi32, #tpu.memory_space<vmem>> -> memref<1x128xi32, #tpu.memory_space<vmem>>
        %dma_start3A_294 = tpu.memref_squeeze %dma_start3A_293 : memref<1x128xi32, #tpu.memory_space<vmem>> -> memref<128xi32, #tpu.memory_space<vmem>>
        %dma_start3A_295 = arith.constant 0 : i32
        %dma_start3A_296 = arith.constant 0 : i32
        %dma_start3A_297 = tpu.memref_slice %arg2[%dma_start3A_295, %dma_start3A_296] : memref<10240x128xf32, #tpu.memory_space<hbm>> -> memref<10240x128xf32, #tpu.memory_space<hbm>>
        tpu.enqueue_indirect_dma source(%dma_start3A_297 : memref<10240x128xf32, #tpu.memory_space<hbm>>) target(%arg9 : memref<128x128xf32, #tpu.memory_space<vmem>>) offsets(%dma_start3A_294 : memref<128xi32, #tpu.memory_space<vmem>>) semaphore(%arg12 : memref<!tpu.dma_semaphore, #tpu.memory_space<semaphore_mem>>)
      } else {
      }
      %dma_wait3A_262 = arith.constant 0 : i32
      %dma_wait3A_263 = arith.constant 0 : i32
      %dma_wait3A_264 = tpu.memref_slice %arg5[%dma_wait3A_262, %dma_wait3A_263] : memref<10240x128xf32, #tpu.memory_space<hbm>> -> memref<128x128xf32, #tpu.memory_space<hbm>>
      %dma_wait3A_265 = arith.constant 0 : i32
      %dma_wait3A_266 = arith.constant 0 : i32
      %dma_wait3A_267 = tpu.memref_slice %arg5[%dma_wait3A_265, %dma_wait3A_266] : memref<10240x128xf32, #tpu.memory_space<hbm>> -> memref<128x128xf32, #tpu.memory_space<hbm>>
      tpu.wait_dma2 semaphore(%arg13 : memref<!tpu.dma_semaphore, #tpu.memory_space<semaphore_mem>>) src(%dma_wait3A_267 : memref<128x128xf32, #tpu.memory_space<hbm>>) dst(%arg10 : memref<128x128xf32, #tpu.memory_space<vmem>>)
      "tpu.region"() ({
        %run_scoped3A = tpu.sem_alloc : memref<!tpu.dma_semaphore, #tpu.memory_space<semaphore_mem>>
        %dma_start3A_268 = arith.constant 0 : i32
        %dma_start3A_269 = tpu.memref_slice %arg8[%add3A_252, %dma_start3A_268] : memref<16x128xi32, #tpu.memory_space<vmem>> -> memref<1x128xi32, #tpu.memory_space<vmem>>
        %dma_start3A_270 = tpu.memref_squeeze %dma_start3A_269 : memref<1x128xi32, #tpu.memory_space<vmem>> -> memref<128xi32, #tpu.memory_space<vmem>>
        %dma_start3A_271 = arith.constant 0 : i32
        %dma_start3A_272 = arith.constant 0 : i32
        %dma_start3A_273 = tpu.memref_slice %arg16[%dma_start3A_271, %dma_start3A_272] : memref<10240x128xf32, #tpu.memory_space<vmem_shared>> -> memref<10240x128xf32, #tpu.memory_space<vmem_shared>>
        tpu.enqueue_indirect_dma source(%arg10 : memref<128x128xf32, #tpu.memory_space<vmem>>) target(%dma_start3A_273 : memref<10240x128xf32, #tpu.memory_space<vmem_shared>>) offsets(%dma_start3A_270 : memref<128xi32, #tpu.memory_space<vmem>>) semaphore(%run_scoped3A : memref<!tpu.dma_semaphore, #tpu.memory_space<semaphore_mem>>) {add = true}
        %dma_wait3A_274 = arith.constant 0 : i32
        %dma_wait3A_275 = tpu.memref_slice %arg8[%add3A_252, %dma_wait3A_274] : memref<16x128xi32, #tpu.memory_space<vmem>> -> memref<1x128xi32, #tpu.memory_space<vmem>>
        %dma_wait3A_276 = tpu.memref_squeeze %dma_wait3A_275 : memref<1x128xi32, #tpu.memory_space<vmem>> -> memref<128xi32, #tpu.memory_space<vmem>>
        %dma_wait3A_277 = arith.constant 0 : i32
        %dma_wait3A_278 = arith.constant 0 : i32
        %dma_wait3A_279 = tpu.memref_slice %arg16[%dma_wait3A_277, %dma_wait3A_278] : memref<10240x128xf32, #tpu.memory_space<vmem_shared>> -> memref<10240x128xf32, #tpu.memory_space<vmem_shared>>
        tpu.wait_indirect_dma semaphore(%run_scoped3A : memref<!tpu.dma_semaphore, #tpu.memory_space<semaphore_mem>>) src(%arg10 : memref<128x128xf32, #tpu.memory_space<vmem>>) dst(%dma_wait3A_279 : memref<10240x128xf32, #tpu.memory_space<vmem_shared>>)
        tpu.yield
      }) : () -> ()
    }
    %barrier3A_22 = arith.constant 0 : index
    tpu.barrier barrier_id(%barrier3A_22)
    "tpu.region"() ({
      %run_scoped3A = tpu.sem_alloc : memref<!tpu.dma_semaphore, #tpu.memory_space<semaphore_mem>>
      %dma_start3A_23 = arith.constant 0 : i32
      %dma_start3A_24 = tpu.memref_slice %arg6[%arg0, %mul3A_2, %dma_start3A_23] : memref<2x10240x128xf32, #tpu.memory_space<hbm>> -> memref<1x640x128xf32, #tpu.memory_space<hbm>>
      %dma_start3A_25 = tpu.memref_squeeze %dma_start3A_24 : memref<1x640x128xf32, #tpu.memory_space<hbm>> -> memref<640x128xf32, #tpu.memory_space<hbm>>
      %dma_start3A_26 = arith.constant 0 : i32
      %dma_start3A_27 = tpu.memref_slice %arg16[%mul3A_2, %dma_start3A_26] : memref<10240x128xf32, #tpu.memory_space<vmem_shared>> -> memref<640x128xf32, #tpu.memory_space<vmem_shared>>
      tpu.enqueue_dma source(%dma_start3A_27 : memref<640x128xf32, #tpu.memory_space<vmem_shared>>) target(%dma_start3A_25 : memref<640x128xf32, #tpu.memory_space<hbm>>) target_semaphore(%run_scoped3A : memref<!tpu.dma_semaphore, #tpu.memory_space<semaphore_mem>>)
      %dma_wait3A = arith.constant 0 : i32
      %dma_wait3A_28 = tpu.memref_slice %arg6[%arg0, %mul3A_2, %dma_wait3A] : memref<2x10240x128xf32, #tpu.memory_space<hbm>> -> memref<1x640x128xf32, #tpu.memory_space<hbm>>
      %dma_wait3A_29 = tpu.memref_squeeze %dma_wait3A_28 : memref<1x640x128xf32, #tpu.memory_space<hbm>> -> memref<640x128xf32, #tpu.memory_space<hbm>>
      %dma_wait3A_30 = arith.constant 0 : i32
      %dma_wait3A_31 = tpu.memref_slice %arg16[%mul3A_2, %dma_wait3A_30] : memref<10240x128xf32, #tpu.memory_space<vmem_shared>> -> memref<640x128xf32, #tpu.memory_space<vmem_shared>>
      tpu.wait_dma2 semaphore(%run_scoped3A : memref<!tpu.dma_semaphore, #tpu.memory_space<semaphore_mem>>) src(%dma_wait3A_31 : memref<640x128xf32, #tpu.memory_space<vmem_shared>>) dst(%dma_wait3A_29 : memref<640x128xf32, #tpu.memory_space<hbm>>)
      tpu.yield
    }) : () -> ()
    return
  }
}

#map = affine_map<(d0, d1) -> (0, 0)>
#map1 = affine_map<(d0, d1) -> (0, 0, 0)>
module attributes {stable_mosaic.version = 14 : i64} {
  func.func @_deg_body(%arg0: i32, %arg1: i32, %arg2: memref<10240x128xf32, #tpu.memory_space<hbm>>, %arg3: memref<5000x128xi32, #tpu.memory_space<hbm>>, %arg4: memref<10240x128xf32, #tpu.memory_space<hbm>>, %arg5: memref<2x10240x128xf32, #tpu.memory_space<hbm>>, %arg6: memref<16x128xi32, #tpu.memory_space<vmem>>, %arg7: memref<128x128xf32, #tpu.memory_space<vmem>>, %arg8: memref<!tpu.dma_semaphore, #tpu.memory_space<semaphore_mem>>, %arg9: memref<!tpu.dma_semaphore, #tpu.memory_space<semaphore_mem>>, %arg10: memref<!tpu.dma_semaphore, #tpu.memory_space<semaphore_mem>>, %arg11: memref<10240x128xf32, #tpu.memory_space<vmem_shared>>) attributes {dimension_semantics = [#tpu.dimension_semantics<core_parallel>, #tpu.dimension_semantics<subcore_parallel>], iteration_bounds = array<i64: 2, 16>, scalar_prefetch = 0 : i64, scratch_operands = 6 : i64, tpu.core_type = #tpu.core_type<sc_vector_subcore>, window_params = [{transform_indices = #map}, {transform_indices = #map}, {transform_indices = #map}, {transform_indices = #map1}]} {
    %mul3A = arith.constant 2 : i32
    %mul3A_0 = arith.muli %arg1, %mul3A : i32
    %add3A = arith.addi %mul3A_0, %arg0 : i32
    %mul3A_1 = arith.constant 640 : i32
    %mul3A_2 = arith.muli %arg1, %mul3A_1 : i32
    %lt3A = arith.constant 17 : i32
    %lt3A_3 = arith.cmpi slt, %add3A, %lt3A : i32
    %jit3A = arith.constant 20 : i32
    %jit3A_4 = arith.constant 19 : i32
    %select_n3A = arith.select %lt3A_3, %jit3A, %jit3A_4 : i32
    "tpu.region"() ({
      %run_scoped3A = tpu.sem_alloc : memref<!tpu.dma_semaphore, #tpu.memory_space<semaphore_mem>>
      %dma_start3A = arith.constant 0 : i32
      %dma_start3A_17 = tpu.memref_slice %arg11[%mul3A_2, %dma_start3A] : memref<10240x128xf32, #tpu.memory_space<vmem_shared>> -> memref<640x128xf32, #tpu.memory_space<vmem_shared>>
      %dma_start3A_18 = arith.constant 0 : i32
      %dma_start3A_19 = tpu.memref_slice %arg4[%mul3A_2, %dma_start3A_18] : memref<10240x128xf32, #tpu.memory_space<hbm>> -> memref<640x128xf32, #tpu.memory_space<hbm>>
      tpu.enqueue_dma source(%dma_start3A_19 : memref<640x128xf32, #tpu.memory_space<hbm>>) target(%dma_start3A_17 : memref<640x128xf32, #tpu.memory_space<vmem_shared>>) target_semaphore(%run_scoped3A : memref<!tpu.dma_semaphore, #tpu.memory_space<semaphore_mem>>)
      %dma_wait3A = arith.constant 0 : i32
      %dma_wait3A_20 = tpu.memref_slice %arg11[%mul3A_2, %dma_wait3A] : memref<10240x128xf32, #tpu.memory_space<vmem_shared>> -> memref<640x128xf32, #tpu.memory_space<vmem_shared>>
      %dma_wait3A_21 = arith.constant 0 : i32
      %dma_wait3A_22 = tpu.memref_slice %arg4[%mul3A_2, %dma_wait3A_21] : memref<10240x128xf32, #tpu.memory_space<hbm>> -> memref<640x128xf32, #tpu.memory_space<hbm>>
      tpu.wait_dma2 semaphore(%run_scoped3A : memref<!tpu.dma_semaphore, #tpu.memory_space<semaphore_mem>>) src(%dma_wait3A_22 : memref<640x128xf32, #tpu.memory_space<hbm>>) dst(%dma_wait3A_20 : memref<640x128xf32, #tpu.memory_space<vmem_shared>>)
      tpu.yield
    }) : () -> ()
    %mul3A_5 = arith.constant 8 : i32
    %mul3A_6 = arith.muli %add3A, %mul3A_5 : i32
    "tpu.region"() ({
      %run_scoped3A = tpu.sem_alloc : memref<!tpu.dma_semaphore, #tpu.memory_space<semaphore_mem>>
      %dma_start3A = arith.constant 0 : i32
      %dma_start3A_17 = arith.constant 0 : i32
      %dma_start3A_18 = tpu.memref_slice %arg6[%dma_start3A, %dma_start3A_17] : memref<16x128xi32, #tpu.memory_space<vmem>> -> memref<8x128xi32, #tpu.memory_space<vmem>>
      %dma_start3A_19 = arith.constant 0 : i32
      %dma_start3A_20 = tpu.memref_slice %arg3[%mul3A_6, %dma_start3A_19] : memref<5000x128xi32, #tpu.memory_space<hbm>> -> memref<8x128xi32, #tpu.memory_space<hbm>>
      %dma_start3A_21 = arith.constant 0 : i32
      %dma_start3A_22 = arith.constant 0 : i32
      %dma_start3A_23 = tpu.memref_slice %arg6[%dma_start3A_21, %dma_start3A_22] : memref<16x128xi32, #tpu.memory_space<vmem>> -> memref<8x128xi32, #tpu.memory_space<vmem>>
      %dma_start3A_24 = arith.constant 0 : i32
      %dma_start3A_25 = tpu.memref_slice %arg3[%mul3A_6, %dma_start3A_24] : memref<5000x128xi32, #tpu.memory_space<hbm>> -> memref<8x128xi32, #tpu.memory_space<hbm>>
      tpu.enqueue_dma source(%dma_start3A_25 : memref<8x128xi32, #tpu.memory_space<hbm>>) target(%dma_start3A_23 : memref<8x128xi32, #tpu.memory_space<vmem>>) target_semaphore(%run_scoped3A : memref<!tpu.dma_semaphore, #tpu.memory_space<semaphore_mem>>)
      %dma_wait3A = arith.constant 0 : i32
      %dma_wait3A_26 = arith.constant 0 : i32
      %dma_wait3A_27 = tpu.memref_slice %arg6[%dma_wait3A, %dma_wait3A_26] : memref<16x128xi32, #tpu.memory_space<vmem>> -> memref<8x128xi32, #tpu.memory_space<vmem>>
      %dma_wait3A_28 = arith.constant 0 : i32
      %dma_wait3A_29 = tpu.memref_slice %arg3[%mul3A_6, %dma_wait3A_28] : memref<5000x128xi32, #tpu.memory_space<hbm>> -> memref<8x128xi32, #tpu.memory_space<hbm>>
      %dma_wait3A_30 = arith.constant 0 : i32
      %dma_wait3A_31 = arith.constant 0 : i32
      %dma_wait3A_32 = tpu.memref_slice %arg6[%dma_wait3A_30, %dma_wait3A_31] : memref<16x128xi32, #tpu.memory_space<vmem>> -> memref<8x128xi32, #tpu.memory_space<vmem>>
      %dma_wait3A_33 = arith.constant 0 : i32
      %dma_wait3A_34 = tpu.memref_slice %arg3[%mul3A_6, %dma_wait3A_33] : memref<5000x128xi32, #tpu.memory_space<hbm>> -> memref<8x128xi32, #tpu.memory_space<hbm>>
      tpu.wait_dma2 semaphore(%run_scoped3A : memref<!tpu.dma_semaphore, #tpu.memory_space<semaphore_mem>>) src(%dma_wait3A_34 : memref<8x128xi32, #tpu.memory_space<hbm>>) dst(%dma_wait3A_32 : memref<8x128xi32, #tpu.memory_space<vmem>>)
      tpu.yield
    }) : () -> ()
    "tpu.region"() ({
      %run_scoped3A = tpu.sem_alloc : memref<!tpu.dma_semaphore, #tpu.memory_space<semaphore_mem>>
      %dma_start3A = arith.constant 0 : i32
      %dma_start3A_17 = arith.constant 0 : i32
      %dma_start3A_18 = tpu.memref_slice %arg2[%dma_start3A, %dma_start3A_17] : memref<10240x128xf32, #tpu.memory_space<hbm>> -> memref<128x128xf32, #tpu.memory_space<hbm>>
      %dma_start3A_19 = arith.constant 0 : i32
      %dma_start3A_20 = arith.constant 0 : i32
      %dma_start3A_21 = tpu.memref_slice %arg2[%dma_start3A_19, %dma_start3A_20] : memref<10240x128xf32, #tpu.memory_space<hbm>> -> memref<128x128xf32, #tpu.memory_space<hbm>>
      tpu.enqueue_dma source(%dma_start3A_21 : memref<128x128xf32, #tpu.memory_space<hbm>>) target(%arg7 : memref<128x128xf32, #tpu.memory_space<vmem>>) target_semaphore(%run_scoped3A : memref<!tpu.dma_semaphore, #tpu.memory_space<semaphore_mem>>)
      %dma_wait3A = arith.constant 0 : i32
      %dma_wait3A_22 = arith.constant 0 : i32
      %dma_wait3A_23 = tpu.memref_slice %arg2[%dma_wait3A, %dma_wait3A_22] : memref<10240x128xf32, #tpu.memory_space<hbm>> -> memref<128x128xf32, #tpu.memory_space<hbm>>
      %dma_wait3A_24 = arith.constant 0 : i32
      %dma_wait3A_25 = arith.constant 0 : i32
      %dma_wait3A_26 = tpu.memref_slice %arg2[%dma_wait3A_24, %dma_wait3A_25] : memref<10240x128xf32, #tpu.memory_space<hbm>> -> memref<128x128xf32, #tpu.memory_space<hbm>>
      tpu.wait_dma2 semaphore(%run_scoped3A : memref<!tpu.dma_semaphore, #tpu.memory_space<semaphore_mem>>) src(%dma_wait3A_26 : memref<128x128xf32, #tpu.memory_space<hbm>>) dst(%arg7 : memref<128x128xf32, #tpu.memory_space<vmem>>)
      tpu.yield
    }) : () -> ()
    %barrier3A = arith.constant 0 : index
    tpu.barrier barrier_id(%barrier3A)
    %while3A = arith.constant 0 : i32
    %while3A_7 = arith.constant 0 : i32
    %while3A_8 = arith.subi %select_n3A, %while3A_7 : i32
    %while3A_9 = arith.addi %while3A_7, %while3A_8 : i32
    %while3A_10 = arith.constant 1 : i32
    %while3A_11 = arith.divsi %while3A_8, %while3A_10 : i32
    %while3A_12 = arith.muli %while3A_11, %while3A_10 : i32
    %while3A_13 = arith.addi %while3A_7, %while3A_12 : i32
    %while3A_14 = arith.constant 1 : i32
    scf.for %while3A_17 = %while3A_7 to %while3A_13 step %while3A_14  : i32 {
      %jit3A_18 = arith.constant 2 : i32
      %eq3A = arith.constant 0 : i32
      %eq3A_19 = arith.cmpi eq, %jit3A_18, %eq3A : i32
      %jit3A_20 = arith.constant 1 : i32
      %select_n3A_21 = arith.select %eq3A_19, %jit3A_20, %jit3A_18 : i32
      %rem3A = arith.remsi %while3A_17, %select_n3A_21 : i32
      %ne3A = arith.constant 0 : i32
      %ne3A_22 = arith.cmpi ne, %rem3A, %ne3A : i32
      %lt3A_23 = arith.constant 0 : i32
      %lt3A_24 = arith.cmpi slt, %rem3A, %lt3A_23 : i32
      %lt3A_25 = arith.constant 0 : i32
      %lt3A_26 = arith.cmpi slt, %select_n3A_21, %lt3A_25 : i32
      %ne3A_27 = arith.xori %lt3A_24, %lt3A_26 : i1
      %and3A = arith.andi %ne3A_27, %ne3A_22 : i1
      %add3A_28 = arith.addi %rem3A, %select_n3A_21 : i32
      %select_n3A_29 = arith.select %and3A, %add3A_28, %rem3A : i32
      %mul3A_30 = arith.constant 8 : i32
      %mul3A_31 = arith.muli %select_n3A_29, %mul3A_30 : i32
      %add3A_32 = arith.constant 1 : i32
      %add3A_33 = arith.addi %while3A_17, %add3A_32 : i32
      %jit3A_34 = arith.constant 2 : i32
      %eq3A_35 = arith.constant 0 : i32
      %eq3A_36 = arith.cmpi eq, %jit3A_34, %eq3A_35 : i32
      %jit3A_37 = arith.constant 1 : i32
      %select_n3A_38 = arith.select %eq3A_36, %jit3A_37, %jit3A_34 : i32
      %rem3A_39 = arith.remsi %add3A_33, %select_n3A_38 : i32
      %ne3A_40 = arith.constant 0 : i32
      %ne3A_41 = arith.cmpi ne, %rem3A_39, %ne3A_40 : i32
      %lt3A_42 = arith.constant 0 : i32
      %lt3A_43 = arith.cmpi slt, %rem3A_39, %lt3A_42 : i32
      %lt3A_44 = arith.constant 0 : i32
      %lt3A_45 = arith.cmpi slt, %select_n3A_38, %lt3A_44 : i32
      %ne3A_46 = arith.xori %lt3A_43, %lt3A_45 : i1
      %and3A_47 = arith.andi %ne3A_46, %ne3A_41 : i1
      %add3A_48 = arith.addi %rem3A_39, %select_n3A_38 : i32
      %select_n3A_49 = arith.select %and3A_47, %add3A_48, %rem3A_39 : i32
      %mul3A_50 = arith.constant 8 : i32
      %mul3A_51 = arith.muli %select_n3A_49, %mul3A_50 : i32
      %add3A_52 = arith.constant 1 : i32
      %add3A_53 = arith.addi %while3A_17, %add3A_52 : i32
      %lt3A_54 = arith.cmpi slt, %add3A_53, %select_n3A : i32
      %convert_element_type3A = arith.extui %lt3A_54 : i1 to i32
      %cond3A = arith.constant 0 : i32
      %cond3A_55 = arith.cmpi ne, %convert_element_type3A, %cond3A : i32
      scf.if %cond3A_55 {
        %add3A_157 = arith.constant 1 : i32
        %add3A_158 = arith.addi %while3A_17, %add3A_157 : i32
        %mul3A_159 = arith.constant 32 : i32
        %mul3A_160 = arith.muli %add3A_158, %mul3A_159 : i32
        %add3A_161 = arith.addi %add3A, %mul3A_160 : i32
        %mul3A_162 = arith.constant 8 : i32
        %mul3A_163 = arith.muli %add3A_161, %mul3A_162 : i32
        %dma_start3A_164 = arith.constant 0 : i32
        %dma_start3A_165 = tpu.memref_slice %arg6[%mul3A_51, %dma_start3A_164] : memref<16x128xi32, #tpu.memory_space<vmem>> -> memref<8x128xi32, #tpu.memory_space<vmem>>
        %dma_start3A_166 = arith.constant 0 : i32
        %dma_start3A_167 = tpu.memref_slice %arg3[%mul3A_163, %dma_start3A_166] : memref<5000x128xi32, #tpu.memory_space<hbm>> -> memref<8x128xi32, #tpu.memory_space<hbm>>
        %dma_start3A_168 = arith.constant 0 : i32
        %dma_start3A_169 = tpu.memref_slice %arg6[%mul3A_51, %dma_start3A_168] : memref<16x128xi32, #tpu.memory_space<vmem>> -> memref<8x128xi32, #tpu.memory_space<vmem>>
        %dma_start3A_170 = arith.constant 0 : i32
        %dma_start3A_171 = tpu.memref_slice %arg3[%mul3A_163, %dma_start3A_170] : memref<5000x128xi32, #tpu.memory_space<hbm>> -> memref<8x128xi32, #tpu.memory_space<hbm>>
        tpu.enqueue_dma source(%dma_start3A_171 : memref<8x128xi32, #tpu.memory_space<hbm>>) target(%dma_start3A_169 : memref<8x128xi32, #tpu.memory_space<vmem>>) target_semaphore(%arg8 : memref<!tpu.dma_semaphore, #tpu.memory_space<semaphore_mem>>)
      } else {
      }
      %add3A_56 = arith.constant 0 : i32
      %add3A_57 = arith.addi %mul3A_31, %add3A_56 : i32
      %dma_start3A = arith.constant 0 : i32
      %dma_start3A_58 = tpu.memref_slice %arg6[%add3A_57, %dma_start3A] : memref<16x128xi32, #tpu.memory_space<vmem>> -> memref<1x128xi32, #tpu.memory_space<vmem>>
      %dma_start3A_59 = tpu.memref_squeeze %dma_start3A_58 : memref<1x128xi32, #tpu.memory_space<vmem>> -> memref<128xi32, #tpu.memory_space<vmem>>
      %dma_start3A_60 = arith.constant 0 : i32
      %dma_start3A_61 = arith.constant 0 : i32
      %dma_start3A_62 = tpu.memref_slice %arg11[%dma_start3A_60, %dma_start3A_61] : memref<10240x128xf32, #tpu.memory_space<vmem_shared>> -> memref<10240x128xf32, #tpu.memory_space<vmem_shared>>
      tpu.enqueue_indirect_dma source(%arg7 : memref<128x128xf32, #tpu.memory_space<vmem>>) target(%dma_start3A_62 : memref<10240x128xf32, #tpu.memory_space<vmem_shared>>) offsets(%dma_start3A_59 : memref<128xi32, #tpu.memory_space<vmem>>) semaphore(%arg9 : memref<!tpu.dma_semaphore, #tpu.memory_space<semaphore_mem>>) {add = true}
      %add3A_63 = arith.constant 1 : i32
      %add3A_64 = arith.addi %mul3A_31, %add3A_63 : i32
      %dma_wait3A = arith.constant 0 : i32
      %dma_wait3A_65 = tpu.memref_slice %arg6[%add3A_57, %dma_wait3A] : memref<16x128xi32, #tpu.memory_space<vmem>> -> memref<1x128xi32, #tpu.memory_space<vmem>>
      %dma_wait3A_66 = tpu.memref_squeeze %dma_wait3A_65 : memref<1x128xi32, #tpu.memory_space<vmem>> -> memref<128xi32, #tpu.memory_space<vmem>>
      %dma_wait3A_67 = arith.constant 0 : i32
      %dma_wait3A_68 = arith.constant 0 : i32
      %dma_wait3A_69 = tpu.memref_slice %arg11[%dma_wait3A_67, %dma_wait3A_68] : memref<10240x128xf32, #tpu.memory_space<vmem_shared>> -> memref<10240x128xf32, #tpu.memory_space<vmem_shared>>
      tpu.wait_indirect_dma semaphore(%arg9 : memref<!tpu.dma_semaphore, #tpu.memory_space<semaphore_mem>>) src(%arg7 : memref<128x128xf32, #tpu.memory_space<vmem>>) dst(%dma_wait3A_69 : memref<10240x128xf32, #tpu.memory_space<vmem_shared>>)
      %dma_start3A_70 = arith.constant 0 : i32
      %dma_start3A_71 = tpu.memref_slice %arg6[%add3A_64, %dma_start3A_70] : memref<16x128xi32, #tpu.memory_space<vmem>> -> memref<1x128xi32, #tpu.memory_space<vmem>>
      %dma_start3A_72 = tpu.memref_squeeze %dma_start3A_71 : memref<1x128xi32, #tpu.memory_space<vmem>> -> memref<128xi32, #tpu.memory_space<vmem>>
      %dma_start3A_73 = arith.constant 0 : i32
      %dma_start3A_74 = arith.constant 0 : i32
      %dma_start3A_75 = tpu.memref_slice %arg11[%dma_start3A_73, %dma_start3A_74] : memref<10240x128xf32, #tpu.memory_space<vmem_shared>> -> memref<10240x128xf32, #tpu.memory_space<vmem_shared>>
      tpu.enqueue_indirect_dma source(%arg7 : memref<128x128xf32, #tpu.memory_space<vmem>>) target(%dma_start3A_75 : memref<10240x128xf32, #tpu.memory_space<vmem_shared>>) offsets(%dma_start3A_72 : memref<128xi32, #tpu.memory_space<vmem>>) semaphore(%arg10 : memref<!tpu.dma_semaphore, #tpu.memory_space<semaphore_mem>>) {add = true}
      %add3A_76 = arith.constant 2 : i32
      %add3A_77 = arith.addi %mul3A_31, %add3A_76 : i32
      %dma_wait3A_78 = arith.constant 0 : i32
      %dma_wait3A_79 = tpu.memref_slice %arg6[%add3A_64, %dma_wait3A_78] : memref<16x128xi32, #tpu.memory_space<vmem>> -> memref<1x128xi32, #tpu.memory_space<vmem>>
      %dma_wait3A_80 = tpu.memref_squeeze %dma_wait3A_79 : memref<1x128xi32, #tpu.memory_space<vmem>> -> memref<128xi32, #tpu.memory_space<vmem>>
      %dma_wait3A_81 = arith.constant 0 : i32
      %dma_wait3A_82 = arith.constant 0 : i32
      %dma_wait3A_83 = tpu.memref_slice %arg11[%dma_wait3A_81, %dma_wait3A_82] : memref<10240x128xf32, #tpu.memory_space<vmem_shared>> -> memref<10240x128xf32, #tpu.memory_space<vmem_shared>>
      tpu.wait_indirect_dma semaphore(%arg10 : memref<!tpu.dma_semaphore, #tpu.memory_space<semaphore_mem>>) src(%arg7 : memref<128x128xf32, #tpu.memory_space<vmem>>) dst(%dma_wait3A_83 : memref<10240x128xf32, #tpu.memory_space<vmem_shared>>)
      %dma_start3A_84 = arith.constant 0 : i32
      %dma_start3A_85 = tpu.memref_slice %arg6[%add3A_77, %dma_start3A_84] : memref<16x128xi32, #tpu.memory_space<vmem>> -> memref<1x128xi32, #tpu.memory_space<vmem>>
      %dma_start3A_86 = tpu.memref_squeeze %dma_start3A_85 : memref<1x128xi32, #tpu.memory_space<vmem>> -> memref<128xi32, #tpu.memory_space<vmem>>
      %dma_start3A_87 = arith.constant 0 : i32
      %dma_start3A_88 = arith.constant 0 : i32
      %dma_start3A_89 = tpu.memref_slice %arg11[%dma_start3A_87, %dma_start3A_88] : memref<10240x128xf32, #tpu.memory_space<vmem_shared>> -> memref<10240x128xf32, #tpu.memory_space<vmem_shared>>
      tpu.enqueue_indirect_dma source(%arg7 : memref<128x128xf32, #tpu.memory_space<vmem>>) target(%dma_start3A_89 : memref<10240x128xf32, #tpu.memory_space<vmem_shared>>) offsets(%dma_start3A_86 : memref<128xi32, #tpu.memory_space<vmem>>) semaphore(%arg9 : memref<!tpu.dma_semaphore, #tpu.memory_space<semaphore_mem>>) {add = true}
      %add3A_90 = arith.constant 3 : i32
      %add3A_91 = arith.addi %mul3A_31, %add3A_90 : i32
      %dma_wait3A_92 = arith.constant 0 : i32
      %dma_wait3A_93 = tpu.memref_slice %arg6[%add3A_77, %dma_wait3A_92] : memref<16x128xi32, #tpu.memory_space<vmem>> -> memref<1x128xi32, #tpu.memory_space<vmem>>
      %dma_wait3A_94 = tpu.memref_squeeze %dma_wait3A_93 : memref<1x128xi32, #tpu.memory_space<vmem>> -> memref<128xi32, #tpu.memory_space<vmem>>
      %dma_wait3A_95 = arith.constant 0 : i32
      %dma_wait3A_96 = arith.constant 0 : i32
      %dma_wait3A_97 = tpu.memref_slice %arg11[%dma_wait3A_95, %dma_wait3A_96] : memref<10240x128xf32, #tpu.memory_space<vmem_shared>> -> memref<10240x128xf32, #tpu.memory_space<vmem_shared>>
      tpu.wait_indirect_dma semaphore(%arg9 : memref<!tpu.dma_semaphore, #tpu.memory_space<semaphore_mem>>) src(%arg7 : memref<128x128xf32, #tpu.memory_space<vmem>>) dst(%dma_wait3A_97 : memref<10240x128xf32, #tpu.memory_space<vmem_shared>>)
      %dma_start3A_98 = arith.constant 0 : i32
      %dma_start3A_99 = tpu.memref_slice %arg6[%add3A_91, %dma_start3A_98] : memref<16x128xi32, #tpu.memory_space<vmem>> -> memref<1x128xi32, #tpu.memory_space<vmem>>
      %dma_start3A_100 = tpu.memref_squeeze %dma_start3A_99 : memref<1x128xi32, #tpu.memory_space<vmem>> -> memref<128xi32, #tpu.memory_space<vmem>>
      %dma_start3A_101 = arith.constant 0 : i32
      %dma_start3A_102 = arith.constant 0 : i32
      %dma_start3A_103 = tpu.memref_slice %arg11[%dma_start3A_101, %dma_start3A_102] : memref<10240x128xf32, #tpu.memory_space<vmem_shared>> -> memref<10240x128xf32, #tpu.memory_space<vmem_shared>>
      tpu.enqueue_indirect_dma source(%arg7 : memref<128x128xf32, #tpu.memory_space<vmem>>) target(%dma_start3A_103 : memref<10240x128xf32, #tpu.memory_space<vmem_shared>>) offsets(%dma_start3A_100 : memref<128xi32, #tpu.memory_space<vmem>>) semaphore(%arg10 : memref<!tpu.dma_semaphore, #tpu.memory_space<semaphore_mem>>) {add = true}
      %add3A_104 = arith.constant 4 : i32
      %add3A_105 = arith.addi %mul3A_31, %add3A_104 : i32
      %dma_wait3A_106 = arith.constant 0 : i32
      %dma_wait3A_107 = tpu.memref_slice %arg6[%add3A_91, %dma_wait3A_106] : memref<16x128xi32, #tpu.memory_space<vmem>> -> memref<1x128xi32, #tpu.memory_space<vmem>>
      %dma_wait3A_108 = tpu.memref_squeeze %dma_wait3A_107 : memref<1x128xi32, #tpu.memory_space<vmem>> -> memref<128xi32, #tpu.memory_space<vmem>>
      %dma_wait3A_109 = arith.constant 0 : i32
      %dma_wait3A_110 = arith.constant 0 : i32
      %dma_wait3A_111 = tpu.memref_slice %arg11[%dma_wait3A_109, %dma_wait3A_110] : memref<10240x128xf32, #tpu.memory_space<vmem_shared>> -> memref<10240x128xf32, #tpu.memory_space<vmem_shared>>
      tpu.wait_indirect_dma semaphore(%arg10 : memref<!tpu.dma_semaphore, #tpu.memory_space<semaphore_mem>>) src(%arg7 : memref<128x128xf32, #tpu.memory_space<vmem>>) dst(%dma_wait3A_111 : memref<10240x128xf32, #tpu.memory_space<vmem_shared>>)
      %dma_start3A_112 = arith.constant 0 : i32
      %dma_start3A_113 = tpu.memref_slice %arg6[%add3A_105, %dma_start3A_112] : memref<16x128xi32, #tpu.memory_space<vmem>> -> memref<1x128xi32, #tpu.memory_space<vmem>>
      %dma_start3A_114 = tpu.memref_squeeze %dma_start3A_113 : memref<1x128xi32, #tpu.memory_space<vmem>> -> memref<128xi32, #tpu.memory_space<vmem>>
      %dma_start3A_115 = arith.constant 0 : i32
      %dma_start3A_116 = arith.constant 0 : i32
      %dma_start3A_117 = tpu.memref_slice %arg11[%dma_start3A_115, %dma_start3A_116] : memref<10240x128xf32, #tpu.memory_space<vmem_shared>> -> memref<10240x128xf32, #tpu.memory_space<vmem_shared>>
      tpu.enqueue_indirect_dma source(%arg7 : memref<128x128xf32, #tpu.memory_space<vmem>>) target(%dma_start3A_117 : memref<10240x128xf32, #tpu.memory_space<vmem_shared>>) offsets(%dma_start3A_114 : memref<128xi32, #tpu.memory_space<vmem>>) semaphore(%arg9 : memref<!tpu.dma_semaphore, #tpu.memory_space<semaphore_mem>>) {add = true}
      %add3A_118 = arith.constant 5 : i32
      %add3A_119 = arith.addi %mul3A_31, %add3A_118 : i32
      %dma_wait3A_120 = arith.constant 0 : i32
      %dma_wait3A_121 = tpu.memref_slice %arg6[%add3A_105, %dma_wait3A_120] : memref<16x128xi32, #tpu.memory_space<vmem>> -> memref<1x128xi32, #tpu.memory_space<vmem>>
      %dma_wait3A_122 = tpu.memref_squeeze %dma_wait3A_121 : memref<1x128xi32, #tpu.memory_space<vmem>> -> memref<128xi32, #tpu.memory_space<vmem>>
      %dma_wait3A_123 = arith.constant 0 : i32
      %dma_wait3A_124 = arith.constant 0 : i32
      %dma_wait3A_125 = tpu.memref_slice %arg11[%dma_wait3A_123, %dma_wait3A_124] : memref<10240x128xf32, #tpu.memory_space<vmem_shared>> -> memref<10240x128xf32, #tpu.memory_space<vmem_shared>>
      tpu.wait_indirect_dma semaphore(%arg9 : memref<!tpu.dma_semaphore, #tpu.memory_space<semaphore_mem>>) src(%arg7 : memref<128x128xf32, #tpu.memory_space<vmem>>) dst(%dma_wait3A_125 : memref<10240x128xf32, #tpu.memory_space<vmem_shared>>)
      %dma_start3A_126 = arith.constant 0 : i32
      %dma_start3A_127 = tpu.memref_slice %arg6[%add3A_119, %dma_start3A_126] : memref<16x128xi32, #tpu.memory_space<vmem>> -> memref<1x128xi32, #tpu.memory_space<vmem>>
      %dma_start3A_128 = tpu.memref_squeeze %dma_start3A_127 : memref<1x128xi32, #tpu.memory_space<vmem>> -> memref<128xi32, #tpu.memory_space<vmem>>
      %dma_start3A_129 = arith.constant 0 : i32
      %dma_start3A_130 = arith.constant 0 : i32
      %dma_start3A_131 = tpu.memref_slice %arg11[%dma_start3A_129, %dma_start3A_130] : memref<10240x128xf32, #tpu.memory_space<vmem_shared>> -> memref<10240x128xf32, #tpu.memory_space<vmem_shared>>
      tpu.enqueue_indirect_dma source(%arg7 : memref<128x128xf32, #tpu.memory_space<vmem>>) target(%dma_start3A_131 : memref<10240x128xf32, #tpu.memory_space<vmem_shared>>) offsets(%dma_start3A_128 : memref<128xi32, #tpu.memory_space<vmem>>) semaphore(%arg10 : memref<!tpu.dma_semaphore, #tpu.memory_space<semaphore_mem>>) {add = true}
      %add3A_132 = arith.constant 6 : i32
      %add3A_133 = arith.addi %mul3A_31, %add3A_132 : i32
      %dma_wait3A_134 = arith.constant 0 : i32
      %dma_wait3A_135 = tpu.memref_slice %arg6[%add3A_119, %dma_wait3A_134] : memref<16x128xi32, #tpu.memory_space<vmem>> -> memref<1x128xi32, #tpu.memory_space<vmem>>
      %dma_wait3A_136 = tpu.memref_squeeze %dma_wait3A_135 : memref<1x128xi32, #tpu.memory_space<vmem>> -> memref<128xi32, #tpu.memory_space<vmem>>
      %dma_wait3A_137 = arith.constant 0 : i32
      %dma_wait3A_138 = arith.constant 0 : i32
      %dma_wait3A_139 = tpu.memref_slice %arg11[%dma_wait3A_137, %dma_wait3A_138] : memref<10240x128xf32, #tpu.memory_space<vmem_shared>> -> memref<10240x128xf32, #tpu.memory_space<vmem_shared>>
      tpu.wait_indirect_dma semaphore(%arg10 : memref<!tpu.dma_semaphore, #tpu.memory_space<semaphore_mem>>) src(%arg7 : memref<128x128xf32, #tpu.memory_space<vmem>>) dst(%dma_wait3A_139 : memref<10240x128xf32, #tpu.memory_space<vmem_shared>>)
      %dma_start3A_140 = arith.constant 0 : i32
      %dma_start3A_141 = tpu.memref_slice %arg6[%add3A_133, %dma_start3A_140] : memref<16x128xi32, #tpu.memory_space<vmem>> -> memref<1x128xi32, #tpu.memory_space<vmem>>
      %dma_start3A_142 = tpu.memref_squeeze %dma_start3A_141 : memref<1x128xi32, #tpu.memory_space<vmem>> -> memref<128xi32, #tpu.memory_space<vmem>>
      %dma_start3A_143 = arith.constant 0 : i32
      %dma_start3A_144 = arith.constant 0 : i32
      %dma_start3A_145 = tpu.memref_slice %arg11[%dma_start3A_143, %dma_start3A_144] : memref<10240x128xf32, #tpu.memory_space<vmem_shared>> -> memref<10240x128xf32, #tpu.memory_space<vmem_shared>>
      tpu.enqueue_indirect_dma source(%arg7 : memref<128x128xf32, #tpu.memory_space<vmem>>) target(%dma_start3A_145 : memref<10240x128xf32, #tpu.memory_space<vmem_shared>>) offsets(%dma_start3A_142 : memref<128xi32, #tpu.memory_space<vmem>>) semaphore(%arg9 : memref<!tpu.dma_semaphore, #tpu.memory_space<semaphore_mem>>) {add = true}
      %add3A_146 = arith.constant 7 : i32
      %add3A_147 = arith.addi %mul3A_31, %add3A_146 : i32
      %dma_wait3A_148 = arith.constant 0 : i32
      %dma_wait3A_149 = tpu.memref_slice %arg6[%add3A_133, %dma_wait3A_148] : memref<16x128xi32, #tpu.memory_space<vmem>> -> memref<1x128xi32, #tpu.memory_space<vmem>>
      %dma_wait3A_150 = tpu.memref_squeeze %dma_wait3A_149 : memref<1x128xi32, #tpu.memory_space<vmem>> -> memref<128xi32, #tpu.memory_space<vmem>>
      %dma_wait3A_151 = arith.constant 0 : i32
      %dma_wait3A_152 = arith.constant 0 : i32
      %dma_wait3A_153 = tpu.memref_slice %arg11[%dma_wait3A_151, %dma_wait3A_152] : memref<10240x128xf32, #tpu.memory_space<vmem_shared>> -> memref<10240x128xf32, #tpu.memory_space<vmem_shared>>
      tpu.wait_indirect_dma semaphore(%arg9 : memref<!tpu.dma_semaphore, #tpu.memory_space<semaphore_mem>>) src(%arg7 : memref<128x128xf32, #tpu.memory_space<vmem>>) dst(%dma_wait3A_153 : memref<10240x128xf32, #tpu.memory_space<vmem_shared>>)
      %convert_element_type3A_154 = arith.extui %lt3A_54 : i1 to i32
      %cond3A_155 = arith.constant 0 : i32
      %cond3A_156 = arith.cmpi ne, %convert_element_type3A_154, %cond3A_155 : i32
      scf.if %cond3A_156 {
        %dma_wait3A_157 = arith.constant 0 : i32
        %dma_wait3A_158 = arith.constant 0 : i32
        %dma_wait3A_159 = tpu.memref_slice %arg6[%dma_wait3A_157, %dma_wait3A_158] : memref<16x128xi32, #tpu.memory_space<vmem>> -> memref<8x128xi32, #tpu.memory_space<vmem>>
        %dma_wait3A_160 = arith.constant 0 : i32
        %dma_wait3A_161 = arith.constant 0 : i32
        %dma_wait3A_162 = tpu.memref_slice %arg3[%dma_wait3A_160, %dma_wait3A_161] : memref<5000x128xi32, #tpu.memory_space<hbm>> -> memref<8x128xi32, #tpu.memory_space<hbm>>
        %dma_wait3A_163 = arith.constant 0 : i32
        %dma_wait3A_164 = arith.constant 0 : i32
        %dma_wait3A_165 = tpu.memref_slice %arg6[%dma_wait3A_163, %dma_wait3A_164] : memref<16x128xi32, #tpu.memory_space<vmem>> -> memref<8x128xi32, #tpu.memory_space<vmem>>
        %dma_wait3A_166 = arith.constant 0 : i32
        %dma_wait3A_167 = arith.constant 0 : i32
        %dma_wait3A_168 = tpu.memref_slice %arg3[%dma_wait3A_166, %dma_wait3A_167] : memref<5000x128xi32, #tpu.memory_space<hbm>> -> memref<8x128xi32, #tpu.memory_space<hbm>>
        tpu.wait_dma2 semaphore(%arg8 : memref<!tpu.dma_semaphore, #tpu.memory_space<semaphore_mem>>) src(%dma_wait3A_168 : memref<8x128xi32, #tpu.memory_space<hbm>>) dst(%dma_wait3A_165 : memref<8x128xi32, #tpu.memory_space<vmem>>)
      } else {
      }
      "tpu.region"() ({
        %run_scoped3A = tpu.sem_alloc : memref<!tpu.dma_semaphore, #tpu.memory_space<semaphore_mem>>
        %dma_start3A_157 = arith.constant 0 : i32
        %dma_start3A_158 = tpu.memref_slice %arg6[%add3A_147, %dma_start3A_157] : memref<16x128xi32, #tpu.memory_space<vmem>> -> memref<1x128xi32, #tpu.memory_space<vmem>>
        %dma_start3A_159 = tpu.memref_squeeze %dma_start3A_158 : memref<1x128xi32, #tpu.memory_space<vmem>> -> memref<128xi32, #tpu.memory_space<vmem>>
        %dma_start3A_160 = arith.constant 0 : i32
        %dma_start3A_161 = arith.constant 0 : i32
        %dma_start3A_162 = tpu.memref_slice %arg11[%dma_start3A_160, %dma_start3A_161] : memref<10240x128xf32, #tpu.memory_space<vmem_shared>> -> memref<10240x128xf32, #tpu.memory_space<vmem_shared>>
        tpu.enqueue_indirect_dma source(%arg7 : memref<128x128xf32, #tpu.memory_space<vmem>>) target(%dma_start3A_162 : memref<10240x128xf32, #tpu.memory_space<vmem_shared>>) offsets(%dma_start3A_159 : memref<128xi32, #tpu.memory_space<vmem>>) semaphore(%run_scoped3A : memref<!tpu.dma_semaphore, #tpu.memory_space<semaphore_mem>>) {add = true}
        %dma_wait3A_163 = arith.constant 0 : i32
        %dma_wait3A_164 = tpu.memref_slice %arg6[%add3A_147, %dma_wait3A_163] : memref<16x128xi32, #tpu.memory_space<vmem>> -> memref<1x128xi32, #tpu.memory_space<vmem>>
        %dma_wait3A_165 = tpu.memref_squeeze %dma_wait3A_164 : memref<1x128xi32, #tpu.memory_space<vmem>> -> memref<128xi32, #tpu.memory_space<vmem>>
        %dma_wait3A_166 = arith.constant 0 : i32
        %dma_wait3A_167 = arith.constant 0 : i32
        %dma_wait3A_168 = tpu.memref_slice %arg11[%dma_wait3A_166, %dma_wait3A_167] : memref<10240x128xf32, #tpu.memory_space<vmem_shared>> -> memref<10240x128xf32, #tpu.memory_space<vmem_shared>>
        tpu.wait_indirect_dma semaphore(%run_scoped3A : memref<!tpu.dma_semaphore, #tpu.memory_space<semaphore_mem>>) src(%arg7 : memref<128x128xf32, #tpu.memory_space<vmem>>) dst(%dma_wait3A_168 : memref<10240x128xf32, #tpu.memory_space<vmem_shared>>)
        tpu.yield
      }) : () -> ()
    }
    %while3A_15 = arith.constant 1 : i32
    scf.for %while3A_17 = %while3A_13 to %while3A_9 step %while3A_15  : i32 {
      %jit3A_18 = arith.constant 2 : i32
      %eq3A = arith.constant 0 : i32
      %eq3A_19 = arith.cmpi eq, %jit3A_18, %eq3A : i32
      %jit3A_20 = arith.constant 1 : i32
      %select_n3A_21 = arith.select %eq3A_19, %jit3A_20, %jit3A_18 : i32
      %rem3A = arith.remsi %while3A_17, %select_n3A_21 : i32
      %ne3A = arith.constant 0 : i32
      %ne3A_22 = arith.cmpi ne, %rem3A, %ne3A : i32
      %lt3A_23 = arith.constant 0 : i32
      %lt3A_24 = arith.cmpi slt, %rem3A, %lt3A_23 : i32
      %lt3A_25 = arith.constant 0 : i32
      %lt3A_26 = arith.cmpi slt, %select_n3A_21, %lt3A_25 : i32
      %ne3A_27 = arith.xori %lt3A_24, %lt3A_26 : i1
      %and3A = arith.andi %ne3A_27, %ne3A_22 : i1
      %add3A_28 = arith.addi %rem3A, %select_n3A_21 : i32
      %select_n3A_29 = arith.select %and3A, %add3A_28, %rem3A : i32
      %mul3A_30 = arith.constant 8 : i32
      %mul3A_31 = arith.muli %select_n3A_29, %mul3A_30 : i32
      %add3A_32 = arith.constant 1 : i32
      %add3A_33 = arith.addi %while3A_17, %add3A_32 : i32
      %jit3A_34 = arith.constant 2 : i32
      %eq3A_35 = arith.constant 0 : i32
      %eq3A_36 = arith.cmpi eq, %jit3A_34, %eq3A_35 : i32
      %jit3A_37 = arith.constant 1 : i32
      %select_n3A_38 = arith.select %eq3A_36, %jit3A_37, %jit3A_34 : i32
      %rem3A_39 = arith.remsi %add3A_33, %select_n3A_38 : i32
      %ne3A_40 = arith.constant 0 : i32
      %ne3A_41 = arith.cmpi ne, %rem3A_39, %ne3A_40 : i32
      %lt3A_42 = arith.constant 0 : i32
      %lt3A_43 = arith.cmpi slt, %rem3A_39, %lt3A_42 : i32
      %lt3A_44 = arith.constant 0 : i32
      %lt3A_45 = arith.cmpi slt, %select_n3A_38, %lt3A_44 : i32
      %ne3A_46 = arith.xori %lt3A_43, %lt3A_45 : i1
      %and3A_47 = arith.andi %ne3A_46, %ne3A_41 : i1
      %add3A_48 = arith.addi %rem3A_39, %select_n3A_38 : i32
      %select_n3A_49 = arith.select %and3A_47, %add3A_48, %rem3A_39 : i32
      %mul3A_50 = arith.constant 8 : i32
      %mul3A_51 = arith.muli %select_n3A_49, %mul3A_50 : i32
      %add3A_52 = arith.constant 1 : i32
      %add3A_53 = arith.addi %while3A_17, %add3A_52 : i32
      %lt3A_54 = arith.cmpi slt, %add3A_53, %select_n3A : i32
      %convert_element_type3A = arith.extui %lt3A_54 : i1 to i32
      %cond3A = arith.constant 0 : i32
      %cond3A_55 = arith.cmpi ne, %convert_element_type3A, %cond3A : i32
      scf.if %cond3A_55 {
        %add3A_157 = arith.constant 1 : i32
        %add3A_158 = arith.addi %while3A_17, %add3A_157 : i32
        %mul3A_159 = arith.constant 32 : i32
        %mul3A_160 = arith.muli %add3A_158, %mul3A_159 : i32
        %add3A_161 = arith.addi %add3A, %mul3A_160 : i32
        %mul3A_162 = arith.constant 8 : i32
        %mul3A_163 = arith.muli %add3A_161, %mul3A_162 : i32
        %dma_start3A_164 = arith.constant 0 : i32
        %dma_start3A_165 = tpu.memref_slice %arg6[%mul3A_51, %dma_start3A_164] : memref<16x128xi32, #tpu.memory_space<vmem>> -> memref<8x128xi32, #tpu.memory_space<vmem>>
        %dma_start3A_166 = arith.constant 0 : i32
        %dma_start3A_167 = tpu.memref_slice %arg3[%mul3A_163, %dma_start3A_166] : memref<5000x128xi32, #tpu.memory_space<hbm>> -> memref<8x128xi32, #tpu.memory_space<hbm>>
        %dma_start3A_168 = arith.constant 0 : i32
        %dma_start3A_169 = tpu.memref_slice %arg6[%mul3A_51, %dma_start3A_168] : memref<16x128xi32, #tpu.memory_space<vmem>> -> memref<8x128xi32, #tpu.memory_space<vmem>>
        %dma_start3A_170 = arith.constant 0 : i32
        %dma_start3A_171 = tpu.memref_slice %arg3[%mul3A_163, %dma_start3A_170] : memref<5000x128xi32, #tpu.memory_space<hbm>> -> memref<8x128xi32, #tpu.memory_space<hbm>>
        tpu.enqueue_dma source(%dma_start3A_171 : memref<8x128xi32, #tpu.memory_space<hbm>>) target(%dma_start3A_169 : memref<8x128xi32, #tpu.memory_space<vmem>>) target_semaphore(%arg8 : memref<!tpu.dma_semaphore, #tpu.memory_space<semaphore_mem>>)
      } else {
      }
      %add3A_56 = arith.constant 0 : i32
      %add3A_57 = arith.addi %mul3A_31, %add3A_56 : i32
      %dma_start3A = arith.constant 0 : i32
      %dma_start3A_58 = tpu.memref_slice %arg6[%add3A_57, %dma_start3A] : memref<16x128xi32, #tpu.memory_space<vmem>> -> memref<1x128xi32, #tpu.memory_space<vmem>>
      %dma_start3A_59 = tpu.memref_squeeze %dma_start3A_58 : memref<1x128xi32, #tpu.memory_space<vmem>> -> memref<128xi32, #tpu.memory_space<vmem>>
      %dma_start3A_60 = arith.constant 0 : i32
      %dma_start3A_61 = arith.constant 0 : i32
      %dma_start3A_62 = tpu.memref_slice %arg11[%dma_start3A_60, %dma_start3A_61] : memref<10240x128xf32, #tpu.memory_space<vmem_shared>> -> memref<10240x128xf32, #tpu.memory_space<vmem_shared>>
      tpu.enqueue_indirect_dma source(%arg7 : memref<128x128xf32, #tpu.memory_space<vmem>>) target(%dma_start3A_62 : memref<10240x128xf32, #tpu.memory_space<vmem_shared>>) offsets(%dma_start3A_59 : memref<128xi32, #tpu.memory_space<vmem>>) semaphore(%arg9 : memref<!tpu.dma_semaphore, #tpu.memory_space<semaphore_mem>>) {add = true}
      %add3A_63 = arith.constant 1 : i32
      %add3A_64 = arith.addi %mul3A_31, %add3A_63 : i32
      %dma_wait3A = arith.constant 0 : i32
      %dma_wait3A_65 = tpu.memref_slice %arg6[%add3A_57, %dma_wait3A] : memref<16x128xi32, #tpu.memory_space<vmem>> -> memref<1x128xi32, #tpu.memory_space<vmem>>
      %dma_wait3A_66 = tpu.memref_squeeze %dma_wait3A_65 : memref<1x128xi32, #tpu.memory_space<vmem>> -> memref<128xi32, #tpu.memory_space<vmem>>
      %dma_wait3A_67 = arith.constant 0 : i32
      %dma_wait3A_68 = arith.constant 0 : i32
      %dma_wait3A_69 = tpu.memref_slice %arg11[%dma_wait3A_67, %dma_wait3A_68] : memref<10240x128xf32, #tpu.memory_space<vmem_shared>> -> memref<10240x128xf32, #tpu.memory_space<vmem_shared>>
      tpu.wait_indirect_dma semaphore(%arg9 : memref<!tpu.dma_semaphore, #tpu.memory_space<semaphore_mem>>) src(%arg7 : memref<128x128xf32, #tpu.memory_space<vmem>>) dst(%dma_wait3A_69 : memref<10240x128xf32, #tpu.memory_space<vmem_shared>>)
      %dma_start3A_70 = arith.constant 0 : i32
      %dma_start3A_71 = tpu.memref_slice %arg6[%add3A_64, %dma_start3A_70] : memref<16x128xi32, #tpu.memory_space<vmem>> -> memref<1x128xi32, #tpu.memory_space<vmem>>
      %dma_start3A_72 = tpu.memref_squeeze %dma_start3A_71 : memref<1x128xi32, #tpu.memory_space<vmem>> -> memref<128xi32, #tpu.memory_space<vmem>>
      %dma_start3A_73 = arith.constant 0 : i32
      %dma_start3A_74 = arith.constant 0 : i32
      %dma_start3A_75 = tpu.memref_slice %arg11[%dma_start3A_73, %dma_start3A_74] : memref<10240x128xf32, #tpu.memory_space<vmem_shared>> -> memref<10240x128xf32, #tpu.memory_space<vmem_shared>>
      tpu.enqueue_indirect_dma source(%arg7 : memref<128x128xf32, #tpu.memory_space<vmem>>) target(%dma_start3A_75 : memref<10240x128xf32, #tpu.memory_space<vmem_shared>>) offsets(%dma_start3A_72 : memref<128xi32, #tpu.memory_space<vmem>>) semaphore(%arg10 : memref<!tpu.dma_semaphore, #tpu.memory_space<semaphore_mem>>) {add = true}
      %add3A_76 = arith.constant 2 : i32
      %add3A_77 = arith.addi %mul3A_31, %add3A_76 : i32
      %dma_wait3A_78 = arith.constant 0 : i32
      %dma_wait3A_79 = tpu.memref_slice %arg6[%add3A_64, %dma_wait3A_78] : memref<16x128xi32, #tpu.memory_space<vmem>> -> memref<1x128xi32, #tpu.memory_space<vmem>>
      %dma_wait3A_80 = tpu.memref_squeeze %dma_wait3A_79 : memref<1x128xi32, #tpu.memory_space<vmem>> -> memref<128xi32, #tpu.memory_space<vmem>>
      %dma_wait3A_81 = arith.constant 0 : i32
      %dma_wait3A_82 = arith.constant 0 : i32
      %dma_wait3A_83 = tpu.memref_slice %arg11[%dma_wait3A_81, %dma_wait3A_82] : memref<10240x128xf32, #tpu.memory_space<vmem_shared>> -> memref<10240x128xf32, #tpu.memory_space<vmem_shared>>
      tpu.wait_indirect_dma semaphore(%arg10 : memref<!tpu.dma_semaphore, #tpu.memory_space<semaphore_mem>>) src(%arg7 : memref<128x128xf32, #tpu.memory_space<vmem>>) dst(%dma_wait3A_83 : memref<10240x128xf32, #tpu.memory_space<vmem_shared>>)
      %dma_start3A_84 = arith.constant 0 : i32
      %dma_start3A_85 = tpu.memref_slice %arg6[%add3A_77, %dma_start3A_84] : memref<16x128xi32, #tpu.memory_space<vmem>> -> memref<1x128xi32, #tpu.memory_space<vmem>>
      %dma_start3A_86 = tpu.memref_squeeze %dma_start3A_85 : memref<1x128xi32, #tpu.memory_space<vmem>> -> memref<128xi32, #tpu.memory_space<vmem>>
      %dma_start3A_87 = arith.constant 0 : i32
      %dma_start3A_88 = arith.constant 0 : i32
      %dma_start3A_89 = tpu.memref_slice %arg11[%dma_start3A_87, %dma_start3A_88] : memref<10240x128xf32, #tpu.memory_space<vmem_shared>> -> memref<10240x128xf32, #tpu.memory_space<vmem_shared>>
      tpu.enqueue_indirect_dma source(%arg7 : memref<128x128xf32, #tpu.memory_space<vmem>>) target(%dma_start3A_89 : memref<10240x128xf32, #tpu.memory_space<vmem_shared>>) offsets(%dma_start3A_86 : memref<128xi32, #tpu.memory_space<vmem>>) semaphore(%arg9 : memref<!tpu.dma_semaphore, #tpu.memory_space<semaphore_mem>>) {add = true}
      %add3A_90 = arith.constant 3 : i32
      %add3A_91 = arith.addi %mul3A_31, %add3A_90 : i32
      %dma_wait3A_92 = arith.constant 0 : i32
      %dma_wait3A_93 = tpu.memref_slice %arg6[%add3A_77, %dma_wait3A_92] : memref<16x128xi32, #tpu.memory_space<vmem>> -> memref<1x128xi32, #tpu.memory_space<vmem>>
      %dma_wait3A_94 = tpu.memref_squeeze %dma_wait3A_93 : memref<1x128xi32, #tpu.memory_space<vmem>> -> memref<128xi32, #tpu.memory_space<vmem>>
      %dma_wait3A_95 = arith.constant 0 : i32
      %dma_wait3A_96 = arith.constant 0 : i32
      %dma_wait3A_97 = tpu.memref_slice %arg11[%dma_wait3A_95, %dma_wait3A_96] : memref<10240x128xf32, #tpu.memory_space<vmem_shared>> -> memref<10240x128xf32, #tpu.memory_space<vmem_shared>>
      tpu.wait_indirect_dma semaphore(%arg9 : memref<!tpu.dma_semaphore, #tpu.memory_space<semaphore_mem>>) src(%arg7 : memref<128x128xf32, #tpu.memory_space<vmem>>) dst(%dma_wait3A_97 : memref<10240x128xf32, #tpu.memory_space<vmem_shared>>)
      %dma_start3A_98 = arith.constant 0 : i32
      %dma_start3A_99 = tpu.memref_slice %arg6[%add3A_91, %dma_start3A_98] : memref<16x128xi32, #tpu.memory_space<vmem>> -> memref<1x128xi32, #tpu.memory_space<vmem>>
      %dma_start3A_100 = tpu.memref_squeeze %dma_start3A_99 : memref<1x128xi32, #tpu.memory_space<vmem>> -> memref<128xi32, #tpu.memory_space<vmem>>
      %dma_start3A_101 = arith.constant 0 : i32
      %dma_start3A_102 = arith.constant 0 : i32
      %dma_start3A_103 = tpu.memref_slice %arg11[%dma_start3A_101, %dma_start3A_102] : memref<10240x128xf32, #tpu.memory_space<vmem_shared>> -> memref<10240x128xf32, #tpu.memory_space<vmem_shared>>
      tpu.enqueue_indirect_dma source(%arg7 : memref<128x128xf32, #tpu.memory_space<vmem>>) target(%dma_start3A_103 : memref<10240x128xf32, #tpu.memory_space<vmem_shared>>) offsets(%dma_start3A_100 : memref<128xi32, #tpu.memory_space<vmem>>) semaphore(%arg10 : memref<!tpu.dma_semaphore, #tpu.memory_space<semaphore_mem>>) {add = true}
      %add3A_104 = arith.constant 4 : i32
      %add3A_105 = arith.addi %mul3A_31, %add3A_104 : i32
      %dma_wait3A_106 = arith.constant 0 : i32
      %dma_wait3A_107 = tpu.memref_slice %arg6[%add3A_91, %dma_wait3A_106] : memref<16x128xi32, #tpu.memory_space<vmem>> -> memref<1x128xi32, #tpu.memory_space<vmem>>
      %dma_wait3A_108 = tpu.memref_squeeze %dma_wait3A_107 : memref<1x128xi32, #tpu.memory_space<vmem>> -> memref<128xi32, #tpu.memory_space<vmem>>
      %dma_wait3A_109 = arith.constant 0 : i32
      %dma_wait3A_110 = arith.constant 0 : i32
      %dma_wait3A_111 = tpu.memref_slice %arg11[%dma_wait3A_109, %dma_wait3A_110] : memref<10240x128xf32, #tpu.memory_space<vmem_shared>> -> memref<10240x128xf32, #tpu.memory_space<vmem_shared>>
      tpu.wait_indirect_dma semaphore(%arg10 : memref<!tpu.dma_semaphore, #tpu.memory_space<semaphore_mem>>) src(%arg7 : memref<128x128xf32, #tpu.memory_space<vmem>>) dst(%dma_wait3A_111 : memref<10240x128xf32, #tpu.memory_space<vmem_shared>>)
      %dma_start3A_112 = arith.constant 0 : i32
      %dma_start3A_113 = tpu.memref_slice %arg6[%add3A_105, %dma_start3A_112] : memref<16x128xi32, #tpu.memory_space<vmem>> -> memref<1x128xi32, #tpu.memory_space<vmem>>
      %dma_start3A_114 = tpu.memref_squeeze %dma_start3A_113 : memref<1x128xi32, #tpu.memory_space<vmem>> -> memref<128xi32, #tpu.memory_space<vmem>>
      %dma_start3A_115 = arith.constant 0 : i32
      %dma_start3A_116 = arith.constant 0 : i32
      %dma_start3A_117 = tpu.memref_slice %arg11[%dma_start3A_115, %dma_start3A_116] : memref<10240x128xf32, #tpu.memory_space<vmem_shared>> -> memref<10240x128xf32, #tpu.memory_space<vmem_shared>>
      tpu.enqueue_indirect_dma source(%arg7 : memref<128x128xf32, #tpu.memory_space<vmem>>) target(%dma_start3A_117 : memref<10240x128xf32, #tpu.memory_space<vmem_shared>>) offsets(%dma_start3A_114 : memref<128xi32, #tpu.memory_space<vmem>>) semaphore(%arg9 : memref<!tpu.dma_semaphore, #tpu.memory_space<semaphore_mem>>) {add = true}
      %add3A_118 = arith.constant 5 : i32
      %add3A_119 = arith.addi %mul3A_31, %add3A_118 : i32
      %dma_wait3A_120 = arith.constant 0 : i32
      %dma_wait3A_121 = tpu.memref_slice %arg6[%add3A_105, %dma_wait3A_120] : memref<16x128xi32, #tpu.memory_space<vmem>> -> memref<1x128xi32, #tpu.memory_space<vmem>>
      %dma_wait3A_122 = tpu.memref_squeeze %dma_wait3A_121 : memref<1x128xi32, #tpu.memory_space<vmem>> -> memref<128xi32, #tpu.memory_space<vmem>>
      %dma_wait3A_123 = arith.constant 0 : i32
      %dma_wait3A_124 = arith.constant 0 : i32
      %dma_wait3A_125 = tpu.memref_slice %arg11[%dma_wait3A_123, %dma_wait3A_124] : memref<10240x128xf32, #tpu.memory_space<vmem_shared>> -> memref<10240x128xf32, #tpu.memory_space<vmem_shared>>
      tpu.wait_indirect_dma semaphore(%arg9 : memref<!tpu.dma_semaphore, #tpu.memory_space<semaphore_mem>>) src(%arg7 : memref<128x128xf32, #tpu.memory_space<vmem>>) dst(%dma_wait3A_125 : memref<10240x128xf32, #tpu.memory_space<vmem_shared>>)
      %dma_start3A_126 = arith.constant 0 : i32
      %dma_start3A_127 = tpu.memref_slice %arg6[%add3A_119, %dma_start3A_126] : memref<16x128xi32, #tpu.memory_space<vmem>> -> memref<1x128xi32, #tpu.memory_space<vmem>>
      %dma_start3A_128 = tpu.memref_squeeze %dma_start3A_127 : memref<1x128xi32, #tpu.memory_space<vmem>> -> memref<128xi32, #tpu.memory_space<vmem>>
      %dma_start3A_129 = arith.constant 0 : i32
      %dma_start3A_130 = arith.constant 0 : i32
      %dma_start3A_131 = tpu.memref_slice %arg11[%dma_start3A_129, %dma_start3A_130] : memref<10240x128xf32, #tpu.memory_space<vmem_shared>> -> memref<10240x128xf32, #tpu.memory_space<vmem_shared>>
      tpu.enqueue_indirect_dma source(%arg7 : memref<128x128xf32, #tpu.memory_space<vmem>>) target(%dma_start3A_131 : memref<10240x128xf32, #tpu.memory_space<vmem_shared>>) offsets(%dma_start3A_128 : memref<128xi32, #tpu.memory_space<vmem>>) semaphore(%arg10 : memref<!tpu.dma_semaphore, #tpu.memory_space<semaphore_mem>>) {add = true}
      %add3A_132 = arith.constant 6 : i32
      %add3A_133 = arith.addi %mul3A_31, %add3A_132 : i32
      %dma_wait3A_134 = arith.constant 0 : i32
      %dma_wait3A_135 = tpu.memref_slice %arg6[%add3A_119, %dma_wait3A_134] : memref<16x128xi32, #tpu.memory_space<vmem>> -> memref<1x128xi32, #tpu.memory_space<vmem>>
      %dma_wait3A_136 = tpu.memref_squeeze %dma_wait3A_135 : memref<1x128xi32, #tpu.memory_space<vmem>> -> memref<128xi32, #tpu.memory_space<vmem>>
      %dma_wait3A_137 = arith.constant 0 : i32
      %dma_wait3A_138 = arith.constant 0 : i32
      %dma_wait3A_139 = tpu.memref_slice %arg11[%dma_wait3A_137, %dma_wait3A_138] : memref<10240x128xf32, #tpu.memory_space<vmem_shared>> -> memref<10240x128xf32, #tpu.memory_space<vmem_shared>>
      tpu.wait_indirect_dma semaphore(%arg10 : memref<!tpu.dma_semaphore, #tpu.memory_space<semaphore_mem>>) src(%arg7 : memref<128x128xf32, #tpu.memory_space<vmem>>) dst(%dma_wait3A_139 : memref<10240x128xf32, #tpu.memory_space<vmem_shared>>)
      %dma_start3A_140 = arith.constant 0 : i32
      %dma_start3A_141 = tpu.memref_slice %arg6[%add3A_133, %dma_start3A_140] : memref<16x128xi32, #tpu.memory_space<vmem>> -> memref<1x128xi32, #tpu.memory_space<vmem>>
      %dma_start3A_142 = tpu.memref_squeeze %dma_start3A_141 : memref<1x128xi32, #tpu.memory_space<vmem>> -> memref<128xi32, #tpu.memory_space<vmem>>
      %dma_start3A_143 = arith.constant 0 : i32
      %dma_start3A_144 = arith.constant 0 : i32
      %dma_start3A_145 = tpu.memref_slice %arg11[%dma_start3A_143, %dma_start3A_144] : memref<10240x128xf32, #tpu.memory_space<vmem_shared>> -> memref<10240x128xf32, #tpu.memory_space<vmem_shared>>
      tpu.enqueue_indirect_dma source(%arg7 : memref<128x128xf32, #tpu.memory_space<vmem>>) target(%dma_start3A_145 : memref<10240x128xf32, #tpu.memory_space<vmem_shared>>) offsets(%dma_start3A_142 : memref<128xi32, #tpu.memory_space<vmem>>) semaphore(%arg9 : memref<!tpu.dma_semaphore, #tpu.memory_space<semaphore_mem>>) {add = true}
      %add3A_146 = arith.constant 7 : i32
      %add3A_147 = arith.addi %mul3A_31, %add3A_146 : i32
      %dma_wait3A_148 = arith.constant 0 : i32
      %dma_wait3A_149 = tpu.memref_slice %arg6[%add3A_133, %dma_wait3A_148] : memref<16x128xi32, #tpu.memory_space<vmem>> -> memref<1x128xi32, #tpu.memory_space<vmem>>
      %dma_wait3A_150 = tpu.memref_squeeze %dma_wait3A_149 : memref<1x128xi32, #tpu.memory_space<vmem>> -> memref<128xi32, #tpu.memory_space<vmem>>
      %dma_wait3A_151 = arith.constant 0 : i32
      %dma_wait3A_152 = arith.constant 0 : i32
      %dma_wait3A_153 = tpu.memref_slice %arg11[%dma_wait3A_151, %dma_wait3A_152] : memref<10240x128xf32, #tpu.memory_space<vmem_shared>> -> memref<10240x128xf32, #tpu.memory_space<vmem_shared>>
      tpu.wait_indirect_dma semaphore(%arg9 : memref<!tpu.dma_semaphore, #tpu.memory_space<semaphore_mem>>) src(%arg7 : memref<128x128xf32, #tpu.memory_space<vmem>>) dst(%dma_wait3A_153 : memref<10240x128xf32, #tpu.memory_space<vmem_shared>>)
      %convert_element_type3A_154 = arith.extui %lt3A_54 : i1 to i32
      %cond3A_155 = arith.constant 0 : i32
      %cond3A_156 = arith.cmpi ne, %convert_element_type3A_154, %cond3A_155 : i32
      scf.if %cond3A_156 {
        %dma_wait3A_157 = arith.constant 0 : i32
        %dma_wait3A_158 = arith.constant 0 : i32
        %dma_wait3A_159 = tpu.memref_slice %arg6[%dma_wait3A_157, %dma_wait3A_158] : memref<16x128xi32, #tpu.memory_space<vmem>> -> memref<8x128xi32, #tpu.memory_space<vmem>>
        %dma_wait3A_160 = arith.constant 0 : i32
        %dma_wait3A_161 = arith.constant 0 : i32
        %dma_wait3A_162 = tpu.memref_slice %arg3[%dma_wait3A_160, %dma_wait3A_161] : memref<5000x128xi32, #tpu.memory_space<hbm>> -> memref<8x128xi32, #tpu.memory_space<hbm>>
        %dma_wait3A_163 = arith.constant 0 : i32
        %dma_wait3A_164 = arith.constant 0 : i32
        %dma_wait3A_165 = tpu.memref_slice %arg6[%dma_wait3A_163, %dma_wait3A_164] : memref<16x128xi32, #tpu.memory_space<vmem>> -> memref<8x128xi32, #tpu.memory_space<vmem>>
        %dma_wait3A_166 = arith.constant 0 : i32
        %dma_wait3A_167 = arith.constant 0 : i32
        %dma_wait3A_168 = tpu.memref_slice %arg3[%dma_wait3A_166, %dma_wait3A_167] : memref<5000x128xi32, #tpu.memory_space<hbm>> -> memref<8x128xi32, #tpu.memory_space<hbm>>
        tpu.wait_dma2 semaphore(%arg8 : memref<!tpu.dma_semaphore, #tpu.memory_space<semaphore_mem>>) src(%dma_wait3A_168 : memref<8x128xi32, #tpu.memory_space<hbm>>) dst(%dma_wait3A_165 : memref<8x128xi32, #tpu.memory_space<vmem>>)
      } else {
      }
      "tpu.region"() ({
        %run_scoped3A = tpu.sem_alloc : memref<!tpu.dma_semaphore, #tpu.memory_space<semaphore_mem>>
        %dma_start3A_157 = arith.constant 0 : i32
        %dma_start3A_158 = tpu.memref_slice %arg6[%add3A_147, %dma_start3A_157] : memref<16x128xi32, #tpu.memory_space<vmem>> -> memref<1x128xi32, #tpu.memory_space<vmem>>
        %dma_start3A_159 = tpu.memref_squeeze %dma_start3A_158 : memref<1x128xi32, #tpu.memory_space<vmem>> -> memref<128xi32, #tpu.memory_space<vmem>>
        %dma_start3A_160 = arith.constant 0 : i32
        %dma_start3A_161 = arith.constant 0 : i32
        %dma_start3A_162 = tpu.memref_slice %arg11[%dma_start3A_160, %dma_start3A_161] : memref<10240x128xf32, #tpu.memory_space<vmem_shared>> -> memref<10240x128xf32, #tpu.memory_space<vmem_shared>>
        tpu.enqueue_indirect_dma source(%arg7 : memref<128x128xf32, #tpu.memory_space<vmem>>) target(%dma_start3A_162 : memref<10240x128xf32, #tpu.memory_space<vmem_shared>>) offsets(%dma_start3A_159 : memref<128xi32, #tpu.memory_space<vmem>>) semaphore(%run_scoped3A : memref<!tpu.dma_semaphore, #tpu.memory_space<semaphore_mem>>) {add = true}
        %dma_wait3A_163 = arith.constant 0 : i32
        %dma_wait3A_164 = tpu.memref_slice %arg6[%add3A_147, %dma_wait3A_163] : memref<16x128xi32, #tpu.memory_space<vmem>> -> memref<1x128xi32, #tpu.memory_space<vmem>>
        %dma_wait3A_165 = tpu.memref_squeeze %dma_wait3A_164 : memref<1x128xi32, #tpu.memory_space<vmem>> -> memref<128xi32, #tpu.memory_space<vmem>>
        %dma_wait3A_166 = arith.constant 0 : i32
        %dma_wait3A_167 = arith.constant 0 : i32
        %dma_wait3A_168 = tpu.memref_slice %arg11[%dma_wait3A_166, %dma_wait3A_167] : memref<10240x128xf32, #tpu.memory_space<vmem_shared>> -> memref<10240x128xf32, #tpu.memory_space<vmem_shared>>
        tpu.wait_indirect_dma semaphore(%run_scoped3A : memref<!tpu.dma_semaphore, #tpu.memory_space<semaphore_mem>>) src(%arg7 : memref<128x128xf32, #tpu.memory_space<vmem>>) dst(%dma_wait3A_168 : memref<10240x128xf32, #tpu.memory_space<vmem_shared>>)
        tpu.yield
      }) : () -> ()
    }
    %barrier3A_16 = arith.constant 0 : index
    tpu.barrier barrier_id(%barrier3A_16)
    "tpu.region"() ({
      %run_scoped3A = tpu.sem_alloc : memref<!tpu.dma_semaphore, #tpu.memory_space<semaphore_mem>>
      %dma_start3A = arith.constant 0 : i32
      %dma_start3A_17 = tpu.memref_slice %arg5[%arg0, %mul3A_2, %dma_start3A] : memref<2x10240x128xf32, #tpu.memory_space<hbm>> -> memref<1x640x128xf32, #tpu.memory_space<hbm>>
      %dma_start3A_18 = tpu.memref_squeeze %dma_start3A_17 : memref<1x640x128xf32, #tpu.memory_space<hbm>> -> memref<640x128xf32, #tpu.memory_space<hbm>>
      %dma_start3A_19 = arith.constant 0 : i32
      %dma_start3A_20 = tpu.memref_slice %arg11[%mul3A_2, %dma_start3A_19] : memref<10240x128xf32, #tpu.memory_space<vmem_shared>> -> memref<640x128xf32, #tpu.memory_space<vmem_shared>>
      tpu.enqueue_dma source(%dma_start3A_20 : memref<640x128xf32, #tpu.memory_space<vmem_shared>>) target(%dma_start3A_18 : memref<640x128xf32, #tpu.memory_space<hbm>>) target_semaphore(%run_scoped3A : memref<!tpu.dma_semaphore, #tpu.memory_space<semaphore_mem>>)
      %dma_wait3A = arith.constant 0 : i32
      %dma_wait3A_21 = tpu.memref_slice %arg5[%arg0, %mul3A_2, %dma_wait3A] : memref<2x10240x128xf32, #tpu.memory_space<hbm>> -> memref<1x640x128xf32, #tpu.memory_space<hbm>>
      %dma_wait3A_22 = tpu.memref_squeeze %dma_wait3A_21 : memref<1x640x128xf32, #tpu.memory_space<hbm>> -> memref<640x128xf32, #tpu.memory_space<hbm>>
      %dma_wait3A_23 = arith.constant 0 : i32
      %dma_wait3A_24 = tpu.memref_slice %arg11[%mul3A_2, %dma_wait3A_23] : memref<10240x128xf32, #tpu.memory_space<vmem_shared>> -> memref<640x128xf32, #tpu.memory_space<vmem_shared>>
      tpu.wait_dma2 semaphore(%run_scoped3A : memref<!tpu.dma_semaphore, #tpu.memory_space<semaphore_mem>>) src(%dma_wait3A_24 : memref<640x128xf32, #tpu.memory_space<vmem_shared>>) dst(%dma_wait3A_22 : memref<640x128xf32, #tpu.memory_space<hbm>>)
      tpu.yield
    }) : () -> ()
    return
  }
}

#map = affine_map<(d0, d1) -> (0, 0)>
#map1 = affine_map<(d0, d1) -> (0, 0, 0)>
module attributes {stable_mosaic.version = 14 : i64} {
  func.func @_agg_body(%arg0: i32, %arg1: i32, %arg2: memref<10240x128xf32, #tpu.memory_space<hbm>>, %arg3: memref<5000x128xi32, #tpu.memory_space<hbm>>, %arg4: memref<5000x128xi32, #tpu.memory_space<hbm>>, %arg5: memref<10240x128xf32, #tpu.memory_space<hbm>>, %arg6: memref<2x10240x128xf32, #tpu.memory_space<hbm>>, %arg7: memref<16x128xi32, #tpu.memory_space<vmem>>, %arg8: memref<16x128xi32, #tpu.memory_space<vmem>>, %arg9: memref<128x128xf32, #tpu.memory_space<vmem>>, %arg10: memref<128x128xf32, #tpu.memory_space<vmem>>, %arg11: memref<!tpu.dma_semaphore, #tpu.memory_space<semaphore_mem>>, %arg12: memref<!tpu.dma_semaphore, #tpu.memory_space<semaphore_mem>>, %arg13: memref<!tpu.dma_semaphore, #tpu.memory_space<semaphore_mem>>, %arg14: memref<!tpu.dma_semaphore, #tpu.memory_space<semaphore_mem>>, %arg15: memref<!tpu.dma_semaphore, #tpu.memory_space<semaphore_mem>>, %arg16: memref<10240x128xf32, #tpu.memory_space<vmem_shared>>) attributes {dimension_semantics = [#tpu.dimension_semantics<core_parallel>, #tpu.dimension_semantics<subcore_parallel>], iteration_bounds = array<i64: 2, 16>, scalar_prefetch = 0 : i64, scratch_operands = 10 : i64, tpu.core_type = #tpu.core_type<sc_vector_subcore>, window_params = [{transform_indices = #map}, {transform_indices = #map}, {transform_indices = #map}, {transform_indices = #map}, {transform_indices = #map1}]} {
    %mul3A = arith.constant 2 : i32
    %mul3A_0 = arith.muli %arg1, %mul3A : i32
    %add3A = arith.addi %mul3A_0, %arg0 : i32
    %mul3A_1 = arith.constant 640 : i32
    %mul3A_2 = arith.muli %arg1, %mul3A_1 : i32
    %lt3A = arith.constant 17 : i32
    %lt3A_3 = arith.cmpi slt, %add3A, %lt3A : i32
    %jit3A = arith.constant 20 : i32
    %jit3A_4 = arith.constant 19 : i32
    %select_n3A = arith.select %lt3A_3, %jit3A, %jit3A_4 : i32
    "tpu.region"() ({
      %run_scoped3A = tpu.sem_alloc : memref<!tpu.dma_semaphore, #tpu.memory_space<semaphore_mem>>
      %dma_start3A_23 = arith.constant 0 : i32
      %dma_start3A_24 = tpu.memref_slice %arg16[%mul3A_2, %dma_start3A_23] : memref<10240x128xf32, #tpu.memory_space<vmem_shared>> -> memref<640x128xf32, #tpu.memory_space<vmem_shared>>
      %dma_start3A_25 = arith.constant 0 : i32
      %dma_start3A_26 = tpu.memref_slice %arg5[%mul3A_2, %dma_start3A_25] : memref<10240x128xf32, #tpu.memory_space<hbm>> -> memref<640x128xf32, #tpu.memory_space<hbm>>
      tpu.enqueue_dma source(%dma_start3A_26 : memref<640x128xf32, #tpu.memory_space<hbm>>) target(%dma_start3A_24 : memref<640x128xf32, #tpu.memory_space<vmem_shared>>) target_semaphore(%run_scoped3A : memref<!tpu.dma_semaphore, #tpu.memory_space<semaphore_mem>>)
      %dma_wait3A = arith.constant 0 : i32
      %dma_wait3A_27 = tpu.memref_slice %arg16[%mul3A_2, %dma_wait3A] : memref<10240x128xf32, #tpu.memory_space<vmem_shared>> -> memref<640x128xf32, #tpu.memory_space<vmem_shared>>
      %dma_wait3A_28 = arith.constant 0 : i32
      %dma_wait3A_29 = tpu.memref_slice %arg5[%mul3A_2, %dma_wait3A_28] : memref<10240x128xf32, #tpu.memory_space<hbm>> -> memref<640x128xf32, #tpu.memory_space<hbm>>
      tpu.wait_dma2 semaphore(%run_scoped3A : memref<!tpu.dma_semaphore, #tpu.memory_space<semaphore_mem>>) src(%dma_wait3A_29 : memref<640x128xf32, #tpu.memory_space<hbm>>) dst(%dma_wait3A_27 : memref<640x128xf32, #tpu.memory_space<vmem_shared>>)
      tpu.yield
    }) : () -> ()
    %mul3A_5 = arith.constant 8 : i32
    %mul3A_6 = arith.muli %add3A, %mul3A_5 : i32
    "tpu.region"() ({
      %run_scoped3A = tpu.sem_alloc : memref<!tpu.dma_semaphore, #tpu.memory_space<semaphore_mem>>
      %dma_start3A_23 = arith.constant 0 : i32
      %dma_start3A_24 = arith.constant 0 : i32
      %dma_start3A_25 = tpu.memref_slice %arg7[%dma_start3A_23, %dma_start3A_24] : memref<16x128xi32, #tpu.memory_space<vmem>> -> memref<8x128xi32, #tpu.memory_space<vmem>>
      %dma_start3A_26 = arith.constant 0 : i32
      %dma_start3A_27 = tpu.memref_slice %arg3[%mul3A_6, %dma_start3A_26] : memref<5000x128xi32, #tpu.memory_space<hbm>> -> memref<8x128xi32, #tpu.memory_space<hbm>>
      %dma_start3A_28 = arith.constant 0 : i32
      %dma_start3A_29 = arith.constant 0 : i32
      %dma_start3A_30 = tpu.memref_slice %arg7[%dma_start3A_28, %dma_start3A_29] : memref<16x128xi32, #tpu.memory_space<vmem>> -> memref<8x128xi32, #tpu.memory_space<vmem>>
      %dma_start3A_31 = arith.constant 0 : i32
      %dma_start3A_32 = tpu.memref_slice %arg3[%mul3A_6, %dma_start3A_31] : memref<5000x128xi32, #tpu.memory_space<hbm>> -> memref<8x128xi32, #tpu.memory_space<hbm>>
      tpu.enqueue_dma source(%dma_start3A_32 : memref<8x128xi32, #tpu.memory_space<hbm>>) target(%dma_start3A_30 : memref<8x128xi32, #tpu.memory_space<vmem>>) target_semaphore(%run_scoped3A : memref<!tpu.dma_semaphore, #tpu.memory_space<semaphore_mem>>)
      %dma_wait3A = arith.constant 0 : i32
      %dma_wait3A_33 = arith.constant 0 : i32
      %dma_wait3A_34 = tpu.memref_slice %arg7[%dma_wait3A, %dma_wait3A_33] : memref<16x128xi32, #tpu.memory_space<vmem>> -> memref<8x128xi32, #tpu.memory_space<vmem>>
      %dma_wait3A_35 = arith.constant 0 : i32
      %dma_wait3A_36 = tpu.memref_slice %arg3[%mul3A_6, %dma_wait3A_35] : memref<5000x128xi32, #tpu.memory_space<hbm>> -> memref<8x128xi32, #tpu.memory_space<hbm>>
      %dma_wait3A_37 = arith.constant 0 : i32
      %dma_wait3A_38 = arith.constant 0 : i32
      %dma_wait3A_39 = tpu.memref_slice %arg7[%dma_wait3A_37, %dma_wait3A_38] : memref<16x128xi32, #tpu.memory_space<vmem>> -> memref<8x128xi32, #tpu.memory_space<vmem>>
      %dma_wait3A_40 = arith.constant 0 : i32
      %dma_wait3A_41 = tpu.memref_slice %arg3[%mul3A_6, %dma_wait3A_40] : memref<5000x128xi32, #tpu.memory_space<hbm>> -> memref<8x128xi32, #tpu.memory_space<hbm>>
      tpu.wait_dma2 semaphore(%run_scoped3A : memref<!tpu.dma_semaphore, #tpu.memory_space<semaphore_mem>>) src(%dma_wait3A_41 : memref<8x128xi32, #tpu.memory_space<hbm>>) dst(%dma_wait3A_39 : memref<8x128xi32, #tpu.memory_space<vmem>>)
      tpu.yield
    }) : () -> ()
    "tpu.region"() ({
      %run_scoped3A = tpu.sem_alloc : memref<!tpu.dma_semaphore, #tpu.memory_space<semaphore_mem>>
      %dma_start3A_23 = arith.constant 0 : i32
      %dma_start3A_24 = arith.constant 0 : i32
      %dma_start3A_25 = tpu.memref_slice %arg8[%dma_start3A_23, %dma_start3A_24] : memref<16x128xi32, #tpu.memory_space<vmem>> -> memref<8x128xi32, #tpu.memory_space<vmem>>
      %dma_start3A_26 = arith.constant 0 : i32
      %dma_start3A_27 = tpu.memref_slice %arg4[%mul3A_6, %dma_start3A_26] : memref<5000x128xi32, #tpu.memory_space<hbm>> -> memref<8x128xi32, #tpu.memory_space<hbm>>
      %dma_start3A_28 = arith.constant 0 : i32
      %dma_start3A_29 = arith.constant 0 : i32
      %dma_start3A_30 = tpu.memref_slice %arg8[%dma_start3A_28, %dma_start3A_29] : memref<16x128xi32, #tpu.memory_space<vmem>> -> memref<8x128xi32, #tpu.memory_space<vmem>>
      %dma_start3A_31 = arith.constant 0 : i32
      %dma_start3A_32 = tpu.memref_slice %arg4[%mul3A_6, %dma_start3A_31] : memref<5000x128xi32, #tpu.memory_space<hbm>> -> memref<8x128xi32, #tpu.memory_space<hbm>>
      tpu.enqueue_dma source(%dma_start3A_32 : memref<8x128xi32, #tpu.memory_space<hbm>>) target(%dma_start3A_30 : memref<8x128xi32, #tpu.memory_space<vmem>>) target_semaphore(%run_scoped3A : memref<!tpu.dma_semaphore, #tpu.memory_space<semaphore_mem>>)
      %dma_wait3A = arith.constant 0 : i32
      %dma_wait3A_33 = arith.constant 0 : i32
      %dma_wait3A_34 = tpu.memref_slice %arg8[%dma_wait3A, %dma_wait3A_33] : memref<16x128xi32, #tpu.memory_space<vmem>> -> memref<8x128xi32, #tpu.memory_space<vmem>>
      %dma_wait3A_35 = arith.constant 0 : i32
      %dma_wait3A_36 = tpu.memref_slice %arg4[%mul3A_6, %dma_wait3A_35] : memref<5000x128xi32, #tpu.memory_space<hbm>> -> memref<8x128xi32, #tpu.memory_space<hbm>>
      %dma_wait3A_37 = arith.constant 0 : i32
      %dma_wait3A_38 = arith.constant 0 : i32
      %dma_wait3A_39 = tpu.memref_slice %arg8[%dma_wait3A_37, %dma_wait3A_38] : memref<16x128xi32, #tpu.memory_space<vmem>> -> memref<8x128xi32, #tpu.memory_space<vmem>>
      %dma_wait3A_40 = arith.constant 0 : i32
      %dma_wait3A_41 = tpu.memref_slice %arg4[%mul3A_6, %dma_wait3A_40] : memref<5000x128xi32, #tpu.memory_space<hbm>> -> memref<8x128xi32, #tpu.memory_space<hbm>>
      tpu.wait_dma2 semaphore(%run_scoped3A : memref<!tpu.dma_semaphore, #tpu.memory_space<semaphore_mem>>) src(%dma_wait3A_41 : memref<8x128xi32, #tpu.memory_space<hbm>>) dst(%dma_wait3A_39 : memref<8x128xi32, #tpu.memory_space<vmem>>)
      tpu.yield
    }) : () -> ()
    %barrier3A = arith.constant 0 : index
    tpu.barrier barrier_id(%barrier3A)
    %dma_start3A = arith.constant 0 : i32
    %dma_start3A_7 = arith.constant 0 : i32
    %dma_start3A_8 = tpu.memref_slice %arg7[%dma_start3A, %dma_start3A_7] : memref<16x128xi32, #tpu.memory_space<vmem>> -> memref<1x128xi32, #tpu.memory_space<vmem>>
    %dma_start3A_9 = tpu.memref_squeeze %dma_start3A_8 : memref<1x128xi32, #tpu.memory_space<vmem>> -> memref<128xi32, #tpu.memory_space<vmem>>
    %dma_start3A_10 = arith.constant 0 : i32
    %dma_start3A_11 = arith.constant 0 : i32
    %dma_start3A_12 = tpu.memref_slice %arg2[%dma_start3A_10, %dma_start3A_11] : memref<10240x128xf32, #tpu.memory_space<hbm>> -> memref<10240x128xf32, #tpu.memory_space<hbm>>
    tpu.enqueue_indirect_dma source(%dma_start3A_12 : memref<10240x128xf32, #tpu.memory_space<hbm>>) target(%arg9 : memref<128x128xf32, #tpu.memory_space<vmem>>) offsets(%dma_start3A_9 : memref<128xi32, #tpu.memory_space<vmem>>) semaphore(%arg12 : memref<!tpu.dma_semaphore, #tpu.memory_space<semaphore_mem>>)
    %while3A = arith.constant 0 : i32
    %while3A_13 = arith.constant 0 : i32
    %while3A_14 = arith.subi %select_n3A, %while3A_13 : i32
    %while3A_15 = arith.addi %while3A_13, %while3A_14 : i32
    %while3A_16 = arith.constant 1 : i32
    %while3A_17 = arith.divsi %while3A_14, %while3A_16 : i32
    %while3A_18 = arith.muli %while3A_17, %while3A_16 : i32
    %while3A_19 = arith.addi %while3A_13, %while3A_18 : i32
    %while3A_20 = arith.constant 1 : i32
    scf.for %while3A_23 = %while3A_13 to %while3A_19 step %while3A_20  : i32 {
      %jit3A_24 = arith.constant 2 : i32
      %eq3A = arith.constant 0 : i32
      %eq3A_25 = arith.cmpi eq, %jit3A_24, %eq3A : i32
      %jit3A_26 = arith.constant 1 : i32
      %select_n3A_27 = arith.select %eq3A_25, %jit3A_26, %jit3A_24 : i32
      %rem3A = arith.remsi %while3A_23, %select_n3A_27 : i32
      %ne3A = arith.constant 0 : i32
      %ne3A_28 = arith.cmpi ne, %rem3A, %ne3A : i32
      %lt3A_29 = arith.constant 0 : i32
      %lt3A_30 = arith.cmpi slt, %rem3A, %lt3A_29 : i32
      %lt3A_31 = arith.constant 0 : i32
      %lt3A_32 = arith.cmpi slt, %select_n3A_27, %lt3A_31 : i32
      %ne3A_33 = arith.xori %lt3A_30, %lt3A_32 : i1
      %and3A = arith.andi %ne3A_33, %ne3A_28 : i1
      %add3A_34 = arith.addi %rem3A, %select_n3A_27 : i32
      %select_n3A_35 = arith.select %and3A, %add3A_34, %rem3A : i32
      %mul3A_36 = arith.constant 8 : i32
      %mul3A_37 = arith.muli %select_n3A_35, %mul3A_36 : i32
      %add3A_38 = arith.constant 1 : i32
      %add3A_39 = arith.addi %while3A_23, %add3A_38 : i32
      %jit3A_40 = arith.constant 2 : i32
      %eq3A_41 = arith.constant 0 : i32
      %eq3A_42 = arith.cmpi eq, %jit3A_40, %eq3A_41 : i32
      %jit3A_43 = arith.constant 1 : i32
      %select_n3A_44 = arith.select %eq3A_42, %jit3A_43, %jit3A_40 : i32
      %rem3A_45 = arith.remsi %add3A_39, %select_n3A_44 : i32
      %ne3A_46 = arith.constant 0 : i32
      %ne3A_47 = arith.cmpi ne, %rem3A_45, %ne3A_46 : i32
      %lt3A_48 = arith.constant 0 : i32
      %lt3A_49 = arith.cmpi slt, %rem3A_45, %lt3A_48 : i32
      %lt3A_50 = arith.constant 0 : i32
      %lt3A_51 = arith.cmpi slt, %select_n3A_44, %lt3A_50 : i32
      %ne3A_52 = arith.xori %lt3A_49, %lt3A_51 : i1
      %and3A_53 = arith.andi %ne3A_52, %ne3A_47 : i1
      %add3A_54 = arith.addi %rem3A_45, %select_n3A_44 : i32
      %select_n3A_55 = arith.select %and3A_53, %add3A_54, %rem3A_45 : i32
      %mul3A_56 = arith.constant 8 : i32
      %mul3A_57 = arith.muli %select_n3A_55, %mul3A_56 : i32
      %add3A_58 = arith.constant 1 : i32
      %add3A_59 = arith.addi %while3A_23, %add3A_58 : i32
      %lt3A_60 = arith.cmpi slt, %add3A_59, %select_n3A : i32
      %convert_element_type3A = arith.extui %lt3A_60 : i1 to i32
      %cond3A = arith.constant 0 : i32
      %cond3A_61 = arith.cmpi ne, %convert_element_type3A, %cond3A : i32
      scf.if %cond3A_61 {
        %add3A_268 = arith.constant 1 : i32
        %add3A_269 = arith.addi %while3A_23, %add3A_268 : i32
        %mul3A_270 = arith.constant 32 : i32
        %mul3A_271 = arith.muli %add3A_269, %mul3A_270 : i32
        %add3A_272 = arith.addi %add3A, %mul3A_271 : i32
        %mul3A_273 = arith.constant 8 : i32
        %mul3A_274 = arith.muli %add3A_272, %mul3A_273 : i32
        %dma_start3A_275 = arith.constant 0 : i32
        %dma_start3A_276 = tpu.memref_slice %arg7[%mul3A_57, %dma_start3A_275] : memref<16x128xi32, #tpu.memory_space<vmem>> -> memref<8x128xi32, #tpu.memory_space<vmem>>
        %dma_start3A_277 = arith.constant 0 : i32
        %dma_start3A_278 = tpu.memref_slice %arg3[%mul3A_274, %dma_start3A_277] : memref<5000x128xi32, #tpu.memory_space<hbm>> -> memref<8x128xi32, #tpu.memory_space<hbm>>
        %dma_start3A_279 = arith.constant 0 : i32
        %dma_start3A_280 = tpu.memref_slice %arg7[%mul3A_57, %dma_start3A_279] : memref<16x128xi32, #tpu.memory_space<vmem>> -> memref<8x128xi32, #tpu.memory_space<vmem>>
        %dma_start3A_281 = arith.constant 0 : i32
        %dma_start3A_282 = tpu.memref_slice %arg3[%mul3A_274, %dma_start3A_281] : memref<5000x128xi32, #tpu.memory_space<hbm>> -> memref<8x128xi32, #tpu.memory_space<hbm>>
        tpu.enqueue_dma source(%dma_start3A_282 : memref<8x128xi32, #tpu.memory_space<hbm>>) target(%dma_start3A_280 : memref<8x128xi32, #tpu.memory_space<vmem>>) target_semaphore(%arg11 : memref<!tpu.dma_semaphore, #tpu.memory_space<semaphore_mem>>)
        %dma_start3A_283 = arith.constant 0 : i32
        %dma_start3A_284 = tpu.memref_slice %arg8[%mul3A_57, %dma_start3A_283] : memref<16x128xi32, #tpu.memory_space<vmem>> -> memref<8x128xi32, #tpu.memory_space<vmem>>
        %dma_start3A_285 = arith.constant 0 : i32
        %dma_start3A_286 = tpu.memref_slice %arg4[%mul3A_274, %dma_start3A_285] : memref<5000x128xi32, #tpu.memory_space<hbm>> -> memref<8x128xi32, #tpu.memory_space<hbm>>
        %dma_start3A_287 = arith.constant 0 : i32
        %dma_start3A_288 = tpu.memref_slice %arg8[%mul3A_57, %dma_start3A_287] : memref<16x128xi32, #tpu.memory_space<vmem>> -> memref<8x128xi32, #tpu.memory_space<vmem>>
        %dma_start3A_289 = arith.constant 0 : i32
        %dma_start3A_290 = tpu.memref_slice %arg4[%mul3A_274, %dma_start3A_289] : memref<5000x128xi32, #tpu.memory_space<hbm>> -> memref<8x128xi32, #tpu.memory_space<hbm>>
        tpu.enqueue_dma source(%dma_start3A_290 : memref<8x128xi32, #tpu.memory_space<hbm>>) target(%dma_start3A_288 : memref<8x128xi32, #tpu.memory_space<vmem>>) target_semaphore(%arg11 : memref<!tpu.dma_semaphore, #tpu.memory_space<semaphore_mem>>)
      } else {
      }
      %add3A_62 = arith.constant 0 : i32
      %add3A_63 = arith.addi %mul3A_37, %add3A_62 : i32
      %add3A_64 = arith.constant 1 : i32
      %add3A_65 = arith.addi %add3A_63, %add3A_64 : i32
      %dma_start3A_66 = arith.constant 0 : i32
      %dma_start3A_67 = tpu.memref_slice %arg7[%add3A_65, %dma_start3A_66] : memref<16x128xi32, #tpu.memory_space<vmem>> -> memref<1x128xi32, #tpu.memory_space<vmem>>
      %dma_start3A_68 = tpu.memref_squeeze %dma_start3A_67 : memref<1x128xi32, #tpu.memory_space<vmem>> -> memref<128xi32, #tpu.memory_space<vmem>>
      %dma_start3A_69 = arith.constant 0 : i32
      %dma_start3A_70 = arith.constant 0 : i32
      %dma_start3A_71 = tpu.memref_slice %arg2[%dma_start3A_69, %dma_start3A_70] : memref<10240x128xf32, #tpu.memory_space<hbm>> -> memref<10240x128xf32, #tpu.memory_space<hbm>>
      tpu.enqueue_indirect_dma source(%dma_start3A_71 : memref<10240x128xf32, #tpu.memory_space<hbm>>) target(%arg10 : memref<128x128xf32, #tpu.memory_space<vmem>>) offsets(%dma_start3A_68 : memref<128xi32, #tpu.memory_space<vmem>>) semaphore(%arg13 : memref<!tpu.dma_semaphore, #tpu.memory_space<semaphore_mem>>)
      %dma_wait3A = arith.constant 0 : i32
      %dma_wait3A_72 = arith.constant 0 : i32
      %dma_wait3A_73 = tpu.memref_slice %arg5[%dma_wait3A, %dma_wait3A_72] : memref<10240x128xf32, #tpu.memory_space<hbm>> -> memref<128x128xf32, #tpu.memory_space<hbm>>
      %dma_wait3A_74 = arith.constant 0 : i32
      %dma_wait3A_75 = arith.constant 0 : i32
      %dma_wait3A_76 = tpu.memref_slice %arg5[%dma_wait3A_74, %dma_wait3A_75] : memref<10240x128xf32, #tpu.memory_space<hbm>> -> memref<128x128xf32, #tpu.memory_space<hbm>>
      tpu.wait_dma2 semaphore(%arg12 : memref<!tpu.dma_semaphore, #tpu.memory_space<semaphore_mem>>) src(%dma_wait3A_76 : memref<128x128xf32, #tpu.memory_space<hbm>>) dst(%arg9 : memref<128x128xf32, #tpu.memory_space<vmem>>)
      %dma_start3A_77 = arith.constant 0 : i32
      %dma_start3A_78 = tpu.memref_slice %arg8[%add3A_63, %dma_start3A_77] : memref<16x128xi32, #tpu.memory_space<vmem>> -> memref<1x128xi32, #tpu.memory_space<vmem>>
      %dma_start3A_79 = tpu.memref_squeeze %dma_start3A_78 : memref<1x128xi32, #tpu.memory_space<vmem>> -> memref<128xi32, #tpu.memory_space<vmem>>
      %dma_start3A_80 = arith.constant 0 : i32
      %dma_start3A_81 = arith.constant 0 : i32
      %dma_start3A_82 = tpu.memref_slice %arg16[%dma_start3A_80, %dma_start3A_81] : memref<10240x128xf32, #tpu.memory_space<vmem_shared>> -> memref<10240x128xf32, #tpu.memory_space<vmem_shared>>
      tpu.enqueue_indirect_dma source(%arg9 : memref<128x128xf32, #tpu.memory_space<vmem>>) target(%dma_start3A_82 : memref<10240x128xf32, #tpu.memory_space<vmem_shared>>) offsets(%dma_start3A_79 : memref<128xi32, #tpu.memory_space<vmem>>) semaphore(%arg14 : memref<!tpu.dma_semaphore, #tpu.memory_space<semaphore_mem>>) {add = true}
      %add3A_83 = arith.constant 1 : i32
      %add3A_84 = arith.addi %mul3A_37, %add3A_83 : i32
      %dma_wait3A_85 = arith.constant 0 : i32
      %dma_wait3A_86 = tpu.memref_slice %arg8[%add3A_63, %dma_wait3A_85] : memref<16x128xi32, #tpu.memory_space<vmem>> -> memref<1x128xi32, #tpu.memory_space<vmem>>
      %dma_wait3A_87 = tpu.memref_squeeze %dma_wait3A_86 : memref<1x128xi32, #tpu.memory_space<vmem>> -> memref<128xi32, #tpu.memory_space<vmem>>
      %dma_wait3A_88 = arith.constant 0 : i32
      %dma_wait3A_89 = arith.constant 0 : i32
      %dma_wait3A_90 = tpu.memref_slice %arg16[%dma_wait3A_88, %dma_wait3A_89] : memref<10240x128xf32, #tpu.memory_space<vmem_shared>> -> memref<10240x128xf32, #tpu.memory_space<vmem_shared>>
      tpu.wait_indirect_dma semaphore(%arg14 : memref<!tpu.dma_semaphore, #tpu.memory_space<semaphore_mem>>) src(%arg9 : memref<128x128xf32, #tpu.memory_space<vmem>>) dst(%dma_wait3A_90 : memref<10240x128xf32, #tpu.memory_space<vmem_shared>>)
      %add3A_91 = arith.constant 1 : i32
      %add3A_92 = arith.addi %add3A_84, %add3A_91 : i32
      %dma_start3A_93 = arith.constant 0 : i32
      %dma_start3A_94 = tpu.memref_slice %arg7[%add3A_92, %dma_start3A_93] : memref<16x128xi32, #tpu.memory_space<vmem>> -> memref<1x128xi32, #tpu.memory_space<vmem>>
      %dma_start3A_95 = tpu.memref_squeeze %dma_start3A_94 : memref<1x128xi32, #tpu.memory_space<vmem>> -> memref<128xi32, #tpu.memory_space<vmem>>
      %dma_start3A_96 = arith.constant 0 : i32
      %dma_start3A_97 = arith.constant 0 : i32
      %dma_start3A_98 = tpu.memref_slice %arg2[%dma_start3A_96, %dma_start3A_97] : memref<10240x128xf32, #tpu.memory_space<hbm>> -> memref<10240x128xf32, #tpu.memory_space<hbm>>
      tpu.enqueue_indirect_dma source(%dma_start3A_98 : memref<10240x128xf32, #tpu.memory_space<hbm>>) target(%arg9 : memref<128x128xf32, #tpu.memory_space<vmem>>) offsets(%dma_start3A_95 : memref<128xi32, #tpu.memory_space<vmem>>) semaphore(%arg12 : memref<!tpu.dma_semaphore, #tpu.memory_space<semaphore_mem>>)
      %dma_wait3A_99 = arith.constant 0 : i32
      %dma_wait3A_100 = arith.constant 0 : i32
      %dma_wait3A_101 = tpu.memref_slice %arg5[%dma_wait3A_99, %dma_wait3A_100] : memref<10240x128xf32, #tpu.memory_space<hbm>> -> memref<128x128xf32, #tpu.memory_space<hbm>>
      %dma_wait3A_102 = arith.constant 0 : i32
      %dma_wait3A_103 = arith.constant 0 : i32
      %dma_wait3A_104 = tpu.memref_slice %arg5[%dma_wait3A_102, %dma_wait3A_103] : memref<10240x128xf32, #tpu.memory_space<hbm>> -> memref<128x128xf32, #tpu.memory_space<hbm>>
      tpu.wait_dma2 semaphore(%arg13 : memref<!tpu.dma_semaphore, #tpu.memory_space<semaphore_mem>>) src(%dma_wait3A_104 : memref<128x128xf32, #tpu.memory_space<hbm>>) dst(%arg10 : memref<128x128xf32, #tpu.memory_space<vmem>>)
      %dma_start3A_105 = arith.constant 0 : i32
      %dma_start3A_106 = tpu.memref_slice %arg8[%add3A_84, %dma_start3A_105] : memref<16x128xi32, #tpu.memory_space<vmem>> -> memref<1x128xi32, #tpu.memory_space<vmem>>
      %dma_start3A_107 = tpu.memref_squeeze %dma_start3A_106 : memref<1x128xi32, #tpu.memory_space<vmem>> -> memref<128xi32, #tpu.memory_space<vmem>>
      %dma_start3A_108 = arith.constant 0 : i32
      %dma_start3A_109 = arith.constant 0 : i32
      %dma_start3A_110 = tpu.memref_slice %arg16[%dma_start3A_108, %dma_start3A_109] : memref<10240x128xf32, #tpu.memory_space<vmem_shared>> -> memref<10240x128xf32, #tpu.memory_space<vmem_shared>>
      tpu.enqueue_indirect_dma source(%arg10 : memref<128x128xf32, #tpu.memory_space<vmem>>) target(%dma_start3A_110 : memref<10240x128xf32, #tpu.memory_space<vmem_shared>>) offsets(%dma_start3A_107 : memref<128xi32, #tpu.memory_space<vmem>>) semaphore(%arg15 : memref<!tpu.dma_semaphore, #tpu.memory_space<semaphore_mem>>) {add = true}
      %add3A_111 = arith.constant 2 : i32
      %add3A_112 = arith.addi %mul3A_37, %add3A_111 : i32
      %dma_wait3A_113 = arith.constant 0 : i32
      %dma_wait3A_114 = tpu.memref_slice %arg8[%add3A_84, %dma_wait3A_113] : memref<16x128xi32, #tpu.memory_space<vmem>> -> memref<1x128xi32, #tpu.memory_space<vmem>>
      %dma_wait3A_115 = tpu.memref_squeeze %dma_wait3A_114 : memref<1x128xi32, #tpu.memory_space<vmem>> -> memref<128xi32, #tpu.memory_space<vmem>>
      %dma_wait3A_116 = arith.constant 0 : i32
      %dma_wait3A_117 = arith.constant 0 : i32
      %dma_wait3A_118 = tpu.memref_slice %arg16[%dma_wait3A_116, %dma_wait3A_117] : memref<10240x128xf32, #tpu.memory_space<vmem_shared>> -> memref<10240x128xf32, #tpu.memory_space<vmem_shared>>
      tpu.wait_indirect_dma semaphore(%arg15 : memref<!tpu.dma_semaphore, #tpu.memory_space<semaphore_mem>>) src(%arg10 : memref<128x128xf32, #tpu.memory_space<vmem>>) dst(%dma_wait3A_118 : memref<10240x128xf32, #tpu.memory_space<vmem_shared>>)
      %add3A_119 = arith.constant 1 : i32
      %add3A_120 = arith.addi %add3A_112, %add3A_119 : i32
      %dma_start3A_121 = arith.constant 0 : i32
      %dma_start3A_122 = tpu.memref_slice %arg7[%add3A_120, %dma_start3A_121] : memref<16x128xi32, #tpu.memory_space<vmem>> -> memref<1x128xi32, #tpu.memory_space<vmem>>
      %dma_start3A_123 = tpu.memref_squeeze %dma_start3A_122 : memref<1x128xi32, #tpu.memory_space<vmem>> -> memref<128xi32, #tpu.memory_space<vmem>>
      %dma_start3A_124 = arith.constant 0 : i32
      %dma_start3A_125 = arith.constant 0 : i32
      %dma_start3A_126 = tpu.memref_slice %arg2[%dma_start3A_124, %dma_start3A_125] : memref<10240x128xf32, #tpu.memory_space<hbm>> -> memref<10240x128xf32, #tpu.memory_space<hbm>>
      tpu.enqueue_indirect_dma source(%dma_start3A_126 : memref<10240x128xf32, #tpu.memory_space<hbm>>) target(%arg10 : memref<128x128xf32, #tpu.memory_space<vmem>>) offsets(%dma_start3A_123 : memref<128xi32, #tpu.memory_space<vmem>>) semaphore(%arg13 : memref<!tpu.dma_semaphore, #tpu.memory_space<semaphore_mem>>)
      %dma_wait3A_127 = arith.constant 0 : i32
      %dma_wait3A_128 = arith.constant 0 : i32
      %dma_wait3A_129 = tpu.memref_slice %arg5[%dma_wait3A_127, %dma_wait3A_128] : memref<10240x128xf32, #tpu.memory_space<hbm>> -> memref<128x128xf32, #tpu.memory_space<hbm>>
      %dma_wait3A_130 = arith.constant 0 : i32
      %dma_wait3A_131 = arith.constant 0 : i32
      %dma_wait3A_132 = tpu.memref_slice %arg5[%dma_wait3A_130, %dma_wait3A_131] : memref<10240x128xf32, #tpu.memory_space<hbm>> -> memref<128x128xf32, #tpu.memory_space<hbm>>
      tpu.wait_dma2 semaphore(%arg12 : memref<!tpu.dma_semaphore, #tpu.memory_space<semaphore_mem>>) src(%dma_wait3A_132 : memref<128x128xf32, #tpu.memory_space<hbm>>) dst(%arg9 : memref<128x128xf32, #tpu.memory_space<vmem>>)
      %dma_start3A_133 = arith.constant 0 : i32
      %dma_start3A_134 = tpu.memref_slice %arg8[%add3A_112, %dma_start3A_133] : memref<16x128xi32, #tpu.memory_space<vmem>> -> memref<1x128xi32, #tpu.memory_space<vmem>>
      %dma_start3A_135 = tpu.memref_squeeze %dma_start3A_134 : memref<1x128xi32, #tpu.memory_space<vmem>> -> memref<128xi32, #tpu.memory_space<vmem>>
      %dma_start3A_136 = arith.constant 0 : i32
      %dma_start3A_137 = arith.constant 0 : i32
      %dma_start3A_138 = tpu.memref_slice %arg16[%dma_start3A_136, %dma_start3A_137] : memref<10240x128xf32, #tpu.memory_space<vmem_shared>> -> memref<10240x128xf32, #tpu.memory_space<vmem_shared>>
      tpu.enqueue_indirect_dma source(%arg9 : memref<128x128xf32, #tpu.memory_space<vmem>>) target(%dma_start3A_138 : memref<10240x128xf32, #tpu.memory_space<vmem_shared>>) offsets(%dma_start3A_135 : memref<128xi32, #tpu.memory_space<vmem>>) semaphore(%arg14 : memref<!tpu.dma_semaphore, #tpu.memory_space<semaphore_mem>>) {add = true}
      %add3A_139 = arith.constant 3 : i32
      %add3A_140 = arith.addi %mul3A_37, %add3A_139 : i32
      %dma_wait3A_141 = arith.constant 0 : i32
      %dma_wait3A_142 = tpu.memref_slice %arg8[%add3A_112, %dma_wait3A_141] : memref<16x128xi32, #tpu.memory_space<vmem>> -> memref<1x128xi32, #tpu.memory_space<vmem>>
      %dma_wait3A_143 = tpu.memref_squeeze %dma_wait3A_142 : memref<1x128xi32, #tpu.memory_space<vmem>> -> memref<128xi32, #tpu.memory_space<vmem>>
      %dma_wait3A_144 = arith.constant 0 : i32
      %dma_wait3A_145 = arith.constant 0 : i32
      %dma_wait3A_146 = tpu.memref_slice %arg16[%dma_wait3A_144, %dma_wait3A_145] : memref<10240x128xf32, #tpu.memory_space<vmem_shared>> -> memref<10240x128xf32, #tpu.memory_space<vmem_shared>>
      tpu.wait_indirect_dma semaphore(%arg14 : memref<!tpu.dma_semaphore, #tpu.memory_space<semaphore_mem>>) src(%arg9 : memref<128x128xf32, #tpu.memory_space<vmem>>) dst(%dma_wait3A_146 : memref<10240x128xf32, #tpu.memory_space<vmem_shared>>)
      %add3A_147 = arith.constant 1 : i32
      %add3A_148 = arith.addi %add3A_140, %add3A_147 : i32
      %dma_start3A_149 = arith.constant 0 : i32
      %dma_start3A_150 = tpu.memref_slice %arg7[%add3A_148, %dma_start3A_149] : memref<16x128xi32, #tpu.memory_space<vmem>> -> memref<1x128xi32, #tpu.memory_space<vmem>>
      %dma_start3A_151 = tpu.memref_squeeze %dma_start3A_150 : memref<1x128xi32, #tpu.memory_space<vmem>> -> memref<128xi32, #tpu.memory_space<vmem>>
      %dma_start3A_152 = arith.constant 0 : i32
      %dma_start3A_153 = arith.constant 0 : i32
      %dma_start3A_154 = tpu.memref_slice %arg2[%dma_start3A_152, %dma_start3A_153] : memref<10240x128xf32, #tpu.memory_space<hbm>> -> memref<10240x128xf32, #tpu.memory_space<hbm>>
      tpu.enqueue_indirect_dma source(%dma_start3A_154 : memref<10240x128xf32, #tpu.memory_space<hbm>>) target(%arg9 : memref<128x128xf32, #tpu.memory_space<vmem>>) offsets(%dma_start3A_151 : memref<128xi32, #tpu.memory_space<vmem>>) semaphore(%arg12 : memref<!tpu.dma_semaphore, #tpu.memory_space<semaphore_mem>>)
      %dma_wait3A_155 = arith.constant 0 : i32
      %dma_wait3A_156 = arith.constant 0 : i32
      %dma_wait3A_157 = tpu.memref_slice %arg5[%dma_wait3A_155, %dma_wait3A_156] : memref<10240x128xf32, #tpu.memory_space<hbm>> -> memref<128x128xf32, #tpu.memory_space<hbm>>
      %dma_wait3A_158 = arith.constant 0 : i32
      %dma_wait3A_159 = arith.constant 0 : i32
      %dma_wait3A_160 = tpu.memref_slice %arg5[%dma_wait3A_158, %dma_wait3A_159] : memref<10240x128xf32, #tpu.memory_space<hbm>> -> memref<128x128xf32, #tpu.memory_space<hbm>>
      tpu.wait_dma2 semaphore(%arg13 : memref<!tpu.dma_semaphore, #tpu.memory_space<semaphore_mem>>) src(%dma_wait3A_160 : memref<128x128xf32, #tpu.memory_space<hbm>>) dst(%arg10 : memref<128x128xf32, #tpu.memory_space<vmem>>)
      %dma_start3A_161 = arith.constant 0 : i32
      %dma_start3A_162 = tpu.memref_slice %arg8[%add3A_140, %dma_start3A_161] : memref<16x128xi32, #tpu.memory_space<vmem>> -> memref<1x128xi32, #tpu.memory_space<vmem>>
      %dma_start3A_163 = tpu.memref_squeeze %dma_start3A_162 : memref<1x128xi32, #tpu.memory_space<vmem>> -> memref<128xi32, #tpu.memory_space<vmem>>
      %dma_start3A_164 = arith.constant 0 : i32
      %dma_start3A_165 = arith.constant 0 : i32
      %dma_start3A_166 = tpu.memref_slice %arg16[%dma_start3A_164, %dma_start3A_165] : memref<10240x128xf32, #tpu.memory_space<vmem_shared>> -> memref<10240x128xf32, #tpu.memory_space<vmem_shared>>
      tpu.enqueue_indirect_dma source(%arg10 : memref<128x128xf32, #tpu.memory_space<vmem>>) target(%dma_start3A_166 : memref<10240x128xf32, #tpu.memory_space<vmem_shared>>) offsets(%dma_start3A_163 : memref<128xi32, #tpu.memory_space<vmem>>) semaphore(%arg15 : memref<!tpu.dma_semaphore, #tpu.memory_space<semaphore_mem>>) {add = true}
      %add3A_167 = arith.constant 4 : i32
      %add3A_168 = arith.addi %mul3A_37, %add3A_167 : i32
      %dma_wait3A_169 = arith.constant 0 : i32
      %dma_wait3A_170 = tpu.memref_slice %arg8[%add3A_140, %dma_wait3A_169] : memref<16x128xi32, #tpu.memory_space<vmem>> -> memref<1x128xi32, #tpu.memory_space<vmem>>
      %dma_wait3A_171 = tpu.memref_squeeze %dma_wait3A_170 : memref<1x128xi32, #tpu.memory_space<vmem>> -> memref<128xi32, #tpu.memory_space<vmem>>
      %dma_wait3A_172 = arith.constant 0 : i32
      %dma_wait3A_173 = arith.constant 0 : i32
      %dma_wait3A_174 = tpu.memref_slice %arg16[%dma_wait3A_172, %dma_wait3A_173] : memref<10240x128xf32, #tpu.memory_space<vmem_shared>> -> memref<10240x128xf32, #tpu.memory_space<vmem_shared>>
      tpu.wait_indirect_dma semaphore(%arg15 : memref<!tpu.dma_semaphore, #tpu.memory_space<semaphore_mem>>) src(%arg10 : memref<128x128xf32, #tpu.memory_space<vmem>>) dst(%dma_wait3A_174 : memref<10240x128xf32, #tpu.memory_space<vmem_shared>>)
      %add3A_175 = arith.constant 1 : i32
      %add3A_176 = arith.addi %add3A_168, %add3A_175 : i32
      %dma_start3A_177 = arith.constant 0 : i32
      %dma_start3A_178 = tpu.memref_slice %arg7[%add3A_176, %dma_start3A_177] : memref<16x128xi32, #tpu.memory_space<vmem>> -> memref<1x128xi32, #tpu.memory_space<vmem>>
      %dma_start3A_179 = tpu.memref_squeeze %dma_start3A_178 : memref<1x128xi32, #tpu.memory_space<vmem>> -> memref<128xi32, #tpu.memory_space<vmem>>
      %dma_start3A_180 = arith.constant 0 : i32
      %dma_start3A_181 = arith.constant 0 : i32
      %dma_start3A_182 = tpu.memref_slice %arg2[%dma_start3A_180, %dma_start3A_181] : memref<10240x128xf32, #tpu.memory_space<hbm>> -> memref<10240x128xf32, #tpu.memory_space<hbm>>
      tpu.enqueue_indirect_dma source(%dma_start3A_182 : memref<10240x128xf32, #tpu.memory_space<hbm>>) target(%arg10 : memref<128x128xf32, #tpu.memory_space<vmem>>) offsets(%dma_start3A_179 : memref<128xi32, #tpu.memory_space<vmem>>) semaphore(%arg13 : memref<!tpu.dma_semaphore, #tpu.memory_space<semaphore_mem>>)
      %dma_wait3A_183 = arith.constant 0 : i32
      %dma_wait3A_184 = arith.constant 0 : i32
      %dma_wait3A_185 = tpu.memref_slice %arg5[%dma_wait3A_183, %dma_wait3A_184] : memref<10240x128xf32, #tpu.memory_space<hbm>> -> memref<128x128xf32, #tpu.memory_space<hbm>>
      %dma_wait3A_186 = arith.constant 0 : i32
      %dma_wait3A_187 = arith.constant 0 : i32
      %dma_wait3A_188 = tpu.memref_slice %arg5[%dma_wait3A_186, %dma_wait3A_187] : memref<10240x128xf32, #tpu.memory_space<hbm>> -> memref<128x128xf32, #tpu.memory_space<hbm>>
      tpu.wait_dma2 semaphore(%arg12 : memref<!tpu.dma_semaphore, #tpu.memory_space<semaphore_mem>>) src(%dma_wait3A_188 : memref<128x128xf32, #tpu.memory_space<hbm>>) dst(%arg9 : memref<128x128xf32, #tpu.memory_space<vmem>>)
      %dma_start3A_189 = arith.constant 0 : i32
      %dma_start3A_190 = tpu.memref_slice %arg8[%add3A_168, %dma_start3A_189] : memref<16x128xi32, #tpu.memory_space<vmem>> -> memref<1x128xi32, #tpu.memory_space<vmem>>
      %dma_start3A_191 = tpu.memref_squeeze %dma_start3A_190 : memref<1x128xi32, #tpu.memory_space<vmem>> -> memref<128xi32, #tpu.memory_space<vmem>>
      %dma_start3A_192 = arith.constant 0 : i32
      %dma_start3A_193 = arith.constant 0 : i32
      %dma_start3A_194 = tpu.memref_slice %arg16[%dma_start3A_192, %dma_start3A_193] : memref<10240x128xf32, #tpu.memory_space<vmem_shared>> -> memref<10240x128xf32, #tpu.memory_space<vmem_shared>>
      tpu.enqueue_indirect_dma source(%arg9 : memref<128x128xf32, #tpu.memory_space<vmem>>) target(%dma_start3A_194 : memref<10240x128xf32, #tpu.memory_space<vmem_shared>>) offsets(%dma_start3A_191 : memref<128xi32, #tpu.memory_space<vmem>>) semaphore(%arg14 : memref<!tpu.dma_semaphore, #tpu.memory_space<semaphore_mem>>) {add = true}
      %add3A_195 = arith.constant 5 : i32
      %add3A_196 = arith.addi %mul3A_37, %add3A_195 : i32
      %dma_wait3A_197 = arith.constant 0 : i32
      %dma_wait3A_198 = tpu.memref_slice %arg8[%add3A_168, %dma_wait3A_197] : memref<16x128xi32, #tpu.memory_space<vmem>> -> memref<1x128xi32, #tpu.memory_space<vmem>>
      %dma_wait3A_199 = tpu.memref_squeeze %dma_wait3A_198 : memref<1x128xi32, #tpu.memory_space<vmem>> -> memref<128xi32, #tpu.memory_space<vmem>>
      %dma_wait3A_200 = arith.constant 0 : i32
      %dma_wait3A_201 = arith.constant 0 : i32
      %dma_wait3A_202 = tpu.memref_slice %arg16[%dma_wait3A_200, %dma_wait3A_201] : memref<10240x128xf32, #tpu.memory_space<vmem_shared>> -> memref<10240x128xf32, #tpu.memory_space<vmem_shared>>
      tpu.wait_indirect_dma semaphore(%arg14 : memref<!tpu.dma_semaphore, #tpu.memory_space<semaphore_mem>>) src(%arg9 : memref<128x128xf32, #tpu.memory_space<vmem>>) dst(%dma_wait3A_202 : memref<10240x128xf32, #tpu.memory_space<vmem_shared>>)
      %add3A_203 = arith.constant 1 : i32
      %add3A_204 = arith.addi %add3A_196, %add3A_203 : i32
      %dma_start3A_205 = arith.constant 0 : i32
      %dma_start3A_206 = tpu.memref_slice %arg7[%add3A_204, %dma_start3A_205] : memref<16x128xi32, #tpu.memory_space<vmem>> -> memref<1x128xi32, #tpu.memory_space<vmem>>
      %dma_start3A_207 = tpu.memref_squeeze %dma_start3A_206 : memref<1x128xi32, #tpu.memory_space<vmem>> -> memref<128xi32, #tpu.memory_space<vmem>>
      %dma_start3A_208 = arith.constant 0 : i32
      %dma_start3A_209 = arith.constant 0 : i32
      %dma_start3A_210 = tpu.memref_slice %arg2[%dma_start3A_208, %dma_start3A_209] : memref<10240x128xf32, #tpu.memory_space<hbm>> -> memref<10240x128xf32, #tpu.memory_space<hbm>>
      tpu.enqueue_indirect_dma source(%dma_start3A_210 : memref<10240x128xf32, #tpu.memory_space<hbm>>) target(%arg9 : memref<128x128xf32, #tpu.memory_space<vmem>>) offsets(%dma_start3A_207 : memref<128xi32, #tpu.memory_space<vmem>>) semaphore(%arg12 : memref<!tpu.dma_semaphore, #tpu.memory_space<semaphore_mem>>)
      %dma_wait3A_211 = arith.constant 0 : i32
      %dma_wait3A_212 = arith.constant 0 : i32
      %dma_wait3A_213 = tpu.memref_slice %arg5[%dma_wait3A_211, %dma_wait3A_212] : memref<10240x128xf32, #tpu.memory_space<hbm>> -> memref<128x128xf32, #tpu.memory_space<hbm>>
      %dma_wait3A_214 = arith.constant 0 : i32
      %dma_wait3A_215 = arith.constant 0 : i32
      %dma_wait3A_216 = tpu.memref_slice %arg5[%dma_wait3A_214, %dma_wait3A_215] : memref<10240x128xf32, #tpu.memory_space<hbm>> -> memref<128x128xf32, #tpu.memory_space<hbm>>
      tpu.wait_dma2 semaphore(%arg13 : memref<!tpu.dma_semaphore, #tpu.memory_space<semaphore_mem>>) src(%dma_wait3A_216 : memref<128x128xf32, #tpu.memory_space<hbm>>) dst(%arg10 : memref<128x128xf32, #tpu.memory_space<vmem>>)
      %dma_start3A_217 = arith.constant 0 : i32
      %dma_start3A_218 = tpu.memref_slice %arg8[%add3A_196, %dma_start3A_217] : memref<16x128xi32, #tpu.memory_space<vmem>> -> memref<1x128xi32, #tpu.memory_space<vmem>>
      %dma_start3A_219 = tpu.memref_squeeze %dma_start3A_218 : memref<1x128xi32, #tpu.memory_space<vmem>> -> memref<128xi32, #tpu.memory_space<vmem>>
      %dma_start3A_220 = arith.constant 0 : i32
      %dma_start3A_221 = arith.constant 0 : i32
      %dma_start3A_222 = tpu.memref_slice %arg16[%dma_start3A_220, %dma_start3A_221] : memref<10240x128xf32, #tpu.memory_space<vmem_shared>> -> memref<10240x128xf32, #tpu.memory_space<vmem_shared>>
      tpu.enqueue_indirect_dma source(%arg10 : memref<128x128xf32, #tpu.memory_space<vmem>>) target(%dma_start3A_222 : memref<10240x128xf32, #tpu.memory_space<vmem_shared>>) offsets(%dma_start3A_219 : memref<128xi32, #tpu.memory_space<vmem>>) semaphore(%arg15 : memref<!tpu.dma_semaphore, #tpu.memory_space<semaphore_mem>>) {add = true}
      %add3A_223 = arith.constant 6 : i32
      %add3A_224 = arith.addi %mul3A_37, %add3A_223 : i32
      %dma_wait3A_225 = arith.constant 0 : i32
      %dma_wait3A_226 = tpu.memref_slice %arg8[%add3A_196, %dma_wait3A_225] : memref<16x128xi32, #tpu.memory_space<vmem>> -> memref<1x128xi32, #tpu.memory_space<vmem>>
      %dma_wait3A_227 = tpu.memref_squeeze %dma_wait3A_226 : memref<1x128xi32, #tpu.memory_space<vmem>> -> memref<128xi32, #tpu.memory_space<vmem>>
      %dma_wait3A_228 = arith.constant 0 : i32
      %dma_wait3A_229 = arith.constant 0 : i32
      %dma_wait3A_230 = tpu.memref_slice %arg16[%dma_wait3A_228, %dma_wait3A_229] : memref<10240x128xf32, #tpu.memory_space<vmem_shared>> -> memref<10240x128xf32, #tpu.memory_space<vmem_shared>>
      tpu.wait_indirect_dma semaphore(%arg15 : memref<!tpu.dma_semaphore, #tpu.memory_space<semaphore_mem>>) src(%arg10 : memref<128x128xf32, #tpu.memory_space<vmem>>) dst(%dma_wait3A_230 : memref<10240x128xf32, #tpu.memory_space<vmem_shared>>)
      %add3A_231 = arith.constant 1 : i32
      %add3A_232 = arith.addi %add3A_224, %add3A_231 : i32
      %dma_start3A_233 = arith.constant 0 : i32
      %dma_start3A_234 = tpu.memref_slice %arg7[%add3A_232, %dma_start3A_233] : memref<16x128xi32, #tpu.memory_space<vmem>> -> memref<1x128xi32, #tpu.memory_space<vmem>>
      %dma_start3A_235 = tpu.memref_squeeze %dma_start3A_234 : memref<1x128xi32, #tpu.memory_space<vmem>> -> memref<128xi32, #tpu.memory_space<vmem>>
      %dma_start3A_236 = arith.constant 0 : i32
      %dma_start3A_237 = arith.constant 0 : i32
      %dma_start3A_238 = tpu.memref_slice %arg2[%dma_start3A_236, %dma_start3A_237] : memref<10240x128xf32, #tpu.memory_space<hbm>> -> memref<10240x128xf32, #tpu.memory_space<hbm>>
      tpu.enqueue_indirect_dma source(%dma_start3A_238 : memref<10240x128xf32, #tpu.memory_space<hbm>>) target(%arg10 : memref<128x128xf32, #tpu.memory_space<vmem>>) offsets(%dma_start3A_235 : memref<128xi32, #tpu.memory_space<vmem>>) semaphore(%arg13 : memref<!tpu.dma_semaphore, #tpu.memory_space<semaphore_mem>>)
      %dma_wait3A_239 = arith.constant 0 : i32
      %dma_wait3A_240 = arith.constant 0 : i32
      %dma_wait3A_241 = tpu.memref_slice %arg5[%dma_wait3A_239, %dma_wait3A_240] : memref<10240x128xf32, #tpu.memory_space<hbm>> -> memref<128x128xf32, #tpu.memory_space<hbm>>
      %dma_wait3A_242 = arith.constant 0 : i32
      %dma_wait3A_243 = arith.constant 0 : i32
      %dma_wait3A_244 = tpu.memref_slice %arg5[%dma_wait3A_242, %dma_wait3A_243] : memref<10240x128xf32, #tpu.memory_space<hbm>> -> memref<128x128xf32, #tpu.memory_space<hbm>>
      tpu.wait_dma2 semaphore(%arg12 : memref<!tpu.dma_semaphore, #tpu.memory_space<semaphore_mem>>) src(%dma_wait3A_244 : memref<128x128xf32, #tpu.memory_space<hbm>>) dst(%arg9 : memref<128x128xf32, #tpu.memory_space<vmem>>)
      %dma_start3A_245 = arith.constant 0 : i32
      %dma_start3A_246 = tpu.memref_slice %arg8[%add3A_224, %dma_start3A_245] : memref<16x128xi32, #tpu.memory_space<vmem>> -> memref<1x128xi32, #tpu.memory_space<vmem>>
      %dma_start3A_247 = tpu.memref_squeeze %dma_start3A_246 : memref<1x128xi32, #tpu.memory_space<vmem>> -> memref<128xi32, #tpu.memory_space<vmem>>
      %dma_start3A_248 = arith.constant 0 : i32
      %dma_start3A_249 = arith.constant 0 : i32
      %dma_start3A_250 = tpu.memref_slice %arg16[%dma_start3A_248, %dma_start3A_249] : memref<10240x128xf32, #tpu.memory_space<vmem_shared>> -> memref<10240x128xf32, #tpu.memory_space<vmem_shared>>
      tpu.enqueue_indirect_dma source(%arg9 : memref<128x128xf32, #tpu.memory_space<vmem>>) target(%dma_start3A_250 : memref<10240x128xf32, #tpu.memory_space<vmem_shared>>) offsets(%dma_start3A_247 : memref<128xi32, #tpu.memory_space<vmem>>) semaphore(%arg14 : memref<!tpu.dma_semaphore, #tpu.memory_space<semaphore_mem>>) {add = true}
      %add3A_251 = arith.constant 7 : i32
      %add3A_252 = arith.addi %mul3A_37, %add3A_251 : i32
      %dma_wait3A_253 = arith.constant 0 : i32
      %dma_wait3A_254 = tpu.memref_slice %arg8[%add3A_224, %dma_wait3A_253] : memref<16x128xi32, #tpu.memory_space<vmem>> -> memref<1x128xi32, #tpu.memory_space<vmem>>
      %dma_wait3A_255 = tpu.memref_squeeze %dma_wait3A_254 : memref<1x128xi32, #tpu.memory_space<vmem>> -> memref<128xi32, #tpu.memory_space<vmem>>
      %dma_wait3A_256 = arith.constant 0 : i32
      %dma_wait3A_257 = arith.constant 0 : i32
      %dma_wait3A_258 = tpu.memref_slice %arg16[%dma_wait3A_256, %dma_wait3A_257] : memref<10240x128xf32, #tpu.memory_space<vmem_shared>> -> memref<10240x128xf32, #tpu.memory_space<vmem_shared>>
      tpu.wait_indirect_dma semaphore(%arg14 : memref<!tpu.dma_semaphore, #tpu.memory_space<semaphore_mem>>) src(%arg9 : memref<128x128xf32, #tpu.memory_space<vmem>>) dst(%dma_wait3A_258 : memref<10240x128xf32, #tpu.memory_space<vmem_shared>>)
      %convert_element_type3A_259 = arith.extui %lt3A_60 : i1 to i32
      %cond3A_260 = arith.constant 0 : i32
      %cond3A_261 = arith.cmpi ne, %convert_element_type3A_259, %cond3A_260 : i32
      scf.if %cond3A_261 {
        %dma_wait3A_268 = arith.constant 0 : i32
        %dma_wait3A_269 = arith.constant 0 : i32
        %dma_wait3A_270 = tpu.memref_slice %arg7[%dma_wait3A_268, %dma_wait3A_269] : memref<16x128xi32, #tpu.memory_space<vmem>> -> memref<8x128xi32, #tpu.memory_space<vmem>>
        %dma_wait3A_271 = arith.constant 0 : i32
        %dma_wait3A_272 = arith.constant 0 : i32
        %dma_wait3A_273 = tpu.memref_slice %arg3[%dma_wait3A_271, %dma_wait3A_272] : memref<5000x128xi32, #tpu.memory_space<hbm>> -> memref<8x128xi32, #tpu.memory_space<hbm>>
        %dma_wait3A_274 = arith.constant 0 : i32
        %dma_wait3A_275 = arith.constant 0 : i32
        %dma_wait3A_276 = tpu.memref_slice %arg7[%dma_wait3A_274, %dma_wait3A_275] : memref<16x128xi32, #tpu.memory_space<vmem>> -> memref<8x128xi32, #tpu.memory_space<vmem>>
        %dma_wait3A_277 = arith.constant 0 : i32
        %dma_wait3A_278 = arith.constant 0 : i32
        %dma_wait3A_279 = tpu.memref_slice %arg3[%dma_wait3A_277, %dma_wait3A_278] : memref<5000x128xi32, #tpu.memory_space<hbm>> -> memref<8x128xi32, #tpu.memory_space<hbm>>
        tpu.wait_dma2 semaphore(%arg11 : memref<!tpu.dma_semaphore, #tpu.memory_space<semaphore_mem>>) src(%dma_wait3A_279 : memref<8x128xi32, #tpu.memory_space<hbm>>) dst(%dma_wait3A_276 : memref<8x128xi32, #tpu.memory_space<vmem>>)
        %dma_wait3A_280 = arith.constant 0 : i32
        %dma_wait3A_281 = arith.constant 0 : i32
        %dma_wait3A_282 = tpu.memref_slice %arg8[%dma_wait3A_280, %dma_wait3A_281] : memref<16x128xi32, #tpu.memory_space<vmem>> -> memref<8x128xi32, #tpu.memory_space<vmem>>
        %dma_wait3A_283 = arith.constant 0 : i32
        %dma_wait3A_284 = arith.constant 0 : i32
        %dma_wait3A_285 = tpu.memref_slice %arg4[%dma_wait3A_283, %dma_wait3A_284] : memref<5000x128xi32, #tpu.memory_space<hbm>> -> memref<8x128xi32, #tpu.memory_space<hbm>>
        %dma_wait3A_286 = arith.constant 0 : i32
        %dma_wait3A_287 = arith.constant 0 : i32
        %dma_wait3A_288 = tpu.memref_slice %arg8[%dma_wait3A_286, %dma_wait3A_287] : memref<16x128xi32, #tpu.memory_space<vmem>> -> memref<8x128xi32, #tpu.memory_space<vmem>>
        %dma_wait3A_289 = arith.constant 0 : i32
        %dma_wait3A_290 = arith.constant 0 : i32
        %dma_wait3A_291 = tpu.memref_slice %arg4[%dma_wait3A_289, %dma_wait3A_290] : memref<5000x128xi32, #tpu.memory_space<hbm>> -> memref<8x128xi32, #tpu.memory_space<hbm>>
        tpu.wait_dma2 semaphore(%arg11 : memref<!tpu.dma_semaphore, #tpu.memory_space<semaphore_mem>>) src(%dma_wait3A_291 : memref<8x128xi32, #tpu.memory_space<hbm>>) dst(%dma_wait3A_288 : memref<8x128xi32, #tpu.memory_space<vmem>>)
        %dma_start3A_292 = arith.constant 0 : i32
        %dma_start3A_293 = tpu.memref_slice %arg7[%mul3A_57, %dma_start3A_292] : memref<16x128xi32, #tpu.memory_space<vmem>> -> memref<1x128xi32, #tpu.memory_space<vmem>>
        %dma_start3A_294 = tpu.memref_squeeze %dma_start3A_293 : memref<1x128xi32, #tpu.memory_space<vmem>> -> memref<128xi32, #tpu.memory_space<vmem>>
        %dma_start3A_295 = arith.constant 0 : i32
        %dma_start3A_296 = arith.constant 0 : i32
        %dma_start3A_297 = tpu.memref_slice %arg2[%dma_start3A_295, %dma_start3A_296] : memref<10240x128xf32, #tpu.memory_space<hbm>> -> memref<10240x128xf32, #tpu.memory_space<hbm>>
        tpu.enqueue_indirect_dma source(%dma_start3A_297 : memref<10240x128xf32, #tpu.memory_space<hbm>>) target(%arg9 : memref<128x128xf32, #tpu.memory_space<vmem>>) offsets(%dma_start3A_294 : memref<128xi32, #tpu.memory_space<vmem>>) semaphore(%arg12 : memref<!tpu.dma_semaphore, #tpu.memory_space<semaphore_mem>>)
      } else {
      }
      %dma_wait3A_262 = arith.constant 0 : i32
      %dma_wait3A_263 = arith.constant 0 : i32
      %dma_wait3A_264 = tpu.memref_slice %arg5[%dma_wait3A_262, %dma_wait3A_263] : memref<10240x128xf32, #tpu.memory_space<hbm>> -> memref<128x128xf32, #tpu.memory_space<hbm>>
      %dma_wait3A_265 = arith.constant 0 : i32
      %dma_wait3A_266 = arith.constant 0 : i32
      %dma_wait3A_267 = tpu.memref_slice %arg5[%dma_wait3A_265, %dma_wait3A_266] : memref<10240x128xf32, #tpu.memory_space<hbm>> -> memref<128x128xf32, #tpu.memory_space<hbm>>
      tpu.wait_dma2 semaphore(%arg13 : memref<!tpu.dma_semaphore, #tpu.memory_space<semaphore_mem>>) src(%dma_wait3A_267 : memref<128x128xf32, #tpu.memory_space<hbm>>) dst(%arg10 : memref<128x128xf32, #tpu.memory_space<vmem>>)
      "tpu.region"() ({
        %run_scoped3A = tpu.sem_alloc : memref<!tpu.dma_semaphore, #tpu.memory_space<semaphore_mem>>
        %dma_start3A_268 = arith.constant 0 : i32
        %dma_start3A_269 = tpu.memref_slice %arg8[%add3A_252, %dma_start3A_268] : memref<16x128xi32, #tpu.memory_space<vmem>> -> memref<1x128xi32, #tpu.memory_space<vmem>>
        %dma_start3A_270 = tpu.memref_squeeze %dma_start3A_269 : memref<1x128xi32, #tpu.memory_space<vmem>> -> memref<128xi32, #tpu.memory_space<vmem>>
        %dma_start3A_271 = arith.constant 0 : i32
        %dma_start3A_272 = arith.constant 0 : i32
        %dma_start3A_273 = tpu.memref_slice %arg16[%dma_start3A_271, %dma_start3A_272] : memref<10240x128xf32, #tpu.memory_space<vmem_shared>> -> memref<10240x128xf32, #tpu.memory_space<vmem_shared>>
        tpu.enqueue_indirect_dma source(%arg10 : memref<128x128xf32, #tpu.memory_space<vmem>>) target(%dma_start3A_273 : memref<10240x128xf32, #tpu.memory_space<vmem_shared>>) offsets(%dma_start3A_270 : memref<128xi32, #tpu.memory_space<vmem>>) semaphore(%run_scoped3A : memref<!tpu.dma_semaphore, #tpu.memory_space<semaphore_mem>>) {add = true}
        %dma_wait3A_274 = arith.constant 0 : i32
        %dma_wait3A_275 = tpu.memref_slice %arg8[%add3A_252, %dma_wait3A_274] : memref<16x128xi32, #tpu.memory_space<vmem>> -> memref<1x128xi32, #tpu.memory_space<vmem>>
        %dma_wait3A_276 = tpu.memref_squeeze %dma_wait3A_275 : memref<1x128xi32, #tpu.memory_space<vmem>> -> memref<128xi32, #tpu.memory_space<vmem>>
        %dma_wait3A_277 = arith.constant 0 : i32
        %dma_wait3A_278 = arith.constant 0 : i32
        %dma_wait3A_279 = tpu.memref_slice %arg16[%dma_wait3A_277, %dma_wait3A_278] : memref<10240x128xf32, #tpu.memory_space<vmem_shared>> -> memref<10240x128xf32, #tpu.memory_space<vmem_shared>>
        tpu.wait_indirect_dma semaphore(%run_scoped3A : memref<!tpu.dma_semaphore, #tpu.memory_space<semaphore_mem>>) src(%arg10 : memref<128x128xf32, #tpu.memory_space<vmem>>) dst(%dma_wait3A_279 : memref<10240x128xf32, #tpu.memory_space<vmem_shared>>)
        tpu.yield
      }) : () -> ()
    }
    %while3A_21 = arith.constant 1 : i32
    scf.for %while3A_23 = %while3A_19 to %while3A_15 step %while3A_21  : i32 {
      %jit3A_24 = arith.constant 2 : i32
      %eq3A = arith.constant 0 : i32
      %eq3A_25 = arith.cmpi eq, %jit3A_24, %eq3A : i32
      %jit3A_26 = arith.constant 1 : i32
      %select_n3A_27 = arith.select %eq3A_25, %jit3A_26, %jit3A_24 : i32
      %rem3A = arith.remsi %while3A_23, %select_n3A_27 : i32
      %ne3A = arith.constant 0 : i32
      %ne3A_28 = arith.cmpi ne, %rem3A, %ne3A : i32
      %lt3A_29 = arith.constant 0 : i32
      %lt3A_30 = arith.cmpi slt, %rem3A, %lt3A_29 : i32
      %lt3A_31 = arith.constant 0 : i32
      %lt3A_32 = arith.cmpi slt, %select_n3A_27, %lt3A_31 : i32
      %ne3A_33 = arith.xori %lt3A_30, %lt3A_32 : i1
      %and3A = arith.andi %ne3A_33, %ne3A_28 : i1
      %add3A_34 = arith.addi %rem3A, %select_n3A_27 : i32
      %select_n3A_35 = arith.select %and3A, %add3A_34, %rem3A : i32
      %mul3A_36 = arith.constant 8 : i32
      %mul3A_37 = arith.muli %select_n3A_35, %mul3A_36 : i32
      %add3A_38 = arith.constant 1 : i32
      %add3A_39 = arith.addi %while3A_23, %add3A_38 : i32
      %jit3A_40 = arith.constant 2 : i32
      %eq3A_41 = arith.constant 0 : i32
      %eq3A_42 = arith.cmpi eq, %jit3A_40, %eq3A_41 : i32
      %jit3A_43 = arith.constant 1 : i32
      %select_n3A_44 = arith.select %eq3A_42, %jit3A_43, %jit3A_40 : i32
      %rem3A_45 = arith.remsi %add3A_39, %select_n3A_44 : i32
      %ne3A_46 = arith.constant 0 : i32
      %ne3A_47 = arith.cmpi ne, %rem3A_45, %ne3A_46 : i32
      %lt3A_48 = arith.constant 0 : i32
      %lt3A_49 = arith.cmpi slt, %rem3A_45, %lt3A_48 : i32
      %lt3A_50 = arith.constant 0 : i32
      %lt3A_51 = arith.cmpi slt, %select_n3A_44, %lt3A_50 : i32
      %ne3A_52 = arith.xori %lt3A_49, %lt3A_51 : i1
      %and3A_53 = arith.andi %ne3A_52, %ne3A_47 : i1
      %add3A_54 = arith.addi %rem3A_45, %select_n3A_44 : i32
      %select_n3A_55 = arith.select %and3A_53, %add3A_54, %rem3A_45 : i32
      %mul3A_56 = arith.constant 8 : i32
      %mul3A_57 = arith.muli %select_n3A_55, %mul3A_56 : i32
      %add3A_58 = arith.constant 1 : i32
      %add3A_59 = arith.addi %while3A_23, %add3A_58 : i32
      %lt3A_60 = arith.cmpi slt, %add3A_59, %select_n3A : i32
      %convert_element_type3A = arith.extui %lt3A_60 : i1 to i32
      %cond3A = arith.constant 0 : i32
      %cond3A_61 = arith.cmpi ne, %convert_element_type3A, %cond3A : i32
      scf.if %cond3A_61 {
        %add3A_268 = arith.constant 1 : i32
        %add3A_269 = arith.addi %while3A_23, %add3A_268 : i32
        %mul3A_270 = arith.constant 32 : i32
        %mul3A_271 = arith.muli %add3A_269, %mul3A_270 : i32
        %add3A_272 = arith.addi %add3A, %mul3A_271 : i32
        %mul3A_273 = arith.constant 8 : i32
        %mul3A_274 = arith.muli %add3A_272, %mul3A_273 : i32
        %dma_start3A_275 = arith.constant 0 : i32
        %dma_start3A_276 = tpu.memref_slice %arg7[%mul3A_57, %dma_start3A_275] : memref<16x128xi32, #tpu.memory_space<vmem>> -> memref<8x128xi32, #tpu.memory_space<vmem>>
        %dma_start3A_277 = arith.constant 0 : i32
        %dma_start3A_278 = tpu.memref_slice %arg3[%mul3A_274, %dma_start3A_277] : memref<5000x128xi32, #tpu.memory_space<hbm>> -> memref<8x128xi32, #tpu.memory_space<hbm>>
        %dma_start3A_279 = arith.constant 0 : i32
        %dma_start3A_280 = tpu.memref_slice %arg7[%mul3A_57, %dma_start3A_279] : memref<16x128xi32, #tpu.memory_space<vmem>> -> memref<8x128xi32, #tpu.memory_space<vmem>>
        %dma_start3A_281 = arith.constant 0 : i32
        %dma_start3A_282 = tpu.memref_slice %arg3[%mul3A_274, %dma_start3A_281] : memref<5000x128xi32, #tpu.memory_space<hbm>> -> memref<8x128xi32, #tpu.memory_space<hbm>>
        tpu.enqueue_dma source(%dma_start3A_282 : memref<8x128xi32, #tpu.memory_space<hbm>>) target(%dma_start3A_280 : memref<8x128xi32, #tpu.memory_space<vmem>>) target_semaphore(%arg11 : memref<!tpu.dma_semaphore, #tpu.memory_space<semaphore_mem>>)
        %dma_start3A_283 = arith.constant 0 : i32
        %dma_start3A_284 = tpu.memref_slice %arg8[%mul3A_57, %dma_start3A_283] : memref<16x128xi32, #tpu.memory_space<vmem>> -> memref<8x128xi32, #tpu.memory_space<vmem>>
        %dma_start3A_285 = arith.constant 0 : i32
        %dma_start3A_286 = tpu.memref_slice %arg4[%mul3A_274, %dma_start3A_285] : memref<5000x128xi32, #tpu.memory_space<hbm>> -> memref<8x128xi32, #tpu.memory_space<hbm>>
        %dma_start3A_287 = arith.constant 0 : i32
        %dma_start3A_288 = tpu.memref_slice %arg8[%mul3A_57, %dma_start3A_287] : memref<16x128xi32, #tpu.memory_space<vmem>> -> memref<8x128xi32, #tpu.memory_space<vmem>>
        %dma_start3A_289 = arith.constant 0 : i32
        %dma_start3A_290 = tpu.memref_slice %arg4[%mul3A_274, %dma_start3A_289] : memref<5000x128xi32, #tpu.memory_space<hbm>> -> memref<8x128xi32, #tpu.memory_space<hbm>>
        tpu.enqueue_dma source(%dma_start3A_290 : memref<8x128xi32, #tpu.memory_space<hbm>>) target(%dma_start3A_288 : memref<8x128xi32, #tpu.memory_space<vmem>>) target_semaphore(%arg11 : memref<!tpu.dma_semaphore, #tpu.memory_space<semaphore_mem>>)
      } else {
      }
      %add3A_62 = arith.constant 0 : i32
      %add3A_63 = arith.addi %mul3A_37, %add3A_62 : i32
      %add3A_64 = arith.constant 1 : i32
      %add3A_65 = arith.addi %add3A_63, %add3A_64 : i32
      %dma_start3A_66 = arith.constant 0 : i32
      %dma_start3A_67 = tpu.memref_slice %arg7[%add3A_65, %dma_start3A_66] : memref<16x128xi32, #tpu.memory_space<vmem>> -> memref<1x128xi32, #tpu.memory_space<vmem>>
      %dma_start3A_68 = tpu.memref_squeeze %dma_start3A_67 : memref<1x128xi32, #tpu.memory_space<vmem>> -> memref<128xi32, #tpu.memory_space<vmem>>
      %dma_start3A_69 = arith.constant 0 : i32
      %dma_start3A_70 = arith.constant 0 : i32
      %dma_start3A_71 = tpu.memref_slice %arg2[%dma_start3A_69, %dma_start3A_70] : memref<10240x128xf32, #tpu.memory_space<hbm>> -> memref<10240x128xf32, #tpu.memory_space<hbm>>
      tpu.enqueue_indirect_dma source(%dma_start3A_71 : memref<10240x128xf32, #tpu.memory_space<hbm>>) target(%arg10 : memref<128x128xf32, #tpu.memory_space<vmem>>) offsets(%dma_start3A_68 : memref<128xi32, #tpu.memory_space<vmem>>) semaphore(%arg13 : memref<!tpu.dma_semaphore, #tpu.memory_space<semaphore_mem>>)
      %dma_wait3A = arith.constant 0 : i32
      %dma_wait3A_72 = arith.constant 0 : i32
      %dma_wait3A_73 = tpu.memref_slice %arg5[%dma_wait3A, %dma_wait3A_72] : memref<10240x128xf32, #tpu.memory_space<hbm>> -> memref<128x128xf32, #tpu.memory_space<hbm>>
      %dma_wait3A_74 = arith.constant 0 : i32
      %dma_wait3A_75 = arith.constant 0 : i32
      %dma_wait3A_76 = tpu.memref_slice %arg5[%dma_wait3A_74, %dma_wait3A_75] : memref<10240x128xf32, #tpu.memory_space<hbm>> -> memref<128x128xf32, #tpu.memory_space<hbm>>
      tpu.wait_dma2 semaphore(%arg12 : memref<!tpu.dma_semaphore, #tpu.memory_space<semaphore_mem>>) src(%dma_wait3A_76 : memref<128x128xf32, #tpu.memory_space<hbm>>) dst(%arg9 : memref<128x128xf32, #tpu.memory_space<vmem>>)
      %dma_start3A_77 = arith.constant 0 : i32
      %dma_start3A_78 = tpu.memref_slice %arg8[%add3A_63, %dma_start3A_77] : memref<16x128xi32, #tpu.memory_space<vmem>> -> memref<1x128xi32, #tpu.memory_space<vmem>>
      %dma_start3A_79 = tpu.memref_squeeze %dma_start3A_78 : memref<1x128xi32, #tpu.memory_space<vmem>> -> memref<128xi32, #tpu.memory_space<vmem>>
      %dma_start3A_80 = arith.constant 0 : i32
      %dma_start3A_81 = arith.constant 0 : i32
      %dma_start3A_82 = tpu.memref_slice %arg16[%dma_start3A_80, %dma_start3A_81] : memref<10240x128xf32, #tpu.memory_space<vmem_shared>> -> memref<10240x128xf32, #tpu.memory_space<vmem_shared>>
      tpu.enqueue_indirect_dma source(%arg9 : memref<128x128xf32, #tpu.memory_space<vmem>>) target(%dma_start3A_82 : memref<10240x128xf32, #tpu.memory_space<vmem_shared>>) offsets(%dma_start3A_79 : memref<128xi32, #tpu.memory_space<vmem>>) semaphore(%arg14 : memref<!tpu.dma_semaphore, #tpu.memory_space<semaphore_mem>>) {add = true}
      %add3A_83 = arith.constant 1 : i32
      %add3A_84 = arith.addi %mul3A_37, %add3A_83 : i32
      %dma_wait3A_85 = arith.constant 0 : i32
      %dma_wait3A_86 = tpu.memref_slice %arg8[%add3A_63, %dma_wait3A_85] : memref<16x128xi32, #tpu.memory_space<vmem>> -> memref<1x128xi32, #tpu.memory_space<vmem>>
      %dma_wait3A_87 = tpu.memref_squeeze %dma_wait3A_86 : memref<1x128xi32, #tpu.memory_space<vmem>> -> memref<128xi32, #tpu.memory_space<vmem>>
      %dma_wait3A_88 = arith.constant 0 : i32
      %dma_wait3A_89 = arith.constant 0 : i32
      %dma_wait3A_90 = tpu.memref_slice %arg16[%dma_wait3A_88, %dma_wait3A_89] : memref<10240x128xf32, #tpu.memory_space<vmem_shared>> -> memref<10240x128xf32, #tpu.memory_space<vmem_shared>>
      tpu.wait_indirect_dma semaphore(%arg14 : memref<!tpu.dma_semaphore, #tpu.memory_space<semaphore_mem>>) src(%arg9 : memref<128x128xf32, #tpu.memory_space<vmem>>) dst(%dma_wait3A_90 : memref<10240x128xf32, #tpu.memory_space<vmem_shared>>)
      %add3A_91 = arith.constant 1 : i32
      %add3A_92 = arith.addi %add3A_84, %add3A_91 : i32
      %dma_start3A_93 = arith.constant 0 : i32
      %dma_start3A_94 = tpu.memref_slice %arg7[%add3A_92, %dma_start3A_93] : memref<16x128xi32, #tpu.memory_space<vmem>> -> memref<1x128xi32, #tpu.memory_space<vmem>>
      %dma_start3A_95 = tpu.memref_squeeze %dma_start3A_94 : memref<1x128xi32, #tpu.memory_space<vmem>> -> memref<128xi32, #tpu.memory_space<vmem>>
      %dma_start3A_96 = arith.constant 0 : i32
      %dma_start3A_97 = arith.constant 0 : i32
      %dma_start3A_98 = tpu.memref_slice %arg2[%dma_start3A_96, %dma_start3A_97] : memref<10240x128xf32, #tpu.memory_space<hbm>> -> memref<10240x128xf32, #tpu.memory_space<hbm>>
      tpu.enqueue_indirect_dma source(%dma_start3A_98 : memref<10240x128xf32, #tpu.memory_space<hbm>>) target(%arg9 : memref<128x128xf32, #tpu.memory_space<vmem>>) offsets(%dma_start3A_95 : memref<128xi32, #tpu.memory_space<vmem>>) semaphore(%arg12 : memref<!tpu.dma_semaphore, #tpu.memory_space<semaphore_mem>>)
      %dma_wait3A_99 = arith.constant 0 : i32
      %dma_wait3A_100 = arith.constant 0 : i32
      %dma_wait3A_101 = tpu.memref_slice %arg5[%dma_wait3A_99, %dma_wait3A_100] : memref<10240x128xf32, #tpu.memory_space<hbm>> -> memref<128x128xf32, #tpu.memory_space<hbm>>
      %dma_wait3A_102 = arith.constant 0 : i32
      %dma_wait3A_103 = arith.constant 0 : i32
      %dma_wait3A_104 = tpu.memref_slice %arg5[%dma_wait3A_102, %dma_wait3A_103] : memref<10240x128xf32, #tpu.memory_space<hbm>> -> memref<128x128xf32, #tpu.memory_space<hbm>>
      tpu.wait_dma2 semaphore(%arg13 : memref<!tpu.dma_semaphore, #tpu.memory_space<semaphore_mem>>) src(%dma_wait3A_104 : memref<128x128xf32, #tpu.memory_space<hbm>>) dst(%arg10 : memref<128x128xf32, #tpu.memory_space<vmem>>)
      %dma_start3A_105 = arith.constant 0 : i32
      %dma_start3A_106 = tpu.memref_slice %arg8[%add3A_84, %dma_start3A_105] : memref<16x128xi32, #tpu.memory_space<vmem>> -> memref<1x128xi32, #tpu.memory_space<vmem>>
      %dma_start3A_107 = tpu.memref_squeeze %dma_start3A_106 : memref<1x128xi32, #tpu.memory_space<vmem>> -> memref<128xi32, #tpu.memory_space<vmem>>
      %dma_start3A_108 = arith.constant 0 : i32
      %dma_start3A_109 = arith.constant 0 : i32
      %dma_start3A_110 = tpu.memref_slice %arg16[%dma_start3A_108, %dma_start3A_109] : memref<10240x128xf32, #tpu.memory_space<vmem_shared>> -> memref<10240x128xf32, #tpu.memory_space<vmem_shared>>
      tpu.enqueue_indirect_dma source(%arg10 : memref<128x128xf32, #tpu.memory_space<vmem>>) target(%dma_start3A_110 : memref<10240x128xf32, #tpu.memory_space<vmem_shared>>) offsets(%dma_start3A_107 : memref<128xi32, #tpu.memory_space<vmem>>) semaphore(%arg15 : memref<!tpu.dma_semaphore, #tpu.memory_space<semaphore_mem>>) {add = true}
      %add3A_111 = arith.constant 2 : i32
      %add3A_112 = arith.addi %mul3A_37, %add3A_111 : i32
      %dma_wait3A_113 = arith.constant 0 : i32
      %dma_wait3A_114 = tpu.memref_slice %arg8[%add3A_84, %dma_wait3A_113] : memref<16x128xi32, #tpu.memory_space<vmem>> -> memref<1x128xi32, #tpu.memory_space<vmem>>
      %dma_wait3A_115 = tpu.memref_squeeze %dma_wait3A_114 : memref<1x128xi32, #tpu.memory_space<vmem>> -> memref<128xi32, #tpu.memory_space<vmem>>
      %dma_wait3A_116 = arith.constant 0 : i32
      %dma_wait3A_117 = arith.constant 0 : i32
      %dma_wait3A_118 = tpu.memref_slice %arg16[%dma_wait3A_116, %dma_wait3A_117] : memref<10240x128xf32, #tpu.memory_space<vmem_shared>> -> memref<10240x128xf32, #tpu.memory_space<vmem_shared>>
      tpu.wait_indirect_dma semaphore(%arg15 : memref<!tpu.dma_semaphore, #tpu.memory_space<semaphore_mem>>) src(%arg10 : memref<128x128xf32, #tpu.memory_space<vmem>>) dst(%dma_wait3A_118 : memref<10240x128xf32, #tpu.memory_space<vmem_shared>>)
      %add3A_119 = arith.constant 1 : i32
      %add3A_120 = arith.addi %add3A_112, %add3A_119 : i32
      %dma_start3A_121 = arith.constant 0 : i32
      %dma_start3A_122 = tpu.memref_slice %arg7[%add3A_120, %dma_start3A_121] : memref<16x128xi32, #tpu.memory_space<vmem>> -> memref<1x128xi32, #tpu.memory_space<vmem>>
      %dma_start3A_123 = tpu.memref_squeeze %dma_start3A_122 : memref<1x128xi32, #tpu.memory_space<vmem>> -> memref<128xi32, #tpu.memory_space<vmem>>
      %dma_start3A_124 = arith.constant 0 : i32
      %dma_start3A_125 = arith.constant 0 : i32
      %dma_start3A_126 = tpu.memref_slice %arg2[%dma_start3A_124, %dma_start3A_125] : memref<10240x128xf32, #tpu.memory_space<hbm>> -> memref<10240x128xf32, #tpu.memory_space<hbm>>
      tpu.enqueue_indirect_dma source(%dma_start3A_126 : memref<10240x128xf32, #tpu.memory_space<hbm>>) target(%arg10 : memref<128x128xf32, #tpu.memory_space<vmem>>) offsets(%dma_start3A_123 : memref<128xi32, #tpu.memory_space<vmem>>) semaphore(%arg13 : memref<!tpu.dma_semaphore, #tpu.memory_space<semaphore_mem>>)
      %dma_wait3A_127 = arith.constant 0 : i32
      %dma_wait3A_128 = arith.constant 0 : i32
      %dma_wait3A_129 = tpu.memref_slice %arg5[%dma_wait3A_127, %dma_wait3A_128] : memref<10240x128xf32, #tpu.memory_space<hbm>> -> memref<128x128xf32, #tpu.memory_space<hbm>>
      %dma_wait3A_130 = arith.constant 0 : i32
      %dma_wait3A_131 = arith.constant 0 : i32
      %dma_wait3A_132 = tpu.memref_slice %arg5[%dma_wait3A_130, %dma_wait3A_131] : memref<10240x128xf32, #tpu.memory_space<hbm>> -> memref<128x128xf32, #tpu.memory_space<hbm>>
      tpu.wait_dma2 semaphore(%arg12 : memref<!tpu.dma_semaphore, #tpu.memory_space<semaphore_mem>>) src(%dma_wait3A_132 : memref<128x128xf32, #tpu.memory_space<hbm>>) dst(%arg9 : memref<128x128xf32, #tpu.memory_space<vmem>>)
      %dma_start3A_133 = arith.constant 0 : i32
      %dma_start3A_134 = tpu.memref_slice %arg8[%add3A_112, %dma_start3A_133] : memref<16x128xi32, #tpu.memory_space<vmem>> -> memref<1x128xi32, #tpu.memory_space<vmem>>
      %dma_start3A_135 = tpu.memref_squeeze %dma_start3A_134 : memref<1x128xi32, #tpu.memory_space<vmem>> -> memref<128xi32, #tpu.memory_space<vmem>>
      %dma_start3A_136 = arith.constant 0 : i32
      %dma_start3A_137 = arith.constant 0 : i32
      %dma_start3A_138 = tpu.memref_slice %arg16[%dma_start3A_136, %dma_start3A_137] : memref<10240x128xf32, #tpu.memory_space<vmem_shared>> -> memref<10240x128xf32, #tpu.memory_space<vmem_shared>>
      tpu.enqueue_indirect_dma source(%arg9 : memref<128x128xf32, #tpu.memory_space<vmem>>) target(%dma_start3A_138 : memref<10240x128xf32, #tpu.memory_space<vmem_shared>>) offsets(%dma_start3A_135 : memref<128xi32, #tpu.memory_space<vmem>>) semaphore(%arg14 : memref<!tpu.dma_semaphore, #tpu.memory_space<semaphore_mem>>) {add = true}
      %add3A_139 = arith.constant 3 : i32
      %add3A_140 = arith.addi %mul3A_37, %add3A_139 : i32
      %dma_wait3A_141 = arith.constant 0 : i32
      %dma_wait3A_142 = tpu.memref_slice %arg8[%add3A_112, %dma_wait3A_141] : memref<16x128xi32, #tpu.memory_space<vmem>> -> memref<1x128xi32, #tpu.memory_space<vmem>>
      %dma_wait3A_143 = tpu.memref_squeeze %dma_wait3A_142 : memref<1x128xi32, #tpu.memory_space<vmem>> -> memref<128xi32, #tpu.memory_space<vmem>>
      %dma_wait3A_144 = arith.constant 0 : i32
      %dma_wait3A_145 = arith.constant 0 : i32
      %dma_wait3A_146 = tpu.memref_slice %arg16[%dma_wait3A_144, %dma_wait3A_145] : memref<10240x128xf32, #tpu.memory_space<vmem_shared>> -> memref<10240x128xf32, #tpu.memory_space<vmem_shared>>
      tpu.wait_indirect_dma semaphore(%arg14 : memref<!tpu.dma_semaphore, #tpu.memory_space<semaphore_mem>>) src(%arg9 : memref<128x128xf32, #tpu.memory_space<vmem>>) dst(%dma_wait3A_146 : memref<10240x128xf32, #tpu.memory_space<vmem_shared>>)
      %add3A_147 = arith.constant 1 : i32
      %add3A_148 = arith.addi %add3A_140, %add3A_147 : i32
      %dma_start3A_149 = arith.constant 0 : i32
      %dma_start3A_150 = tpu.memref_slice %arg7[%add3A_148, %dma_start3A_149] : memref<16x128xi32, #tpu.memory_space<vmem>> -> memref<1x128xi32, #tpu.memory_space<vmem>>
      %dma_start3A_151 = tpu.memref_squeeze %dma_start3A_150 : memref<1x128xi32, #tpu.memory_space<vmem>> -> memref<128xi32, #tpu.memory_space<vmem>>
      %dma_start3A_152 = arith.constant 0 : i32
      %dma_start3A_153 = arith.constant 0 : i32
      %dma_start3A_154 = tpu.memref_slice %arg2[%dma_start3A_152, %dma_start3A_153] : memref<10240x128xf32, #tpu.memory_space<hbm>> -> memref<10240x128xf32, #tpu.memory_space<hbm>>
      tpu.enqueue_indirect_dma source(%dma_start3A_154 : memref<10240x128xf32, #tpu.memory_space<hbm>>) target(%arg9 : memref<128x128xf32, #tpu.memory_space<vmem>>) offsets(%dma_start3A_151 : memref<128xi32, #tpu.memory_space<vmem>>) semaphore(%arg12 : memref<!tpu.dma_semaphore, #tpu.memory_space<semaphore_mem>>)
      %dma_wait3A_155 = arith.constant 0 : i32
      %dma_wait3A_156 = arith.constant 0 : i32
      %dma_wait3A_157 = tpu.memref_slice %arg5[%dma_wait3A_155, %dma_wait3A_156] : memref<10240x128xf32, #tpu.memory_space<hbm>> -> memref<128x128xf32, #tpu.memory_space<hbm>>
      %dma_wait3A_158 = arith.constant 0 : i32
      %dma_wait3A_159 = arith.constant 0 : i32
      %dma_wait3A_160 = tpu.memref_slice %arg5[%dma_wait3A_158, %dma_wait3A_159] : memref<10240x128xf32, #tpu.memory_space<hbm>> -> memref<128x128xf32, #tpu.memory_space<hbm>>
      tpu.wait_dma2 semaphore(%arg13 : memref<!tpu.dma_semaphore, #tpu.memory_space<semaphore_mem>>) src(%dma_wait3A_160 : memref<128x128xf32, #tpu.memory_space<hbm>>) dst(%arg10 : memref<128x128xf32, #tpu.memory_space<vmem>>)
      %dma_start3A_161 = arith.constant 0 : i32
      %dma_start3A_162 = tpu.memref_slice %arg8[%add3A_140, %dma_start3A_161] : memref<16x128xi32, #tpu.memory_space<vmem>> -> memref<1x128xi32, #tpu.memory_space<vmem>>
      %dma_start3A_163 = tpu.memref_squeeze %dma_start3A_162 : memref<1x128xi32, #tpu.memory_space<vmem>> -> memref<128xi32, #tpu.memory_space<vmem>>
      %dma_start3A_164 = arith.constant 0 : i32
      %dma_start3A_165 = arith.constant 0 : i32
      %dma_start3A_166 = tpu.memref_slice %arg16[%dma_start3A_164, %dma_start3A_165] : memref<10240x128xf32, #tpu.memory_space<vmem_shared>> -> memref<10240x128xf32, #tpu.memory_space<vmem_shared>>
      tpu.enqueue_indirect_dma source(%arg10 : memref<128x128xf32, #tpu.memory_space<vmem>>) target(%dma_start3A_166 : memref<10240x128xf32, #tpu.memory_space<vmem_shared>>) offsets(%dma_start3A_163 : memref<128xi32, #tpu.memory_space<vmem>>) semaphore(%arg15 : memref<!tpu.dma_semaphore, #tpu.memory_space<semaphore_mem>>) {add = true}
      %add3A_167 = arith.constant 4 : i32
      %add3A_168 = arith.addi %mul3A_37, %add3A_167 : i32
      %dma_wait3A_169 = arith.constant 0 : i32
      %dma_wait3A_170 = tpu.memref_slice %arg8[%add3A_140, %dma_wait3A_169] : memref<16x128xi32, #tpu.memory_space<vmem>> -> memref<1x128xi32, #tpu.memory_space<vmem>>
      %dma_wait3A_171 = tpu.memref_squeeze %dma_wait3A_170 : memref<1x128xi32, #tpu.memory_space<vmem>> -> memref<128xi32, #tpu.memory_space<vmem>>
      %dma_wait3A_172 = arith.constant 0 : i32
      %dma_wait3A_173 = arith.constant 0 : i32
      %dma_wait3A_174 = tpu.memref_slice %arg16[%dma_wait3A_172, %dma_wait3A_173] : memref<10240x128xf32, #tpu.memory_space<vmem_shared>> -> memref<10240x128xf32, #tpu.memory_space<vmem_shared>>
      tpu.wait_indirect_dma semaphore(%arg15 : memref<!tpu.dma_semaphore, #tpu.memory_space<semaphore_mem>>) src(%arg10 : memref<128x128xf32, #tpu.memory_space<vmem>>) dst(%dma_wait3A_174 : memref<10240x128xf32, #tpu.memory_space<vmem_shared>>)
      %add3A_175 = arith.constant 1 : i32
      %add3A_176 = arith.addi %add3A_168, %add3A_175 : i32
      %dma_start3A_177 = arith.constant 0 : i32
      %dma_start3A_178 = tpu.memref_slice %arg7[%add3A_176, %dma_start3A_177] : memref<16x128xi32, #tpu.memory_space<vmem>> -> memref<1x128xi32, #tpu.memory_space<vmem>>
      %dma_start3A_179 = tpu.memref_squeeze %dma_start3A_178 : memref<1x128xi32, #tpu.memory_space<vmem>> -> memref<128xi32, #tpu.memory_space<vmem>>
      %dma_start3A_180 = arith.constant 0 : i32
      %dma_start3A_181 = arith.constant 0 : i32
      %dma_start3A_182 = tpu.memref_slice %arg2[%dma_start3A_180, %dma_start3A_181] : memref<10240x128xf32, #tpu.memory_space<hbm>> -> memref<10240x128xf32, #tpu.memory_space<hbm>>
      tpu.enqueue_indirect_dma source(%dma_start3A_182 : memref<10240x128xf32, #tpu.memory_space<hbm>>) target(%arg10 : memref<128x128xf32, #tpu.memory_space<vmem>>) offsets(%dma_start3A_179 : memref<128xi32, #tpu.memory_space<vmem>>) semaphore(%arg13 : memref<!tpu.dma_semaphore, #tpu.memory_space<semaphore_mem>>)
      %dma_wait3A_183 = arith.constant 0 : i32
      %dma_wait3A_184 = arith.constant 0 : i32
      %dma_wait3A_185 = tpu.memref_slice %arg5[%dma_wait3A_183, %dma_wait3A_184] : memref<10240x128xf32, #tpu.memory_space<hbm>> -> memref<128x128xf32, #tpu.memory_space<hbm>>
      %dma_wait3A_186 = arith.constant 0 : i32
      %dma_wait3A_187 = arith.constant 0 : i32
      %dma_wait3A_188 = tpu.memref_slice %arg5[%dma_wait3A_186, %dma_wait3A_187] : memref<10240x128xf32, #tpu.memory_space<hbm>> -> memref<128x128xf32, #tpu.memory_space<hbm>>
      tpu.wait_dma2 semaphore(%arg12 : memref<!tpu.dma_semaphore, #tpu.memory_space<semaphore_mem>>) src(%dma_wait3A_188 : memref<128x128xf32, #tpu.memory_space<hbm>>) dst(%arg9 : memref<128x128xf32, #tpu.memory_space<vmem>>)
      %dma_start3A_189 = arith.constant 0 : i32
      %dma_start3A_190 = tpu.memref_slice %arg8[%add3A_168, %dma_start3A_189] : memref<16x128xi32, #tpu.memory_space<vmem>> -> memref<1x128xi32, #tpu.memory_space<vmem>>
      %dma_start3A_191 = tpu.memref_squeeze %dma_start3A_190 : memref<1x128xi32, #tpu.memory_space<vmem>> -> memref<128xi32, #tpu.memory_space<vmem>>
      %dma_start3A_192 = arith.constant 0 : i32
      %dma_start3A_193 = arith.constant 0 : i32
      %dma_start3A_194 = tpu.memref_slice %arg16[%dma_start3A_192, %dma_start3A_193] : memref<10240x128xf32, #tpu.memory_space<vmem_shared>> -> memref<10240x128xf32, #tpu.memory_space<vmem_shared>>
      tpu.enqueue_indirect_dma source(%arg9 : memref<128x128xf32, #tpu.memory_space<vmem>>) target(%dma_start3A_194 : memref<10240x128xf32, #tpu.memory_space<vmem_shared>>) offsets(%dma_start3A_191 : memref<128xi32, #tpu.memory_space<vmem>>) semaphore(%arg14 : memref<!tpu.dma_semaphore, #tpu.memory_space<semaphore_mem>>) {add = true}
      %add3A_195 = arith.constant 5 : i32
      %add3A_196 = arith.addi %mul3A_37, %add3A_195 : i32
      %dma_wait3A_197 = arith.constant 0 : i32
      %dma_wait3A_198 = tpu.memref_slice %arg8[%add3A_168, %dma_wait3A_197] : memref<16x128xi32, #tpu.memory_space<vmem>> -> memref<1x128xi32, #tpu.memory_space<vmem>>
      %dma_wait3A_199 = tpu.memref_squeeze %dma_wait3A_198 : memref<1x128xi32, #tpu.memory_space<vmem>> -> memref<128xi32, #tpu.memory_space<vmem>>
      %dma_wait3A_200 = arith.constant 0 : i32
      %dma_wait3A_201 = arith.constant 0 : i32
      %dma_wait3A_202 = tpu.memref_slice %arg16[%dma_wait3A_200, %dma_wait3A_201] : memref<10240x128xf32, #tpu.memory_space<vmem_shared>> -> memref<10240x128xf32, #tpu.memory_space<vmem_shared>>
      tpu.wait_indirect_dma semaphore(%arg14 : memref<!tpu.dma_semaphore, #tpu.memory_space<semaphore_mem>>) src(%arg9 : memref<128x128xf32, #tpu.memory_space<vmem>>) dst(%dma_wait3A_202 : memref<10240x128xf32, #tpu.memory_space<vmem_shared>>)
      %add3A_203 = arith.constant 1 : i32
      %add3A_204 = arith.addi %add3A_196, %add3A_203 : i32
      %dma_start3A_205 = arith.constant 0 : i32
      %dma_start3A_206 = tpu.memref_slice %arg7[%add3A_204, %dma_start3A_205] : memref<16x128xi32, #tpu.memory_space<vmem>> -> memref<1x128xi32, #tpu.memory_space<vmem>>
      %dma_start3A_207 = tpu.memref_squeeze %dma_start3A_206 : memref<1x128xi32, #tpu.memory_space<vmem>> -> memref<128xi32, #tpu.memory_space<vmem>>
      %dma_start3A_208 = arith.constant 0 : i32
      %dma_start3A_209 = arith.constant 0 : i32
      %dma_start3A_210 = tpu.memref_slice %arg2[%dma_start3A_208, %dma_start3A_209] : memref<10240x128xf32, #tpu.memory_space<hbm>> -> memref<10240x128xf32, #tpu.memory_space<hbm>>
      tpu.enqueue_indirect_dma source(%dma_start3A_210 : memref<10240x128xf32, #tpu.memory_space<hbm>>) target(%arg9 : memref<128x128xf32, #tpu.memory_space<vmem>>) offsets(%dma_start3A_207 : memref<128xi32, #tpu.memory_space<vmem>>) semaphore(%arg12 : memref<!tpu.dma_semaphore, #tpu.memory_space<semaphore_mem>>)
      %dma_wait3A_211 = arith.constant 0 : i32
      %dma_wait3A_212 = arith.constant 0 : i32
      %dma_wait3A_213 = tpu.memref_slice %arg5[%dma_wait3A_211, %dma_wait3A_212] : memref<10240x128xf32, #tpu.memory_space<hbm>> -> memref<128x128xf32, #tpu.memory_space<hbm>>
      %dma_wait3A_214 = arith.constant 0 : i32
      %dma_wait3A_215 = arith.constant 0 : i32
      %dma_wait3A_216 = tpu.memref_slice %arg5[%dma_wait3A_214, %dma_wait3A_215] : memref<10240x128xf32, #tpu.memory_space<hbm>> -> memref<128x128xf32, #tpu.memory_space<hbm>>
      tpu.wait_dma2 semaphore(%arg13 : memref<!tpu.dma_semaphore, #tpu.memory_space<semaphore_mem>>) src(%dma_wait3A_216 : memref<128x128xf32, #tpu.memory_space<hbm>>) dst(%arg10 : memref<128x128xf32, #tpu.memory_space<vmem>>)
      %dma_start3A_217 = arith.constant 0 : i32
      %dma_start3A_218 = tpu.memref_slice %arg8[%add3A_196, %dma_start3A_217] : memref<16x128xi32, #tpu.memory_space<vmem>> -> memref<1x128xi32, #tpu.memory_space<vmem>>
      %dma_start3A_219 = tpu.memref_squeeze %dma_start3A_218 : memref<1x128xi32, #tpu.memory_space<vmem>> -> memref<128xi32, #tpu.memory_space<vmem>>
      %dma_start3A_220 = arith.constant 0 : i32
      %dma_start3A_221 = arith.constant 0 : i32
      %dma_start3A_222 = tpu.memref_slice %arg16[%dma_start3A_220, %dma_start3A_221] : memref<10240x128xf32, #tpu.memory_space<vmem_shared>> -> memref<10240x128xf32, #tpu.memory_space<vmem_shared>>
      tpu.enqueue_indirect_dma source(%arg10 : memref<128x128xf32, #tpu.memory_space<vmem>>) target(%dma_start3A_222 : memref<10240x128xf32, #tpu.memory_space<vmem_shared>>) offsets(%dma_start3A_219 : memref<128xi32, #tpu.memory_space<vmem>>) semaphore(%arg15 : memref<!tpu.dma_semaphore, #tpu.memory_space<semaphore_mem>>) {add = true}
      %add3A_223 = arith.constant 6 : i32
      %add3A_224 = arith.addi %mul3A_37, %add3A_223 : i32
      %dma_wait3A_225 = arith.constant 0 : i32
      %dma_wait3A_226 = tpu.memref_slice %arg8[%add3A_196, %dma_wait3A_225] : memref<16x128xi32, #tpu.memory_space<vmem>> -> memref<1x128xi32, #tpu.memory_space<vmem>>
      %dma_wait3A_227 = tpu.memref_squeeze %dma_wait3A_226 : memref<1x128xi32, #tpu.memory_space<vmem>> -> memref<128xi32, #tpu.memory_space<vmem>>
      %dma_wait3A_228 = arith.constant 0 : i32
      %dma_wait3A_229 = arith.constant 0 : i32
      %dma_wait3A_230 = tpu.memref_slice %arg16[%dma_wait3A_228, %dma_wait3A_229] : memref<10240x128xf32, #tpu.memory_space<vmem_shared>> -> memref<10240x128xf32, #tpu.memory_space<vmem_shared>>
      tpu.wait_indirect_dma semaphore(%arg15 : memref<!tpu.dma_semaphore, #tpu.memory_space<semaphore_mem>>) src(%arg10 : memref<128x128xf32, #tpu.memory_space<vmem>>) dst(%dma_wait3A_230 : memref<10240x128xf32, #tpu.memory_space<vmem_shared>>)
      %add3A_231 = arith.constant 1 : i32
      %add3A_232 = arith.addi %add3A_224, %add3A_231 : i32
      %dma_start3A_233 = arith.constant 0 : i32
      %dma_start3A_234 = tpu.memref_slice %arg7[%add3A_232, %dma_start3A_233] : memref<16x128xi32, #tpu.memory_space<vmem>> -> memref<1x128xi32, #tpu.memory_space<vmem>>
      %dma_start3A_235 = tpu.memref_squeeze %dma_start3A_234 : memref<1x128xi32, #tpu.memory_space<vmem>> -> memref<128xi32, #tpu.memory_space<vmem>>
      %dma_start3A_236 = arith.constant 0 : i32
      %dma_start3A_237 = arith.constant 0 : i32
      %dma_start3A_238 = tpu.memref_slice %arg2[%dma_start3A_236, %dma_start3A_237] : memref<10240x128xf32, #tpu.memory_space<hbm>> -> memref<10240x128xf32, #tpu.memory_space<hbm>>
      tpu.enqueue_indirect_dma source(%dma_start3A_238 : memref<10240x128xf32, #tpu.memory_space<hbm>>) target(%arg10 : memref<128x128xf32, #tpu.memory_space<vmem>>) offsets(%dma_start3A_235 : memref<128xi32, #tpu.memory_space<vmem>>) semaphore(%arg13 : memref<!tpu.dma_semaphore, #tpu.memory_space<semaphore_mem>>)
      %dma_wait3A_239 = arith.constant 0 : i32
      %dma_wait3A_240 = arith.constant 0 : i32
      %dma_wait3A_241 = tpu.memref_slice %arg5[%dma_wait3A_239, %dma_wait3A_240] : memref<10240x128xf32, #tpu.memory_space<hbm>> -> memref<128x128xf32, #tpu.memory_space<hbm>>
      %dma_wait3A_242 = arith.constant 0 : i32
      %dma_wait3A_243 = arith.constant 0 : i32
      %dma_wait3A_244 = tpu.memref_slice %arg5[%dma_wait3A_242, %dma_wait3A_243] : memref<10240x128xf32, #tpu.memory_space<hbm>> -> memref<128x128xf32, #tpu.memory_space<hbm>>
      tpu.wait_dma2 semaphore(%arg12 : memref<!tpu.dma_semaphore, #tpu.memory_space<semaphore_mem>>) src(%dma_wait3A_244 : memref<128x128xf32, #tpu.memory_space<hbm>>) dst(%arg9 : memref<128x128xf32, #tpu.memory_space<vmem>>)
      %dma_start3A_245 = arith.constant 0 : i32
      %dma_start3A_246 = tpu.memref_slice %arg8[%add3A_224, %dma_start3A_245] : memref<16x128xi32, #tpu.memory_space<vmem>> -> memref<1x128xi32, #tpu.memory_space<vmem>>
      %dma_start3A_247 = tpu.memref_squeeze %dma_start3A_246 : memref<1x128xi32, #tpu.memory_space<vmem>> -> memref<128xi32, #tpu.memory_space<vmem>>
      %dma_start3A_248 = arith.constant 0 : i32
      %dma_start3A_249 = arith.constant 0 : i32
      %dma_start3A_250 = tpu.memref_slice %arg16[%dma_start3A_248, %dma_start3A_249] : memref<10240x128xf32, #tpu.memory_space<vmem_shared>> -> memref<10240x128xf32, #tpu.memory_space<vmem_shared>>
      tpu.enqueue_indirect_dma source(%arg9 : memref<128x128xf32, #tpu.memory_space<vmem>>) target(%dma_start3A_250 : memref<10240x128xf32, #tpu.memory_space<vmem_shared>>) offsets(%dma_start3A_247 : memref<128xi32, #tpu.memory_space<vmem>>) semaphore(%arg14 : memref<!tpu.dma_semaphore, #tpu.memory_space<semaphore_mem>>) {add = true}
      %add3A_251 = arith.constant 7 : i32
      %add3A_252 = arith.addi %mul3A_37, %add3A_251 : i32
      %dma_wait3A_253 = arith.constant 0 : i32
      %dma_wait3A_254 = tpu.memref_slice %arg8[%add3A_224, %dma_wait3A_253] : memref<16x128xi32, #tpu.memory_space<vmem>> -> memref<1x128xi32, #tpu.memory_space<vmem>>
      %dma_wait3A_255 = tpu.memref_squeeze %dma_wait3A_254 : memref<1x128xi32, #tpu.memory_space<vmem>> -> memref<128xi32, #tpu.memory_space<vmem>>
      %dma_wait3A_256 = arith.constant 0 : i32
      %dma_wait3A_257 = arith.constant 0 : i32
      %dma_wait3A_258 = tpu.memref_slice %arg16[%dma_wait3A_256, %dma_wait3A_257] : memref<10240x128xf32, #tpu.memory_space<vmem_shared>> -> memref<10240x128xf32, #tpu.memory_space<vmem_shared>>
      tpu.wait_indirect_dma semaphore(%arg14 : memref<!tpu.dma_semaphore, #tpu.memory_space<semaphore_mem>>) src(%arg9 : memref<128x128xf32, #tpu.memory_space<vmem>>) dst(%dma_wait3A_258 : memref<10240x128xf32, #tpu.memory_space<vmem_shared>>)
      %convert_element_type3A_259 = arith.extui %lt3A_60 : i1 to i32
      %cond3A_260 = arith.constant 0 : i32
      %cond3A_261 = arith.cmpi ne, %convert_element_type3A_259, %cond3A_260 : i32
      scf.if %cond3A_261 {
        %dma_wait3A_268 = arith.constant 0 : i32
        %dma_wait3A_269 = arith.constant 0 : i32
        %dma_wait3A_270 = tpu.memref_slice %arg7[%dma_wait3A_268, %dma_wait3A_269] : memref<16x128xi32, #tpu.memory_space<vmem>> -> memref<8x128xi32, #tpu.memory_space<vmem>>
        %dma_wait3A_271 = arith.constant 0 : i32
        %dma_wait3A_272 = arith.constant 0 : i32
        %dma_wait3A_273 = tpu.memref_slice %arg3[%dma_wait3A_271, %dma_wait3A_272] : memref<5000x128xi32, #tpu.memory_space<hbm>> -> memref<8x128xi32, #tpu.memory_space<hbm>>
        %dma_wait3A_274 = arith.constant 0 : i32
        %dma_wait3A_275 = arith.constant 0 : i32
        %dma_wait3A_276 = tpu.memref_slice %arg7[%dma_wait3A_274, %dma_wait3A_275] : memref<16x128xi32, #tpu.memory_space<vmem>> -> memref<8x128xi32, #tpu.memory_space<vmem>>
        %dma_wait3A_277 = arith.constant 0 : i32
        %dma_wait3A_278 = arith.constant 0 : i32
        %dma_wait3A_279 = tpu.memref_slice %arg3[%dma_wait3A_277, %dma_wait3A_278] : memref<5000x128xi32, #tpu.memory_space<hbm>> -> memref<8x128xi32, #tpu.memory_space<hbm>>
        tpu.wait_dma2 semaphore(%arg11 : memref<!tpu.dma_semaphore, #tpu.memory_space<semaphore_mem>>) src(%dma_wait3A_279 : memref<8x128xi32, #tpu.memory_space<hbm>>) dst(%dma_wait3A_276 : memref<8x128xi32, #tpu.memory_space<vmem>>)
        %dma_wait3A_280 = arith.constant 0 : i32
        %dma_wait3A_281 = arith.constant 0 : i32
        %dma_wait3A_282 = tpu.memref_slice %arg8[%dma_wait3A_280, %dma_wait3A_281] : memref<16x128xi32, #tpu.memory_space<vmem>> -> memref<8x128xi32, #tpu.memory_space<vmem>>
        %dma_wait3A_283 = arith.constant 0 : i32
        %dma_wait3A_284 = arith.constant 0 : i32
        %dma_wait3A_285 = tpu.memref_slice %arg4[%dma_wait3A_283, %dma_wait3A_284] : memref<5000x128xi32, #tpu.memory_space<hbm>> -> memref<8x128xi32, #tpu.memory_space<hbm>>
        %dma_wait3A_286 = arith.constant 0 : i32
        %dma_wait3A_287 = arith.constant 0 : i32
        %dma_wait3A_288 = tpu.memref_slice %arg8[%dma_wait3A_286, %dma_wait3A_287] : memref<16x128xi32, #tpu.memory_space<vmem>> -> memref<8x128xi32, #tpu.memory_space<vmem>>
        %dma_wait3A_289 = arith.constant 0 : i32
        %dma_wait3A_290 = arith.constant 0 : i32
        %dma_wait3A_291 = tpu.memref_slice %arg4[%dma_wait3A_289, %dma_wait3A_290] : memref<5000x128xi32, #tpu.memory_space<hbm>> -> memref<8x128xi32, #tpu.memory_space<hbm>>
        tpu.wait_dma2 semaphore(%arg11 : memref<!tpu.dma_semaphore, #tpu.memory_space<semaphore_mem>>) src(%dma_wait3A_291 : memref<8x128xi32, #tpu.memory_space<hbm>>) dst(%dma_wait3A_288 : memref<8x128xi32, #tpu.memory_space<vmem>>)
        %dma_start3A_292 = arith.constant 0 : i32
        %dma_start3A_293 = tpu.memref_slice %arg7[%mul3A_57, %dma_start3A_292] : memref<16x128xi32, #tpu.memory_space<vmem>> -> memref<1x128xi32, #tpu.memory_space<vmem>>
        %dma_start3A_294 = tpu.memref_squeeze %dma_start3A_293 : memref<1x128xi32, #tpu.memory_space<vmem>> -> memref<128xi32, #tpu.memory_space<vmem>>
        %dma_start3A_295 = arith.constant 0 : i32
        %dma_start3A_296 = arith.constant 0 : i32
        %dma_start3A_297 = tpu.memref_slice %arg2[%dma_start3A_295, %dma_start3A_296] : memref<10240x128xf32, #tpu.memory_space<hbm>> -> memref<10240x128xf32, #tpu.memory_space<hbm>>
        tpu.enqueue_indirect_dma source(%dma_start3A_297 : memref<10240x128xf32, #tpu.memory_space<hbm>>) target(%arg9 : memref<128x128xf32, #tpu.memory_space<vmem>>) offsets(%dma_start3A_294 : memref<128xi32, #tpu.memory_space<vmem>>) semaphore(%arg12 : memref<!tpu.dma_semaphore, #tpu.memory_space<semaphore_mem>>)
      } else {
      }
      %dma_wait3A_262 = arith.constant 0 : i32
      %dma_wait3A_263 = arith.constant 0 : i32
      %dma_wait3A_264 = tpu.memref_slice %arg5[%dma_wait3A_262, %dma_wait3A_263] : memref<10240x128xf32, #tpu.memory_space<hbm>> -> memref<128x128xf32, #tpu.memory_space<hbm>>
      %dma_wait3A_265 = arith.constant 0 : i32
      %dma_wait3A_266 = arith.constant 0 : i32
      %dma_wait3A_267 = tpu.memref_slice %arg5[%dma_wait3A_265, %dma_wait3A_266] : memref<10240x128xf32, #tpu.memory_space<hbm>> -> memref<128x128xf32, #tpu.memory_space<hbm>>
      tpu.wait_dma2 semaphore(%arg13 : memref<!tpu.dma_semaphore, #tpu.memory_space<semaphore_mem>>) src(%dma_wait3A_267 : memref<128x128xf32, #tpu.memory_space<hbm>>) dst(%arg10 : memref<128x128xf32, #tpu.memory_space<vmem>>)
      "tpu.region"() ({
        %run_scoped3A = tpu.sem_alloc : memref<!tpu.dma_semaphore, #tpu.memory_space<semaphore_mem>>
        %dma_start3A_268 = arith.constant 0 : i32
        %dma_start3A_269 = tpu.memref_slice %arg8[%add3A_252, %dma_start3A_268] : memref<16x128xi32, #tpu.memory_space<vmem>> -> memref<1x128xi32, #tpu.memory_space<vmem>>
        %dma_start3A_270 = tpu.memref_squeeze %dma_start3A_269 : memref<1x128xi32, #tpu.memory_space<vmem>> -> memref<128xi32, #tpu.memory_space<vmem>>
        %dma_start3A_271 = arith.constant 0 : i32
        %dma_start3A_272 = arith.constant 0 : i32
        %dma_start3A_273 = tpu.memref_slice %arg16[%dma_start3A_271, %dma_start3A_272] : memref<10240x128xf32, #tpu.memory_space<vmem_shared>> -> memref<10240x128xf32, #tpu.memory_space<vmem_shared>>
        tpu.enqueue_indirect_dma source(%arg10 : memref<128x128xf32, #tpu.memory_space<vmem>>) target(%dma_start3A_273 : memref<10240x128xf32, #tpu.memory_space<vmem_shared>>) offsets(%dma_start3A_270 : memref<128xi32, #tpu.memory_space<vmem>>) semaphore(%run_scoped3A : memref<!tpu.dma_semaphore, #tpu.memory_space<semaphore_mem>>) {add = true}
        %dma_wait3A_274 = arith.constant 0 : i32
        %dma_wait3A_275 = tpu.memref_slice %arg8[%add3A_252, %dma_wait3A_274] : memref<16x128xi32, #tpu.memory_space<vmem>> -> memref<1x128xi32, #tpu.memory_space<vmem>>
        %dma_wait3A_276 = tpu.memref_squeeze %dma_wait3A_275 : memref<1x128xi32, #tpu.memory_space<vmem>> -> memref<128xi32, #tpu.memory_space<vmem>>
        %dma_wait3A_277 = arith.constant 0 : i32
        %dma_wait3A_278 = arith.constant 0 : i32
        %dma_wait3A_279 = tpu.memref_slice %arg16[%dma_wait3A_277, %dma_wait3A_278] : memref<10240x128xf32, #tpu.memory_space<vmem_shared>> -> memref<10240x128xf32, #tpu.memory_space<vmem_shared>>
        tpu.wait_indirect_dma semaphore(%run_scoped3A : memref<!tpu.dma_semaphore, #tpu.memory_space<semaphore_mem>>) src(%arg10 : memref<128x128xf32, #tpu.memory_space<vmem>>) dst(%dma_wait3A_279 : memref<10240x128xf32, #tpu.memory_space<vmem_shared>>)
        tpu.yield
      }) : () -> ()
    }
    %barrier3A_22 = arith.constant 0 : index
    tpu.barrier barrier_id(%barrier3A_22)
    "tpu.region"() ({
      %run_scoped3A = tpu.sem_alloc : memref<!tpu.dma_semaphore, #tpu.memory_space<semaphore_mem>>
      %dma_start3A_23 = arith.constant 0 : i32
      %dma_start3A_24 = tpu.memref_slice %arg6[%arg0, %mul3A_2, %dma_start3A_23] : memref<2x10240x128xf32, #tpu.memory_space<hbm>> -> memref<1x640x128xf32, #tpu.memory_space<hbm>>
      %dma_start3A_25 = tpu.memref_squeeze %dma_start3A_24 : memref<1x640x128xf32, #tpu.memory_space<hbm>> -> memref<640x128xf32, #tpu.memory_space<hbm>>
      %dma_start3A_26 = arith.constant 0 : i32
      %dma_start3A_27 = tpu.memref_slice %arg16[%mul3A_2, %dma_start3A_26] : memref<10240x128xf32, #tpu.memory_space<vmem_shared>> -> memref<640x128xf32, #tpu.memory_space<vmem_shared>>
      tpu.enqueue_dma source(%dma_start3A_27 : memref<640x128xf32, #tpu.memory_space<vmem_shared>>) target(%dma_start3A_25 : memref<640x128xf32, #tpu.memory_space<hbm>>) target_semaphore(%run_scoped3A : memref<!tpu.dma_semaphore, #tpu.memory_space<semaphore_mem>>)
      %dma_wait3A = arith.constant 0 : i32
      %dma_wait3A_28 = tpu.memref_slice %arg6[%arg0, %mul3A_2, %dma_wait3A] : memref<2x10240x128xf32, #tpu.memory_space<hbm>> -> memref<1x640x128xf32, #tpu.memory_space<hbm>>
      %dma_wait3A_29 = tpu.memref_squeeze %dma_wait3A_28 : memref<1x640x128xf32, #tpu.memory_space<hbm>> -> memref<640x128xf32, #tpu.memory_space<hbm>>
      %dma_wait3A_30 = arith.constant 0 : i32
      %dma_wait3A_31 = tpu.memref_slice %arg16[%mul3A_2, %dma_wait3A_30] : memref<10240x128xf32, #tpu.memory_space<vmem_shared>> -> memref<640x128xf32, #tpu.memory_space<vmem_shared>>
      tpu.wait_dma2 semaphore(%run_scoped3A : memref<!tpu.dma_semaphore, #tpu.memory_space<semaphore_mem>>) src(%dma_wait3A_31 : memref<640x128xf32, #tpu.memory_space<vmem_shared>>) dst(%dma_wait3A_29 : memref<640x128xf32, #tpu.memory_space<hbm>>)
      tpu.yield
    }) : () -> ()
    return
  }
}

module attributes {stable_mosaic.version = 14 : i64} {
  func.func @_mm_scale_body(%arg0: i32, %arg1: memref<1024x128xf32, #tpu.memory_space<vmem>>, %arg2: memref<1024x128xf32, #tpu.memory_space<vmem>>, %arg3: memref<1024x128xf32, #tpu.memory_space<vmem>>, %arg4: memref<128x128xf32, #tpu.memory_space<vmem>>, %arg5: memref<1024x128xf32, #tpu.memory_space<vmem>>) attributes {dimension_semantics = [#tpu.dimension_semantics<arbitrary>], iteration_bounds = array<i64: 10>, scalar_prefetch = 0 : i64, scratch_operands = 0 : i64, tpu.core_type = #tpu.core_type<tc>, window_params = [{transform_indices = @transform_0, window_bounds = array<i64: 1024, 128>}, {transform_indices = @transform_1, window_bounds = array<i64: 1024, 128>}, {transform_indices = @transform_2, window_bounds = array<i64: 1024, 128>}, {pipeline_mode = #tpu.pipeline_mode<synchronous>, transform_indices = @transform_3, window_bounds = array<i64: 128, 128>}, {transform_indices = @transform_4, window_bounds = array<i64: 1024, 128>}]} {
    %get3A = arith.constant 0 : index
    %get3A_0 = arith.constant 0 : index
    %get3A_1 = vector.load %arg1[%get3A, %get3A_0] : memref<1024x128xf32, #tpu.memory_space<vmem>>, vector<1024x128xf32>
    %get3A_2 = arith.constant 0 : index
    %get3A_3 = arith.constant 0 : index
    %get3A_4 = vector.load %arg2[%get3A_2, %get3A_3] : memref<1024x128xf32, #tpu.memory_space<vmem>>, vector<1024x128xf32>
    %add3A = arith.addf %get3A_1, %get3A_4 : vector<1024x128xf32>
    %add3A_5 = arith.constant 1.000000e+00 : f32
    %add3A_6 = vector.broadcast %add3A_5 : f32 to vector<1024x128xf32>
    %add3A_7 = arith.addf %add3A, %add3A_6 : vector<1024x128xf32>
    %rsqrt3A = math.rsqrt %add3A_7 : vector<1024x128xf32>
    %get3A_8 = arith.constant 0 : index
    %get3A_9 = arith.constant 0 : index
    %get3A_10 = vector.load %arg3[%get3A_8, %get3A_9] : memref<1024x128xf32, #tpu.memory_space<vmem>>, vector<1024x128xf32>
    %get3A_11 = arith.constant 0 : index
    %get3A_12 = arith.constant 0 : index
    %get3A_13 = vector.load %arg4[%get3A_11, %get3A_12] : memref<128x128xf32, #tpu.memory_space<vmem>>, vector<128x128xf32>
    %dot_general3A = arith.constant dense<0.000000e+00> : vector<1024x128xf32>
    %dot_general3A_14 = tpu.matmul %get3A_10, %get3A_13, %dot_general3A {dimension_numbers = #tpu.dot_dimension_numbers<[1], [0], [0], [1], [0, 0, 1, 1], [], []>, transpose_lhs_hint = false} : vector<1024x128xf32>, vector<128x128xf32>, vector<1024x128xf32> -> vector<1024x128xf32>
    %mul3A = arith.mulf %dot_general3A_14, %rsqrt3A : vector<1024x128xf32>
    %swap3A = arith.constant 0 : index
    %swap3A_15 = arith.constant 0 : index
    %swap3A_16 = vector.load %arg5[%swap3A, %swap3A_15] : memref<1024x128xf32, #tpu.memory_space<vmem>>, vector<1024x128xf32>
    tpu.vector_store %arg5[%swap3A, %swap3A_15], %mul3A {strides = array<i32>} : memref<1024x128xf32, #tpu.memory_space<vmem>>, vector<1024x128xf32>,
    return
  }
  func.func @transform_0(%arg0: i32) -> (i32, i32) {
    %c0_i32 = arith.constant 0 : i32
    %c0_i32_0 = arith.constant 0 : i32
    return %arg0, %c0_i32 : i32, i32
  }
  func.func @transform_1(%arg0: i32) -> (i32, i32) {
    %c0_i32 = arith.constant 0 : i32
    %c0_i32_0 = arith.constant 0 : i32
    return %arg0, %c0_i32 : i32, i32
  }
  func.func @transform_2(%arg0: i32) -> (i32, i32) {
    %c0_i32 = arith.constant 0 : i32
    %c0_i32_0 = arith.constant 0 : i32
    return %arg0, %c0_i32 : i32, i32
  }
  func.func @transform_3(%arg0: i32) -> (i32, i32) {
    %c0_i32 = arith.constant 0 : i32
    %c0_i32_0 = arith.constant 0 : i32
    %c0_i32_1 = arith.constant 0 : i32
    return %c0_i32, %c0_i32_0 : i32, i32
  }
  func.func @transform_4(%arg0: i32) -> (i32, i32) {
    %c0_i32 = arith.constant 0 : i32
    %c0_i32_0 = arith.constant 0 : i32
    return %arg0, %c0_i32 : i32, i32
  }
}

module attributes {stable_mosaic.version = 14 : i64} {
  func.func @_mid_body(%arg0: i32, %arg1: memref<1024x128xf32, #tpu.memory_space<vmem>>, %arg2: memref<1024x128xf32, #tpu.memory_space<vmem>>, %arg3: memref<1024x128xf32, #tpu.memory_space<vmem>>, %arg4: memref<1024x128xf32, #tpu.memory_space<vmem>>, %arg5: memref<1024x128xf32, #tpu.memory_space<vmem>>, %arg6: memref<1x128xf32, #tpu.memory_space<vmem>>, %arg7: memref<128x128xf32, #tpu.memory_space<vmem>>, %arg8: memref<1024x128xf32, #tpu.memory_space<vmem>>) attributes {dimension_semantics = [#tpu.dimension_semantics<arbitrary>], iteration_bounds = array<i64: 10>, scalar_prefetch = 0 : i64, scratch_operands = 0 : i64, tpu.core_type = #tpu.core_type<tc>, window_params = [{transform_indices = @transform_0, window_bounds = array<i64: 1024, 128>}, {transform_indices = @transform_1, window_bounds = array<i64: 1024, 128>}, {transform_indices = @transform_2, window_bounds = array<i64: 1024, 128>}, {transform_indices = @transform_3, window_bounds = array<i64: 1024, 128>}, {transform_indices = @transform_4, window_bounds = array<i64: 1024, 128>}, {pipeline_mode = #tpu.pipeline_mode<synchronous>, transform_indices = @transform_5, window_bounds = array<i64: 1, 128>}, {pipeline_mode = #tpu.pipeline_mode<synchronous>, transform_indices = @transform_6, window_bounds = array<i64: 128, 128>}, {transform_indices = @transform_7, window_bounds = array<i64: 1024, 128>}]} {
    %get3A = arith.constant 0 : index
    %get3A_0 = arith.constant 0 : index
    %get3A_1 = vector.load %arg1[%get3A, %get3A_0] : memref<1024x128xf32, #tpu.memory_space<vmem>>, vector<1024x128xf32>
    %get3A_2 = arith.constant 0 : index
    %get3A_3 = arith.constant 0 : index
    %get3A_4 = vector.load %arg2[%get3A_2, %get3A_3] : memref<1024x128xf32, #tpu.memory_space<vmem>>, vector<1024x128xf32>
    %add3A = arith.addf %get3A_1, %get3A_4 : vector<1024x128xf32>
    %add3A_5 = arith.constant 1.000000e+00 : f32
    %add3A_6 = vector.broadcast %add3A_5 : f32 to vector<1024x128xf32>
    %add3A_7 = arith.addf %add3A, %add3A_6 : vector<1024x128xf32>
    %rsqrt3A = math.rsqrt %add3A_7 : vector<1024x128xf32>
    %get3A_8 = arith.constant 0 : index
    %get3A_9 = arith.constant 0 : index
    %get3A_10 = vector.load %arg3[%get3A_8, %get3A_9] : memref<1024x128xf32, #tpu.memory_space<vmem>>, vector<1024x128xf32>
    %get3A_11 = arith.constant 0 : index
    %get3A_12 = arith.constant 0 : index
    %get3A_13 = vector.load %arg4[%get3A_11, %get3A_12] : memref<1024x128xf32, #tpu.memory_space<vmem>>, vector<1024x128xf32>
    %add3A_14 = arith.addf %get3A_10, %get3A_13 : vector<1024x128xf32>
    %get3A_15 = arith.constant 0 : index
    %get3A_16 = arith.constant 0 : index
    %get3A_17 = vector.load %arg5[%get3A_15, %get3A_16] : memref<1024x128xf32, #tpu.memory_space<vmem>>, vector<1024x128xf32>
    %add3A_18 = arith.addf %add3A_14, %get3A_17 : vector<1024x128xf32>
    %mul3A = arith.mulf %add3A_18, %rsqrt3A : vector<1024x128xf32>
    %get3A_19 = arith.constant 0 : index
    %get3A_20 = arith.constant 0 : index
    %get3A_21 = vector.load %arg6[%get3A_19, %get3A_20] : memref<1x128xf32, #tpu.memory_space<vmem>>, vector<1x128xf32>
    %add3A_22 = vector.broadcast %get3A_21 : vector<1x128xf32> to vector<1024x128xf32>
    %add3A_23 = arith.addf %mul3A, %add3A_22 : vector<1024x128xf32>
    %max3A = arith.constant 0.000000e+00 : f32
    %max3A_24 = vector.broadcast %max3A : f32 to vector<1024x128xf32>
    %max3A_25 = arith.maximumf %add3A_23, %max3A_24 : vector<1024x128xf32>
    %get3A_26 = arith.constant 0 : index
    %get3A_27 = arith.constant 0 : index
    %get3A_28 = vector.load %arg7[%get3A_26, %get3A_27] : memref<128x128xf32, #tpu.memory_space<vmem>>, vector<128x128xf32>
    %dot_general3A = arith.constant dense<0.000000e+00> : vector<1024x128xf32>
    %dot_general3A_29 = tpu.matmul %max3A_25, %get3A_28, %dot_general3A {dimension_numbers = #tpu.dot_dimension_numbers<[1], [0], [0], [1], [0, 0, 1, 1], [], []>, transpose_lhs_hint = false} : vector<1024x128xf32>, vector<128x128xf32>, vector<1024x128xf32> -> vector<1024x128xf32>
    %mul3A_30 = arith.mulf %dot_general3A_29, %rsqrt3A : vector<1024x128xf32>
    %swap3A = arith.constant 0 : index
    %swap3A_31 = arith.constant 0 : index
    %swap3A_32 = vector.load %arg8[%swap3A, %swap3A_31] : memref<1024x128xf32, #tpu.memory_space<vmem>>, vector<1024x128xf32>
    tpu.vector_store %arg8[%swap3A, %swap3A_31], %mul3A_30 {strides = array<i32>} : memref<1024x128xf32, #tpu.memory_space<vmem>>, vector<1024x128xf32>,
    return
  }
  func.func @transform_0(%arg0: i32) -> (i32, i32) {
    %c0_i32 = arith.constant 0 : i32
    %c0_i32_0 = arith.constant 0 : i32
    return %arg0, %c0_i32 : i32, i32
  }
  func.func @transform_1(%arg0: i32) -> (i32, i32) {
    %c0_i32 = arith.constant 0 : i32
    %c0_i32_0 = arith.constant 0 : i32
    return %arg0, %c0_i32 : i32, i32
  }
  func.func @transform_2(%arg0: i32) -> (i32, i32) {
    %c0_i32 = arith.constant 0 : i32
    %c0_i32_0 = arith.constant 0 : i32
    return %arg0, %c0_i32 : i32, i32
  }
  func.func @transform_3(%arg0: i32) -> (i32, i32) {
    %c0_i32 = arith.constant 0 : i32
    %c0_i32_0 = arith.constant 0 : i32
    return %arg0, %c0_i32 : i32, i32
  }
  func.func @transform_4(%arg0: i32) -> (i32, i32) {
    %c0_i32 = arith.constant 0 : i32
    %c0_i32_0 = arith.constant 0 : i32
    return %arg0, %c0_i32 : i32, i32
  }
  func.func @transform_5(%arg0: i32) -> (i32, i32) {
    %c0_i32 = arith.constant 0 : i32
    %c0_i32_0 = arith.constant 0 : i32
    %c0_i32_1 = arith.constant 0 : i32
    return %c0_i32, %c0_i32_0 : i32, i32
  }
  func.func @transform_6(%arg0: i32) -> (i32, i32) {
    %c0_i32 = arith.constant 0 : i32
    %c0_i32_0 = arith.constant 0 : i32
    %c0_i32_1 = arith.constant 0 : i32
    return %c0_i32, %c0_i32_0 : i32, i32
  }
  func.func @transform_7(%arg0: i32) -> (i32, i32) {
    %c0_i32 = arith.constant 0 : i32
    %c0_i32_0 = arith.constant 0 : i32
    return %arg0, %c0_i32 : i32, i32
  }
}

module attributes {stable_mosaic.version = 14 : i64} {
  func.func @_final_body(%arg0: i32, %arg1: memref<1024x128xf32, #tpu.memory_space<vmem>>, %arg2: memref<1024x128xf32, #tpu.memory_space<vmem>>, %arg3: memref<1024x128xf32, #tpu.memory_space<vmem>>, %arg4: memref<1024x128xf32, #tpu.memory_space<vmem>>, %arg5: memref<1024x128xf32, #tpu.memory_space<vmem>>, %arg6: memref<1x128xf32, #tpu.memory_space<vmem>>, %arg7: memref<1024x128xf32, #tpu.memory_space<vmem>>) attributes {dimension_semantics = [#tpu.dimension_semantics<arbitrary>], iteration_bounds = array<i64: 10>, scalar_prefetch = 0 : i64, scratch_operands = 0 : i64, tpu.core_type = #tpu.core_type<tc>, window_params = [{transform_indices = @transform_0, window_bounds = array<i64: 1024, 128>}, {transform_indices = @transform_1, window_bounds = array<i64: 1024, 128>}, {transform_indices = @transform_2, window_bounds = array<i64: 1024, 128>}, {transform_indices = @transform_3, window_bounds = array<i64: 1024, 128>}, {transform_indices = @transform_4, window_bounds = array<i64: 1024, 128>}, {pipeline_mode = #tpu.pipeline_mode<synchronous>, transform_indices = @transform_5, window_bounds = array<i64: 1, 128>}, {transform_indices = @transform_6, window_bounds = array<i64: 1024, 128>}]} {
    %get3A = arith.constant 0 : index
    %get3A_0 = arith.constant 0 : index
    %get3A_1 = vector.load %arg1[%get3A, %get3A_0] : memref<1024x128xf32, #tpu.memory_space<vmem>>, vector<1024x128xf32>
    %get3A_2 = arith.constant 0 : index
    %get3A_3 = arith.constant 0 : index
    %get3A_4 = vector.load %arg2[%get3A_2, %get3A_3] : memref<1024x128xf32, #tpu.memory_space<vmem>>, vector<1024x128xf32>
    %add3A = arith.addf %get3A_1, %get3A_4 : vector<1024x128xf32>
    %add3A_5 = arith.constant 1.000000e+00 : f32
    %add3A_6 = vector.broadcast %add3A_5 : f32 to vector<1024x128xf32>
    %add3A_7 = arith.addf %add3A, %add3A_6 : vector<1024x128xf32>
    %rsqrt3A = math.rsqrt %add3A_7 : vector<1024x128xf32>
    %get3A_8 = arith.constant 0 : index
    %get3A_9 = arith.constant 0 : index
    %get3A_10 = vector.load %arg3[%get3A_8, %get3A_9] : memref<1024x128xf32, #tpu.memory_space<vmem>>, vector<1024x128xf32>
    %get3A_11 = arith.constant 0 : index
    %get3A_12 = arith.constant 0 : index
    %get3A_13 = vector.load %arg4[%get3A_11, %get3A_12] : memref<1024x128xf32, #tpu.memory_space<vmem>>, vector<1024x128xf32>
    %add3A_14 = arith.addf %get3A_10, %get3A_13 : vector<1024x128xf32>
    %get3A_15 = arith.constant 0 : index
    %get3A_16 = arith.constant 0 : index
    %get3A_17 = vector.load %arg5[%get3A_15, %get3A_16] : memref<1024x128xf32, #tpu.memory_space<vmem>>, vector<1024x128xf32>
    %add3A_18 = arith.addf %add3A_14, %get3A_17 : vector<1024x128xf32>
    %mul3A = arith.mulf %add3A_18, %rsqrt3A : vector<1024x128xf32>
    %get3A_19 = arith.constant 0 : index
    %get3A_20 = arith.constant 0 : index
    %get3A_21 = vector.load %arg6[%get3A_19, %get3A_20] : memref<1x128xf32, #tpu.memory_space<vmem>>, vector<1x128xf32>
    %add3A_22 = vector.broadcast %get3A_21 : vector<1x128xf32> to vector<1024x128xf32>
    %add3A_23 = arith.addf %mul3A, %add3A_22 : vector<1024x128xf32>
    %swap3A = arith.constant 0 : index
    %swap3A_24 = arith.constant 0 : index
    %swap3A_25 = vector.load %arg7[%swap3A, %swap3A_24] : memref<1024x128xf32, #tpu.memory_space<vmem>>, vector<1024x128xf32>
    tpu.vector_store %arg7[%swap3A, %swap3A_24], %add3A_23 {strides = array<i32>} : memref<1024x128xf32, #tpu.memory_space<vmem>>, vector<1024x128xf32>,
    return
  }
  func.func @transform_0(%arg0: i32) -> (i32, i32) {
    %c0_i32 = arith.constant 0 : i32
    %c0_i32_0 = arith.constant 0 : i32
    return %arg0, %c0_i32 : i32, i32
  }
  func.func @transform_1(%arg0: i32) -> (i32, i32) {
    %c0_i32 = arith.constant 0 : i32
    %c0_i32_0 = arith.constant 0 : i32
    return %arg0, %c0_i32 : i32, i32
  }
  func.func @transform_2(%arg0: i32) -> (i32, i32) {
    %c0_i32 = arith.constant 0 : i32
    %c0_i32_0 = arith.constant 0 : i32
    return %arg0, %c0_i32 : i32, i32
  }
  func.func @transform_3(%arg0: i32) -> (i32, i32) {
    %c0_i32 = arith.constant 0 : i32
    %c0_i32_0 = arith.constant 0 : i32
    return %arg0, %c0_i32 : i32, i32
  }
  func.func @transform_4(%arg0: i32) -> (i32, i32) {
    %c0_i32 = arith.constant 0 : i32
    %c0_i32_0 = arith.constant 0 : i32
    return %arg0, %c0_i32 : i32, i32
  }
  func.func @transform_5(%arg0: i32) -> (i32, i32) {
    %c0_i32 = arith.constant 0 : i32
    %c0_i32_0 = arith.constant 0 : i32
    %c0_i32_1 = arith.constant 0 : i32
    return %c0_i32, %c0_i32_0 : i32, i32
  }
  func.func @transform_6(%arg0: i32) -> (i32, i32) {
    %c0_i32 = arith.constant 0 : i32
    %c0_i32_0 = arith.constant 0 : i32
    return %arg0, %c0_i32 : i32, i32
  }
}

module attributes {stable_mosaic.version = 14 : i64} {
  func.func @_rest_body(%arg0: i32, %arg1: memref<512x1024xf32, #tpu.memory_space<vmem>>, %arg2: memref<512x2560xf32, #tpu.memory_space<vmem>>, %arg3: memref<512x3072xf32, #tpu.memory_space<vmem>>, %arg4: memref<1024x128xf32, #tpu.memory_space<vmem>>, %arg5: memref<2560x128xf32, #tpu.memory_space<vmem>>, %arg6: memref<3072x128xf32, #tpu.memory_space<vmem>>, %arg7: memref<1x128xf32, #tpu.memory_space<vmem>>, %arg8: memref<512x128xf32, #tpu.memory_space<vmem>>) attributes {dimension_semantics = [#tpu.dimension_semantics<arbitrary>], iteration_bounds = array<i64: 8>, scalar_prefetch = 0 : i64, scratch_operands = 0 : i64, tpu.core_type = #tpu.core_type<tc>, window_params = [{transform_indices = @transform_0, window_bounds = array<i64: 512, 1024>}, {transform_indices = @transform_1, window_bounds = array<i64: 512, 2560>}, {transform_indices = @transform_2, window_bounds = array<i64: 512, 3072>}, {pipeline_mode = #tpu.pipeline_mode<synchronous>, transform_indices = @transform_3, window_bounds = array<i64: 1024, 128>}, {pipeline_mode = #tpu.pipeline_mode<synchronous>, transform_indices = @transform_4, window_bounds = array<i64: 2560, 128>}, {pipeline_mode = #tpu.pipeline_mode<synchronous>, transform_indices = @transform_5, window_bounds = array<i64: 3072, 128>}, {pipeline_mode = #tpu.pipeline_mode<synchronous>, transform_indices = @transform_6, window_bounds = array<i64: 1, 128>}, {transform_indices = @transform_7, window_bounds = array<i64: 512, 128>}]} {
    %get3A = arith.constant 0 : index
    %get3A_0 = arith.constant 0 : index
    %get3A_1 = vector.load %arg1[%get3A, %get3A_0] : memref<512x1024xf32, #tpu.memory_space<vmem>>, vector<512x1024xf32>
    %get3A_2 = arith.constant 0 : index
    %get3A_3 = arith.constant 0 : index
    %get3A_4 = vector.load %arg4[%get3A_2, %get3A_3] : memref<1024x128xf32, #tpu.memory_space<vmem>>, vector<1024x128xf32>
    %dot_general3A = arith.constant dense<0.000000e+00> : vector<512x128xf32>
    %dot_general3A_5 = tpu.matmul %get3A_1, %get3A_4, %dot_general3A {dimension_numbers = #tpu.dot_dimension_numbers<[1], [0], [0], [1], [0, 0, 1, 1], [], []>, transpose_lhs_hint = false} : vector<512x1024xf32>, vector<1024x128xf32>, vector<512x128xf32> -> vector<512x128xf32>
    %get3A_6 = arith.constant 0 : index
    %get3A_7 = arith.constant 0 : index
    %get3A_8 = vector.load %arg2[%get3A_6, %get3A_7] : memref<512x2560xf32, #tpu.memory_space<vmem>>, vector<512x2560xf32>
    %get3A_9 = arith.constant 0 : index
    %get3A_10 = arith.constant 0 : index
    %get3A_11 = vector.load %arg5[%get3A_9, %get3A_10] : memref<2560x128xf32, #tpu.memory_space<vmem>>, vector<2560x128xf32>
    %dot_general3A_12 = arith.constant dense<0.000000e+00> : vector<512x128xf32>
    %dot_general3A_13 = tpu.matmul %get3A_8, %get3A_11, %dot_general3A_12 {dimension_numbers = #tpu.dot_dimension_numbers<[1], [0], [0], [1], [0, 0, 1, 1], [], []>, transpose_lhs_hint = false} : vector<512x2560xf32>, vector<2560x128xf32>, vector<512x128xf32> -> vector<512x128xf32>
    %add3A = arith.addf %dot_general3A_5, %dot_general3A_13 : vector<512x128xf32>
    %get3A_14 = arith.constant 0 : index
    %get3A_15 = arith.constant 0 : index
    %get3A_16 = vector.load %arg3[%get3A_14, %get3A_15] : memref<512x3072xf32, #tpu.memory_space<vmem>>, vector<512x3072xf32>
    %get3A_17 = arith.constant 0 : index
    %get3A_18 = arith.constant 0 : index
    %get3A_19 = vector.load %arg6[%get3A_17, %get3A_18] : memref<3072x128xf32, #tpu.memory_space<vmem>>, vector<3072x128xf32>
    %dot_general3A_20 = arith.constant dense<0.000000e+00> : vector<512x128xf32>
    %dot_general3A_21 = tpu.matmul %get3A_16, %get3A_19, %dot_general3A_20 {dimension_numbers = #tpu.dot_dimension_numbers<[1], [0], [0], [1], [0, 0, 1, 1], [], []>, transpose_lhs_hint = false} : vector<512x3072xf32>, vector<3072x128xf32>, vector<512x128xf32> -> vector<512x128xf32>
    %add3A_22 = arith.addf %add3A, %dot_general3A_21 : vector<512x128xf32>
    %get3A_23 = arith.constant 0 : index
    %get3A_24 = arith.constant 0 : index
    %get3A_25 = vector.load %arg7[%get3A_23, %get3A_24] : memref<1x128xf32, #tpu.memory_space<vmem>>, vector<1x128xf32>
    %add3A_26 = vector.broadcast %get3A_25 : vector<1x128xf32> to vector<512x128xf32>
    %add3A_27 = arith.addf %add3A_22, %add3A_26 : vector<512x128xf32>
    %swap3A = arith.constant 0 : index
    %swap3A_28 = arith.constant 0 : index
    %swap3A_29 = vector.load %arg8[%swap3A, %swap3A_28] : memref<512x128xf32, #tpu.memory_space<vmem>>, vector<512x128xf32>
    tpu.vector_store %arg8[%swap3A, %swap3A_28], %add3A_27 {strides = array<i32>} : memref<512x128xf32, #tpu.memory_space<vmem>>, vector<512x128xf32>,
    return
  }
  func.func @transform_0(%arg0: i32) -> (i32, i32) {
    %c0_i32 = arith.constant 0 : i32
    %c0_i32_0 = arith.constant 0 : i32
    return %arg0, %c0_i32 : i32, i32
  }
  func.func @transform_1(%arg0: i32) -> (i32, i32) {
    %c0_i32 = arith.constant 0 : i32
    %c0_i32_0 = arith.constant 0 : i32
    return %arg0, %c0_i32 : i32, i32
  }
  func.func @transform_2(%arg0: i32) -> (i32, i32) {
    %c0_i32 = arith.constant 0 : i32
    %c0_i32_0 = arith.constant 0 : i32
    return %arg0, %c0_i32 : i32, i32
  }
  func.func @transform_3(%arg0: i32) -> (i32, i32) {
    %c0_i32 = arith.constant 0 : i32
    %c0_i32_0 = arith.constant 0 : i32
    %c0_i32_1 = arith.constant 0 : i32
    return %c0_i32, %c0_i32_0 : i32, i32
  }
  func.func @transform_4(%arg0: i32) -> (i32, i32) {
    %c0_i32 = arith.constant 0 : i32
    %c0_i32_0 = arith.constant 0 : i32
    %c0_i32_1 = arith.constant 0 : i32
    return %c0_i32, %c0_i32_0 : i32, i32
  }
  func.func @transform_5(%arg0: i32) -> (i32, i32) {
    %c0_i32 = arith.constant 0 : i32
    %c0_i32_0 = arith.constant 0 : i32
    %c0_i32_1 = arith.constant 0 : i32
    return %c0_i32, %c0_i32_0 : i32, i32
  }
  func.func @transform_6(%arg0: i32) -> (i32, i32) {
    %c0_i32 = arith.constant 0 : i32
    %c0_i32_0 = arith.constant 0 : i32
    %c0_i32_1 = arith.constant 0 : i32
    return %c0_i32, %c0_i32_0 : i32, i32
  }
  func.func @transform_7(%arg0: i32) -> (i32, i32) {
    %c0_i32 = arith.constant 0 : i32
    %c0_i32_0 = arith.constant 0 : i32
    return %arg0, %c0_i32 : i32, i32
  }
}

module attributes {stable_mosaic.version = 14 : i64} {
  func.func @_mlp_body(%arg0: i32, %arg1: memref<512x128xf32, #tpu.memory_space<vmem>>, %arg2: memref<512x128xf32, #tpu.memory_space<vmem>>, %arg3: memref<512x128xf32, #tpu.memory_space<vmem>>, %arg4: memref<128x128xf32, #tpu.memory_space<vmem>>, %arg5: memref<128x128xf32, #tpu.memory_space<vmem>>, %arg6: memref<128x128xf32, #tpu.memory_space<vmem>>, %arg7: memref<1x128xf32, #tpu.memory_space<vmem>>, %arg8: memref<128x128xf32, #tpu.memory_space<vmem>>, %arg9: memref<1x128xf32, #tpu.memory_space<vmem>>, %arg10: memref<512x128xf32, #tpu.memory_space<vmem>>) attributes {dimension_semantics = [#tpu.dimension_semantics<arbitrary>], iteration_bounds = array<i64: 8>, scalar_prefetch = 0 : i64, scratch_operands = 0 : i64, tpu.core_type = #tpu.core_type<tc>, window_params = [{transform_indices = @transform_0, window_bounds = array<i64: 512, 128>}, {transform_indices = @transform_1, window_bounds = array<i64: 512, 128>}, {transform_indices = @transform_2, window_bounds = array<i64: 512, 128>}, {pipeline_mode = #tpu.pipeline_mode<synchronous>, transform_indices = @transform_3, window_bounds = array<i64: 128, 128>}, {pipeline_mode = #tpu.pipeline_mode<synchronous>, transform_indices = @transform_4, window_bounds = array<i64: 128, 128>}, {pipeline_mode = #tpu.pipeline_mode<synchronous>, transform_indices = @transform_5, window_bounds = array<i64: 128, 128>}, {pipeline_mode = #tpu.pipeline_mode<synchronous>, transform_indices = @transform_6, window_bounds = array<i64: 1, 128>}, {pipeline_mode = #tpu.pipeline_mode<synchronous>, transform_indices = @transform_7, window_bounds = array<i64: 128, 128>}, {pipeline_mode = #tpu.pipeline_mode<synchronous>, transform_indices = @transform_8, window_bounds = array<i64: 1, 128>}, {transform_indices = @transform_9, window_bounds = array<i64: 512, 128>}]} {
    %get3A = arith.constant 0 : index
    %get3A_0 = arith.constant 0 : index
    %get3A_1 = vector.load %arg1[%get3A, %get3A_0] : memref<512x128xf32, #tpu.memory_space<vmem>>, vector<512x128xf32>
    %get3A_2 = arith.constant 0 : index
    %get3A_3 = arith.constant 0 : index
    %get3A_4 = vector.load %arg4[%get3A_2, %get3A_3] : memref<128x128xf32, #tpu.memory_space<vmem>>, vector<128x128xf32>
    %dot_general3A = arith.constant dense<0.000000e+00> : vector<512x128xf32>
    %dot_general3A_5 = tpu.matmul %get3A_1, %get3A_4, %dot_general3A {dimension_numbers = #tpu.dot_dimension_numbers<[1], [0], [0], [1], [0, 0, 1, 1], [], []>, transpose_lhs_hint = false} : vector<512x128xf32>, vector<128x128xf32>, vector<512x128xf32> -> vector<512x128xf32>
    %get3A_6 = arith.constant 0 : index
    %get3A_7 = arith.constant 0 : index
    %get3A_8 = vector.load %arg2[%get3A_6, %get3A_7] : memref<512x128xf32, #tpu.memory_space<vmem>>, vector<512x128xf32>
    %get3A_9 = arith.constant 0 : index
    %get3A_10 = arith.constant 0 : index
    %get3A_11 = vector.load %arg5[%get3A_9, %get3A_10] : memref<128x128xf32, #tpu.memory_space<vmem>>, vector<128x128xf32>
    %dot_general3A_12 = arith.constant dense<0.000000e+00> : vector<512x128xf32>
    %dot_general3A_13 = tpu.matmul %get3A_8, %get3A_11, %dot_general3A_12 {dimension_numbers = #tpu.dot_dimension_numbers<[1], [0], [0], [1], [0, 0, 1, 1], [], []>, transpose_lhs_hint = false} : vector<512x128xf32>, vector<128x128xf32>, vector<512x128xf32> -> vector<512x128xf32>
    %add3A = arith.addf %dot_general3A_5, %dot_general3A_13 : vector<512x128xf32>
    %get3A_14 = arith.constant 0 : index
    %get3A_15 = arith.constant 0 : index
    %get3A_16 = vector.load %arg3[%get3A_14, %get3A_15] : memref<512x128xf32, #tpu.memory_space<vmem>>, vector<512x128xf32>
    %add3A_17 = arith.addf %add3A, %get3A_16 : vector<512x128xf32>
    %max3A = arith.constant 0.000000e+00 : f32
    %max3A_18 = vector.broadcast %max3A : f32 to vector<512x128xf32>
    %max3A_19 = arith.maximumf %add3A_17, %max3A_18 : vector<512x128xf32>
    %get3A_20 = arith.constant 0 : index
    %get3A_21 = arith.constant 0 : index
    %get3A_22 = vector.load %arg6[%get3A_20, %get3A_21] : memref<128x128xf32, #tpu.memory_space<vmem>>, vector<128x128xf32>
    %dot_general3A_23 = arith.constant dense<0.000000e+00> : vector<512x128xf32>
    %dot_general3A_24 = tpu.matmul %max3A_19, %get3A_22, %dot_general3A_23 {dimension_numbers = #tpu.dot_dimension_numbers<[1], [0], [0], [1], [0, 0, 1, 1], [], []>, transpose_lhs_hint = false} : vector<512x128xf32>, vector<128x128xf32>, vector<512x128xf32> -> vector<512x128xf32>
    %get3A_25 = arith.constant 0 : index
    %get3A_26 = arith.constant 0 : index
    %get3A_27 = vector.load %arg7[%get3A_25, %get3A_26] : memref<1x128xf32, #tpu.memory_space<vmem>>, vector<1x128xf32>
    %add3A_28 = vector.broadcast %get3A_27 : vector<1x128xf32> to vector<512x128xf32>
    %add3A_29 = arith.addf %dot_general3A_24, %add3A_28 : vector<512x128xf32>
    %max3A_30 = arith.constant 0.000000e+00 : f32
    %max3A_31 = vector.broadcast %max3A_30 : f32 to vector<512x128xf32>
    %max3A_32 = arith.maximumf %add3A_29, %max3A_31 : vector<512x128xf32>
    %get3A_33 = arith.constant 0 : index
    %get3A_34 = arith.constant 0 : index
    %get3A_35 = vector.load %arg8[%get3A_33, %get3A_34] : memref<128x128xf32, #tpu.memory_space<vmem>>, vector<128x128xf32>
    %dot_general3A_36 = arith.constant dense<0.000000e+00> : vector<512x128xf32>
    %dot_general3A_37 = tpu.matmul %max3A_32, %get3A_35, %dot_general3A_36 {dimension_numbers = #tpu.dot_dimension_numbers<[1], [0], [0], [1], [0, 0, 1, 1], [], []>, transpose_lhs_hint = false} : vector<512x128xf32>, vector<128x128xf32>, vector<512x128xf32> -> vector<512x128xf32>
    %get3A_38 = arith.constant 0 : index
    %get3A_39 = arith.constant 0 : index
    %get3A_40 = vector.load %arg9[%get3A_38, %get3A_39] : memref<1x128xf32, #tpu.memory_space<vmem>>, vector<1x128xf32>
    %add3A_41 = vector.broadcast %get3A_40 : vector<1x128xf32> to vector<512x128xf32>
    %add3A_42 = arith.addf %dot_general3A_37, %add3A_41 : vector<512x128xf32>
    %swap3A = arith.constant 0 : index
    %swap3A_43 = arith.constant 0 : index
    %swap3A_44 = vector.load %arg10[%swap3A, %swap3A_43] : memref<512x128xf32, #tpu.memory_space<vmem>>, vector<512x128xf32>
    tpu.vector_store %arg10[%swap3A, %swap3A_43], %add3A_42 {strides = array<i32>} : memref<512x128xf32, #tpu.memory_space<vmem>>, vector<512x128xf32>,
    return
  }
  func.func @transform_0(%arg0: i32) -> (i32, i32) {
    %c0_i32 = arith.constant 0 : i32
    %c0_i32_0 = arith.constant 0 : i32
    return %arg0, %c0_i32 : i32, i32
  }
  func.func @transform_1(%arg0: i32) -> (i32, i32) {
    %c0_i32 = arith.constant 0 : i32
    %c0_i32_0 = arith.constant 0 : i32
    return %arg0, %c0_i32 : i32, i32
  }
  func.func @transform_2(%arg0: i32) -> (i32, i32) {
    %c0_i32 = arith.constant 0 : i32
    %c0_i32_0 = arith.constant 0 : i32
    return %arg0, %c0_i32 : i32, i32
  }
  func.func @transform_3(%arg0: i32) -> (i32, i32) {
    %c0_i32 = arith.constant 0 : i32
    %c0_i32_0 = arith.constant 0 : i32
    %c0_i32_1 = arith.constant 0 : i32
    return %c0_i32, %c0_i32_0 : i32, i32
  }
  func.func @transform_4(%arg0: i32) -> (i32, i32) {
    %c0_i32 = arith.constant 0 : i32
    %c0_i32_0 = arith.constant 0 : i32
    %c0_i32_1 = arith.constant 0 : i32
    return %c0_i32, %c0_i32_0 : i32, i32
  }
  func.func @transform_5(%arg0: i32) -> (i32, i32) {
    %c0_i32 = arith.constant 0 : i32
    %c0_i32_0 = arith.constant 0 : i32
    %c0_i32_1 = arith.constant 0 : i32
    return %c0_i32, %c0_i32_0 : i32, i32
  }
  func.func @transform_6(%arg0: i32) -> (i32, i32) {
    %c0_i32 = arith.constant 0 : i32
    %c0_i32_0 = arith.constant 0 : i32
    %c0_i32_1 = arith.constant 0 : i32
    return %c0_i32, %c0_i32_0 : i32, i32
  }
  func.func @transform_7(%arg0: i32) -> (i32, i32) {
    %c0_i32 = arith.constant 0 : i32
    %c0_i32_0 = arith.constant 0 : i32
    %c0_i32_1 = arith.constant 0 : i32
    return %c0_i32, %c0_i32_0 : i32, i32
  }
  func.func @transform_8(%arg0: i32) -> (i32, i32) {
    %c0_i32 = arith.constant 0 : i32
    %c0_i32_0 = arith.constant 0 : i32
    %c0_i32_1 = arith.constant 0 : i32
    return %c0_i32, %c0_i32_0 : i32, i32
  }
  func.func @transform_9(%arg0: i32) -> (i32, i32) {
    %c0_i32 = arith.constant 0 : i32
    %c0_i32_0 = arith.constant 0 : i32
    return %arg0, %c0_i32 : i32, i32
  }
}

</mosaic_0001>

<sc_bundles>
// kernel: kernel.11.cloned.1.call-start
scs
__scs_entry_jumppad:
0x0: {  	(pc) =	sbr.rel $0x88, $3  }
0x1: {  	(tag) =	ssettag $0x0;
	lr =	simm.s32 $0x1  }
0x2: {  	[smem:$0x3F91] =	sst lr;
	_ =	strace $0xD0000000  }
0x3: {  	_ = 	snop  }
0x4: {  	_ = 	snop  }
0x5: {  	_ = 	snop  }
0x6: {  	_ = 	snop  }
0x7: {  	_ = 	snop  }
__scs_overlays_trampoline_lowered:
0x8: {  	[smem:$0x3FA0] =	sst s0  }
0x9: {  	[smem:$0x3FA1] =	sst s1  }
0xa: {  	[smem:$0x3FA2] =	sst s2  }
0xb: {  	[smem:$0x3FA3] =	sst s3  }
0xc: {  	[smem:$0x3FA4] =	sst s4  }
0xd: {  	[smem:$0x3FA5] =	sst s5  }
0xe: {  	[smem:$0x3FA6] =	sst s6  }
0xf: {  	[smem:$0x3FA7] =	sst s7  }
0x10: {  	[smem:$0x3FA8] =	sst s8  }
0x11: {  	[smem:$0x3FA9] =	sst s9;
	s0 =	simm.s32 @!p0 $0x0  }
0x12: {  	s1 =	sld [smem:$0x3F8F];
	s0 =	simm.s32 @p0 $0x1  }
0x13: {  	[smem:$0x3FAA] =	sst s0;
	s0 =	simm.s32 @!p1 $0x0  }
0x14: {  	s2 =	sld [smem:$0x3F8E];
	s0 =	simm.s32 @p1 $0x1  }
0x15: {  	[smem:$0x3FAB] =	sst s0;
	s0 =	simm.s32 @!p2 $0x0  }
0x16: {  	s3 =	sld [smem:$0x3FDB];
	s0 =	simm.s32 @p2 $0x1  }
0x17: {  	s4 =	simm.s32 $0x1BF5;
	[smem:$0x3FAD] =	sst s0  }
0x18: {  	s0 =	sld [smem:$0x3F90];
	_ =	swait.ge [sflag:s4], $0x0  }
0x19: {  	s7 =	sld [smem:$0x3F91]  }
0x1a: {  	s8 =	sadd.s32 $0xFFFFE003, lr  }
0x1b: {  	s9 =	sadd.s32 $0xFFFFFEF7, lr;
	s5 =	simm.s32 $0xFFFFFFFF;
	p2 =	slt.u32 s8, $0xFFFFF086  }
0x1c: {  	p1 =	slt.u32 s9, $0xF7A;
	s5 =	simm.s32 @!p2 $0x0  }
0x1d: {  	s5 =	simm.s32 @p1 $0x1;
	p0 =	seq.s32 s7, s2  }
0x1e: {  	s7 =	smul.u32 @!p0 $0xF7A, s2;
	p2 =	seq.s32 @!p0 s5, $0x0  }
0x1f: {  	s9 =	smul.u32 $0xF7A, s1;
	s8 =	simm.s32 @!p0 $0x1BF5;
	p2 =	por !p2, p0  }
0x20: {  	[sflag:s8] =	ssyncset.s32 @!p0 $0xFFFFF086;
	s6 =	sadd.s32 @!p0 s3, s7;
	s7 =	simm.s32 @!p0 $0x108  }
0x21: {  	s3 =	sadd.s32 s3, s9;
	s6 =	sadd.s32 @!p0 $0x88, s6;
	s7 =	simm.s32 @p2 $0x1082  }
0x22: {  	[simem:s7], [sflag:s8] =	dma.local @!p0 [hbm:s6], $0xF7A  }
0x23: {  	s9 =	sor.u32 $0xD0000000, s2;
	s6 =	simm.s32 $0x108;
	_ =	swait.ge @!p0 [sflag:s8], $0x0  }
0x24: {  	s3 =	sadd.s32 $0x88, s3;
	s6 =	simm.s32 @!p1 $0x1082;
	[sflag:s4] =	ssyncset.s32 $0xFFFFF086  }
0x25: {  	[simem:s6], [sflag:s4] =	dma.local [hbm:s3], $0xF7A  }
0x26: {  	[smem:$0x3F91] =	sst s1;
	(tag) =	ssettag s2;
	_ =	strace s9  }
0x27: {  	s1 =	sld [smem:$0x3FA1]  }
0x28: {  	s2 =	sld [smem:$0x3FA2]  }
0x29: {  	s4 =	sld [smem:$0x3FA4]  }
0x2a: {  	p0 =	seq.s32 s5, $0x0;
	s5 =	sld [smem:$0x3FA5]  }
0x2b: {  	s6 =	sld [smem:$0x3FA6]  }
0x2c: {  	s7 =	sld [smem:$0x3FA7]  }
0x2d: {  	s3 =	simm.s32 $0x108;
	s8 =	sld [smem:$0x3FA8]  }
0x2e: {  	s3 =	simm.s32 @!p0 $0x1082;
	s9 =	sld [smem:$0x3FA9]  }
0x2f: {  	lr =	sadd.s32 s0, s3;
	s0 =	sld [smem:$0x3FA0]  }
0x30: {  	s3 =	sld [smem:$0x3FA3]  }
0x31: {  	[smem:$0x3FAC] =	sst s10  }
0x32: {  	s10 =	sld [smem:$0x3FAA];
	_ =	sdelay $0x3  }
0x33: {  	p0 =	seq.s32 s10, $0x1;
	s10 =	sld [smem:$0x3FAC];
	_ =	sdelay $0x3  }
0x34: {  	[smem:$0x3FAC] =	sst s10  }
0x35: {  	s10 =	sld [smem:$0x3FAB];
	_ =	sdelay $0x3  }
0x36: {  	p1 =	seq.s32 s10, $0x1;
	s10 =	sld [smem:$0x3FAC];
	_ =	sdelay $0x3  }
0x37: {  	[smem:$0x3FAC] =	sst s10  }
0x38: {  	s10 =	sld [smem:$0x3FAD]  }
0x39: {  	_ = 	snop;
	(pc) =	sbr.ind lr, $3  }
0x3a: {  	_ = 	snop  }
0x3b: {  	_ = 	snop  }
0x3c: {  	p2 =	seq.s32 s10, $0x1;
	s10 =	sld [smem:$0x3FAC]  }
0x3d: {  	_ =	shalt  }
0x3e: {  	_ =	shalt  }
0x3f: {  	_ =	shalt  }
0x40: {  	_ =	shalt  }
0x41: {  	_ =	shalt  }
0x42: {  	_ =	shalt  }
0x43: {  	_ =	shalt  }
0x44: {  	_ =	shalt  }
0x45: {  	_ =	shalt  }
0x46: {  	_ =	shalt  }
0x47: {  	_ =	shalt  }
0x48: {  	_ =	shalt  }
0x49: {  	_ =	shalt  }
0x4a: {  	_ =	shalt  }
0x4b: {  	_ =	shalt  }
0x4c: {  	_ =	shalt  }
0x4d: {  	_ =	shalt  }
0x4e: {  	_ =	shalt  }
0x4f: {  	_ =	shalt  }
0x50: {  	_ =	shalt  }
0x51: {  	_ =	shalt  }
0x52: {  	_ =	shalt  }
0x53: {  	_ =	shalt  }
0x54: {  	_ =	shalt  }
0x55: {  	_ =	shalt  }
0x56: {  	_ =	shalt  }
0x57: {  	_ =	shalt  }
0x58: {  	_ =	shalt  }
0x59: {  	_ =	shalt  }
0x5a: {  	_ =	shalt  }
0x5b: {  	_ =	shalt  }
0x5c: {  	_ =	shalt  }
0x5d: {  	_ =	shalt  }
0x5e: {  	_ =	shalt  }
0x5f: {  	_ =	shalt  }
0x60: {  	_ =	shalt  }
0x61: {  	_ =	shalt  }
0x62: {  	_ =	shalt  }
0x63: {  	_ =	shalt  }
0x64: {  	_ =	shalt  }
0x65: {  	_ =	shalt  }
0x66: {  	_ =	shalt  }
0x67: {  	_ =	shalt  }
0x68: {  	_ =	shalt  }
0x69: {  	_ =	shalt  }
0x6a: {  	_ =	shalt  }
0x6b: {  	_ =	shalt  }
0x6c: {  	_ =	shalt  }
0x6d: {  	_ =	shalt  }
0x6e: {  	_ =	shalt  }
0x6f: {  	_ =	shalt  }
0x70: {  	_ =	shalt  }
0x71: {  	_ =	shalt  }
0x72: {  	_ =	shalt  }
0x73: {  	_ =	shalt  }
0x74: {  	_ =	shalt  }
0x75: {  	_ =	shalt  }
0x76: {  	_ =	shalt  }
0x77: {  	_ =	shalt  }
0x78: {  	_ =	shalt  }
0x79: {  	_ =	shalt  }
0x7a: {  	_ =	shalt  }
0x7b: {  	_ =	shalt  }
0x7c: {  	_ =	shalt  }
0x7d: {  	_ =	shalt  }
0x7e: {  	_ =	shalt  }
0x7f: {  	_ =	shalt  }
0x80: {  	_ =	shalt  }
0x81: {  	_ =	shalt  }
0x82: {  	_ =	shalt  }
0x83: {  	_ =	shalt  }
0x84: {  	_ =	shalt  }
0x85: {  	_ =	shalt  }
0x86: {  	_ =	shalt  }
0x87: {  	_ =	shalt  }
.Lfunc_end0:
.L_simem_size_0:
called_computation_lowered:
.L_overlay_start_0:
0x88: {  	s2 =	sld [smem:$0x3FD9]  }
0x89: {  	s3 =	sld [smem:$0x3FFE];
	_ =	sdelay $0x1  }
0x8a: {  	s1 =	srdreg.scid  }
0x8b: {  	s0 =	sand.u32 $0x1, s1  }
0x8c: {  	s16 =	sshll.u32 s0, $0xA;
	s2 =	sadd.s32 s3, s2  }
0x8d: {  	s2 =	sadd.s32 s2, s16  }
0x8e: {  	[smem:$0x3FB8] =	sst s2  }
0x8f: {  	_ = 	snop  }
0x90: {  	(tm) =	ssettm $0x1  }
0x91: {  	s17 =	sld [smem:$0x3FFB];
	_ =	sdelay $0x3  }
0x92: {  	_ =	strace s17  }
0x93: {  	s2 =	sld [smem:$0x3FFC];
	_ =	sdelay $0x3  }
0x94: {  	_ =	strace s2  }
0x95: {  	s2 =	sld [smem:$0x3FFD];
	_ =	sdelay $0x3  }
0x96: {  	_ =	strace s2  }
0x97: {  	_ =	strace $0x8FFFFFFF  }
0x98: {  	s18 =	sld [smem:$0x3FDB];
	_ =	sdelay $0x1  }
0x99: {  	s19 =	simm.s32 $_scs_section_size  }
0x9a: {  	s4 =	simm.s32 $_size__tile_overlayer_lowered;
	s5 =	simm.s32 $_tile_overlayer_lowered  }
0x9b: {  	s22 =	simm.s32 $0x1BFF;
	s21 =	sshll.u32 s5, $0x1;
	s2 =	sadd.s32 s19, s18  }
0x9c: {  	s6 =	simm.s32 $0x0;
	s20 =	sshll.u32 s4, $0x1;
	s4 =	sadd.s32 s21, s2  }
0x9d: {  	[timem:s6], [sflag:s22] =	dma.local [hbm:s4], s20  }
0x9e: {  	_ =	swait.ge [sflag:s22], s20  }
0x9f: {  	s3 =	ssub.s32 $0x0, s20;
	[sflag:s22] =	ssyncset.done $0x0  }
0xa0: {  	[sflag:s22] =	ssyncadd.s32 s3;
	_ =	sdelay $0x1  }
0xa1: {  	s23 =	simm.s32 $0x1B8B  }
0xa2: {  	_ =	swait.ge [sflag:s23], $0x1  }
0xa3: {  	[sflag:s23] =	ssyncset.done $0x0  }
0xa4: {  	s25 =	simm.s32 $0x1B8E;
	s24 =	sld [smem:$0x3FFE];
	[sflag:s23] =	ssyncadd.s32 $0xFFFFFFFF  }
0xa5: {  	s26 =	simm.s32 $execute0_lowered;
	[smem:$0x3FD2] =	sst s25  }
0xa6: {  	s4 =	sshll.u32 s26, $0x1;
	_ =	strace $0x80000046;
	[dreg:$0x1] =	wrdreg $0xFFFFFFFF  }
0xa7: {  	s28 =	simm.s32 $_size_execute0_lowered;
	s2 =	sadd.s32 s2, s4;
	[dreg:$0x0] =	wrdreg $0x0  }
0xa8: {  	s4 =	sshll.u32 s28, $0x1;
	[dreg:$0x2] =	wrdreg s2  }
0xa9: {  	[dreg:$0x3] =	wrdreg s4  }
0xaa: {  	[dreg:$0x4] =	wrdreg $0xC0  }
0xab: {  	_ =	task [dreg:s6], $0x5FFFF  }
0xac: {  	[dreg:$0x1] =	wrdreg $0xFFFFFFFF  }
0xad: {  	[dreg:$0x0] =	wrdreg $0x60  }
0xae: {  	[dreg:$0x2] =	wrdreg s24  }
0xaf: {  	[dreg:$0x3] =	wrdreg $0x48000  }
0xb0: {  	[dreg:$0x4] =	wrdreg $0x9  }
0xb1: {  	_ =	task.clear_ibuf [dreg:s6], $0x5FFFF;
	_ =	strace $0x90000046  }
0xb2: {  	s29 =	simm.s32 $0x9;
	_ =	strace $0x80000048  }
0xb3: {  	_ =	swait.ge [sflag:s29], $0x1  }
0xb4: {  	[sflag:s29] =	ssyncadd.s32 $0xFFFFFFFF  }
0xb5: {  	_ =	strace $0x90000048  }
0xb6: {  	_ =	sfence  }
0xb7: {  	s30 =	sld [smem:$0x0];
	_ =	sdelay $0x2  }
0xb8: {  	s31 =	sshll.u32 s1, $0xD;
	s1 =	sshrl.u32 s1, $0x2  }
0xb9: {  	s3 =	sand.u32 $0x4000, s31;
	s1 =	sadd.s32 s1, s30  }
0xba: {  	s0 =	sor.u32 s3, s0;
	s1 =	sshll.u32 s1, $0x11  }
0xbb: {  	s0 =	sor.u32 s1, s0  }
0xbc: {  	s0 =	sadd.s32 $0x8F2B, s0  }
0xbd: {  	[sflag:s0] =	ssyncadd.remote.s32 $0x1  }
0xbe: {  	_ =	sfence.sel $0xFFFF  }
0xbf: {  	[dreg:$0x0] =	wrdreg $0xFFFFFFFF;
	(pc) =	sbr.abs _section_cstart, $3  }
0xc0: {  	[dreg:$0x1] =	wrdreg $0xFFFFFFFF  }
0xc1: {  	_ =	task.clear_ibuf [dreg:s6], $0x2FFFF;
	_ =	strace $0x9FFFFFFF  }
0xc2: {  	(tm) =	ssettm $0x7FFFFFFF  }
0xc3: {  	_ =	shalt  }
tec
execute0_lowered:
.L_overlay_start_1:
0x0: {  	(tag) =	ssettag $0x1  }
0x1: {  	s6 =	rddreg [dreg:$0x0]  }
0x2: {  	s2 =	rddreg [dreg:$0x1]  }
0x3: {  	s0 =	rddreg [dreg:$0x2]  }
0x4: {  	s1 =	stileid.u32;
	s4 =	srdreg.scid;
	s3 =	simm.s32 $0x0  }
0x5: {  	s16 =	simm.s32 $0x80;
	s17 =	simm.s32 $0x2;
	s18 =	simm.s32 $0x3  }
0x6: {  	s19 =	simm.s32 $0x1;
	s20 =	simm.s32 $0x0;
	s7 =	smul.u32 $0x14000, s1  }
0x7: {  	s11 =	sand.u32 $0x1, s4;
	[smem:$0x7FF] =	sst s3;
	s4 =	sadd.s32 $0x54600, s6  }
0x8: {  	s5 =	sadd.s32 $0x18C00, s6;
	s25 =	smul.u32 $0x50000, s1;
	s28 =	sshll.u32 s1, $0x1  }
0x9: {  	s29 =	sshll.u32 s1, $0x6;
	s14 =	sshll.u32 s1, $0xB;
	s8 =	smul.u32 $0x140000, s11  }
0xa: {  	_ =	strace $0x80000047;
	s26 =	ssub.s32 $0x2, s11;
	s15 =	sshll.u32 s11, $0xA  }
0xb: {  	s9 =	sshrl.u32 s7, $0x3;
	s12 =	sshrl.u32 s26, $0x1;
	s31 =	sor.u32 s15, s14  }
0xc: {  	s14 =	simm.s32 $0x4;
	s15 =	simm.s32 $0x800;
	s7 =	sadd.s32 s7, s8  }
0xd: {  	s24 =	sadd.s32 s9, s6;
	s9 =	sshrl.u32 s25, $0x2;
	s7 =	sshrl.u32 s7, $0x3  }
0xe: {  	s12 =	ssub.s32 s26, s12;
	s13 =	sadd.s32 s9, s2;
	s10 =	sadd.s32 s7, s6  }
0xf: {  	s7 =	sor.u32 s11, s28;
	s6 =	sadd.s32 $0x2C600, s24;
	s11 =	smax.u32 s12, $0x1  }
0x10: {  	s12 =	sor.u32 $0x8000, s31;
	s13 =	sshrl.u32 s13, $0x3;
	p0 =	slt.u32 s7, $0x11  }
0x11: {  	s30 =	sshll.u32 s7, $0x7;
	s9 =	sadd.s32 $0x7C600, s10;
	s10 =	simm.s32 $0x13000  }
0x12: {  	s7 =	sor.u32 $0x1C04, s29;
	s8 =	sadd.s32 s5, s30;
	s10 =	simm.s32 @!p0 $0x12000  }
.LBB2_1:
0x13: {  	[spmem:s13], [sflag:s7] =	dma.local [hbm:s6], $0x2800  }
0x14: {  	_ =	swait.ge [sflag:s14], $0x2800  }
0x15: {  	[sflag:s14] =	ssyncset.done $0x0  }
0x16: {  	[sflag:s14] =	ssyncadd.s32 $0xFFFFD800  }
0x17: {  	[tilespmem:s3], [sflag:$0x4] =	stream.linear.gather [hbm4b:s8+s3], $0x400, $0x38;
	[tilespmem:$0x18800] =	vst v63  }
0x18: {  	_ =	swait.ge [sflag:s14], $0x400  }
0x19: {  	[sflag:s14] =	ssyncset.done $0x0  }
0x1a: {  	p1 =	sne.s32 s10, $0x1000;
	[sflag:s14] =	ssyncadd.s32 $0xFFFFFC00  }
0x1b: {  	[tilespmem:s15], [sflag:$0x4] =	stream.linear.gather [hbm4b:s4+s3], $0x4000, $0x38;
	[tilespmem:$0x18800] =	vst v63  }
.Ltmp0:
0x1c: {  	_ =	swait.ge [sflag:s14], $0x4000;
	(pc) =	sbr.rel @!p1 .LBB2_4-.Ltmp0, $4  }
0x1d: {  	[sflag:s14] =	ssyncset.done $0x0  }
0x1e: {  	[sflag:s14] =	ssyncadd.s32 $0xFFFFC000  }
0x1f: {  	s22 =	simm.s32 $0x400;
	s21 =	simm.s32 $0x1000;
	[bflag:$0x0] =	sbarrier.arrive $0xFFFF  }
0x20: {  	s25 =	sshrl.u32 s12, $0x3;
	s24 =	simm.s32 $0x0;
	p0 =	por $0x0, $0x0  }
0x21: {  	s21 =	sand.u32 $0x400, s22;
	s23 =	sadd.s32 s5, s25  }
0x22: {  	[tilespmem:s21], [sflag:$0x1] =	stream.linear.gather [hbm4b:s23+s3], $0x400, $0x38;
	[tilespmem:$0x18800] =	vst v63  }
0x23: {  	s24 =	sand.u32 $0x400, s24  }
0x24: {  	[spmem:s2] =	stream.indirect.scatter.add.f32 [tilespmem:s15], [sflag:$0x2], $0x80, s24, s16, $0xb8;
	[tilespmem:$0x18800] =	vst v63  }
0x25: {  	_ =	swait.ge [sflag:s17], $0x4000  }
0x26: {  	[sflag:s17] =	ssyncset.done $0x0  }
0x27: {  	s25 =	sor.u32 $0x80, s24;
	[sflag:s17] =	ssyncadd.s32 $0xFFFFC000  }
0x28: {  	[spmem:s2] =	stream.indirect.scatter.add.f32 [tilespmem:s15], [sflag:$0x3], $0x80, s25, s16, $0xb8;
	[tilespmem:$0x18800] =	vst v63  }
0x29: {  	_ =	swait.ge [sflag:s18], $0x4000  }
0x2a: {  	[sflag:s18] =	ssyncset.done $0x0  }
0x2b: {  	s26 =	sor.u32 $0x100, s24;
	[sflag:s18] =	ssyncadd.s32 $0xFFFFC000  }
0x2c: {  	[spmem:s2] =	stream.indirect.scatter.add.f32 [tilespmem:s15], [sflag:$0x2], $0x80, s26, s16, $0xb8;
	[tilespmem:$0x18800] =	vst v63  }
0x2d: {  	_ =	swait.ge [sflag:s17], $0x4000  }
0x2e: {  	[sflag:s17] =	ssyncset.done $0x0  }
0x2f: {  	s28 =	sor.u32 $0x180, s24;
	[sflag:s17] =	ssyncadd.s32 $0xFFFFC000  }
0x30: {  	[spmem:s2] =	stream.indirect.scatter.add.f32 [tilespmem:s15], [sflag:$0x3], $0x80, s28, s16, $0xb8;
	[tilespmem:$0x18800] =	vst v63  }
0x31: {  	_ =	swait.ge [sflag:s18], $0x4000  }
0x32: {  	[sflag:s18] =	ssyncset.done $0x0  }
0x33: {  	s29 =	sor.u32 $0x200, s24;
	[sflag:s18] =	ssyncadd.s32 $0xFFFFC000  }
0x34: {  	[spmem:s2] =	stream.indirect.scatter.add.f32 [tilespmem:s15], [sflag:$0x2], $0x80, s29, s16, $0xb8;
	[tilespmem:$0x18800] =	vst v63  }
0x35: {  	_ =	swait.ge [sflag:s17], $0x4000  }
0x36: {  	[sflag:s17] =	ssyncset.done $0x0  }
0x37: {  	s30 =	sor.u32 $0x280, s24;
	[sflag:s17] =	ssyncadd.s32 $0xFFFFC000  }
0x38: {  	[spmem:s2] =	stream.indirect.scatter.add.f32 [tilespmem:s15], [sflag:$0x3], $0x80, s30, s16, $0xb8;
	[tilespmem:$0x18800] =	vst v63  }
0x39: {  	_ =	swait.ge [sflag:s18], $0x4000  }
0x3a: {  	[sflag:s18] =	ssyncset.done $0x0  }
0x3b: {  	s31 =	sor.u32 $0x300, s24;
	[sflag:s18] =	ssyncadd.s32 $0xFFFFC000  }
0x3c: {  	[spmem:s2] =	stream.indirect.scatter.add.f32 [tilespmem:s15], [sflag:$0x2], $0x80, s31, s16, $0xb8;
	[tilespmem:$0x18800] =	vst v63  }
0x3d: {  	_ =	swait.ge [sflag:s17], $0x4000  }
0x3e: {  	[sflag:s17] =	ssyncset.done $0x0  }
0x3f: {  	[sflag:s17] =	ssyncadd.s32 $0xFFFFC000  }
0x40: {  	p1 =	sne.s32 s10, $0x2000;
	_ =	swait.ge [sflag:s19], $0x400  }
.Ltmp1:
0x41: {  	s22 =	simm.s32 $0x800;
	[sflag:s19] =	ssyncset.done $0x0;
	(pc) =	sbr.rel @!p1 .LBB2_4-.Ltmp1, $4  }
0x42: {  	p0 =	por $0x1, $0x1;
	s21 =	sor.u32 $0x380, s24;
	[sflag:s19] =	ssyncadd.s32 $0xFFFFFC00  }
0x43: {  	[spmem:s2] =	stream.indirect.scatter.add.f32 [tilespmem:s15], [sflag:$0x4], $0x80, s21, s16, $0xb8;
	[tilespmem:$0x18800] =	vst v63  }
0x44: {  	s23 =	sadd.s32 $0x8000, s12;
	s24 =	simm.s32 $0x400;
	_ =	swait.ge [sflag:s14], $0x4000  }
0x45: {  	s25 =	sshrl.u32 s23, $0x3;
	s21 =	simm.s32 $0x2000;
	[sflag:s14] =	ssyncset.done $0x0  }
.LBB2_3:
0x46: {  	s26 =	sand.u32 $0x400, s22;
	s25 =	sadd.s32 s5, s25;
	[sflag:s14] =	ssyncadd.s32 $0xFFFFC000  }
0x47: {  	[tilespmem:s26], [sflag:$0x1] =	stream.linear.gather [hbm4b:s25+s3], $0x400, $0x38;
	[tilespmem:$0x18800] =	vst v63  }
0x48: {  	s25 =	sand.u32 $0x400, s24;
	s24 =	smov.u32 s21;
	s21 =	sadd.s32 $0x1000, s21  }
0x49: {  	[spmem:s2] =	stream.indirect.scatter.add.f32 [tilespmem:s15], [sflag:$0x2], $0x80, s25, s16, $0xb8;
	[tilespmem:$0x18800] =	vst v63  }
0x4a: {  	p1 =	sne.s32 s10, s21;
	_ =	swait.ge [sflag:s17], $0x4000  }
0x4b: {  	[sflag:s17] =	ssyncset.done $0x0  }
0x4c: {  	s26 =	sor.u32 $0x80, s25;
	[sflag:s17] =	ssyncadd.s32 $0xFFFFC000  }
0x4d: {  	[spmem:s2] =	stream.indirect.scatter.add.f32 [tilespmem:s15], [sflag:$0x3], $0x80, s26, s16, $0xb8;
	[tilespmem:$0x18800] =	vst v63  }
0x4e: {  	_ =	swait.ge [sflag:s18], $0x4000  }
0x4f: {  	[sflag:s18] =	ssyncset.done $0x0  }
0x50: {  	s26 =	sor.u32 $0x100, s25;
	[sflag:s18] =	ssyncadd.s32 $0xFFFFC000  }
0x51: {  	[spmem:s2] =	stream.indirect.scatter.add.f32 [tilespmem:s15], [sflag:$0x2], $0x80, s26, s16, $0xb8;
	[tilespmem:$0x18800] =	vst v63  }
0x52: {  	_ =	swait.ge [sflag:s17], $0x4000  }
0x53: {  	[sflag:s17] =	ssyncset.done $0x0  }
0x54: {  	s26 =	sor.u32 $0x180, s25;
	[sflag:s17] =	ssyncadd.s32 $0xFFFFC000  }
0x55: {  	[spmem:s2] =	stream.indirect.scatter.add.f32 [tilespmem:s15], [sflag:$0x3], $0x80, s26, s16, $0xb8;
	[tilespmem:$0x18800] =	vst v63  }
0x56: {  	_ =	swait.ge [sflag:s18], $0x4000  }
0x57: {  	[sflag:s18] =	ssyncset.done $0x0  }
0x58: {  	s26 =	sor.u32 $0x200, s25;
	[sflag:s18] =	ssyncadd.s32 $0xFFFFC000  }
0x59: {  	[spmem:s2] =	stream.indirect.scatter.add.f32 [tilespmem:s15], [sflag:$0x2], $0x80, s26, s16, $0xb8;
	[tilespmem:$0x18800] =	vst v63  }
0x5a: {  	_ =	swait.ge [sflag:s17], $0x4000  }
0x5b: {  	[sflag:s17] =	ssyncset.done $0x0  }
0x5c: {  	s26 =	sor.u32 $0x280, s25;
	[sflag:s17] =	ssyncadd.s32 $0xFFFFC000  }
0x5d: {  	[spmem:s2] =	stream.indirect.scatter.add.f32 [tilespmem:s15], [sflag:$0x3], $0x80, s26, s16, $0xb8;
	[tilespmem:$0x18800] =	vst v63  }
0x5e: {  	_ =	swait.ge [sflag:s18], $0x4000  }
0x5f: {  	[sflag:s18] =	ssyncset.done $0x0  }
0x60: {  	s26 =	sor.u32 $0x300, s25;
	[sflag:s18] =	ssyncadd.s32 $0xFFFFC000  }
0x61: {  	[spmem:s2] =	stream.indirect.scatter.add.f32 [tilespmem:s15], [sflag:$0x2], $0x80, s26, s16, $0xb8;
	[tilespmem:$0x18800] =	vst v63  }
0x62: {  	_ =	swait.ge [sflag:s17], $0x4000  }
0x63: {  	[sflag:s17] =	ssyncset.done $0x0  }
0x64: {  	[sflag:s17] =	ssyncadd.s32 $0xFFFFC000  }
0x65: {  	_ =	swait.ge [sflag:s19], $0x400  }
.Ltmp2:
0x66: {  	[sflag:s19] =	ssyncset.done $0x0;
	(pc) =	sbr.rel @p1 .LBB2_3-.Ltmp2, $4  }
0x67: {  	s25 =	sor.u32 $0x380, s25;
	[sflag:s19] =	ssyncadd.s32 $0xFFFFFC00  }
0x68: {  	[spmem:s2] =	stream.indirect.scatter.add.f32 [tilespmem:s15], [sflag:$0x4], $0x80, s25, s16, $0xb8;
	[tilespmem:$0x18800] =	vst v63  }
0x69: {  	s22 =	sadd.s32 $0x400, s22;
	s23 =	sadd.s32 $0x8000, s23;
	_ =	swait.ge [sflag:s14], $0x4000  }
0x6a: {  	s24 =	sshrl.u32 s24, $0x2;
	s25 =	sshrl.u32 s23, $0x3;
	[sflag:s14] =	ssyncset.done $0x0  }
.LBB2_4:
0x6b: {  	s22 =	sand.u32 $0x400, s22;
	s23 =	sadd.s32 s5, s25;
	[sflag:s14] =	ssyncadd.s32 @p0 $0xFFFFC000  }
0x6c: {  	[tilespmem:s22], [sflag:$0x1] =	stream.linear.gather [hbm4b:s23+s3], $0x400, $0x38;
	[tilespmem:$0x18800] =	vst v63  }
0x6d: {  	s25 =	sand.u32 $0x400, s24  }
0x6e: {  	[spmem:s2] =	stream.indirect.scatter.add.f32 [tilespmem:s15], [sflag:$0x2], $0x80, s25, s16, $0xb8;
	[tilespmem:$0x18800] =	vst v63  }
0x6f: {  	_ =	swait.ge [sflag:s17], $0x4000  }
0x70: {  	[sflag:s17] =	ssyncset.done $0x0  }
0x71: {  	s26 =	sor.u32 $0x80, s25;
	[sflag:s17] =	ssyncadd.s32 $0xFFFFC000  }
0x72: {  	[spmem:s2] =	stream.indirect.scatter.add.f32 [tilespmem:s15], [sflag:$0x3], $0x80, s26, s16, $0xb8;
	[tilespmem:$0x18800] =	vst v63  }
0x73: {  	_ =	swait.ge [sflag:s18], $0x4000  }
0x74: {  	[sflag:s18] =	ssyncset.done $0x0  }
0x75: {  	s28 =	sor.u32 $0x100, s25;
	[sflag:s18] =	ssyncadd.s32 $0xFFFFC000  }
0x76: {  	[spmem:s2] =	stream.indirect.scatter.add.f32 [tilespmem:s15], [sflag:$0x2], $0x80, s28, s16, $0xb8;
	[tilespmem:$0x18800] =	vst v63  }
0x77: {  	_ =	swait.ge [sflag:s17], $0x4000  }
0x78: {  	[sflag:s17] =	ssyncset.done $0x0  }
0x79: {  	s29 =	sor.u32 $0x180, s25;
	[sflag:s17] =	ssyncadd.s32 $0xFFFFC000  }
0x7a: {  	[spmem:s2] =	stream.indirect.scatter.add.f32 [tilespmem:s15], [sflag:$0x3], $0x80, s29, s16, $0xb8;
	[tilespmem:$0x18800] =	vst v63  }
0x7b: {  	_ =	swait.ge [sflag:s18], $0x4000  }
0x7c: {  	[sflag:s18] =	ssyncset.done $0x0  }
0x7d: {  	s30 =	sor.u32 $0x200, s25;
	[sflag:s18] =	ssyncadd.s32 $0xFFFFC000  }
0x7e: {  	[spmem:s2] =	stream.indirect.scatter.add.f32 [tilespmem:s15], [sflag:$0x2], $0x80, s30, s16, $0xb8;
	[tilespmem:$0x18800] =	vst v63  }
0x7f: {  	_ =	swait.ge [sflag:s17], $0x4000  }
0x80: {  	[sflag:s17] =	ssyncset.done $0x0  }
0x81: {  	s31 =	sor.u32 $0x280, s25;
	[sflag:s17] =	ssyncadd.s32 $0xFFFFC000  }
0x82: {  	[spmem:s2] =	stream.indirect.scatter.add.f32 [tilespmem:s15], [sflag:$0x3], $0x80, s31, s16, $0xb8;
	[tilespmem:$0x18800] =	vst v63  }
0x83: {  	_ =	swait.ge [sflag:s18], $0x4000  }
0x84: {  	[sflag:s18] =	ssyncset.done $0x0  }
0x85: {  	s24 =	sor.u32 $0x300, s25;
	[sflag:s18] =	ssyncadd.s32 $0xFFFFC000  }
0x86: {  	[spmem:s2] =	stream.indirect.scatter.add.f32 [tilespmem:s15], [sflag:$0x2], $0x80, s24, s16, $0xb8;
	[tilespmem:$0x18800] =	vst v63  }
0x87: {  	_ =	swait.ge [sflag:s17], $0x4000  }
0x88: {  	[sflag:s17] =	ssyncset.done $0x0  }
0x89: {  	[sflag:s17] =	ssyncadd.s32 $0xFFFFC000  }
0x8a: {  	_ =	swait.ge [sflag:s19], $0x400  }
0x8b: {  	[sflag:s19] =	ssyncset.done $0x0  }
0x8c: {  	s22 =	sor.u32 $0x380, s25;
	[sflag:s19] =	ssyncadd.s32 $0xFFFFFC00  }
0x8d: {  	[spmem:s2] =	stream.indirect.scatter.add.f32 [tilespmem:s15], [sflag:$0x4], $0x80, s22, s16, $0xb8;
	[tilespmem:$0x18800] =	vst v63  }
0x8e: {  	_ =	swait.ge [sflag:s14], $0x4000  }
0x8f: {  	s21 =	sshrl.u32 s21, $0x2;
	[sflag:s14] =	ssyncset.done $0x0  }
0x90: {  	s21 =	sand.u32 $0x400, s21;
	[sflag:s14] =	ssyncadd.s32 $0xFFFFC000  }
0x91: {  	[spmem:s2] =	stream.indirect.scatter.add.f32 [tilespmem:s15], [sflag:$0x2], $0x80, s21, s16, $0xb8;
	[tilespmem:$0x18800] =	vst v63  }
0x92: {  	_ =	swait.ge [sflag:s17], $0x4000  }
0x93: {  	[sflag:s17] =	ssyncset.done $0x0  }
0x94: {  	s25 =	sor.u32 $0x80, s21;
	[sflag:s17] =	ssyncadd.s32 $0xFFFFC000  }
0x95: {  	[spmem:s2] =	stream.indirect.scatter.add.f32 [tilespmem:s15], [sflag:$0x3], $0x80, s25, s16, $0xb8;
	[tilespmem:$0x18800] =	vst v63  }
0x96: {  	_ =	swait.ge [sflag:s18], $0x4000  }
0x97: {  	[sflag:s18] =	ssyncset.done $0x0  }
0x98: {  	s26 =	sor.u32 $0x100, s21;
	[sflag:s18] =	ssyncadd.s32 $0xFFFFC000  }
0x99: {  	[spmem:s2] =	stream.indirect.scatter.add.f32 [tilespmem:s15], [sflag:$0x2], $0x80, s26, s16, $0xb8;
	[tilespmem:$0x18800] =	vst v63  }
0x9a: {  	_ =	swait.ge [sflag:s17], $0x4000  }
0x9b: {  	[sflag:s17] =	ssyncset.done $0x0  }
0x9c: {  	s28 =	sor.u32 $0x180, s21;
	[sflag:s17] =	ssyncadd.s32 $0xFFFFC000  }
0x9d: {  	[spmem:s2] =	stream.indirect.scatter.add.f32 [tilespmem:s15], [sflag:$0x3], $0x80, s28, s16, $0xb8;
	[tilespmem:$0x18800] =	vst v63  }
0x9e: {  	_ =	swait.ge [sflag:s18], $0x4000  }
0x9f: {  	[sflag:s18] =	ssyncset.done $0x0  }
0xa0: {  	s29 =	sor.u32 $0x200, s21;
	[sflag:s18] =	ssyncadd.s32 $0xFFFFC000  }
0xa1: {  	[spmem:s2] =	stream.indirect.scatter.add.f32 [tilespmem:s15], [sflag:$0x2], $0x80, s29, s16, $0xb8;
	[tilespmem:$0x18800] =	vst v63  }
0xa2: {  	_ =	swait.ge [sflag:s17], $0x4000  }
0xa3: {  	[sflag:s17] =	ssyncset.done $0x0  }
0xa4: {  	s30 =	sor.u32 $0x280, s21;
	[sflag:s17] =	ssyncadd.s32 $0xFFFFC000  }
0xa5: {  	[spmem:s2] =	stream.indirect.scatter.add.f32 [tilespmem:s15], [sflag:$0x3], $0x80, s30, s16, $0xb8;
	[tilespmem:$0x18800] =	vst v63  }
0xa6: {  	_ =	swait.ge [sflag:s18], $0x4000  }
0xa7: {  	[sflag:s18] =	ssyncset.done $0x0  }
0xa8: {  	s31 =	sor.u32 $0x300, s21;
	[sflag:s18] =	ssyncadd.s32 $0xFFFFC000  }
0xa9: {  	[spmem:s2] =	stream.indirect.scatter.add.f32 [tilespmem:s15], [sflag:$0x2], $0x80, s31, s16, $0xb8;
	[tilespmem:$0x18800] =	vst v63  }
0xaa: {  	_ =	swait.ge [sflag:s17], $0x4000  }
0xab: {  	[sflag:s17] =	ssyncset.done $0x0  }
0xac: {  	s21 =	sor.u32 $0x380, s21;
	[sflag:s17] =	ssyncadd.s32 $0xFFFFC000  }
0xad: {  	[spmem:s2] =	stream.indirect.scatter.add.f32 [tilespmem:s15], [sflag:$0x4], $0x80, s21, s16, $0xb8;
	[tilespmem:$0x18800] =	vst v63  }
0xae: {  	_ =	swait.ge [sflag:s14], $0x4000  }
0xaf: {  	s20 =	sadd.s32 $0x1, s20;
	[sflag:s14] =	ssyncset.done $0x0  }
0xb0: {  	p0 =	sne.s32 s20, s11;
	[sflag:s14] =	ssyncadd.s32 $0xFFFFC000  }
.Ltmp3:
0xb1: {  	[bflag:$0x0] =	sbarrier.arrive $0xFFFF;
	(pc) =	sbr.rel @p0 .LBB2_1-.Ltmp3, $4  }
0xb2: {  	[hbm:s9], [sflag:s7] =	dma.local [spmem:s13], $0x2800  }
0xb3: {  	_ =	swait.ge [sflag:s14], $0x2800  }
0xb4: {  	[sflag:s14] =	ssyncset.done $0x0  }
0xb5: {  	[sflag:s14] =	ssyncadd.s32 $0xFFFFD800  }
0xb6: {  	_ =	sfence.sel $0x180000  }
0xb7: {  	[bflag:$0x0] =	sbarrier.arrive $0xFFFF  }
0xb8: {  	p0 =	sne.s32 s1, $0x0;
	_ =	strace $0x90000047  }
0xb9: {  	s0 =	sadd.s32 @!p0 $0x100000, s0;
	[bflag:$0x2] =	sbarrier.arrive $0xFFFF  }
0xba: {  	[sflag:s0] =	ssyncadd.tile.s32 @!p0 $0x1;
	_ =	shalt  }
.Lfunc_end2:
_tile_overlayer_lowered:
.L_overlay_start_2:
0xbb: {  	(tag) =	ssettag $0x2  }
0xbc: {  	s0 =	rddreg [dreg:$0x0];
	s2 =	stileid.u32  }
0xbd: {  	s1 =	rddreg [dreg:$0x1];
	p0 =	sne.s32 s2, $0x0  }
0xbe: {  	s3 =	rddreg [dreg:$0x2];
	[bflag:$0x3] =	sbarrier.arrive $0xFFFF;
	s2 =	simm.s32 @!p0 $0x1C04  }
0xbf: {  	[timem:s3], [sflag:s2] =	dma.local @!p0 [hbm:s0], s1  }
0xc0: {  	s0 =	simm.s32 @!p0 $0x4  }
0xc1: {  	_ =	swait.ge @!p0 [sflag:s0], s1  }
0xc2: {  	s1 =	ssub.s32 @!p0 $0x0, s1;
	[sflag:s0] =	ssyncset.done @!p0 $0x0  }
0xc3: {  	[sflag:s0] =	ssyncadd.s32 @!p0 s1  }
0xc4: {  	[bflag:$0x3] =	sbarrier.arrive $0xFFFF  }
0xc5: {  	_ =	shalt  }

// kernel: kernel.14.cloned.1.call-start
scs
__scs_entry_jumppad:
0x0: {  	(pc) =	sbr.rel $0x88, $3  }
0x1: {  	(tag) =	ssettag $0x0;
	lr =	simm.s32 $0x1  }
0x2: {  	[smem:$0x3F91] =	sst lr;
	_ =	strace $0xD0000000  }
0x3: {  	_ = 	snop  }
0x4: {  	_ = 	snop  }
0x5: {  	_ = 	snop  }
0x6: {  	_ = 	snop  }
0x7: {  	_ = 	snop  }
__scs_overlays_trampoline_lowered:
0x8: {  	[smem:$0x3FA0] =	sst s0  }
0x9: {  	[smem:$0x3FA1] =	sst s1  }
0xa: {  	[smem:$0x3FA2] =	sst s2  }
0xb: {  	[smem:$0x3FA3] =	sst s3  }
0xc: {  	[smem:$0x3FA4] =	sst s4  }
0xd: {  	[smem:$0x3FA5] =	sst s5  }
0xe: {  	[smem:$0x3FA6] =	sst s6  }
0xf: {  	[smem:$0x3FA7] =	sst s7  }
0x10: {  	[smem:$0x3FA8] =	sst s8  }
0x11: {  	[smem:$0x3FA9] =	sst s9;
	s0 =	simm.s32 @!p0 $0x0  }
0x12: {  	s1 =	sld [smem:$0x3F8F];
	s0 =	simm.s32 @p0 $0x1  }
0x13: {  	[smem:$0x3FAA] =	sst s0;
	s0 =	simm.s32 @!p1 $0x0  }
0x14: {  	s2 =	sld [smem:$0x3F8E];
	s0 =	simm.s32 @p1 $0x1  }
0x15: {  	[smem:$0x3FAB] =	sst s0;
	s0 =	simm.s32 @!p2 $0x0  }
0x16: {  	s3 =	sld [smem:$0x3FDB];
	s0 =	simm.s32 @p2 $0x1  }
0x17: {  	s4 =	simm.s32 $0x1BF5;
	[smem:$0x3FAD] =	sst s0  }
0x18: {  	s0 =	sld [smem:$0x3F90];
	_ =	swait.ge [sflag:s4], $0x0  }
0x19: {  	s7 =	sld [smem:$0x3F91]  }
0x1a: {  	s8 =	sadd.s32 $0xFFFFE003, lr  }
0x1b: {  	s9 =	sadd.s32 $0xFFFFFEF7, lr;
	s5 =	simm.s32 $0xFFFFFFFF;
	p2 =	slt.u32 s8, $0xFFFFF086  }
0x1c: {  	p1 =	slt.u32 s9, $0xF7A;
	s5 =	simm.s32 @!p2 $0x0  }
0x1d: {  	s5 =	simm.s32 @p1 $0x1;
	p0 =	seq.s32 s7, s2  }
0x1e: {  	s7 =	smul.u32 @!p0 $0xF7A, s2;
	p2 =	seq.s32 @!p0 s5, $0x0  }
0x1f: {  	s9 =	smul.u32 $0xF7A, s1;
	s8 =	simm.s32 @!p0 $0x1BF5;
	p2 =	por !p2, p0  }
0x20: {  	[sflag:s8] =	ssyncset.s32 @!p0 $0xFFFFF086;
	s6 =	sadd.s32 @!p0 s3, s7;
	s7 =	simm.s32 @!p0 $0x108  }
0x21: {  	s3 =	sadd.s32 s3, s9;
	s6 =	sadd.s32 @!p0 $0x88, s6;
	s7 =	simm.s32 @p2 $0x1082  }
0x22: {  	[simem:s7], [sflag:s8] =	dma.local @!p0 [hbm:s6], $0xF7A  }
0x23: {  	s9 =	sor.u32 $0xD0000000, s2;
	s6 =	simm.s32 $0x108;
	_ =	swait.ge @!p0 [sflag:s8], $0x0  }
0x24: {  	s3 =	sadd.s32 $0x88, s3;
	s6 =	simm.s32 @!p1 $0x1082;
	[sflag:s4] =	ssyncset.s32 $0xFFFFF086  }
0x25: {  	[simem:s6], [sflag:s4] =	dma.local [hbm:s3], $0xF7A  }
0x26: {  	[smem:$0x3F91] =	sst s1;
	(tag) =	ssettag s2;
	_ =	strace s9  }
0x27: {  	s1 =	sld [smem:$0x3FA1]  }
0x28: {  	s2 =	sld [smem:$0x3FA2]  }
0x29: {  	s4 =	sld [smem:$0x3FA4]  }
0x2a: {  	p0 =	seq.s32 s5, $0x0;
	s5 =	sld [smem:$0x3FA5]  }
0x2b: {  	s6 =	sld [smem:$0x3FA6]  }
0x2c: {  	s7 =	sld [smem:$0x3FA7]  }
0x2d: {  	s3 =	simm.s32 $0x108;
	s8 =	sld [smem:$0x3FA8]  }
0x2e: {  	s3 =	simm.s32 @!p0 $0x1082;
	s9 =	sld [smem:$0x3FA9]  }
0x2f: {  	lr =	sadd.s32 s0, s3;
	s0 =	sld [smem:$0x3FA0]  }
0x30: {  	s3 =	sld [smem:$0x3FA3]  }
0x31: {  	[smem:$0x3FAC] =	sst s10  }
0x32: {  	s10 =	sld [smem:$0x3FAA];
	_ =	sdelay $0x3  }
0x33: {  	p0 =	seq.s32 s10, $0x1;
	s10 =	sld [smem:$0x3FAC];
	_ =	sdelay $0x3  }
0x34: {  	[smem:$0x3FAC] =	sst s10  }
0x35: {  	s10 =	sld [smem:$0x3FAB];
	_ =	sdelay $0x3  }
0x36: {  	p1 =	seq.s32 s10, $0x1;
	s10 =	sld [smem:$0x3FAC];
	_ =	sdelay $0x3  }
0x37: {  	[smem:$0x3FAC] =	sst s10  }
0x38: {  	s10 =	sld [smem:$0x3FAD]  }
0x39: {  	_ = 	snop;
	(pc) =	sbr.ind lr, $3  }
0x3a: {  	_ = 	snop  }
0x3b: {  	_ = 	snop  }
0x3c: {  	p2 =	seq.s32 s10, $0x1;
	s10 =	sld [smem:$0x3FAC]  }
0x3d: {  	_ =	shalt  }
0x3e: {  	_ =	shalt  }
0x3f: {  	_ =	shalt  }
0x40: {  	_ =	shalt  }
0x41: {  	_ =	shalt  }
0x42: {  	_ =	shalt  }
0x43: {  	_ =	shalt  }
0x44: {  	_ =	shalt  }
0x45: {  	_ =	shalt  }
0x46: {  	_ =	shalt  }
0x47: {  	_ =	shalt  }
0x48: {  	_ =	shalt  }
0x49: {  	_ =	shalt  }
0x4a: {  	_ =	shalt  }
0x4b: {  	_ =	shalt  }
0x4c: {  	_ =	shalt  }
0x4d: {  	_ =	shalt  }
0x4e: {  	_ =	shalt  }
0x4f: {  	_ =	shalt  }
0x50: {  	_ =	shalt  }
0x51: {  	_ =	shalt  }
0x52: {  	_ =	shalt  }
0x53: {  	_ =	shalt  }
0x54: {  	_ =	shalt  }
0x55: {  	_ =	shalt  }
0x56: {  	_ =	shalt  }
0x57: {  	_ =	shalt  }
0x58: {  	_ =	shalt  }
0x59: {  	_ =	shalt  }
0x5a: {  	_ =	shalt  }
0x5b: {  	_ =	shalt  }
0x5c: {  	_ =	shalt  }
0x5d: {  	_ =	shalt  }
0x5e: {  	_ =	shalt  }
0x5f: {  	_ =	shalt  }
0x60: {  	_ =	shalt  }
0x61: {  	_ =	shalt  }
0x62: {  	_ =	shalt  }
0x63: {  	_ =	shalt  }
0x64: {  	_ =	shalt  }
0x65: {  	_ =	shalt  }
0x66: {  	_ =	shalt  }
0x67: {  	_ =	shalt  }
0x68: {  	_ =	shalt  }
0x69: {  	_ =	shalt  }
0x6a: {  	_ =	shalt  }
0x6b: {  	_ =	shalt  }
0x6c: {  	_ =	shalt  }
0x6d: {  	_ =	shalt  }
0x6e: {  	_ =	shalt  }
0x6f: {  	_ =	shalt  }
0x70: {  	_ =	shalt  }
0x71: {  	_ =	shalt  }
0x72: {  	_ =	shalt  }
0x73: {  	_ =	shalt  }
0x74: {  	_ =	shalt  }
0x75: {  	_ =	shalt  }
0x76: {  	_ =	shalt  }
0x77: {  	_ =	shalt  }
0x78: {  	_ =	shalt  }
0x79: {  	_ =	shalt  }
0x7a: {  	_ =	shalt  }
0x7b: {  	_ =	shalt  }
0x7c: {  	_ =	shalt  }
0x7d: {  	_ =	shalt  }
0x7e: {  	_ =	shalt  }
0x7f: {  	_ =	shalt  }
0x80: {  	_ =	shalt  }
0x81: {  	_ =	shalt  }
0x82: {  	_ =	shalt  }
0x83: {  	_ =	shalt  }
0x84: {  	_ =	shalt  }
0x85: {  	_ =	shalt  }
0x86: {  	_ =	shalt  }
0x87: {  	_ =	shalt  }
.Lfunc_end0:
.L_simem_size_0:
called_computation.1_lowered:
.L_overlay_start_0:
0x88: {  	s2 =	sld [smem:$0x3FD9]  }
0x89: {  	s3 =	sld [smem:$0x3FFE];
	_ =	sdelay $0x1  }
0x8a: {  	s1 =	srdreg.scid  }
0x8b: {  	s0 =	sand.u32 $0x1, s1  }
0x8c: {  	s16 =	sshll.u32 s0, $0xA;
	s2 =	sadd.s32 s3, s2  }
0x8d: {  	s2 =	sadd.s32 s2, s16  }
0x8e: {  	[smem:$0x3FB8] =	sst s2  }
0x8f: {  	_ = 	snop  }
0x90: {  	(tm) =	ssettm $0x1  }
0x91: {  	s17 =	sld [smem:$0x3FFB];
	_ =	sdelay $0x3  }
0x92: {  	_ =	strace s17  }
0x93: {  	s2 =	sld [smem:$0x3FFC];
	_ =	sdelay $0x3  }
0x94: {  	_ =	strace s2  }
0x95: {  	s2 =	sld [smem:$0x3FFD];
	_ =	sdelay $0x3  }
0x96: {  	_ =	strace s2  }
0x97: {  	_ =	strace $0x8FFFFFFF  }
0x98: {  	s18 =	sld [smem:$0x3FDB];
	_ =	sdelay $0x1  }
0x99: {  	s19 =	simm.s32 $_scs_section_size  }
0x9a: {  	s4 =	simm.s32 $_size__tile_overlayer_lowered;
	s5 =	simm.s32 $_tile_overlayer_lowered  }
0x9b: {  	s22 =	simm.s32 $0x1BFF;
	s21 =	sshll.u32 s5, $0x1;
	s2 =	sadd.s32 s19, s18  }
0x9c: {  	s6 =	simm.s32 $0x0;
	s20 =	sshll.u32 s4, $0x1;
	s4 =	sadd.s32 s21, s2  }
0x9d: {  	[timem:s6], [sflag:s22] =	dma.local [hbm:s4], s20  }
0x9e: {  	_ =	swait.ge [sflag:s22], s20  }
0x9f: {  	s3 =	ssub.s32 $0x0, s20;
	[sflag:s22] =	ssyncset.done $0x0  }
0xa0: {  	[sflag:s22] =	ssyncadd.s32 s3;
	_ =	sdelay $0x1  }
0xa1: {  	s23 =	simm.s32 $0x1B8B  }
0xa2: {  	_ =	swait.ge [sflag:s23], $0x1  }
0xa3: {  	[sflag:s23] =	ssyncset.done $0x0  }
0xa4: {  	s25 =	simm.s32 $0x1B8E;
	s24 =	sld [smem:$0x3FFE];
	[sflag:s23] =	ssyncadd.s32 $0xFFFFFFFF  }
0xa5: {  	s26 =	simm.s32 $execute0_lowered;
	[smem:$0x3FD2] =	sst s25  }
0xa6: {  	s4 =	sshll.u32 s26, $0x1;
	_ =	strace $0x80000049;
	[dreg:$0x1] =	wrdreg $0xFFFFFFFF  }
0xa7: {  	s28 =	simm.s32 $_size_execute0_lowered;
	s2 =	sadd.s32 s2, s4;
	[dreg:$0x0] =	wrdreg $0x0  }
0xa8: {  	s4 =	sshll.u32 s28, $0x1;
	[dreg:$0x2] =	wrdreg s2  }
0xa9: {  	[dreg:$0x3] =	wrdreg s4  }
0xaa: {  	[dreg:$0x4] =	wrdreg $0xC0  }
0xab: {  	_ =	task [dreg:s6], $0x5FFFF  }
0xac: {  	[dreg:$0x1] =	wrdreg $0xFFFFFFFF  }
0xad: {  	[dreg:$0x0] =	wrdreg $0x60  }
0xae: {  	[dreg:$0x2] =	wrdreg s24  }
0xaf: {  	[dreg:$0x3] =	wrdreg $0x90000  }
0xb0: {  	[dreg:$0x4] =	wrdreg $0x9  }
0xb1: {  	_ =	task.clear_ibuf [dreg:s6], $0x5FFFF;
	_ =	strace $0x90000049  }
0xb2: {  	s29 =	simm.s32 $0x9;
	_ =	strace $0x8000004B  }
0xb3: {  	_ =	swait.ge [sflag:s29], $0x1  }
0xb4: {  	[sflag:s29] =	ssyncadd.s32 $0xFFFFFFFF  }
0xb5: {  	_ =	strace $0x9000004B  }
0xb6: {  	_ =	sfence  }
0xb7: {  	s30 =	sld [smem:$0x0];
	_ =	sdelay $0x2  }
0xb8: {  	s31 =	sshll.u32 s1, $0xD;
	s1 =	sshrl.u32 s1, $0x2  }
0xb9: {  	s3 =	sand.u32 $0x4000, s31;
	s1 =	sadd.s32 s1, s30  }
0xba: {  	s0 =	sor.u32 s3, s0;
	s1 =	sshll.u32 s1, $0x11  }
0xbb: {  	s0 =	sor.u32 s1, s0  }
0xbc: {  	s0 =	sadd.s32 $0x8F2B, s0  }
0xbd: {  	[sflag:s0] =	ssyncadd.remote.s32 $0x1  }
0xbe: {  	_ =	sfence.sel $0xFFFF  }
0xbf: {  	[dreg:$0x0] =	wrdreg $0xFFFFFFFF;
	(pc) =	sbr.abs _section_cstart, $3  }
0xc0: {  	[dreg:$0x1] =	wrdreg $0xFFFFFFFF  }
0xc1: {  	_ =	task.clear_ibuf [dreg:s6], $0x2FFFF;
	_ =	strace $0x9FFFFFFF  }
0xc2: {  	(tm) =	ssettm $0x7FFFFFFF  }
0xc3: {  	_ =	shalt  }
tec
execute0_lowered:
.L_overlay_start_1:
0x0: {  	(tag) =	ssettag $0x1  }
0x1: {  	s7 =	rddreg [dreg:$0x0]  }
0x2: {  	s2 =	rddreg [dreg:$0x1]  }
0x3: {  	s0 =	stileid.u32;
	s4 =	srdreg.scid;
	s3 =	simm.s32 $0x0  }
0x4: {  	s18 =	simm.s32 $0x80;
	s19 =	simm.s32 $0x1000;
	s20 =	simm.s32 $0x5000  }
0x5: {  	s21 =	simm.s32 $0x2;
	s8 =	smul.u32 $0x14000, s0;
	s11 =	sand.u32 $0x1, s4  }
0x6: {  	[smem:$0x7FF] =	sst s3;
	s4 =	sadd.s32 $0x54600, s7;
	s5 =	sadd.s32 $0x5200, s7  }
0x7: {  	s6 =	sadd.s32 $0x18C00, s7;
	s13 =	sshll.u32 s0, $0x1;
	s14 =	smul.u32 $0x50000, s0  }
0x8: {  	s26 =	sshll.u32 s0, $0x6;
	s29 =	sshll.u32 s0, $0xB;
	s9 =	smul.u32 $0x140000, s11  }
0x9: {  	_ =	strace $0x8000004A;
	s23 =	ssub.s32 $0x2, s11;
	s24 =	sor.u32 s11, s13  }
0xa: {  	s30 =	sshll.u32 s11, $0xA;
	s10 =	sshrl.u32 s8, $0x3;
	s12 =	sshrl.u32 s23, $0x1  }
0xb: {  	p0 =	slt.u32 s24, $0x11;
	s25 =	sshrl.u32 s14, $0x2;
	s28 =	sshll.u32 s24, $0x7  }
0xc: {  	s14 =	sor.u32 s30, s29;
	s24 =	simm.s32 $0x5;
	s8 =	sadd.s32 s8, s9  }
0xd: {  	s22 =	sadd.s32 s10, s7;
	s16 =	ssub.s32 s23, s12;
	s17 =	sadd.s32 s25, s2  }
0xe: {  	s9 =	sor.u32 $0x1C06, s26;
	s10 =	sadd.s32 s5, s28;
	s11 =	sadd.s32 s6, s28  }
0xf: {  	s14 =	sor.u32 $0x8000, s14;
	s23 =	simm.s32 $0x3;
	s8 =	sshrl.u32 s8, $0x3  }
0x10: {  	s25 =	simm.s32 $0x0;
	s15 =	sadd.s32 s8, s7;
	s7 =	simm.s32 $0x14  }
0x11: {  	s13 =	smax.u32 s16, $0x1;
	s16 =	simm.s32 $0x6;
	s7 =	simm.s32 @!p0 $0x13  }
0x12: {  	s8 =	sadd.s32 $0x2C600, s22;
	s22 =	simm.s32 $0x4;
	s31 =	sshll.u32 s7, $0x3  }
0x13: {  	s12 =	sadd.s32 $0x7C600, s15;
	s15 =	sshrl.u32 s17, $0x3;
	[dreg:$0x3] =	wrdreg s31  }
.LBB2_1:
0x14: {  	[spmem:s15], [sflag:s9] =	dma.local [hbm:s8], $0x2800  }
0x15: {  	_ =	swait.ge [sflag:s16], $0x2800  }
0x16: {  	[sflag:s16] =	ssyncset.done $0x0  }
0x17: {  	[sflag:s16] =	ssyncadd.s32 $0xFFFFD800  }
0x18: {  	[tilespmem:s3], [sflag:$0x6] =	stream.linear.gather [hbm4b:s10+s3], $0x400, $0x38;
	[tilespmem:$0x1D000] =	vst v63  }
0x19: {  	_ =	swait.ge [sflag:s16], $0x400  }
0x1a: {  	[sflag:s16] =	ssyncset.done $0x0  }
0x1b: {  	s0 =	simm.s32 $0x800;
	[sflag:s16] =	ssyncadd.s32 $0xFFFFFC00  }
0x1c: {  	[tilespmem:s0], [sflag:$0x6] =	stream.linear.gather [hbm4b:s11+s3], $0x400, $0x38;
	[tilespmem:$0x1D000] =	vst v63  }
0x1d: {  	_ =	swait.ge [sflag:s16], $0x400  }
0x1e: {  	[sflag:s16] =	ssyncset.done $0x0  }
0x1f: {  	s26 =	simm.s32 $0x1;
	[sflag:s16] =	ssyncadd.s32 $0xFFFFFC00  }
0x20: {  	s28 =	simm.s32 $0x0;
	s29 =	smov.u32 s14;
	[bflag:$0x0] =	sbarrier.arrive $0xFFFF  }
0x21: {  	[tilespmem:s19], [sflag:$0x2] =	stream.indirect.gather [hbm4b:s4+s18], $0x80, s3, s18, $0xb8;
	[tilespmem:$0x1D000] =	vst v63  }
.LBB2_2:
0x22: {  	s30 =	sxor.u32 $0xFFFFFFFF, s28;
	p0 =	sge.u32 s26, s7  }
0x23: {  	s30 =	sand.u32 $0x8, s30;
	s31 =	sshrl.u32 @!p0 s29, $0x3  }
0x24: {  	s1 =	simm.s32 @!p0 $0x0;
	s30 =	sshll.u32 @!p0 s30, $0x7;
	s0 =	sadd.s32 @!p0 s5, s31  }
0x25: {  	[tilespmem:s30], [sflag:$0x1] =	stream.linear.gather @!p0 [hbm4b:s0+s1], $0x400, $0x38;
	[tilespmem:$0x1D000] =	vst v63  }
0x26: {  	s31 =	sadd.s32 @!p0 s6, s31;
	s0 =	sand.u32 $0x8, s28;
	s17 =	sor.u32 @!p0 $0x800, s30  }
0x27: {  	[tilespmem:s17], [sflag:$0x1] =	stream.linear.gather @!p0 [hbm4b:s31+s1], $0x400, $0x38;
	[tilespmem:$0x1D000] =	vst v63  }
0x28: {  	s31 =	sshll.u32 s0, $0x7  }
0x29: {  	s0 =	sor.u32 $0x80, s31  }
0x2a: {  	[tilespmem:s20], [sflag:$0x3] =	stream.indirect.gather [hbm4b:s4+s18], $0x80, s0, s18, $0xb8;
	[tilespmem:$0x1D000] =	vst v63  }
0x2b: {  	_ =	swait.ge [sflag:s21], $0x4000  }
0x2c: {  	[sflag:s21] =	ssyncset.done $0x0  }
0x2d: {  	s1 =	sor.u32 $0x800, s31;
	[sflag:s21] =	ssyncadd.s32 $0xFFFFC000  }
0x2e: {  	[spmem:s2] =	stream.indirect.scatter.add.f32 [tilespmem:s19], [sflag:$0x4], $0x80, s1, s18, $0xb8;
	[tilespmem:$0x1D000] =	vst v63  }
0x2f: {  	_ =	swait.ge [sflag:s22], $0x4000  }
0x30: {  	[sflag:s22] =	ssyncset.done $0x0  }
0x31: {  	s17 =	sor.u32 $0x100, s31;
	[sflag:s22] =	ssyncadd.s32 $0xFFFFC000  }
0x32: {  	[tilespmem:s19], [sflag:$0x2] =	stream.indirect.gather [hbm4b:s4+s18], $0x80, s17, s18, $0xb8;
	[tilespmem:$0x1D000] =	vst v63  }
0x33: {  	_ =	swait.ge [sflag:s23], $0x4000  }
0x34: {  	[sflag:s23] =	ssyncset.done $0x0  }
0x35: {  	s1 =	sor.u32 $0x880, s31;
	[sflag:s23] =	ssyncadd.s32 $0xFFFFC000  }
0x36: {  	[spmem:s2] =	stream.indirect.scatter.add.f32 [tilespmem:s20], [sflag:$0x5], $0x80, s1, s18, $0xb8;
	[tilespmem:$0x1D000] =	vst v63  }
0x37: {  	_ =	swait.ge [sflag:s24], $0x4000  }
0x38: {  	[sflag:s24] =	ssyncset.done $0x0  }
0x39: {  	s17 =	sor.u32 $0x180, s31;
	[sflag:s24] =	ssyncadd.s32 $0xFFFFC000  }
0x3a: {  	[tilespmem:s20], [sflag:$0x3] =	stream.indirect.gather [hbm4b:s4+s18], $0x80, s17, s18, $0xb8;
	[tilespmem:$0x1D000] =	vst v63  }
0x3b: {  	_ =	swait.ge [sflag:s21], $0x4000  }
0x3c: {  	[sflag:s21] =	ssyncset.done $0x0  }
0x3d: {  	s1 =	sor.u32 $0x900, s31;
	[sflag:s21] =	ssyncadd.s32 $0xFFFFC000  }
0x3e: {  	[spmem:s2] =	stream.indirect.scatter.add.f32 [tilespmem:s19], [sflag:$0x4], $0x80, s1, s18, $0xb8;
	[tilespmem:$0x1D000] =	vst v63  }
0x3f: {  	_ =	swait.ge [sflag:s22], $0x4000  }
0x40: {  	[sflag:s22] =	ssyncset.done $0x0  }
0x41: {  	s17 =	sor.u32 $0x200, s31;
	[sflag:s22] =	ssyncadd.s32 $0xFFFFC000  }
0x42: {  	[tilespmem:s19], [sflag:$0x2] =	stream.indirect.gather [hbm4b:s4+s18], $0x80, s17, s18, $0xb8;
	[tilespmem:$0x1D000] =	vst v63  }
0x43: {  	_ =	swait.ge [sflag:s23], $0x4000  }
0x44: {  	[sflag:s23] =	ssyncset.done $0x0  }
0x45: {  	s1 =	sor.u32 $0x980, s31;
	[sflag:s23] =	ssyncadd.s32 $0xFFFFC000  }
0x46: {  	[spmem:s2] =	stream.indirect.scatter.add.f32 [tilespmem:s20], [sflag:$0x5], $0x80, s1, s18, $0xb8;
	[tilespmem:$0x1D000] =	vst v63  }
0x47: {  	_ =	swait.ge [sflag:s24], $0x4000  }
0x48: {  	[sflag:s24] =	ssyncset.done $0x0  }
0x49: {  	s17 =	sor.u32 $0x280, s31;
	[sflag:s24] =	ssyncadd.s32 $0xFFFFC000  }
0x4a: {  	[tilespmem:s20], [sflag:$0x3] =	stream.indirect.gather [hbm4b:s4+s18], $0x80, s17, s18, $0xb8;
	[tilespmem:$0x1D000] =	vst v63  }
0x4b: {  	_ =	swait.ge [sflag:s21], $0x4000  }
0x4c: {  	[sflag:s21] =	ssyncset.done $0x0  }
0x4d: {  	s1 =	sor.u32 $0xA00, s31;
	[sflag:s21] =	ssyncadd.s32 $0xFFFFC000  }
0x4e: {  	[spmem:s2] =	stream.indirect.scatter.add.f32 [tilespmem:s19], [sflag:$0x4], $0x80, s1, s18, $0xb8;
	[tilespmem:$0x1D000] =	vst v63  }
0x4f: {  	_ =	swait.ge [sflag:s22], $0x4000  }
0x50: {  	[sflag:s22] =	ssyncset.done $0x0  }
0x51: {  	s17 =	sor.u32 $0x300, s31;
	[sflag:s22] =	ssyncadd.s32 $0xFFFFC000  }
0x52: {  	[tilespmem:s19], [sflag:$0x2] =	stream.indirect.gather [hbm4b:s4+s18], $0x80, s17, s18, $0xb8;
	[tilespmem:$0x1D000] =	vst v63  }
0x53: {  	_ =	swait.ge [sflag:s23], $0x4000  }
0x54: {  	[sflag:s23] =	ssyncset.done $0x0  }
0x55: {  	s1 =	sor.u32 $0xA80, s31;
	[sflag:s23] =	ssyncadd.s32 $0xFFFFC000  }
0x56: {  	[spmem:s2] =	stream.indirect.scatter.add.f32 [tilespmem:s20], [sflag:$0x5], $0x80, s1, s18, $0xb8;
	[tilespmem:$0x1D000] =	vst v63  }
0x57: {  	_ =	swait.ge [sflag:s24], $0x4000  }
0x58: {  	[sflag:s24] =	ssyncset.done $0x0  }
0x59: {  	s0 =	sor.u32 $0x380, s31;
	[sflag:s24] =	ssyncadd.s32 $0xFFFFC000  }
0x5a: {  	[tilespmem:s20], [sflag:$0x3] =	stream.indirect.gather [hbm4b:s4+s18], $0x80, s0, s18, $0xb8;
	[tilespmem:$0x1D000] =	vst v63  }
0x5b: {  	_ =	swait.ge [sflag:s21], $0x4000  }
0x5c: {  	[sflag:s21] =	ssyncset.done $0x0  }
0x5d: {  	s17 =	sor.u32 $0xB00, s31;
	[sflag:s21] =	ssyncadd.s32 $0xFFFFC000  }
0x5e: {  	[spmem:s2] =	stream.indirect.scatter.add.f32 [tilespmem:s19], [sflag:$0x4], $0x80, s17, s18, $0xb8;
	[tilespmem:$0x1D000] =	vst v63  }
0x5f: {  	_ =	swait.ge [sflag:s22], $0x4000  }
0x60: {  	[sflag:s22] =	ssyncset.done $0x0  }
0x61: {  	s1 =	simm.s32 @!p0 $0x1;
	[sflag:s22] =	ssyncadd.s32 $0xFFFFC000  }
0x62: {  	_ =	swait.ge @!p0 [sflag:s1], $0x400  }
0x63: {  	[sflag:s1] =	ssyncset.done @!p0 $0x0  }
0x64: {  	[sflag:s1] =	ssyncadd.s32 @!p0 $0xFFFFFC00  }
0x65: {  	_ =	swait.ge @!p0 [sflag:s1], $0x400  }
0x66: {  	[sflag:s1] =	ssyncset.done @!p0 $0x0  }
0x67: {  	s17 =	simm.s32 @!p0 $0x1000;
	[sflag:s1] =	ssyncadd.s32 @!p0 $0xFFFFFC00;
	s1 =	simm.s32 @!p0 $0x80  }
0x68: {  	[tilespmem:s17], [sflag:$0x2] =	stream.indirect.gather @!p0 [hbm4b:s4+s1], $0x80, s30, s1, $0xb8;
	[tilespmem:$0x1D000] =	vst v63  }
0x69: {  	_ =	swait.ge [sflag:s23], $0x4000  }
0x6a: {  	[sflag:s23] =	ssyncset.done $0x0  }
0x6b: {  	s0 =	sor.u32 $0x800, s0;
	[sflag:s23] =	ssyncadd.s32 $0xFFFFC000  }
0x6c: {  	[spmem:s2] =	stream.indirect.scatter.add.f32 [tilespmem:s20], [sflag:$0x6], $0x80, s0, s18, $0xb8;
	[tilespmem:$0x1D000] =	vst v63  }
0x6d: {  	_ =	swait.ge [sflag:s16], $0x4000  }
0x6e: {  	s28 =	sadd.s32 $0x8, s28;
	s31 =	rddreg [dreg:$0x3]  }
0x6f: {  	p0 =	sne.s32 s31, s28  }
.Ltmp0:
0x70: {  	_ = 	snop;
	(pc) =	sbr.rel @p0 .LBB2_2-.Ltmp0, $3  }
0x71: {  	_ =	sdelay $0x1  }
0x72: {  	[sflag:s16] =	ssyncset.done $0x0  }
0x73: {  	s26 =	sadd.s32 $0x1, s26;
	s29 =	sadd.s32 $0x8000, s29;
	[sflag:s16] =	ssyncadd.s32 $0xFFFFC000  }
0x74: {  	s25 =	sadd.s32 $0x1, s25  }
0x75: {  	p0 =	sne.s32 s25, s13  }
.Ltmp1:
0x76: {  	[bflag:$0x0] =	sbarrier.arrive $0xFFFF;
	(pc) =	sbr.rel @p0 .LBB2_1-.Ltmp1, $4  }
0x77: {  	[hbm:s12], [sflag:s9] =	dma.local [spmem:s15], $0x2800  }
0x78: {  	_ =	swait.ge [sflag:s16], $0x2800  }
0x79: {  	[sflag:s16] =	ssyncset.done $0x0  }
0x7a: {  	[sflag:s16] =	ssyncadd.s32 $0xFFFFD800  }
0x7b: {  	_ =	sfence.sel $0x180000  }
0x7c: {  	[bflag:$0x0] =	sbarrier.arrive $0xFFFF  }
0x7d: {  	_ =	strace $0x9000004A  }
0x7e: {  	s0 =	stileid.u32;
	[bflag:$0x2] =	sbarrier.arrive $0xFFFF  }
0x7f: {  	p0 =	sne.s32 s0, $0x0;
	s0 =	rddreg [dreg:$0x2]  }
0x80: {  	s0 =	sadd.s32 @!p0 $0x100000, s0  }
0x81: {  	[sflag:s0] =	ssyncadd.tile.s32 @!p0 $0x1;
	_ =	shalt  }
.Lfunc_end2:
_tile_overlayer_lowered:
.L_overlay_start_2:
0x82: {  	(tag) =	ssettag $0x2  }
0x83: {  	s0 =	rddreg [dreg:$0x0];
	s2 =	stileid.u32  }
0x84: {  	s1 =	rddreg [dreg:$0x1];
	p0 =	sne.s32 s2, $0x0  }
0x85: {  	s3 =	rddreg [dreg:$0x2];
	[bflag:$0x3] =	sbarrier.arrive $0xFFFF;
	s2 =	simm.s32 @!p0 $0x1C06  }
0x86: {  	[timem:s3], [sflag:s2] =	dma.local @!p0 [hbm:s0], s1  }
0x87: {  	s0 =	simm.s32 @!p0 $0x6  }
0x88: {  	_ =	swait.ge @!p0 [sflag:s0], s1  }
0x89: {  	s1 =	ssub.s32 @!p0 $0x0, s1;
	[sflag:s0] =	ssyncset.done @!p0 $0x0  }
0x8a: {  	[sflag:s0] =	ssyncadd.s32 @!p0 s1  }
0x8b: {  	[bflag:$0x3] =	sbarrier.arrive $0xFFFF  }
0x8c: {  	_ =	shalt  }

// kernel: kernel.17.cloned.1.call-start
scs
__scs_entry_jumppad:
0x0: {  	(pc) =	sbr.rel $0x88, $3  }
0x1: {  	(tag) =	ssettag $0x0;
	lr =	simm.s32 $0x1  }
0x2: {  	[smem:$0x3F91] =	sst lr;
	_ =	strace $0xD0000000  }
0x3: {  	_ = 	snop  }
0x4: {  	_ = 	snop  }
0x5: {  	_ = 	snop  }
0x6: {  	_ = 	snop  }
0x7: {  	_ = 	snop  }
__scs_overlays_trampoline_lowered:
0x8: {  	[smem:$0x3FA0] =	sst s0  }
0x9: {  	[smem:$0x3FA1] =	sst s1  }
0xa: {  	[smem:$0x3FA2] =	sst s2  }
0xb: {  	[smem:$0x3FA3] =	sst s3  }
0xc: {  	[smem:$0x3FA4] =	sst s4  }
0xd: {  	[smem:$0x3FA5] =	sst s5  }
0xe: {  	[smem:$0x3FA6] =	sst s6  }
0xf: {  	[smem:$0x3FA7] =	sst s7  }
0x10: {  	[smem:$0x3FA8] =	sst s8  }
0x11: {  	[smem:$0x3FA9] =	sst s9;
	s0 =	simm.s32 @!p0 $0x0  }
0x12: {  	s1 =	sld [smem:$0x3F8F];
	s0 =	simm.s32 @p0 $0x1  }
0x13: {  	[smem:$0x3FAA] =	sst s0;
	s0 =	simm.s32 @!p1 $0x0  }
0x14: {  	s2 =	sld [smem:$0x3F8E];
	s0 =	simm.s32 @p1 $0x1  }
0x15: {  	[smem:$0x3FAB] =	sst s0;
	s0 =	simm.s32 @!p2 $0x0  }
0x16: {  	s3 =	sld [smem:$0x3FDB];
	s0 =	simm.s32 @p2 $0x1  }
0x17: {  	s4 =	simm.s32 $0x1BF5;
	[smem:$0x3FAD] =	sst s0  }
0x18: {  	s0 =	sld [smem:$0x3F90];
	_ =	swait.ge [sflag:s4], $0x0  }
0x19: {  	s7 =	sld [smem:$0x3F91]  }
0x1a: {  	s8 =	sadd.s32 $0xFFFFE003, lr  }
0x1b: {  	s9 =	sadd.s32 $0xFFFFFEF7, lr;
	s5 =	simm.s32 $0xFFFFFFFF;
	p2 =	slt.u32 s8, $0xFFFFF086  }
0x1c: {  	p1 =	slt.u32 s9, $0xF7A;
	s5 =	simm.s32 @!p2 $0x0  }
0x1d: {  	s5 =	simm.s32 @p1 $0x1;
	p0 =	seq.s32 s7, s2  }
0x1e: {  	s7 =	smul.u32 @!p0 $0xF7A, s2;
	p2 =	seq.s32 @!p0 s5, $0x0  }
0x1f: {  	s9 =	smul.u32 $0xF7A, s1;
	s8 =	simm.s32 @!p0 $0x1BF5;
	p2 =	por !p2, p0  }
0x20: {  	[sflag:s8] =	ssyncset.s32 @!p0 $0xFFFFF086;
	s6 =	sadd.s32 @!p0 s3, s7;
	s7 =	simm.s32 @!p0 $0x108  }
0x21: {  	s3 =	sadd.s32 s3, s9;
	s6 =	sadd.s32 @!p0 $0x88, s6;
	s7 =	simm.s32 @p2 $0x1082  }
0x22: {  	[simem:s7], [sflag:s8] =	dma.local @!p0 [hbm:s6], $0xF7A  }
0x23: {  	s9 =	sor.u32 $0xD0000000, s2;
	s6 =	simm.s32 $0x108;
	_ =	swait.ge @!p0 [sflag:s8], $0x0  }
0x24: {  	s3 =	sadd.s32 $0x88, s3;
	s6 =	simm.s32 @!p1 $0x1082;
	[sflag:s4] =	ssyncset.s32 $0xFFFFF086  }
0x25: {  	[simem:s6], [sflag:s4] =	dma.local [hbm:s3], $0xF7A  }
0x26: {  	[smem:$0x3F91] =	sst s1;
	(tag) =	ssettag s2;
	_ =	strace s9  }
0x27: {  	s1 =	sld [smem:$0x3FA1]  }
0x28: {  	s2 =	sld [smem:$0x3FA2]  }
0x29: {  	s4 =	sld [smem:$0x3FA4]  }
0x2a: {  	p0 =	seq.s32 s5, $0x0;
	s5 =	sld [smem:$0x3FA5]  }
0x2b: {  	s6 =	sld [smem:$0x3FA6]  }
0x2c: {  	s7 =	sld [smem:$0x3FA7]  }
0x2d: {  	s3 =	simm.s32 $0x108;
	s8 =	sld [smem:$0x3FA8]  }
0x2e: {  	s3 =	simm.s32 @!p0 $0x1082;
	s9 =	sld [smem:$0x3FA9]  }
0x2f: {  	lr =	sadd.s32 s0, s3;
	s0 =	sld [smem:$0x3FA0]  }
0x30: {  	s3 =	sld [smem:$0x3FA3]  }
0x31: {  	[smem:$0x3FAC] =	sst s10  }
0x32: {  	s10 =	sld [smem:$0x3FAA];
	_ =	sdelay $0x3  }
0x33: {  	p0 =	seq.s32 s10, $0x1;
	s10 =	sld [smem:$0x3FAC];
	_ =	sdelay $0x3  }
0x34: {  	[smem:$0x3FAC] =	sst s10  }
0x35: {  	s10 =	sld [smem:$0x3FAB];
	_ =	sdelay $0x3  }
0x36: {  	p1 =	seq.s32 s10, $0x1;
	s10 =	sld [smem:$0x3FAC];
	_ =	sdelay $0x3  }
0x37: {  	[smem:$0x3FAC] =	sst s10  }
0x38: {  	s10 =	sld [smem:$0x3FAD]  }
0x39: {  	_ = 	snop;
	(pc) =	sbr.ind lr, $3  }
0x3a: {  	_ = 	snop  }
0x3b: {  	_ = 	snop  }
0x3c: {  	p2 =	seq.s32 s10, $0x1;
	s10 =	sld [smem:$0x3FAC]  }
0x3d: {  	_ =	shalt  }
0x3e: {  	_ =	shalt  }
0x3f: {  	_ =	shalt  }
0x40: {  	_ =	shalt  }
0x41: {  	_ =	shalt  }
0x42: {  	_ =	shalt  }
0x43: {  	_ =	shalt  }
0x44: {  	_ =	shalt  }
0x45: {  	_ =	shalt  }
0x46: {  	_ =	shalt  }
0x47: {  	_ =	shalt  }
0x48: {  	_ =	shalt  }
0x49: {  	_ =	shalt  }
0x4a: {  	_ =	shalt  }
0x4b: {  	_ =	shalt  }
0x4c: {  	_ =	shalt  }
0x4d: {  	_ =	shalt  }
0x4e: {  	_ =	shalt  }
0x4f: {  	_ =	shalt  }
0x50: {  	_ =	shalt  }
0x51: {  	_ =	shalt  }
0x52: {  	_ =	shalt  }
0x53: {  	_ =	shalt  }
0x54: {  	_ =	shalt  }
0x55: {  	_ =	shalt  }
0x56: {  	_ =	shalt  }
0x57: {  	_ =	shalt  }
0x58: {  	_ =	shalt  }
0x59: {  	_ =	shalt  }
0x5a: {  	_ =	shalt  }
0x5b: {  	_ =	shalt  }
0x5c: {  	_ =	shalt  }
0x5d: {  	_ =	shalt  }
0x5e: {  	_ =	shalt  }
0x5f: {  	_ =	shalt  }
0x60: {  	_ =	shalt  }
0x61: {  	_ =	shalt  }
0x62: {  	_ =	shalt  }
0x63: {  	_ =	shalt  }
0x64: {  	_ =	shalt  }
0x65: {  	_ =	shalt  }
0x66: {  	_ =	shalt  }
0x67: {  	_ =	shalt  }
0x68: {  	_ =	shalt  }
0x69: {  	_ =	shalt  }
0x6a: {  	_ =	shalt  }
0x6b: {  	_ =	shalt  }
0x6c: {  	_ =	shalt  }
0x6d: {  	_ =	shalt  }
0x6e: {  	_ =	shalt  }
0x6f: {  	_ =	shalt  }
0x70: {  	_ =	shalt  }
0x71: {  	_ =	shalt  }
0x72: {  	_ =	shalt  }
0x73: {  	_ =	shalt  }
0x74: {  	_ =	shalt  }
0x75: {  	_ =	shalt  }
0x76: {  	_ =	shalt  }
0x77: {  	_ =	shalt  }
0x78: {  	_ =	shalt  }
0x79: {  	_ =	shalt  }
0x7a: {  	_ =	shalt  }
0x7b: {  	_ =	shalt  }
0x7c: {  	_ =	shalt  }
0x7d: {  	_ =	shalt  }
0x7e: {  	_ =	shalt  }
0x7f: {  	_ =	shalt  }
0x80: {  	_ =	shalt  }
0x81: {  	_ =	shalt  }
0x82: {  	_ =	shalt  }
0x83: {  	_ =	shalt  }
0x84: {  	_ =	shalt  }
0x85: {  	_ =	shalt  }
0x86: {  	_ =	shalt  }
0x87: {  	_ =	shalt  }
.Lfunc_end0:
.L_simem_size_0:
called_computation.2_lowered:
.L_overlay_start_0:
0x88: {  	s2 =	sld [smem:$0x3FD9]  }
0x89: {  	s3 =	sld [smem:$0x3FFE];
	_ =	sdelay $0x1  }
0x8a: {  	s1 =	srdreg.scid  }
0x8b: {  	s0 =	sand.u32 $0x1, s1  }
0x8c: {  	s16 =	sshll.u32 s0, $0xA;
	s2 =	sadd.s32 s3, s2  }
0x8d: {  	s2 =	sadd.s32 s2, s16  }
0x8e: {  	[smem:$0x3FB8] =	sst s2  }
0x8f: {  	_ = 	snop  }
0x90: {  	(tm) =	ssettm $0x1  }
0x91: {  	s17 =	sld [smem:$0x3FFB];
	_ =	sdelay $0x3  }
0x92: {  	_ =	strace s17  }
0x93: {  	s2 =	sld [smem:$0x3FFC];
	_ =	sdelay $0x3  }
0x94: {  	_ =	strace s2  }
0x95: {  	s2 =	sld [smem:$0x3FFD];
	_ =	sdelay $0x3  }
0x96: {  	_ =	strace s2  }
0x97: {  	_ =	strace $0x8FFFFFFF  }
0x98: {  	s18 =	sld [smem:$0x3FDB];
	_ =	sdelay $0x1  }
0x99: {  	s19 =	simm.s32 $_scs_section_size  }
0x9a: {  	s4 =	simm.s32 $_size__tile_overlayer_lowered;
	s5 =	simm.s32 $_tile_overlayer_lowered  }
0x9b: {  	s22 =	simm.s32 $0x1BFF;
	s21 =	sshll.u32 s5, $0x1;
	s2 =	sadd.s32 s19, s18  }
0x9c: {  	s6 =	simm.s32 $0x0;
	s20 =	sshll.u32 s4, $0x1;
	s4 =	sadd.s32 s21, s2  }
0x9d: {  	[timem:s6], [sflag:s22] =	dma.local [hbm:s4], s20  }
0x9e: {  	_ =	swait.ge [sflag:s22], s20  }
0x9f: {  	s3 =	ssub.s32 $0x0, s20;
	[sflag:s22] =	ssyncset.done $0x0  }
0xa0: {  	[sflag:s22] =	ssyncadd.s32 s3;
	_ =	sdelay $0x1  }
0xa1: {  	s23 =	simm.s32 $0x1B8B  }
0xa2: {  	_ =	swait.ge [sflag:s23], $0x1  }
0xa3: {  	[sflag:s23] =	ssyncset.done $0x0  }
0xa4: {  	s25 =	simm.s32 $0x1B8E;
	s24 =	sld [smem:$0x3FFE];
	[sflag:s23] =	ssyncadd.s32 $0xFFFFFFFF  }
0xa5: {  	s26 =	simm.s32 $execute0_lowered;
	[smem:$0x3FD2] =	sst s25  }
0xa6: {  	s4 =	sshll.u32 s26, $0x1;
	_ =	strace $0x8000004C;
	[dreg:$0x1] =	wrdreg $0xFFFFFFFF  }
0xa7: {  	s28 =	simm.s32 $_size_execute0_lowered;
	s2 =	sadd.s32 s2, s4;
	[dreg:$0x0] =	wrdreg $0x0  }
0xa8: {  	s4 =	sshll.u32 s28, $0x1;
	[dreg:$0x2] =	wrdreg s2  }
0xa9: {  	[dreg:$0x3] =	wrdreg s4  }
0xaa: {  	[dreg:$0x4] =	wrdreg $0xC0  }
0xab: {  	_ =	task [dreg:s6], $0x5FFFF  }
0xac: {  	[dreg:$0x1] =	wrdreg $0xFFFFFFFF  }
0xad: {  	[dreg:$0x0] =	wrdreg $0x60  }
0xae: {  	[dreg:$0x2] =	wrdreg s24  }
0xaf: {  	[dreg:$0x3] =	wrdreg $0x90000  }
0xb0: {  	[dreg:$0x4] =	wrdreg $0x9  }
0xb1: {  	_ =	task.clear_ibuf [dreg:s6], $0x5FFFF;
	_ =	strace $0x9000004C  }
0xb2: {  	s29 =	simm.s32 $0x9;
	_ =	strace $0x8000004E  }
0xb3: {  	_ =	swait.ge [sflag:s29], $0x1  }
0xb4: {  	[sflag:s29] =	ssyncadd.s32 $0xFFFFFFFF  }
0xb5: {  	_ =	strace $0x9000004E  }
0xb6: {  	_ =	sfence  }
0xb7: {  	s30 =	sld [smem:$0x0];
	_ =	sdelay $0x2  }
0xb8: {  	s31 =	sshll.u32 s1, $0xD;
	s1 =	sshrl.u32 s1, $0x2  }
0xb9: {  	s3 =	sand.u32 $0x4000, s31;
	s1 =	sadd.s32 s1, s30  }
0xba: {  	s0 =	sor.u32 s3, s0;
	s1 =	sshll.u32 s1, $0x11  }
0xbb: {  	s0 =	sor.u32 s1, s0  }
0xbc: {  	s0 =	sadd.s32 $0x8F2B, s0  }
0xbd: {  	[sflag:s0] =	ssyncadd.remote.s32 $0x1  }
0xbe: {  	_ =	sfence.sel $0xFFFF  }
0xbf: {  	[dreg:$0x0] =	wrdreg $0xFFFFFFFF;
	(pc) =	sbr.abs _section_cstart, $3  }
0xc0: {  	[dreg:$0x1] =	wrdreg $0xFFFFFFFF  }
0xc1: {  	_ =	task.clear_ibuf [dreg:s6], $0x2FFFF;
	_ =	strace $0x9FFFFFFF  }
0xc2: {  	(tm) =	ssettm $0x7FFFFFFF  }
0xc3: {  	_ =	shalt  }
tec
execute0_lowered:
.L_overlay_start_1:
0x0: {  	(tag) =	ssettag $0x1  }
0x1: {  	s7 =	rddreg [dreg:$0x0]  }
0x2: {  	s2 =	rddreg [dreg:$0x1]  }
0x3: {  	s0 =	stileid.u32;
	s4 =	srdreg.scid;
	s3 =	simm.s32 $0x0  }
0x4: {  	s18 =	simm.s32 $0x80;
	s19 =	simm.s32 $0x1000;
	s20 =	simm.s32 $0x5000  }
0x5: {  	s21 =	simm.s32 $0x2;
	s8 =	smul.u32 $0x14000, s0;
	s11 =	sand.u32 $0x1, s4  }
0x6: {  	[smem:$0x7FF] =	sst s3;
	s4 =	sadd.s32 $0x54600, s7;
	s5 =	sadd.s32 $0x5200, s7  }
0x7: {  	s6 =	sadd.s32 $0x18C00, s7;
	s13 =	sshll.u32 s0, $0x1;
	s14 =	smul.u32 $0x50000, s0  }
0x8: {  	s26 =	sshll.u32 s0, $0x6;
	s29 =	sshll.u32 s0, $0xB;
	s9 =	smul.u32 $0x140000, s11  }
0x9: {  	_ =	strace $0x8000004D;
	s23 =	ssub.s32 $0x2, s11;
	s24 =	sor.u32 s11, s13  }
0xa: {  	s30 =	sshll.u32 s11, $0xA;
	s10 =	sshrl.u32 s8, $0x3;
	s12 =	sshrl.u32 s23, $0x1  }
0xb: {  	p0 =	slt.u32 s24, $0x11;
	s25 =	sshrl.u32 s14, $0x2;
	s28 =	sshll.u32 s24, $0x7  }
0xc: {  	s14 =	sor.u32 s30, s29;
	s24 =	simm.s32 $0x5;
	s8 =	sadd.s32 s8, s9  }
0xd: {  	s22 =	sadd.s32 s10, s7;
	s16 =	ssub.s32 s23, s12;
	s17 =	sadd.s32 s25, s2  }
0xe: {  	s9 =	sor.u32 $0x1C06, s26;
	s10 =	sadd.s32 s5, s28;
	s11 =	sadd.s32 s6, s28  }
0xf: {  	s14 =	sor.u32 $0x8000, s14;
	s23 =	simm.s32 $0x3;
	s8 =	sshrl.u32 s8, $0x3  }
0x10: {  	s25 =	simm.s32 $0x0;
	s15 =	sadd.s32 s8, s7;
	s7 =	simm.s32 $0x14  }
0x11: {  	s13 =	smax.u32 s16, $0x1;
	s16 =	simm.s32 $0x6;
	s7 =	simm.s32 @!p0 $0x13  }
0x12: {  	s8 =	sadd.s32 $0x2C600, s22;
	s22 =	simm.s32 $0x4;
	s31 =	sshll.u32 s7, $0x3  }
0x13: {  	s12 =	sadd.s32 $0x7C600, s15;
	s15 =	sshrl.u32 s17, $0x3;
	[dreg:$0x3] =	wrdreg s31  }
.LBB2_1:
0x14: {  	[spmem:s15], [sflag:s9] =	dma.local [hbm:s8], $0x2800  }
0x15: {  	_ =	swait.ge [sflag:s16], $0x2800  }
0x16: {  	[sflag:s16] =	ssyncset.done $0x0  }
0x17: {  	[sflag:s16] =	ssyncadd.s32 $0xFFFFD800  }
0x18: {  	[tilespmem:s3], [sflag:$0x6] =	stream.linear.gather [hbm4b:s10+s3], $0x400, $0x38;
	[tilespmem:$0x1D000] =	vst v63  }
0x19: {  	_ =	swait.ge [sflag:s16], $0x400  }
0x1a: {  	[sflag:s16] =	ssyncset.done $0x0  }
0x1b: {  	s0 =	simm.s32 $0x800;
	[sflag:s16] =	ssyncadd.s32 $0xFFFFFC00  }
0x1c: {  	[tilespmem:s0], [sflag:$0x6] =	stream.linear.gather [hbm4b:s11+s3], $0x400, $0x38;
	[tilespmem:$0x1D000] =	vst v63  }
0x1d: {  	_ =	swait.ge [sflag:s16], $0x400  }
0x1e: {  	[sflag:s16] =	ssyncset.done $0x0  }
0x1f: {  	s26 =	simm.s32 $0x1;
	[sflag:s16] =	ssyncadd.s32 $0xFFFFFC00  }
0x20: {  	s28 =	simm.s32 $0x0;
	s29 =	smov.u32 s14;
	[bflag:$0x0] =	sbarrier.arrive $0xFFFF  }
0x21: {  	[tilespmem:s19], [sflag:$0x2] =	stream.indirect.gather [hbm4b:s4+s18], $0x80, s3, s18, $0xb8;
	[tilespmem:$0x1D000] =	vst v63  }
.LBB2_2:
0x22: {  	s30 =	sxor.u32 $0xFFFFFFFF, s28;
	p0 =	sge.u32 s26, s7  }
0x23: {  	s30 =	sand.u32 $0x8, s30;
	s31 =	sshrl.u32 @!p0 s29, $0x3  }
0x24: {  	s1 =	simm.s32 @!p0 $0x0;
	s30 =	sshll.u32 @!p0 s30, $0x7;
	s0 =	sadd.s32 @!p0 s5, s31  }
0x25: {  	[tilespmem:s30], [sflag:$0x1] =	stream.linear.gather @!p0 [hbm4b:s0+s1], $0x400, $0x38;
	[tilespmem:$0x1D000] =	vst v63  }
0x26: {  	s31 =	sadd.s32 @!p0 s6, s31;
	s0 =	sand.u32 $0x8, s28;
	s17 =	sor.u32 @!p0 $0x800, s30  }
0x27: {  	[tilespmem:s17], [sflag:$0x1] =	stream.linear.gather @!p0 [hbm4b:s31+s1], $0x400, $0x38;
	[tilespmem:$0x1D000] =	vst v63  }
0x28: {  	s31 =	sshll.u32 s0, $0x7  }
0x29: {  	s0 =	sor.u32 $0x80, s31  }
0x2a: {  	[tilespmem:s20], [sflag:$0x3] =	stream.indirect.gather [hbm4b:s4+s18], $0x80, s0, s18, $0xb8;
	[tilespmem:$0x1D000] =	vst v63  }
0x2b: {  	_ =	swait.ge [sflag:s21], $0x4000  }
0x2c: {  	[sflag:s21] =	ssyncset.done $0x0  }
0x2d: {  	s1 =	sor.u32 $0x800, s31;
	[sflag:s21] =	ssyncadd.s32 $0xFFFFC000  }
0x2e: {  	[spmem:s2] =	stream.indirect.scatter.add.f32 [tilespmem:s19], [sflag:$0x4], $0x80, s1, s18, $0xb8;
	[tilespmem:$0x1D000] =	vst v63  }
0x2f: {  	_ =	swait.ge [sflag:s22], $0x4000  }
0x30: {  	[sflag:s22] =	ssyncset.done $0x0  }
0x31: {  	s17 =	sor.u32 $0x100, s31;
	[sflag:s22] =	ssyncadd.s32 $0xFFFFC000  }
0x32: {  	[tilespmem:s19], [sflag:$0x2] =	stream.indirect.gather [hbm4b:s4+s18], $0x80, s17, s18, $0xb8;
	[tilespmem:$0x1D000] =	vst v63  }
0x33: {  	_ =	swait.ge [sflag:s23], $0x4000  }
0x34: {  	[sflag:s23] =	ssyncset.done $0x0  }
0x35: {  	s1 =	sor.u32 $0x880, s31;
	[sflag:s23] =	ssyncadd.s32 $0xFFFFC000  }
0x36: {  	[spmem:s2] =	stream.indirect.scatter.add.f32 [tilespmem:s20], [sflag:$0x5], $0x80, s1, s18, $0xb8;
	[tilespmem:$0x1D000] =	vst v63  }
0x37: {  	_ =	swait.ge [sflag:s24], $0x4000  }
0x38: {  	[sflag:s24] =	ssyncset.done $0x0  }
0x39: {  	s17 =	sor.u32 $0x180, s31;
	[sflag:s24] =	ssyncadd.s32 $0xFFFFC000  }
0x3a: {  	[tilespmem:s20], [sflag:$0x3] =	stream.indirect.gather [hbm4b:s4+s18], $0x80, s17, s18, $0xb8;
	[tilespmem:$0x1D000] =	vst v63  }
0x3b: {  	_ =	swait.ge [sflag:s21], $0x4000  }
0x3c: {  	[sflag:s21] =	ssyncset.done $0x0  }
0x3d: {  	s1 =	sor.u32 $0x900, s31;
	[sflag:s21] =	ssyncadd.s32 $0xFFFFC000  }
0x3e: {  	[spmem:s2] =	stream.indirect.scatter.add.f32 [tilespmem:s19], [sflag:$0x4], $0x80, s1, s18, $0xb8;
	[tilespmem:$0x1D000] =	vst v63  }
0x3f: {  	_ =	swait.ge [sflag:s22], $0x4000  }
0x40: {  	[sflag:s22] =	ssyncset.done $0x0  }
0x41: {  	s17 =	sor.u32 $0x200, s31;
	[sflag:s22] =	ssyncadd.s32 $0xFFFFC000  }
0x42: {  	[tilespmem:s19], [sflag:$0x2] =	stream.indirect.gather [hbm4b:s4+s18], $0x80, s17, s18, $0xb8;
	[tilespmem:$0x1D000] =	vst v63  }
0x43: {  	_ =	swait.ge [sflag:s23], $0x4000  }
0x44: {  	[sflag:s23] =	ssyncset.done $0x0  }
0x45: {  	s1 =	sor.u32 $0x980, s31;
	[sflag:s23] =	ssyncadd.s32 $0xFFFFC000  }
0x46: {  	[spmem:s2] =	stream.indirect.scatter.add.f32 [tilespmem:s20], [sflag:$0x5], $0x80, s1, s18, $0xb8;
	[tilespmem:$0x1D000] =	vst v63  }
0x47: {  	_ =	swait.ge [sflag:s24], $0x4000  }
0x48: {  	[sflag:s24] =	ssyncset.done $0x0  }
0x49: {  	s17 =	sor.u32 $0x280, s31;
	[sflag:s24] =	ssyncadd.s32 $0xFFFFC000  }
0x4a: {  	[tilespmem:s20], [sflag:$0x3] =	stream.indirect.gather [hbm4b:s4+s18], $0x80, s17, s18, $0xb8;
	[tilespmem:$0x1D000] =	vst v63  }
0x4b: {  	_ =	swait.ge [sflag:s21], $0x4000  }
0x4c: {  	[sflag:s21] =	ssyncset.done $0x0  }
0x4d: {  	s1 =	sor.u32 $0xA00, s31;
	[sflag:s21] =	ssyncadd.s32 $0xFFFFC000  }
0x4e: {  	[spmem:s2] =	stream.indirect.scatter.add.f32 [tilespmem:s19], [sflag:$0x4], $0x80, s1, s18, $0xb8;
	[tilespmem:$0x1D000] =	vst v63  }
0x4f: {  	_ =	swait.ge [sflag:s22], $0x4000  }
0x50: {  	[sflag:s22] =	ssyncset.done $0x0  }
0x51: {  	s17 =	sor.u32 $0x300, s31;
	[sflag:s22] =	ssyncadd.s32 $0xFFFFC000  }
0x52: {  	[tilespmem:s19], [sflag:$0x2] =	stream.indirect.gather [hbm4b:s4+s18], $0x80, s17, s18, $0xb8;
	[tilespmem:$0x1D000] =	vst v63  }
0x53: {  	_ =	swait.ge [sflag:s23], $0x4000  }
0x54: {  	[sflag:s23] =	ssyncset.done $0x0  }
0x55: {  	s1 =	sor.u32 $0xA80, s31;
	[sflag:s23] =	ssyncadd.s32 $0xFFFFC000  }
0x56: {  	[spmem:s2] =	stream.indirect.scatter.add.f32 [tilespmem:s20], [sflag:$0x5], $0x80, s1, s18, $0xb8;
	[tilespmem:$0x1D000] =	vst v63  }
0x57: {  	_ =	swait.ge [sflag:s24], $0x4000  }
0x58: {  	[sflag:s24] =	ssyncset.done $0x0  }
0x59: {  	s0 =	sor.u32 $0x380, s31;
	[sflag:s24] =	ssyncadd.s32 $0xFFFFC000  }
0x5a: {  	[tilespmem:s20], [sflag:$0x3] =	stream.indirect.gather [hbm4b:s4+s18], $0x80, s0, s18, $0xb8;
	[tilespmem:$0x1D000] =	vst v63  }
0x5b: {  	_ =	swait.ge [sflag:s21], $0x4000  }
0x5c: {  	[sflag:s21] =	ssyncset.done $0x0  }
0x5d: {  	s17 =	sor.u32 $0xB00, s31;
	[sflag:s21] =	ssyncadd.s32 $0xFFFFC000  }
0x5e: {  	[spmem:s2] =	stream.indirect.scatter.add.f32 [tilespmem:s19], [sflag:$0x4], $0x80, s17, s18, $0xb8;
	[tilespmem:$0x1D000] =	vst v63  }
0x5f: {  	_ =	swait.ge [sflag:s22], $0x4000  }
0x60: {  	[sflag:s22] =	ssyncset.done $0x0  }
0x61: {  	s1 =	simm.s32 @!p0 $0x1;
	[sflag:s22] =	ssyncadd.s32 $0xFFFFC000  }
0x62: {  	_ =	swait.ge @!p0 [sflag:s1], $0x400  }
0x63: {  	[sflag:s1] =	ssyncset.done @!p0 $0x0  }
0x64: {  	[sflag:s1] =	ssyncadd.s32 @!p0 $0xFFFFFC00  }
0x65: {  	_ =	swait.ge @!p0 [sflag:s1], $0x400  }
0x66: {  	[sflag:s1] =	ssyncset.done @!p0 $0x0  }
0x67: {  	s17 =	simm.s32 @!p0 $0x1000;
	[sflag:s1] =	ssyncadd.s32 @!p0 $0xFFFFFC00;
	s1 =	simm.s32 @!p0 $0x80  }
0x68: {  	[tilespmem:s17], [sflag:$0x2] =	stream.indirect.gather @!p0 [hbm4b:s4+s1], $0x80, s30, s1, $0xb8;
	[tilespmem:$0x1D000] =	vst v63  }
0x69: {  	_ =	swait.ge [sflag:s23], $0x4000  }
0x6a: {  	[sflag:s23] =	ssyncset.done $0x0  }
0x6b: {  	s0 =	sor.u32 $0x800, s0;
	[sflag:s23] =	ssyncadd.s32 $0xFFFFC000  }
0x6c: {  	[spmem:s2] =	stream.indirect.scatter.add.f32 [tilespmem:s20], [sflag:$0x6], $0x80, s0, s18, $0xb8;
	[tilespmem:$0x1D000] =	vst v63  }
0x6d: {  	_ =	swait.ge [sflag:s16], $0x4000  }
0x6e: {  	s28 =	sadd.s32 $0x8, s28;
	s31 =	rddreg [dreg:$0x3]  }
0x6f: {  	p0 =	sne.s32 s31, s28  }
.Ltmp0:
0x70: {  	_ = 	snop;
	(pc) =	sbr.rel @p0 .LBB2_2-.Ltmp0, $3  }
0x71: {  	_ =	sdelay $0x1  }
0x72: {  	[sflag:s16] =	ssyncset.done $0x0  }
0x73: {  	s26 =	sadd.s32 $0x1, s26;
	s29 =	sadd.s32 $0x8000, s29;
	[sflag:s16] =	ssyncadd.s32 $0xFFFFC000  }
0x74: {  	s25 =	sadd.s32 $0x1, s25  }
0x75: {  	p0 =	sne.s32 s25, s13  }
.Ltmp1:
0x76: {  	[bflag:$0x0] =	sbarrier.arrive $0xFFFF;
	(pc) =	sbr.rel @p0 .LBB2_1-.Ltmp1, $4  }
0x77: {  	[hbm:s12], [sflag:s9] =	dma.local [spmem:s15], $0x2800  }
0x78: {  	_ =	swait.ge [sflag:s16], $0x2800  }
0x79: {  	[sflag:s16] =	ssyncset.done $0x0  }
0x7a: {  	[sflag:s16] =	ssyncadd.s32 $0xFFFFD800  }
0x7b: {  	_ =	sfence.sel $0x180000  }
0x7c: {  	[bflag:$0x0] =	sbarrier.arrive $0xFFFF  }
0x7d: {  	_ =	strace $0x9000004D  }
0x7e: {  	s0 =	stileid.u32;
	[bflag:$0x2] =	sbarrier.arrive $0xFFFF  }
0x7f: {  	p0 =	sne.s32 s0, $0x0;
	s0 =	rddreg [dreg:$0x2]  }
0x80: {  	s0 =	sadd.s32 @!p0 $0x100000, s0  }
0x81: {  	[sflag:s0] =	ssyncadd.tile.s32 @!p0 $0x1;
	_ =	shalt  }
.Lfunc_end2:
_tile_overlayer_lowered:
.L_overlay_start_2:
0x82: {  	(tag) =	ssettag $0x2  }
0x83: {  	s0 =	rddreg [dreg:$0x0];
	s2 =	stileid.u32  }
0x84: {  	s1 =	rddreg [dreg:$0x1];
	p0 =	sne.s32 s2, $0x0  }
0x85: {  	s3 =	rddreg [dreg:$0x2];
	[bflag:$0x3] =	sbarrier.arrive $0xFFFF;
	s2 =	simm.s32 @!p0 $0x1C06  }
0x86: {  	[timem:s3], [sflag:s2] =	dma.local @!p0 [hbm:s0], s1  }
0x87: {  	s0 =	simm.s32 @!p0 $0x6  }
0x88: {  	_ =	swait.ge @!p0 [sflag:s0], s1  }
0x89: {  	s1 =	ssub.s32 @!p0 $0x0, s1;
	[sflag:s0] =	ssyncset.done @!p0 $0x0  }
0x8a: {  	[sflag:s0] =	ssyncadd.s32 @!p0 s1  }
0x8b: {  	[bflag:$0x3] =	sbarrier.arrive $0xFFFF  }
0x8c: {  	_ =	shalt  }

// kernel: kernel.20.cloned.1.call-start
scs
__scs_entry_jumppad:
0x0: {  	(pc) =	sbr.rel $0x88, $3  }
0x1: {  	(tag) =	ssettag $0x0;
	lr =	simm.s32 $0x1  }
0x2: {  	[smem:$0x3F91] =	sst lr;
	_ =	strace $0xD0000000  }
0x3: {  	_ = 	snop  }
0x4: {  	_ = 	snop  }
0x5: {  	_ = 	snop  }
0x6: {  	_ = 	snop  }
0x7: {  	_ = 	snop  }
__scs_overlays_trampoline_lowered:
0x8: {  	[smem:$0x3FA0] =	sst s0  }
0x9: {  	[smem:$0x3FA1] =	sst s1  }
0xa: {  	[smem:$0x3FA2] =	sst s2  }
0xb: {  	[smem:$0x3FA3] =	sst s3  }
0xc: {  	[smem:$0x3FA4] =	sst s4  }
0xd: {  	[smem:$0x3FA5] =	sst s5  }
0xe: {  	[smem:$0x3FA6] =	sst s6  }
0xf: {  	[smem:$0x3FA7] =	sst s7  }
0x10: {  	[smem:$0x3FA8] =	sst s8  }
0x11: {  	[smem:$0x3FA9] =	sst s9;
	s0 =	simm.s32 @!p0 $0x0  }
0x12: {  	s1 =	sld [smem:$0x3F8F];
	s0 =	simm.s32 @p0 $0x1  }
0x13: {  	[smem:$0x3FAA] =	sst s0;
	s0 =	simm.s32 @!p1 $0x0  }
0x14: {  	s2 =	sld [smem:$0x3F8E];
	s0 =	simm.s32 @p1 $0x1  }
0x15: {  	[smem:$0x3FAB] =	sst s0;
	s0 =	simm.s32 @!p2 $0x0  }
0x16: {  	s3 =	sld [smem:$0x3FDB];
	s0 =	simm.s32 @p2 $0x1  }
0x17: {  	s4 =	simm.s32 $0x1BF5;
	[smem:$0x3FAD] =	sst s0  }
0x18: {  	s0 =	sld [smem:$0x3F90];
	_ =	swait.ge [sflag:s4], $0x0  }
0x19: {  	s7 =	sld [smem:$0x3F91]  }
0x1a: {  	s8 =	sadd.s32 $0xFFFFE003, lr  }
0x1b: {  	s9 =	sadd.s32 $0xFFFFFEF7, lr;
	s5 =	simm.s32 $0xFFFFFFFF;
	p2 =	slt.u32 s8, $0xFFFFF086  }
0x1c: {  	p1 =	slt.u32 s9, $0xF7A;
	s5 =	simm.s32 @!p2 $0x0  }
0x1d: {  	s5 =	simm.s32 @p1 $0x1;
	p0 =	seq.s32 s7, s2  }
0x1e: {  	s7 =	smul.u32 @!p0 $0xF7A, s2;
	p2 =	seq.s32 @!p0 s5, $0x0  }
0x1f: {  	s9 =	smul.u32 $0xF7A, s1;
	s8 =	simm.s32 @!p0 $0x1BF5;
	p2 =	por !p2, p0  }
0x20: {  	[sflag:s8] =	ssyncset.s32 @!p0 $0xFFFFF086;
	s6 =	sadd.s32 @!p0 s3, s7;
	s7 =	simm.s32 @!p0 $0x108  }
0x21: {  	s3 =	sadd.s32 s3, s9;
	s6 =	sadd.s32 @!p0 $0x88, s6;
	s7 =	simm.s32 @p2 $0x1082  }
0x22: {  	[simem:s7], [sflag:s8] =	dma.local @!p0 [hbm:s6], $0xF7A  }
0x23: {  	s9 =	sor.u32 $0xD0000000, s2;
	s6 =	simm.s32 $0x108;
	_ =	swait.ge @!p0 [sflag:s8], $0x0  }
0x24: {  	s3 =	sadd.s32 $0x88, s3;
	s6 =	simm.s32 @!p1 $0x1082;
	[sflag:s4] =	ssyncset.s32 $0xFFFFF086  }
0x25: {  	[simem:s6], [sflag:s4] =	dma.local [hbm:s3], $0xF7A  }
0x26: {  	[smem:$0x3F91] =	sst s1;
	(tag) =	ssettag s2;
	_ =	strace s9  }
0x27: {  	s1 =	sld [smem:$0x3FA1]  }
0x28: {  	s2 =	sld [smem:$0x3FA2]  }
0x29: {  	s4 =	sld [smem:$0x3FA4]  }
0x2a: {  	p0 =	seq.s32 s5, $0x0;
	s5 =	sld [smem:$0x3FA5]  }
0x2b: {  	s6 =	sld [smem:$0x3FA6]  }
0x2c: {  	s7 =	sld [smem:$0x3FA7]  }
0x2d: {  	s3 =	simm.s32 $0x108;
	s8 =	sld [smem:$0x3FA8]  }
0x2e: {  	s3 =	simm.s32 @!p0 $0x1082;
	s9 =	sld [smem:$0x3FA9]  }
0x2f: {  	lr =	sadd.s32 s0, s3;
	s0 =	sld [smem:$0x3FA0]  }
0x30: {  	s3 =	sld [smem:$0x3FA3]  }
0x31: {  	[smem:$0x3FAC] =	sst s10  }
0x32: {  	s10 =	sld [smem:$0x3FAA];
	_ =	sdelay $0x3  }
0x33: {  	p0 =	seq.s32 s10, $0x1;
	s10 =	sld [smem:$0x3FAC];
	_ =	sdelay $0x3  }
0x34: {  	[smem:$0x3FAC] =	sst s10  }
0x35: {  	s10 =	sld [smem:$0x3FAB];
	_ =	sdelay $0x3  }
0x36: {  	p1 =	seq.s32 s10, $0x1;
	s10 =	sld [smem:$0x3FAC];
	_ =	sdelay $0x3  }
0x37: {  	[smem:$0x3FAC] =	sst s10  }
0x38: {  	s10 =	sld [smem:$0x3FAD]  }
0x39: {  	_ = 	snop;
	(pc) =	sbr.ind lr, $3  }
0x3a: {  	_ = 	snop  }
0x3b: {  	_ = 	snop  }
0x3c: {  	p2 =	seq.s32 s10, $0x1;
	s10 =	sld [smem:$0x3FAC]  }
0x3d: {  	_ =	shalt  }
0x3e: {  	_ =	shalt  }
0x3f: {  	_ =	shalt  }
0x40: {  	_ =	shalt  }
0x41: {  	_ =	shalt  }
0x42: {  	_ =	shalt  }
0x43: {  	_ =	shalt  }
0x44: {  	_ =	shalt  }
0x45: {  	_ =	shalt  }
0x46: {  	_ =	shalt  }
0x47: {  	_ =	shalt  }
0x48: {  	_ =	shalt  }
0x49: {  	_ =	shalt  }
0x4a: {  	_ =	shalt  }
0x4b: {  	_ =	shalt  }
0x4c: {  	_ =	shalt  }
0x4d: {  	_ =	shalt  }
0x4e: {  	_ =	shalt  }
0x4f: {  	_ =	shalt  }
0x50: {  	_ =	shalt  }
0x51: {  	_ =	shalt  }
0x52: {  	_ =	shalt  }
0x53: {  	_ =	shalt  }
0x54: {  	_ =	shalt  }
0x55: {  	_ =	shalt  }
0x56: {  	_ =	shalt  }
0x57: {  	_ =	shalt  }
0x58: {  	_ =	shalt  }
0x59: {  	_ =	shalt  }
0x5a: {  	_ =	shalt  }
0x5b: {  	_ =	shalt  }
0x5c: {  	_ =	shalt  }
0x5d: {  	_ =	shalt  }
0x5e: {  	_ =	shalt  }
0x5f: {  	_ =	shalt  }
0x60: {  	_ =	shalt  }
0x61: {  	_ =	shalt  }
0x62: {  	_ =	shalt  }
0x63: {  	_ =	shalt  }
0x64: {  	_ =	shalt  }
0x65: {  	_ =	shalt  }
0x66: {  	_ =	shalt  }
0x67: {  	_ =	shalt  }
0x68: {  	_ =	shalt  }
0x69: {  	_ =	shalt  }
0x6a: {  	_ =	shalt  }
0x6b: {  	_ =	shalt  }
0x6c: {  	_ =	shalt  }
0x6d: {  	_ =	shalt  }
0x6e: {  	_ =	shalt  }
0x6f: {  	_ =	shalt  }
0x70: {  	_ =	shalt  }
0x71: {  	_ =	shalt  }
0x72: {  	_ =	shalt  }
0x73: {  	_ =	shalt  }
0x74: {  	_ =	shalt  }
0x75: {  	_ =	shalt  }
0x76: {  	_ =	shalt  }
0x77: {  	_ =	shalt  }
0x78: {  	_ =	shalt  }
0x79: {  	_ =	shalt  }
0x7a: {  	_ =	shalt  }
0x7b: {  	_ =	shalt  }
0x7c: {  	_ =	shalt  }
0x7d: {  	_ =	shalt  }
0x7e: {  	_ =	shalt  }
0x7f: {  	_ =	shalt  }
0x80: {  	_ =	shalt  }
0x81: {  	_ =	shalt  }
0x82: {  	_ =	shalt  }
0x83: {  	_ =	shalt  }
0x84: {  	_ =	shalt  }
0x85: {  	_ =	shalt  }
0x86: {  	_ =	shalt  }
0x87: {  	_ =	shalt  }
.Lfunc_end0:
.L_simem_size_0:
called_computation.3_lowered:
.L_overlay_start_0:
0x88: {  	s2 =	sld [smem:$0x3FD9]  }
0x89: {  	s3 =	sld [smem:$0x3FFE];
	_ =	sdelay $0x1  }
0x8a: {  	s1 =	srdreg.scid  }
0x8b: {  	s0 =	sand.u32 $0x1, s1  }
0x8c: {  	s17 =	sshll.u32 s0, $0xA;
	s2 =	sadd.s32 s3, s2  }
0x8d: {  	s2 =	sadd.s32 s2, s17  }
0x8e: {  	[smem:$0x3FB8] =	sst s2  }
0x8f: {  	_ = 	snop  }
0x90: {  	s2 =	sld [smem:$0x3FD0];
	(tm) =	ssettm $0x1  }
0x91: {  	s18 =	sld [smem:$0x3FFB];
	_ =	sdelay $0x3  }
0x92: {  	_ =	strace s18  }
0x93: {  	s3 =	sld [smem:$0x3FFC];
	_ =	sdelay $0x3  }
0x94: {  	_ =	strace s3  }
0x95: {  	s3 =	sld [smem:$0x3FFD];
	_ =	sdelay $0x3  }
0x96: {  	_ =	strace s3  }
0x97: {  	_ =	strace $0x8FFFFFFF  }
0x98: {  	s19 =	sld [smem:$0x3FDB];
	_ =	sdelay $0x1  }
0x99: {  	s4 =	simm.s32 $_scs_section_size  }
0x9a: {  	s5 =	simm.s32 $_size__tile_overlayer_lowered;
	s6 =	simm.s32 $_tile_overlayer_lowered  }
0x9b: {  	s22 =	simm.s32 $0x1BFF;
	s21 =	sshll.u32 s6, $0x1;
	s3 =	sadd.s32 s4, s19  }
0x9c: {  	s7 =	simm.s32 $0x0;
	s20 =	sshll.u32 s5, $0x1;
	s5 =	sadd.s32 s21, s3  }
0x9d: {  	[timem:s7], [sflag:s22] =	dma.local [hbm:s5], s20  }
0x9e: {  	_ =	swait.ge [sflag:s22], s20  }
0x9f: {  	s4 =	ssub.s32 $0x0, s20;
	[sflag:s22] =	ssyncset.done $0x0  }
0xa0: {  	[sflag:s22] =	ssyncadd.s32 s4;
	_ =	sdelay $0x1  }
0xa1: {  	s23 =	simm.s32 $0x1B8B  }
0xa2: {  	_ =	swait.ge [sflag:s23], $0x1  }
0xa3: {  	[sflag:s23] =	ssyncset.done $0x0  }
0xa4: {  	s25 =	simm.s32 $0x1B8E;
	s24 =	sld [smem:$0x3FFE];
	[sflag:s23] =	ssyncadd.s32 $0xFFFFFFFF  }
0xa5: {  	s26 =	simm.s32 $execute0_lowered;
	[smem:$0x3FD2] =	sst s25  }
0xa6: {  	s5 =	sshll.u32 s26, $0x1;
	_ =	strace $0x8000004F;
	[dreg:$0x1] =	wrdreg $0xFFFFFFFF  }
0xa7: {  	s28 =	simm.s32 $_size_execute0_lowered;
	s3 =	sadd.s32 s3, s5;
	[dreg:$0x0] =	wrdreg $0x0  }
0xa8: {  	s5 =	sshll.u32 s28, $0x1;
	[dreg:$0x2] =	wrdreg s3  }
0xa9: {  	[dreg:$0x3] =	wrdreg s5  }
0xaa: {  	[dreg:$0x4] =	wrdreg $0xC0  }
0xab: {  	_ =	task [dreg:s7], $0x5FFFF  }
0xac: {  	[dreg:$0x1] =	wrdreg $0xFFFFFFFF  }
0xad: {  	[dreg:$0x0] =	wrdreg $0x60  }
0xae: {  	[dreg:$0x2] =	wrdreg s24  }
0xaf: {  	[dreg:$0x3] =	wrdreg s2  }
0xb0: {  	[dreg:$0x4] =	wrdreg $0x9  }
0xb1: {  	_ =	task.clear_ibuf [dreg:s7], $0x5FFFF;
	_ =	strace $0x9000004F  }
0xb2: {  	s29 =	simm.s32 $0x9;
	_ =	strace $0x80000051  }
0xb3: {  	_ =	swait.ge [sflag:s29], $0x1  }
0xb4: {  	[sflag:s29] =	ssyncadd.s32 $0xFFFFFFFF  }
0xb5: {  	_ =	strace $0x90000051  }
0xb6: {  	_ =	sfence  }
0xb7: {  	s30 =	sld [smem:$0x0];
	_ =	sdelay $0x2  }
0xb8: {  	s31 =	sshll.u32 s1, $0xD;
	s1 =	sshrl.u32 s1, $0x2  }
0xb9: {  	s3 =	sand.u32 $0x4000, s31;
	s1 =	sadd.s32 s1, s30  }
0xba: {  	s0 =	sor.u32 s3, s0;
	s1 =	sshll.u32 s1, $0x11  }
0xbb: {  	s0 =	sor.u32 s1, s0  }
0xbc: {  	s0 =	sadd.s32 $0x8F2B, s0  }
0xbd: {  	[sflag:s0] =	ssyncadd.remote.s32 $0x1  }
0xbe: {  	_ =	sfence.sel $0xFFFF  }
0xbf: {  	[dreg:$0x0] =	wrdreg $0xFFFFFFFF;
	(pc) =	sbr.abs _section_cstart, $3  }
0xc0: {  	[dreg:$0x1] =	wrdreg $0xFFFFFFFF  }
0xc1: {  	_ =	task.clear_ibuf [dreg:s7], $0x2FFFF;
	_ =	strace $0x9FFFFFFF  }
0xc2: {  	(tm) =	ssettm $0x7FFFFFFF  }
0xc3: {  	_ =	shalt  }
tec
execute0_lowered:
.L_overlay_start_1:
0x0: {  	(tag) =	ssettag $0x1  }
0x1: {  	s1 =	srdreg.scid  }
0x2: {  	s8 =	rddreg [dreg:$0x0];
	s0 =	stileid.u32;
	s10 =	sand.u32 $0x1, s1  }
0x3: {  	s9 =	rddreg [dreg:$0x1];
	s3 =	sshll.u32 s0, $0x9;
	s4 =	sshll.u32 s10, $0x8  }
0x4: {  	s2 =	simm.s32 $0x0;
	s1 =	rddreg [dreg:$0x2];
	s11 =	sor.u32 s4, s3  }
0x5: {  	[smem:$0x7FF] =	sst s2;
	s3 =	sshrl.u32 s11, $0x3  }
0x6: {  	_ =	strace $0x80000050;
	s4 =	sadd.s32 s9, s3;
	s3 =	simm.s32 $0x2  }
0x7: {  	[tilespmem:s2], [sflag:$0x2] =	stream.linear.gather [hbm4b:s4+s2], $0x80, $0x38;
	[tilespmem:$0x4080] =	vst v63  }
0x8: {  	_ =	swait.ge [sflag:s3], $0x80  }
0x9: {  	s6 =	simm.s32 $0x80;
	[sflag:s3] =	ssyncset.done $0x0  }
0xa: {  	s7 =	simm.s32 $0x1;
	s5 =	sadd.s32 $0x5200, s8;
	[sflag:s3] =	ssyncadd.s32 $0xFFFFFF80  }
0xb: {  	[tilespmem:s6], [sflag:$0x1] =	stream.indirect.gather [hbm4b:s5+s6], $0x80, s2, s6, $0xb8;
	[tilespmem:$0x4080] =	vst v63  }
0xc: {  	_ =	swait.ge [sflag:s7], $0x4000  }
0xd: {  	s12 =	sadd.s32 $0x2D200, s8;
	s28 =	sshll.u32 s11, $0x4;
	[sflag:s7] =	ssyncset.done $0x0  }
0xe: {  	s8 =	sadd.s32 s12, s28;
	[sflag:s7] =	ssyncadd.s32 $0xFFFFC000  }
0xf: {  	[hbm4b:s8+s2] =	stream.linear.scatter [tilespmem:s6], [sflag:$0x2], $0x4000, $0x38;
	[tilespmem:$0x4080] =	vst v63  }
0x10: {  	s11 =	sor.u32 $0x80, s11;
	_ =	swait.ge [sflag:s3], $0x4000  }
0x11: {  	s13 =	sshrl.u32 s11, $0x3;
	[sflag:s3] =	ssyncset.done $0x0  }
0x12: {  	s10 =	ssub.s32 $0x2, s10;
	s9 =	sadd.s32 s9, s13;
	[sflag:s3] =	ssyncadd.s32 $0xFFFFC000  }
0x13: {  	[tilespmem:s2], [sflag:$0x2] =	stream.linear.gather [hbm4b:s9+s2], $0x80, $0x38;
	[tilespmem:$0x4080] =	vst v63  }
0x14: {  	s29 =	sshrl.u32 s10, $0x1;
	_ =	swait.ge [sflag:s3], $0x80  }
0x15: {  	s13 =	ssub.s32 s10, s29;
	[sflag:s3] =	ssyncset.done $0x0  }
0x16: {  	s31 =	smax.u32 s13, $0x1;
	[sflag:s3] =	ssyncadd.s32 $0xFFFFFF80  }
0x17: {  	[tilespmem:s6], [sflag:$0x1] =	stream.indirect.gather [hbm4b:s5+s6], $0x80, s2, s6, $0xb8;
	[tilespmem:$0x4080] =	vst v63  }
0x18: {  	p0 =	sne.s32 s31, $0x1;
	_ =	swait.ge [sflag:s7], $0x4000  }
.Ltmp0:
0x19: {  	s30 =	sshll.u32 s11, $0x4;
	[sflag:s7] =	ssyncset.done $0x0;
	(pc) =	sbr.rel @!p0 .LBB2_2-.Ltmp0, $4  }
0x1a: {  	s10 =	sadd.s32 s12, s30;
	[sflag:s7] =	ssyncadd.s32 $0xFFFFC000  }
0x1b: {  	[hbm4b:s10+s2] =	stream.linear.scatter [tilespmem:s6], [sflag:$0x2], $0x4000, $0x38;
	[tilespmem:$0x4080] =	vst v63  }
0x1c: {  	_ =	swait.ge [sflag:s3], $0x4000  }
0x1d: {  	s11 =	sadd.s32 $0xFFFFFFFF, s31;
	[sflag:s3] =	ssyncset.done $0x0  }
.LBB2_1:
0x1e: {  	p0 =	sne.s32 s11, $0x1;
	s11 =	sadd.s32 $0xFFFFFFFF, s11;
	[sflag:s3] =	ssyncadd.s32 $0xFFFFC000  }
0x1f: {  	[tilespmem:s2], [sflag:$0x2] =	stream.linear.gather [hbm4b:s4+s2], $0x80, $0x38;
	[tilespmem:$0x4080] =	vst v63  }
0x20: {  	_ =	swait.ge [sflag:s3], $0x80  }
0x21: {  	[sflag:s3] =	ssyncset.done $0x0  }
0x22: {  	[sflag:s3] =	ssyncadd.s32 $0xFFFFFF80  }
0x23: {  	[tilespmem:s6], [sflag:$0x1] =	stream.indirect.gather [hbm4b:s5+s6], $0x80, s2, s6, $0xb8;
	[tilespmem:$0x4080] =	vst v63  }
0x24: {  	_ =	swait.ge [sflag:s7], $0x4000  }
0x25: {  	[sflag:s7] =	ssyncset.done $0x0  }
0x26: {  	[sflag:s7] =	ssyncadd.s32 $0xFFFFC000  }
0x27: {  	[hbm4b:s8+s2] =	stream.linear.scatter [tilespmem:s6], [sflag:$0x2], $0x4000, $0x38;
	[tilespmem:$0x4080] =	vst v63  }
0x28: {  	_ =	swait.ge [sflag:s3], $0x4000  }
0x29: {  	[sflag:s3] =	ssyncset.done $0x0  }
0x2a: {  	[sflag:s3] =	ssyncadd.s32 $0xFFFFC000  }
0x2b: {  	[tilespmem:s2], [sflag:$0x2] =	stream.linear.gather [hbm4b:s9+s2], $0x80, $0x38;
	[tilespmem:$0x4080] =	vst v63  }
0x2c: {  	_ =	swait.ge [sflag:s3], $0x80  }
0x2d: {  	[sflag:s3] =	ssyncset.done $0x0  }
0x2e: {  	[sflag:s3] =	ssyncadd.s32 $0xFFFFFF80  }
0x2f: {  	[tilespmem:s6], [sflag:$0x1] =	stream.indirect.gather [hbm4b:s5+s6], $0x80, s2, s6, $0xb8;
	[tilespmem:$0x4080] =	vst v63  }
0x30: {  	_ =	swait.ge [sflag:s7], $0x4000  }
.Ltmp1:
0x31: {  	[sflag:s7] =	ssyncset.done $0x0;
	(pc) =	sbr.rel @p0 .LBB2_1-.Ltmp1, $4  }
0x32: {  	[sflag:s7] =	ssyncadd.s32 $0xFFFFC000  }
0x33: {  	[hbm4b:s10+s2] =	stream.linear.scatter [tilespmem:s6], [sflag:$0x2], $0x4000, $0x38;
	[tilespmem:$0x4080] =	vst v63  }
0x34: {  	_ =	swait.ge [sflag:s3], $0x4000  }
0x35: {  	[sflag:s3] =	ssyncset.done $0x0  }
.LBB2_2:
0x36: {  	[sflag:s3] =	ssyncadd.s32 $0xFFFFC000  }
0x37: {  	_ =	sfence.sel $0x180000  }
0x38: {  	[bflag:$0x0] =	sbarrier.arrive $0xFFFF  }
0x39: {  	p0 =	sne.s32 s0, $0x0;
	_ =	strace $0x90000050  }
0x3a: {  	s0 =	sadd.s32 @!p0 $0x100000, s1;
	[bflag:$0x2] =	sbarrier.arrive $0xFFFF  }
0x3b: {  	[sflag:s0] =	ssyncadd.tile.s32 @!p0 $0x1;
	_ =	shalt  }
.Lfunc_end2:
_tile_overlayer_lowered:
.L_overlay_start_2:
0x3c: {  	(tag) =	ssettag $0x2  }
0x3d: {  	s0 =	rddreg [dreg:$0x0];
	s2 =	stileid.u32  }
0x3e: {  	s1 =	rddreg [dreg:$0x1];
	p0 =	sne.s32 s2, $0x0  }
0x3f: {  	s3 =	rddreg [dreg:$0x2];
	[bflag:$0x3] =	sbarrier.arrive $0xFFFF;
	s2 =	simm.s32 @!p0 $0x1C02  }
0x40: {  	[timem:s3], [sflag:s2] =	dma.local @!p0 [hbm:s0], s1  }
0x41: {  	s0 =	simm.s32 @!p0 $0x2  }
0x42: {  	_ =	swait.ge @!p0 [sflag:s0], s1  }
0x43: {  	s1 =	ssub.s32 @!p0 $0x0, s1;
	[sflag:s0] =	ssyncset.done @!p0 $0x0  }
0x44: {  	[sflag:s0] =	ssyncadd.s32 @!p0 s1  }
0x45: {  	[bflag:$0x3] =	sbarrier.arrive $0xFFFF  }
0x46: {  	_ =	shalt  }

</sc_bundles>
